<compile_context>
chip_gen: v7x
topology: tpu7x:2x2x1
jax: 0.10.2.dev20260603
libtpu: 0.0.44.dev20260713+nightly
codegen_flags: <defaults>
</compile_context>

<pallas_src>
import functools

import jax
import jax.numpy as jnp
from jax import lax
from jax.experimental import pallas as pl
from jax.experimental.pallas import tpu as pltpu
from jax.experimental.pallas import tpu_sc as plsc

_N = 10000
_E = 320000
_D = 128
_NC = 2
_NS = 16
_NW = _NC * _NS
_EPW = _E // _NW
_K = 80
_NCHUNK = _EPW // _K
_NP = 10240
_RPT = _NP // _NS
_ZROWS = 32
_R, _Q, _DG, _W = 4, 5, 3, 4


def _agg_body(with_cnt, h_hbm, src_hbm, dst_hbm, *rest):
    if with_cnt:
        (part_hbm, cntf_hbm,
         src2, dst2, rows2, zbuf, ones_k, zflat, isems, gsems, ssems, csems,
         acc_sh, cnt_sh) = rest
    else:
        (part_hbm,
         src2, dst2, rows2, zbuf, isems, gsems, ssems, acc_sh) = rest

    c = lax.axis_index("c")
    s = lax.axis_index("s")
    w = s * _NC + c

    def zstore(j, _):
        zbuf[j // 8, pl.ds((j % 8) * 16, 16)] = jnp.zeros((16,), jnp.float32)
        return 0
    lax.fori_loop(0, _ZROWS * 8, zstore, 0)

    row0 = s * _RPT
    for blk in range(_RPT // _ZROWS):
        pltpu.sync_copy(zbuf, acc_sh.at[pl.ds(row0 + blk * _ZROWS, _ZROWS)])
    if with_cnt:
        def ostore(j, _):
            ones_k[pl.ds(j * 16, 16)] = jnp.ones((16,), jnp.float32)
            return 0
        lax.fori_loop(0, _K // 16, ostore, 0)

        def fstore(j, _):
            zflat[pl.ds(j * 16, 16)] = jnp.zeros((16,), jnp.float32)
            return 0
        lax.fori_loop(0, _RPT // 16, fstore, 0)
        pltpu.sync_copy(zflat, cnt_sh.at[pl.ds(row0, _RPT)])
    plsc.subcore_barrier()

    edge0 = w * _EPW

    def ibase(i):
        return pl.multiple_of(edge0 + i * _K, 8)

    def idx_copies(i, q):
        return (pltpu.make_async_copy(src_hbm.at[pl.ds(ibase(i), _K)],
                                      src2.at[q], isems.at[q]),
                pltpu.make_async_copy(dst_hbm.at[pl.ds(ibase(i), _K)],
                                      dst2.at[q], isems.at[q]))

    def gather_copy(q, r):
        return pltpu.make_async_copy(h_hbm.at[src2.at[q]], rows2.at[r],
                                     gsems.at[r])

    def scatter_start(q, r):
        pltpu.async_copy(rows2.at[r], acc_sh.at[dst2.at[q]],
                         ssems.at[r], add=True)
        if with_cnt:
            pltpu.async_copy(ones_k, cnt_sh.at[dst2.at[q]],
                             csems.at[r], add=True)

    def scatter_wait(q, r):
        pltpu.make_async_copy(rows2.at[r], acc_sh.at[dst2.at[q]],
                              ssems.at[r]).wait()
        if with_cnt:
            pltpu.make_async_copy(ones_k, cnt_sh.at[dst2.at[q]],
                                  csems.at[r]).wait()

    for cp in idx_copies(0, 0):
        cp.start()

    def loop(i, _):
        @pl.when(i >= _W)
        def _():
            scatter_wait(lax.rem(i - _W, _Q), lax.rem(i - _W, _R))

        @pl.when(i + 1 < _NCHUNK)
        def _():
            for cp in idx_copies(i + 1, lax.rem(i + 1, _Q)):
                cp.start()

        for cp in idx_copies(i, lax.rem(i, _Q)):
            cp.wait()
        gather_copy(lax.rem(i, _Q), lax.rem(i, _R)).start()

        @pl.when(i >= _DG)
        def _():
            gather_copy(lax.rem(i - _DG, _Q), lax.rem(i - _DG, _R)).wait()
            scatter_start(lax.rem(i - _DG, _Q), lax.rem(i - _DG, _R))
        return 0
    lax.fori_loop(0, _NCHUNK, loop, 0)

    last = _NCHUNK - 1
    for j in range(last - _DG + 1, last + 1):
        gather_copy(j % _Q, j % _R).wait()
        scatter_start(j % _Q, j % _R)
    for j in range(last - _W + 1, last + 1):
        scatter_wait(j % _Q, j % _R)

    plsc.subcore_barrier()

    pltpu.sync_copy(acc_sh.at[pl.ds(row0, _RPT)],
                    part_hbm.at[c, pl.ds(row0, _RPT)])
    if with_cnt:
        pltpu.sync_copy(cnt_sh.at[pl.ds(row0, _RPT)],
                        cntf_hbm.at[pl.ds(c * _NP + row0, _RPT)])


def _make_agg(with_cnt):
    mesh = plsc.VectorSubcoreMesh(core_axis_name="c", subcore_axis_name="s")
    outs = [jax.ShapeDtypeStruct((_NC, _NP, _D), jnp.float32)]
    scratch = [
        pltpu.VMEM((_Q, _K), jnp.int32),
        pltpu.VMEM((_Q, _K), jnp.int32),
        pltpu.VMEM((_R, _K, _D), jnp.float32),
        pltpu.VMEM((_ZROWS, _D), jnp.float32),
    ]
    if with_cnt:
        outs.append(jax.ShapeDtypeStruct((_NC * _NP,), jnp.float32))
        scratch.append(pltpu.VMEM((_K,), jnp.float32))
        scratch.append(pltpu.VMEM((_RPT,), jnp.float32))
    scratch.append(pltpu.SemaphoreType.DMA((_Q,)))
    scratch.append(pltpu.SemaphoreType.DMA((_R,)))
    scratch.append(pltpu.SemaphoreType.DMA((_R,)))
    if with_cnt:
        scratch.append(pltpu.SemaphoreType.DMA((_R,)))
    scratch.append(pltpu.VMEM_SHARED((_NP, _D), jnp.float32))
    if with_cnt:
        scratch.append(pltpu.VMEM_SHARED((_NP,), jnp.float32))
    return pl.kernel(
        functools.partial(_agg_body, with_cnt),
        out_type=tuple(outs) if with_cnt else outs[0],
        mesh=mesh,
        scratch_types=scratch,
        compiler_params=pltpu.CompilerParams(use_tc_tiling_on_sc=True),
    )


def _dense_body(part_ref, cnt_ref, h_ref, Wn_ref, Ws_ref, b_ref, out_ref,
                *, relu):
    p = part_ref[0] + part_ref[1]
    cnt = cnt_ref[0] + cnt_ref[1]
    mean = p / jnp.maximum(cnt, 1.0)
    acc = jnp.dot(mean, Wn_ref[...], preferred_element_type=jnp.float32)
    acc = acc + b_ref[...]
    acc = acc + jnp.dot(h_ref[...], Ws_ref[...],
                        preferred_element_type=jnp.float32)
    if relu:
        acc = jnp.maximum(acc, 0.0)
    out_ref[...] = acc


def _dense(part, cnt3, h, Wn, Ws, b2d, relu):
    R = 2000
    return pl.pallas_call(
        functools.partial(_dense_body, relu=relu),
        grid=(_N // R,),
        in_specs=[
            pl.BlockSpec((_NC, R, _D), lambda i: (0, i, 0)),
            pl.BlockSpec((_NC, R, 1), lambda i: (0, i, 0)),
            pl.BlockSpec((R, _D), lambda i: (i, 0)),
            pl.BlockSpec((_D, _D), lambda i: (0, 0)),
            pl.BlockSpec((_D, _D), lambda i: (0, 0)),
            pl.BlockSpec((1, _D), lambda i: (0, 0)),
        ],
        out_specs=pl.BlockSpec((R, _D), lambda i: (i, 0)),
        out_shape=jax.ShapeDtypeStruct((_N, _D), jnp.float32),
    )(part, cnt3, h, Wn, Ws, b2d)


_agg_first = _make_agg(True)
_agg_rest = _make_agg(False)


def kernel(x, edge_index, Wn0, b0, Ws0, Wn1, b1, Ws1, Wn2, b2, Ws2):
    src = edge_index[0]
    dst = edge_index[1]
    part0, cntf = _agg_first(x, src, dst)
    cnt3 = cntf.reshape(_NC, _NP, 1)
    h1 = _dense(part0, cnt3, x, Wn0, Ws0, b0.reshape(1, _D), relu=True)
    part1 = _agg_rest(h1, src, dst)
    h2 = _dense(part1, cnt3, h1, Wn1, Ws1, b1.reshape(1, _D), relu=True)
    part2 = _agg_rest(h2, src, dst)
    return _dense(part2, cnt3, h2, Wn2, Ws2, b2.reshape(1, _D), relu=False)

# --- scband reference (transcript-rebuilt; emitter-appended) ---
"""Pipeline reference for scband-graph-sage-21311627723550 (READ-ONLY COPY).

The authoritative reference and input builder live on the scoring server;
editing this copy changes nothing except your own understanding.
"""

import jax, jax.numpy as jnp
import numpy as np

N = 10000
E = 320000
D = 128


def setup_inputs(seed: int = 0) -> dict:
    key = jax.random.key(seed)
    ks = jax.random.split(key, 12)
    x = jax.random.normal(ks[0], (N, D), dtype=jnp.float32)
    edge_index = jax.random.randint(ks[1], (2, E), 0, N, dtype=jnp.int32)
    inp = {"x": x, "edge_index": edge_index}
    # SAGEConv params per layer: W_neigh [d_in,d_out], bias [d_out], W_self [d_in,d_out]
    for l in range(3):
        inp[f"Wn{l}"] = jax.random.normal(ks[2 + 3 * l], (D, D), dtype=jnp.float32) * 0.05
        inp[f"b{l}"] = jax.random.normal(ks[3 + 3 * l], (D,), dtype=jnp.float32) * 0.05
        inp[f"Ws{l}"] = jax.random.normal(ks[4 + 3 * l], (D, D), dtype=jnp.float32) * 0.05
    return inp


def _sage_layer(h, src, dst, Wn, b, Ws):
    # message: gather source node features
    msgs = jnp.take(h, src, axis=0)
    # mean aggregation via scatter-add (segment_sum) over destination nodes
    summed = jax.ops.segment_sum(msgs, dst, num_segments=N)
    cnt = jax.ops.segment_sum(jnp.ones((src.shape[0],), jnp.float32), dst, num_segments=N)
    mean = summed / jnp.maximum(cnt, 1.0)[:, None]
    # SAGEConv: lin_l(aggr) + lin_r(x_self), bias on neighbor branch
    return mean @ Wn + b + h @ Ws


def reference(x, edge_index, Wn0, b0, Ws0, Wn1, b1, Ws1, Wn2, b2, Ws2):
    src = edge_index[0]
    dst = edge_index[1]
    h = _sage_layer(x, src, dst, Wn0, b0, Ws0)
    h = jax.nn.relu(h)  # dropout p=0.0 -> identity
    h = _sage_layer(h, src, dst, Wn1, b1, Ws1)
    h = jax.nn.relu(h)
    h = _sage_layer(h, src, dst, Wn2, b2, Ws2)
    return h

if __name__ == "__main__":
    import jax
    _d = setup_inputs()
    print(jax.jit(kernel)(*tuple(_d.values())))

</pallas_src>

<mosaic_0001>
#map = affine_map<(d0, d1) -> (0, 0)>
#map1 = affine_map<(d0, d1) -> (0)>
#map2 = affine_map<(d0, d1) -> (0, 0, 0)>
module attributes {stable_mosaic.version = 14 : i64} {
  func.func @_agg_body(%arg0: i32, %arg1: i32, %arg2: memref<10000x128xf32, #tpu.memory_space<hbm>>, %arg3: memref<320000xi32, #tpu.memory_space<hbm>>, %arg4: memref<320000xi32, #tpu.memory_space<hbm>>, %arg5: memref<2x10240x128xf32, #tpu.memory_space<hbm>>, %arg6: memref<5x80xi32, #tpu.memory_space<vmem>>, %arg7: memref<5x80xi32, #tpu.memory_space<vmem>>, %arg8: memref<4x80x128xf32, #tpu.memory_space<vmem>>, %arg9: memref<32x128xf32, #tpu.memory_space<vmem>>, %arg10: memref<5x!tpu.dma_semaphore, #tpu.memory_space<semaphore_mem>>, %arg11: memref<4x!tpu.dma_semaphore, #tpu.memory_space<semaphore_mem>>, %arg12: memref<4x!tpu.dma_semaphore, #tpu.memory_space<semaphore_mem>>, %arg13: memref<10240x128xf32, #tpu.memory_space<vmem_shared>>) attributes {dimension_semantics = [#tpu.dimension_semantics<core_parallel>, #tpu.dimension_semantics<subcore_parallel>], iteration_bounds = array<i64: 2, 16>, scalar_prefetch = 0 : i64, scratch_operands = 8 : i64, tpu.core_type = #tpu.core_type<sc_vector_subcore>, window_params = [{transform_indices = #map}, {transform_indices = #map1}, {transform_indices = #map1}, {transform_indices = #map2}]} {
    %mul3A = arith.constant 2 : i32
    %mul3A_0 = arith.muli %arg1, %mul3A : i32
    %add3A = arith.addi %mul3A_0, %arg0 : i32
    %scan3A = arith.constant 0 : i32
    %scan3A_1 = arith.constant 0 : i32
    %scan3A_2 = arith.constant 256 : i32
    %scan3A_3 = arith.addi %scan3A_1, %scan3A_2 : i32
    %scan3A_4 = arith.constant 1 : i32
    %scan3A_5 = scf.for %scan3A_236 = %scan3A_1 to %scan3A_3 step %scan3A_4 iter_args(%scan3A_237 = %scan3A) -> (i32)  : i32 {
      %broadcast_in_dim3A = arith.constant 0.000000e+00 : f32
      %broadcast_in_dim3A_238 = vector.broadcast %broadcast_in_dim3A : f32 to vector<16xf32>
      %jit3A = arith.constant 8 : i32
      %div3A = arith.divsi %scan3A_236, %jit3A : i32
      %sign3A = arith.constant 0 : i32
      %sign3A_239 = arith.cmpi sgt, %scan3A_236, %sign3A : i32
      %sign3A_240 = arith.extui %sign3A_239 : i1 to i32
      %sign3A_241 = arith.constant 0 : i32
      %sign3A_242 = arith.cmpi slt, %scan3A_236, %sign3A_241 : i32
      %sign3A_243 = arith.extui %sign3A_242 : i1 to i32
      %sign3A_244 = arith.subi %sign3A_240, %sign3A_243 : i32
      %sign3A_245 = arith.constant 0 : i32
      %sign3A_246 = arith.cmpi sgt, %jit3A, %sign3A_245 : i32
      %sign3A_247 = arith.extui %sign3A_246 : i1 to i32
      %sign3A_248 = arith.constant 0 : i32
      %sign3A_249 = arith.cmpi slt, %jit3A, %sign3A_248 : i32
      %sign3A_250 = arith.extui %sign3A_249 : i1 to i32
      %sign3A_251 = arith.subi %sign3A_247, %sign3A_250 : i32
      %ne3A = arith.cmpi ne, %sign3A_244, %sign3A_251 : i32
      %rem3A = arith.remsi %scan3A_236, %jit3A : i32
      %ne3A_252 = arith.constant 0 : i32
      %ne3A_253 = arith.cmpi ne, %rem3A, %ne3A_252 : i32
      %and3A = arith.andi %ne3A, %ne3A_253 : i1
      %sub3A = arith.constant 1 : i32
      %sub3A_254 = arith.subi %div3A, %sub3A : i32
      %select_n3A = arith.select %and3A, %sub3A_254, %div3A : i32
      %jit3A_255 = arith.constant 8 : i32
      %eq3A = arith.constant 0 : i32
      %eq3A_256 = arith.cmpi eq, %jit3A_255, %eq3A : i32
      %jit3A_257 = arith.constant 1 : i32
      %select_n3A_258 = arith.select %eq3A_256, %jit3A_257, %jit3A_255 : i32
      %rem3A_259 = arith.remsi %scan3A_236, %select_n3A_258 : i32
      %ne3A_260 = arith.constant 0 : i32
      %ne3A_261 = arith.cmpi ne, %rem3A_259, %ne3A_260 : i32
      %lt3A = arith.constant 0 : i32
      %lt3A_262 = arith.cmpi slt, %rem3A_259, %lt3A : i32
      %lt3A_263 = arith.constant 0 : i32
      %lt3A_264 = arith.cmpi slt, %select_n3A_258, %lt3A_263 : i32
      %ne3A_265 = arith.xori %lt3A_262, %lt3A_264 : i1
      %and3A_266 = arith.andi %ne3A_265, %ne3A_261 : i1
      %add3A_267 = arith.addi %rem3A_259, %select_n3A_258 : i32
      %select_n3A_268 = arith.select %and3A_266, %add3A_267, %rem3A_259 : i32
      %mul3A_269 = arith.constant 16 : i32
      %mul3A_270 = arith.muli %select_n3A_268, %mul3A_269 : i32
      %swap3A = arith.index_cast %select_n3A : i32 to index
      %swap3A_271 = arith.index_cast %mul3A_270 : i32 to index
      %swap3A_272 = tpu.vector_load %arg9[%swap3A, %swap3A_271] {strides = array<i32>} : memref<32x128xf32, #tpu.memory_space<vmem>>, vector<1x16xf32>,
      %swap3A_273 = vector.shape_cast %swap3A_272 : vector<1x16xf32> to vector<16xf32>
      %swap3A_274 = vector.shape_cast %broadcast_in_dim3A_238 : vector<16xf32> to vector<1x16xf32>
      tpu.vector_store %arg9[%swap3A, %swap3A_271], %swap3A_274 {strides = array<i32>} : memref<32x128xf32, #tpu.memory_space<vmem>>, vector<1x16xf32>,
      %scan3A_275 = arith.constant 0 : i32
      scf.yield %scan3A_275 : i32
    }
    %scan3A_6 = arith.constant 256 : i32
    %mul3A_7 = arith.constant 640 : i32
    %mul3A_8 = arith.muli %arg1, %mul3A_7 : i32
    %add3A_9 = arith.constant 0 : i32
    %add3A_10 = arith.addi %mul3A_8, %add3A_9 : i32
    "tpu.region"() ({
      %run_scoped3A = tpu.sem_alloc : memref<!tpu.dma_semaphore, #tpu.memory_space<semaphore_mem>>
      %dma_start3A_236 = arith.constant 0 : i32
      %dma_start3A_237 = tpu.memref_slice %arg13[%add3A_10, %dma_start3A_236] : memref<10240x128xf32, #tpu.memory_space<vmem_shared>> -> memref<32x128xf32, #tpu.memory_space<vmem_shared>>
      %dma_start3A_238 = arith.constant 0 : i32
      %dma_start3A_239 = tpu.memref_slice %arg13[%add3A_10, %dma_start3A_238] : memref<10240x128xf32, #tpu.memory_space<vmem_shared>> -> memref<32x128xf32, #tpu.memory_space<vmem_shared>>
      tpu.enqueue_dma source(%arg9 : memref<32x128xf32, #tpu.memory_space<vmem>>) target(%dma_start3A_239 : memref<32x128xf32, #tpu.memory_space<vmem_shared>>) target_semaphore(%run_scoped3A : memref<!tpu.dma_semaphore, #tpu.memory_space<semaphore_mem>>)
      %dma_wait3A_240 = arith.constant 0 : i32
      %dma_wait3A_241 = tpu.memref_slice %arg13[%add3A_10, %dma_wait3A_240] : memref<10240x128xf32, #tpu.memory_space<vmem_shared>> -> memref<32x128xf32, #tpu.memory_space<vmem_shared>>
      %dma_wait3A_242 = arith.constant 0 : i32
      %dma_wait3A_243 = tpu.memref_slice %arg13[%add3A_10, %dma_wait3A_242] : memref<10240x128xf32, #tpu.memory_space<vmem_shared>> -> memref<32x128xf32, #tpu.memory_space<vmem_shared>>
      tpu.wait_dma2 semaphore(%run_scoped3A : memref<!tpu.dma_semaphore, #tpu.memory_space<semaphore_mem>>) src(%arg9 : memref<32x128xf32, #tpu.memory_space<vmem>>) dst(%dma_wait3A_243 : memref<32x128xf32, #tpu.memory_space<vmem_shared>>)
      tpu.yield
    }) : () -> ()
    %add3A_11 = arith.constant 32 : i32
    %add3A_12 = arith.addi %mul3A_8, %add3A_11 : i32
    "tpu.region"() ({
      %run_scoped3A = tpu.sem_alloc : memref<!tpu.dma_semaphore, #tpu.memory_space<semaphore_mem>>
      %dma_start3A_236 = arith.constant 0 : i32
      %dma_start3A_237 = tpu.memref_slice %arg13[%add3A_12, %dma_start3A_236] : memref<10240x128xf32, #tpu.memory_space<vmem_shared>> -> memref<32x128xf32, #tpu.memory_space<vmem_shared>>
      %dma_start3A_238 = arith.constant 0 : i32
      %dma_start3A_239 = tpu.memref_slice %arg13[%add3A_12, %dma_start3A_238] : memref<10240x128xf32, #tpu.memory_space<vmem_shared>> -> memref<32x128xf32, #tpu.memory_space<vmem_shared>>
      tpu.enqueue_dma source(%arg9 : memref<32x128xf32, #tpu.memory_space<vmem>>) target(%dma_start3A_239 : memref<32x128xf32, #tpu.memory_space<vmem_shared>>) target_semaphore(%run_scoped3A : memref<!tpu.dma_semaphore, #tpu.memory_space<semaphore_mem>>)
      %dma_wait3A_240 = arith.constant 0 : i32
      %dma_wait3A_241 = tpu.memref_slice %arg13[%add3A_12, %dma_wait3A_240] : memref<10240x128xf32, #tpu.memory_space<vmem_shared>> -> memref<32x128xf32, #tpu.memory_space<vmem_shared>>
      %dma_wait3A_242 = arith.constant 0 : i32
      %dma_wait3A_243 = tpu.memref_slice %arg13[%add3A_12, %dma_wait3A_242] : memref<10240x128xf32, #tpu.memory_space<vmem_shared>> -> memref<32x128xf32, #tpu.memory_space<vmem_shared>>
      tpu.wait_dma2 semaphore(%run_scoped3A : memref<!tpu.dma_semaphore, #tpu.memory_space<semaphore_mem>>) src(%arg9 : memref<32x128xf32, #tpu.memory_space<vmem>>) dst(%dma_wait3A_243 : memref<32x128xf32, #tpu.memory_space<vmem_shared>>)
      tpu.yield
    }) : () -> ()
    %add3A_13 = arith.constant 64 : i32
    %add3A_14 = arith.addi %mul3A_8, %add3A_13 : i32
    "tpu.region"() ({
      %run_scoped3A = tpu.sem_alloc : memref<!tpu.dma_semaphore, #tpu.memory_space<semaphore_mem>>
      %dma_start3A_236 = arith.constant 0 : i32
      %dma_start3A_237 = tpu.memref_slice %arg13[%add3A_14, %dma_start3A_236] : memref<10240x128xf32, #tpu.memory_space<vmem_shared>> -> memref<32x128xf32, #tpu.memory_space<vmem_shared>>
      %dma_start3A_238 = arith.constant 0 : i32
      %dma_start3A_239 = tpu.memref_slice %arg13[%add3A_14, %dma_start3A_238] : memref<10240x128xf32, #tpu.memory_space<vmem_shared>> -> memref<32x128xf32, #tpu.memory_space<vmem_shared>>
      tpu.enqueue_dma source(%arg9 : memref<32x128xf32, #tpu.memory_space<vmem>>) target(%dma_start3A_239 : memref<32x128xf32, #tpu.memory_space<vmem_shared>>) target_semaphore(%run_scoped3A : memref<!tpu.dma_semaphore, #tpu.memory_space<semaphore_mem>>)
      %dma_wait3A_240 = arith.constant 0 : i32
      %dma_wait3A_241 = tpu.memref_slice %arg13[%add3A_14, %dma_wait3A_240] : memref<10240x128xf32, #tpu.memory_space<vmem_shared>> -> memref<32x128xf32, #tpu.memory_space<vmem_shared>>
      %dma_wait3A_242 = arith.constant 0 : i32
      %dma_wait3A_243 = tpu.memref_slice %arg13[%add3A_14, %dma_wait3A_242] : memref<10240x128xf32, #tpu.memory_space<vmem_shared>> -> memref<32x128xf32, #tpu.memory_space<vmem_shared>>
      tpu.wait_dma2 semaphore(%run_scoped3A : memref<!tpu.dma_semaphore, #tpu.memory_space<semaphore_mem>>) src(%arg9 : memref<32x128xf32, #tpu.memory_space<vmem>>) dst(%dma_wait3A_243 : memref<32x128xf32, #tpu.memory_space<vmem_shared>>)
      tpu.yield
    }) : () -> ()
    %add3A_15 = arith.constant 96 : i32
    %add3A_16 = arith.addi %mul3A_8, %add3A_15 : i32
    "tpu.region"() ({
      %run_scoped3A = tpu.sem_alloc : memref<!tpu.dma_semaphore, #tpu.memory_space<semaphore_mem>>
      %dma_start3A_236 = arith.constant 0 : i32
      %dma_start3A_237 = tpu.memref_slice %arg13[%add3A_16, %dma_start3A_236] : memref<10240x128xf32, #tpu.memory_space<vmem_shared>> -> memref<32x128xf32, #tpu.memory_space<vmem_shared>>
      %dma_start3A_238 = arith.constant 0 : i32
      %dma_start3A_239 = tpu.memref_slice %arg13[%add3A_16, %dma_start3A_238] : memref<10240x128xf32, #tpu.memory_space<vmem_shared>> -> memref<32x128xf32, #tpu.memory_space<vmem_shared>>
      tpu.enqueue_dma source(%arg9 : memref<32x128xf32, #tpu.memory_space<vmem>>) target(%dma_start3A_239 : memref<32x128xf32, #tpu.memory_space<vmem_shared>>) target_semaphore(%run_scoped3A : memref<!tpu.dma_semaphore, #tpu.memory_space<semaphore_mem>>)
      %dma_wait3A_240 = arith.constant 0 : i32
      %dma_wait3A_241 = tpu.memref_slice %arg13[%add3A_16, %dma_wait3A_240] : memref<10240x128xf32, #tpu.memory_space<vmem_shared>> -> memref<32x128xf32, #tpu.memory_space<vmem_shared>>
      %dma_wait3A_242 = arith.constant 0 : i32
      %dma_wait3A_243 = tpu.memref_slice %arg13[%add3A_16, %dma_wait3A_242] : memref<10240x128xf32, #tpu.memory_space<vmem_shared>> -> memref<32x128xf32, #tpu.memory_space<vmem_shared>>
      tpu.wait_dma2 semaphore(%run_scoped3A : memref<!tpu.dma_semaphore, #tpu.memory_space<semaphore_mem>>) src(%arg9 : memref<32x128xf32, #tpu.memory_space<vmem>>) dst(%dma_wait3A_243 : memref<32x128xf32, #tpu.memory_space<vmem_shared>>)
      tpu.yield
    }) : () -> ()
    %add3A_17 = arith.constant 128 : i32
    %add3A_18 = arith.addi %mul3A_8, %add3A_17 : i32
    "tpu.region"() ({
      %run_scoped3A = tpu.sem_alloc : memref<!tpu.dma_semaphore, #tpu.memory_space<semaphore_mem>>
      %dma_start3A_236 = arith.constant 0 : i32
      %dma_start3A_237 = tpu.memref_slice %arg13[%add3A_18, %dma_start3A_236] : memref<10240x128xf32, #tpu.memory_space<vmem_shared>> -> memref<32x128xf32, #tpu.memory_space<vmem_shared>>
      %dma_start3A_238 = arith.constant 0 : i32
      %dma_start3A_239 = tpu.memref_slice %arg13[%add3A_18, %dma_start3A_238] : memref<10240x128xf32, #tpu.memory_space<vmem_shared>> -> memref<32x128xf32, #tpu.memory_space<vmem_shared>>
      tpu.enqueue_dma source(%arg9 : memref<32x128xf32, #tpu.memory_space<vmem>>) target(%dma_start3A_239 : memref<32x128xf32, #tpu.memory_space<vmem_shared>>) target_semaphore(%run_scoped3A : memref<!tpu.dma_semaphore, #tpu.memory_space<semaphore_mem>>)
      %dma_wait3A_240 = arith.constant 0 : i32
      %dma_wait3A_241 = tpu.memref_slice %arg13[%add3A_18, %dma_wait3A_240] : memref<10240x128xf32, #tpu.memory_space<vmem_shared>> -> memref<32x128xf32, #tpu.memory_space<vmem_shared>>
      %dma_wait3A_242 = arith.constant 0 : i32
      %dma_wait3A_243 = tpu.memref_slice %arg13[%add3A_18, %dma_wait3A_242] : memref<10240x128xf32, #tpu.memory_space<vmem_shared>> -> memref<32x128xf32, #tpu.memory_space<vmem_shared>>
      tpu.wait_dma2 semaphore(%run_scoped3A : memref<!tpu.dma_semaphore, #tpu.memory_space<semaphore_mem>>) src(%arg9 : memref<32x128xf32, #tpu.memory_space<vmem>>) dst(%dma_wait3A_243 : memref<32x128xf32, #tpu.memory_space<vmem_shared>>)
      tpu.yield
    }) : () -> ()
    %add3A_19 = arith.constant 160 : i32
    %add3A_20 = arith.addi %mul3A_8, %add3A_19 : i32
    "tpu.region"() ({
      %run_scoped3A = tpu.sem_alloc : memref<!tpu.dma_semaphore, #tpu.memory_space<semaphore_mem>>
      %dma_start3A_236 = arith.constant 0 : i32
      %dma_start3A_237 = tpu.memref_slice %arg13[%add3A_20, %dma_start3A_236] : memref<10240x128xf32, #tpu.memory_space<vmem_shared>> -> memref<32x128xf32, #tpu.memory_space<vmem_shared>>
      %dma_start3A_238 = arith.constant 0 : i32
      %dma_start3A_239 = tpu.memref_slice %arg13[%add3A_20, %dma_start3A_238] : memref<10240x128xf32, #tpu.memory_space<vmem_shared>> -> memref<32x128xf32, #tpu.memory_space<vmem_shared>>
      tpu.enqueue_dma source(%arg9 : memref<32x128xf32, #tpu.memory_space<vmem>>) target(%dma_start3A_239 : memref<32x128xf32, #tpu.memory_space<vmem_shared>>) target_semaphore(%run_scoped3A : memref<!tpu.dma_semaphore, #tpu.memory_space<semaphore_mem>>)
      %dma_wait3A_240 = arith.constant 0 : i32
      %dma_wait3A_241 = tpu.memref_slice %arg13[%add3A_20, %dma_wait3A_240] : memref<10240x128xf32, #tpu.memory_space<vmem_shared>> -> memref<32x128xf32, #tpu.memory_space<vmem_shared>>
      %dma_wait3A_242 = arith.constant 0 : i32
      %dma_wait3A_243 = tpu.memref_slice %arg13[%add3A_20, %dma_wait3A_242] : memref<10240x128xf32, #tpu.memory_space<vmem_shared>> -> memref<32x128xf32, #tpu.memory_space<vmem_shared>>
      tpu.wait_dma2 semaphore(%run_scoped3A : memref<!tpu.dma_semaphore, #tpu.memory_space<semaphore_mem>>) src(%arg9 : memref<32x128xf32, #tpu.memory_space<vmem>>) dst(%dma_wait3A_243 : memref<32x128xf32, #tpu.memory_space<vmem_shared>>)
      tpu.yield
    }) : () -> ()
    %add3A_21 = arith.constant 192 : i32
    %add3A_22 = arith.addi %mul3A_8, %add3A_21 : i32
    "tpu.region"() ({
      %run_scoped3A = tpu.sem_alloc : memref<!tpu.dma_semaphore, #tpu.memory_space<semaphore_mem>>
      %dma_start3A_236 = arith.constant 0 : i32
      %dma_start3A_237 = tpu.memref_slice %arg13[%add3A_22, %dma_start3A_236] : memref<10240x128xf32, #tpu.memory_space<vmem_shared>> -> memref<32x128xf32, #tpu.memory_space<vmem_shared>>
      %dma_start3A_238 = arith.constant 0 : i32
      %dma_start3A_239 = tpu.memref_slice %arg13[%add3A_22, %dma_start3A_238] : memref<10240x128xf32, #tpu.memory_space<vmem_shared>> -> memref<32x128xf32, #tpu.memory_space<vmem_shared>>
      tpu.enqueue_dma source(%arg9 : memref<32x128xf32, #tpu.memory_space<vmem>>) target(%dma_start3A_239 : memref<32x128xf32, #tpu.memory_space<vmem_shared>>) target_semaphore(%run_scoped3A : memref<!tpu.dma_semaphore, #tpu.memory_space<semaphore_mem>>)
      %dma_wait3A_240 = arith.constant 0 : i32
      %dma_wait3A_241 = tpu.memref_slice %arg13[%add3A_22, %dma_wait3A_240] : memref<10240x128xf32, #tpu.memory_space<vmem_shared>> -> memref<32x128xf32, #tpu.memory_space<vmem_shared>>
      %dma_wait3A_242 = arith.constant 0 : i32
      %dma_wait3A_243 = tpu.memref_slice %arg13[%add3A_22, %dma_wait3A_242] : memref<10240x128xf32, #tpu.memory_space<vmem_shared>> -> memref<32x128xf32, #tpu.memory_space<vmem_shared>>
      tpu.wait_dma2 semaphore(%run_scoped3A : memref<!tpu.dma_semaphore, #tpu.memory_space<semaphore_mem>>) src(%arg9 : memref<32x128xf32, #tpu.memory_space<vmem>>) dst(%dma_wait3A_243 : memref<32x128xf32, #tpu.memory_space<vmem_shared>>)
      tpu.yield
    }) : () -> ()
    %add3A_23 = arith.constant 224 : i32
    %add3A_24 = arith.addi %mul3A_8, %add3A_23 : i32
    "tpu.region"() ({
      %run_scoped3A = tpu.sem_alloc : memref<!tpu.dma_semaphore, #tpu.memory_space<semaphore_mem>>
      %dma_start3A_236 = arith.constant 0 : i32
      %dma_start3A_237 = tpu.memref_slice %arg13[%add3A_24, %dma_start3A_236] : memref<10240x128xf32, #tpu.memory_space<vmem_shared>> -> memref<32x128xf32, #tpu.memory_space<vmem_shared>>
      %dma_start3A_238 = arith.constant 0 : i32
      %dma_start3A_239 = tpu.memref_slice %arg13[%add3A_24, %dma_start3A_238] : memref<10240x128xf32, #tpu.memory_space<vmem_shared>> -> memref<32x128xf32, #tpu.memory_space<vmem_shared>>
      tpu.enqueue_dma source(%arg9 : memref<32x128xf32, #tpu.memory_space<vmem>>) target(%dma_start3A_239 : memref<32x128xf32, #tpu.memory_space<vmem_shared>>) target_semaphore(%run_scoped3A : memref<!tpu.dma_semaphore, #tpu.memory_space<semaphore_mem>>)
      %dma_wait3A_240 = arith.constant 0 : i32
      %dma_wait3A_241 = tpu.memref_slice %arg13[%add3A_24, %dma_wait3A_240] : memref<10240x128xf32, #tpu.memory_space<vmem_shared>> -> memref<32x128xf32, #tpu.memory_space<vmem_shared>>
      %dma_wait3A_242 = arith.constant 0 : i32
      %dma_wait3A_243 = tpu.memref_slice %arg13[%add3A_24, %dma_wait3A_242] : memref<10240x128xf32, #tpu.memory_space<vmem_shared>> -> memref<32x128xf32, #tpu.memory_space<vmem_shared>>
      tpu.wait_dma2 semaphore(%run_scoped3A : memref<!tpu.dma_semaphore, #tpu.memory_space<semaphore_mem>>) src(%arg9 : memref<32x128xf32, #tpu.memory_space<vmem>>) dst(%dma_wait3A_243 : memref<32x128xf32, #tpu.memory_space<vmem_shared>>)
      tpu.yield
    }) : () -> ()
    %add3A_25 = arith.constant 256 : i32
    %add3A_26 = arith.addi %mul3A_8, %add3A_25 : i32
    "tpu.region"() ({
      %run_scoped3A = tpu.sem_alloc : memref<!tpu.dma_semaphore, #tpu.memory_space<semaphore_mem>>
      %dma_start3A_236 = arith.constant 0 : i32
      %dma_start3A_237 = tpu.memref_slice %arg13[%add3A_26, %dma_start3A_236] : memref<10240x128xf32, #tpu.memory_space<vmem_shared>> -> memref<32x128xf32, #tpu.memory_space<vmem_shared>>
      %dma_start3A_238 = arith.constant 0 : i32
      %dma_start3A_239 = tpu.memref_slice %arg13[%add3A_26, %dma_start3A_238] : memref<10240x128xf32, #tpu.memory_space<vmem_shared>> -> memref<32x128xf32, #tpu.memory_space<vmem_shared>>
      tpu.enqueue_dma source(%arg9 : memref<32x128xf32, #tpu.memory_space<vmem>>) target(%dma_start3A_239 : memref<32x128xf32, #tpu.memory_space<vmem_shared>>) target_semaphore(%run_scoped3A : memref<!tpu.dma_semaphore, #tpu.memory_space<semaphore_mem>>)
      %dma_wait3A_240 = arith.constant 0 : i32
      %dma_wait3A_241 = tpu.memref_slice %arg13[%add3A_26, %dma_wait3A_240] : memref<10240x128xf32, #tpu.memory_space<vmem_shared>> -> memref<32x128xf32, #tpu.memory_space<vmem_shared>>
      %dma_wait3A_242 = arith.constant 0 : i32
      %dma_wait3A_243 = tpu.memref_slice %arg13[%add3A_26, %dma_wait3A_242] : memref<10240x128xf32, #tpu.memory_space<vmem_shared>> -> memref<32x128xf32, #tpu.memory_space<vmem_shared>>
      tpu.wait_dma2 semaphore(%run_scoped3A : memref<!tpu.dma_semaphore, #tpu.memory_space<semaphore_mem>>) src(%arg9 : memref<32x128xf32, #tpu.memory_space<vmem>>) dst(%dma_wait3A_243 : memref<32x128xf32, #tpu.memory_space<vmem_shared>>)
      tpu.yield
    }) : () -> ()
    %add3A_27 = arith.constant 288 : i32
    %add3A_28 = arith.addi %mul3A_8, %add3A_27 : i32
    "tpu.region"() ({
      %run_scoped3A = tpu.sem_alloc : memref<!tpu.dma_semaphore, #tpu.memory_space<semaphore_mem>>
      %dma_start3A_236 = arith.constant 0 : i32
      %dma_start3A_237 = tpu.memref_slice %arg13[%add3A_28, %dma_start3A_236] : memref<10240x128xf32, #tpu.memory_space<vmem_shared>> -> memref<32x128xf32, #tpu.memory_space<vmem_shared>>
      %dma_start3A_238 = arith.constant 0 : i32
      %dma_start3A_239 = tpu.memref_slice %arg13[%add3A_28, %dma_start3A_238] : memref<10240x128xf32, #tpu.memory_space<vmem_shared>> -> memref<32x128xf32, #tpu.memory_space<vmem_shared>>
      tpu.enqueue_dma source(%arg9 : memref<32x128xf32, #tpu.memory_space<vmem>>) target(%dma_start3A_239 : memref<32x128xf32, #tpu.memory_space<vmem_shared>>) target_semaphore(%run_scoped3A : memref<!tpu.dma_semaphore, #tpu.memory_space<semaphore_mem>>)
      %dma_wait3A_240 = arith.constant 0 : i32
      %dma_wait3A_241 = tpu.memref_slice %arg13[%add3A_28, %dma_wait3A_240] : memref<10240x128xf32, #tpu.memory_space<vmem_shared>> -> memref<32x128xf32, #tpu.memory_space<vmem_shared>>
      %dma_wait3A_242 = arith.constant 0 : i32
      %dma_wait3A_243 = tpu.memref_slice %arg13[%add3A_28, %dma_wait3A_242] : memref<10240x128xf32, #tpu.memory_space<vmem_shared>> -> memref<32x128xf32, #tpu.memory_space<vmem_shared>>
      tpu.wait_dma2 semaphore(%run_scoped3A : memref<!tpu.dma_semaphore, #tpu.memory_space<semaphore_mem>>) src(%arg9 : memref<32x128xf32, #tpu.memory_space<vmem>>) dst(%dma_wait3A_243 : memref<32x128xf32, #tpu.memory_space<vmem_shared>>)
      tpu.yield
    }) : () -> ()
    %add3A_29 = arith.constant 320 : i32
    %add3A_30 = arith.addi %mul3A_8, %add3A_29 : i32
    "tpu.region"() ({
      %run_scoped3A = tpu.sem_alloc : memref<!tpu.dma_semaphore, #tpu.memory_space<semaphore_mem>>
      %dma_start3A_236 = arith.constant 0 : i32
      %dma_start3A_237 = tpu.memref_slice %arg13[%add3A_30, %dma_start3A_236] : memref<10240x128xf32, #tpu.memory_space<vmem_shared>> -> memref<32x128xf32, #tpu.memory_space<vmem_shared>>
      %dma_start3A_238 = arith.constant 0 : i32
      %dma_start3A_239 = tpu.memref_slice %arg13[%add3A_30, %dma_start3A_238] : memref<10240x128xf32, #tpu.memory_space<vmem_shared>> -> memref<32x128xf32, #tpu.memory_space<vmem_shared>>
      tpu.enqueue_dma source(%arg9 : memref<32x128xf32, #tpu.memory_space<vmem>>) target(%dma_start3A_239 : memref<32x128xf32, #tpu.memory_space<vmem_shared>>) target_semaphore(%run_scoped3A : memref<!tpu.dma_semaphore, #tpu.memory_space<semaphore_mem>>)
      %dma_wait3A_240 = arith.constant 0 : i32
      %dma_wait3A_241 = tpu.memref_slice %arg13[%add3A_30, %dma_wait3A_240] : memref<10240x128xf32, #tpu.memory_space<vmem_shared>> -> memref<32x128xf32, #tpu.memory_space<vmem_shared>>
      %dma_wait3A_242 = arith.constant 0 : i32
      %dma_wait3A_243 = tpu.memref_slice %arg13[%add3A_30, %dma_wait3A_242] : memref<10240x128xf32, #tpu.memory_space<vmem_shared>> -> memref<32x128xf32, #tpu.memory_space<vmem_shared>>
      tpu.wait_dma2 semaphore(%run_scoped3A : memref<!tpu.dma_semaphore, #tpu.memory_space<semaphore_mem>>) src(%arg9 : memref<32x128xf32, #tpu.memory_space<vmem>>) dst(%dma_wait3A_243 : memref<32x128xf32, #tpu.memory_space<vmem_shared>>)
      tpu.yield
    }) : () -> ()
    %add3A_31 = arith.constant 352 : i32
    %add3A_32 = arith.addi %mul3A_8, %add3A_31 : i32
    "tpu.region"() ({
      %run_scoped3A = tpu.sem_alloc : memref<!tpu.dma_semaphore, #tpu.memory_space<semaphore_mem>>
      %dma_start3A_236 = arith.constant 0 : i32
      %dma_start3A_237 = tpu.memref_slice %arg13[%add3A_32, %dma_start3A_236] : memref<10240x128xf32, #tpu.memory_space<vmem_shared>> -> memref<32x128xf32, #tpu.memory_space<vmem_shared>>
      %dma_start3A_238 = arith.constant 0 : i32
      %dma_start3A_239 = tpu.memref_slice %arg13[%add3A_32, %dma_start3A_238] : memref<10240x128xf32, #tpu.memory_space<vmem_shared>> -> memref<32x128xf32, #tpu.memory_space<vmem_shared>>
      tpu.enqueue_dma source(%arg9 : memref<32x128xf32, #tpu.memory_space<vmem>>) target(%dma_start3A_239 : memref<32x128xf32, #tpu.memory_space<vmem_shared>>) target_semaphore(%run_scoped3A : memref<!tpu.dma_semaphore, #tpu.memory_space<semaphore_mem>>)
      %dma_wait3A_240 = arith.constant 0 : i32
      %dma_wait3A_241 = tpu.memref_slice %arg13[%add3A_32, %dma_wait3A_240] : memref<10240x128xf32, #tpu.memory_space<vmem_shared>> -> memref<32x128xf32, #tpu.memory_space<vmem_shared>>
      %dma_wait3A_242 = arith.constant 0 : i32
      %dma_wait3A_243 = tpu.memref_slice %arg13[%add3A_32, %dma_wait3A_242] : memref<10240x128xf32, #tpu.memory_space<vmem_shared>> -> memref<32x128xf32, #tpu.memory_space<vmem_shared>>
      tpu.wait_dma2 semaphore(%run_scoped3A : memref<!tpu.dma_semaphore, #tpu.memory_space<semaphore_mem>>) src(%arg9 : memref<32x128xf32, #tpu.memory_space<vmem>>) dst(%dma_wait3A_243 : memref<32x128xf32, #tpu.memory_space<vmem_shared>>)
      tpu.yield
    }) : () -> ()
    %add3A_33 = arith.constant 384 : i32
    %add3A_34 = arith.addi %mul3A_8, %add3A_33 : i32
    "tpu.region"() ({
      %run_scoped3A = tpu.sem_alloc : memref<!tpu.dma_semaphore, #tpu.memory_space<semaphore_mem>>
      %dma_start3A_236 = arith.constant 0 : i32
      %dma_start3A_237 = tpu.memref_slice %arg13[%add3A_34, %dma_start3A_236] : memref<10240x128xf32, #tpu.memory_space<vmem_shared>> -> memref<32x128xf32, #tpu.memory_space<vmem_shared>>
      %dma_start3A_238 = arith.constant 0 : i32
      %dma_start3A_239 = tpu.memref_slice %arg13[%add3A_34, %dma_start3A_238] : memref<10240x128xf32, #tpu.memory_space<vmem_shared>> -> memref<32x128xf32, #tpu.memory_space<vmem_shared>>
      tpu.enqueue_dma source(%arg9 : memref<32x128xf32, #tpu.memory_space<vmem>>) target(%dma_start3A_239 : memref<32x128xf32, #tpu.memory_space<vmem_shared>>) target_semaphore(%run_scoped3A : memref<!tpu.dma_semaphore, #tpu.memory_space<semaphore_mem>>)
      %dma_wait3A_240 = arith.constant 0 : i32
      %dma_wait3A_241 = tpu.memref_slice %arg13[%add3A_34, %dma_wait3A_240] : memref<10240x128xf32, #tpu.memory_space<vmem_shared>> -> memref<32x128xf32, #tpu.memory_space<vmem_shared>>
      %dma_wait3A_242 = arith.constant 0 : i32
      %dma_wait3A_243 = tpu.memref_slice %arg13[%add3A_34, %dma_wait3A_242] : memref<10240x128xf32, #tpu.memory_space<vmem_shared>> -> memref<32x128xf32, #tpu.memory_space<vmem_shared>>
      tpu.wait_dma2 semaphore(%run_scoped3A : memref<!tpu.dma_semaphore, #tpu.memory_space<semaphore_mem>>) src(%arg9 : memref<32x128xf32, #tpu.memory_space<vmem>>) dst(%dma_wait3A_243 : memref<32x128xf32, #tpu.memory_space<vmem_shared>>)
      tpu.yield
    }) : () -> ()
    %add3A_35 = arith.constant 416 : i32
    %add3A_36 = arith.addi %mul3A_8, %add3A_35 : i32
    "tpu.region"() ({
      %run_scoped3A = tpu.sem_alloc : memref<!tpu.dma_semaphore, #tpu.memory_space<semaphore_mem>>
      %dma_start3A_236 = arith.constant 0 : i32
      %dma_start3A_237 = tpu.memref_slice %arg13[%add3A_36, %dma_start3A_236] : memref<10240x128xf32, #tpu.memory_space<vmem_shared>> -> memref<32x128xf32, #tpu.memory_space<vmem_shared>>
      %dma_start3A_238 = arith.constant 0 : i32
      %dma_start3A_239 = tpu.memref_slice %arg13[%add3A_36, %dma_start3A_238] : memref<10240x128xf32, #tpu.memory_space<vmem_shared>> -> memref<32x128xf32, #tpu.memory_space<vmem_shared>>
      tpu.enqueue_dma source(%arg9 : memref<32x128xf32, #tpu.memory_space<vmem>>) target(%dma_start3A_239 : memref<32x128xf32, #tpu.memory_space<vmem_shared>>) target_semaphore(%run_scoped3A : memref<!tpu.dma_semaphore, #tpu.memory_space<semaphore_mem>>)
      %dma_wait3A_240 = arith.constant 0 : i32
      %dma_wait3A_241 = tpu.memref_slice %arg13[%add3A_36, %dma_wait3A_240] : memref<10240x128xf32, #tpu.memory_space<vmem_shared>> -> memref<32x128xf32, #tpu.memory_space<vmem_shared>>
      %dma_wait3A_242 = arith.constant 0 : i32
      %dma_wait3A_243 = tpu.memref_slice %arg13[%add3A_36, %dma_wait3A_242] : memref<10240x128xf32, #tpu.memory_space<vmem_shared>> -> memref<32x128xf32, #tpu.memory_space<vmem_shared>>
      tpu.wait_dma2 semaphore(%run_scoped3A : memref<!tpu.dma_semaphore, #tpu.memory_space<semaphore_mem>>) src(%arg9 : memref<32x128xf32, #tpu.memory_space<vmem>>) dst(%dma_wait3A_243 : memref<32x128xf32, #tpu.memory_space<vmem_shared>>)
      tpu.yield
    }) : () -> ()
    %add3A_37 = arith.constant 448 : i32
    %add3A_38 = arith.addi %mul3A_8, %add3A_37 : i32
    "tpu.region"() ({
      %run_scoped3A = tpu.sem_alloc : memref<!tpu.dma_semaphore, #tpu.memory_space<semaphore_mem>>
      %dma_start3A_236 = arith.constant 0 : i32
      %dma_start3A_237 = tpu.memref_slice %arg13[%add3A_38, %dma_start3A_236] : memref<10240x128xf32, #tpu.memory_space<vmem_shared>> -> memref<32x128xf32, #tpu.memory_space<vmem_shared>>
      %dma_start3A_238 = arith.constant 0 : i32
      %dma_start3A_239 = tpu.memref_slice %arg13[%add3A_38, %dma_start3A_238] : memref<10240x128xf32, #tpu.memory_space<vmem_shared>> -> memref<32x128xf32, #tpu.memory_space<vmem_shared>>
      tpu.enqueue_dma source(%arg9 : memref<32x128xf32, #tpu.memory_space<vmem>>) target(%dma_start3A_239 : memref<32x128xf32, #tpu.memory_space<vmem_shared>>) target_semaphore(%run_scoped3A : memref<!tpu.dma_semaphore, #tpu.memory_space<semaphore_mem>>)
      %dma_wait3A_240 = arith.constant 0 : i32
      %dma_wait3A_241 = tpu.memref_slice %arg13[%add3A_38, %dma_wait3A_240] : memref<10240x128xf32, #tpu.memory_space<vmem_shared>> -> memref<32x128xf32, #tpu.memory_space<vmem_shared>>
      %dma_wait3A_242 = arith.constant 0 : i32
      %dma_wait3A_243 = tpu.memref_slice %arg13[%add3A_38, %dma_wait3A_242] : memref<10240x128xf32, #tpu.memory_space<vmem_shared>> -> memref<32x128xf32, #tpu.memory_space<vmem_shared>>
      tpu.wait_dma2 semaphore(%run_scoped3A : memref<!tpu.dma_semaphore, #tpu.memory_space<semaphore_mem>>) src(%arg9 : memref<32x128xf32, #tpu.memory_space<vmem>>) dst(%dma_wait3A_243 : memref<32x128xf32, #tpu.memory_space<vmem_shared>>)
      tpu.yield
    }) : () -> ()
    %add3A_39 = arith.constant 480 : i32
    %add3A_40 = arith.addi %mul3A_8, %add3A_39 : i32
    "tpu.region"() ({
      %run_scoped3A = tpu.sem_alloc : memref<!tpu.dma_semaphore, #tpu.memory_space<semaphore_mem>>
      %dma_start3A_236 = arith.constant 0 : i32
      %dma_start3A_237 = tpu.memref_slice %arg13[%add3A_40, %dma_start3A_236] : memref<10240x128xf32, #tpu.memory_space<vmem_shared>> -> memref<32x128xf32, #tpu.memory_space<vmem_shared>>
      %dma_start3A_238 = arith.constant 0 : i32
      %dma_start3A_239 = tpu.memref_slice %arg13[%add3A_40, %dma_start3A_238] : memref<10240x128xf32, #tpu.memory_space<vmem_shared>> -> memref<32x128xf32, #tpu.memory_space<vmem_shared>>
      tpu.enqueue_dma source(%arg9 : memref<32x128xf32, #tpu.memory_space<vmem>>) target(%dma_start3A_239 : memref<32x128xf32, #tpu.memory_space<vmem_shared>>) target_semaphore(%run_scoped3A : memref<!tpu.dma_semaphore, #tpu.memory_space<semaphore_mem>>)
      %dma_wait3A_240 = arith.constant 0 : i32
      %dma_wait3A_241 = tpu.memref_slice %arg13[%add3A_40, %dma_wait3A_240] : memref<10240x128xf32, #tpu.memory_space<vmem_shared>> -> memref<32x128xf32, #tpu.memory_space<vmem_shared>>
      %dma_wait3A_242 = arith.constant 0 : i32
      %dma_wait3A_243 = tpu.memref_slice %arg13[%add3A_40, %dma_wait3A_242] : memref<10240x128xf32, #tpu.memory_space<vmem_shared>> -> memref<32x128xf32, #tpu.memory_space<vmem_shared>>
      tpu.wait_dma2 semaphore(%run_scoped3A : memref<!tpu.dma_semaphore, #tpu.memory_space<semaphore_mem>>) src(%arg9 : memref<32x128xf32, #tpu.memory_space<vmem>>) dst(%dma_wait3A_243 : memref<32x128xf32, #tpu.memory_space<vmem_shared>>)
      tpu.yield
    }) : () -> ()
    %add3A_41 = arith.constant 512 : i32
    %add3A_42 = arith.addi %mul3A_8, %add3A_41 : i32
    "tpu.region"() ({
      %run_scoped3A = tpu.sem_alloc : memref<!tpu.dma_semaphore, #tpu.memory_space<semaphore_mem>>
      %dma_start3A_236 = arith.constant 0 : i32
      %dma_start3A_237 = tpu.memref_slice %arg13[%add3A_42, %dma_start3A_236] : memref<10240x128xf32, #tpu.memory_space<vmem_shared>> -> memref<32x128xf32, #tpu.memory_space<vmem_shared>>
      %dma_start3A_238 = arith.constant 0 : i32
      %dma_start3A_239 = tpu.memref_slice %arg13[%add3A_42, %dma_start3A_238] : memref<10240x128xf32, #tpu.memory_space<vmem_shared>> -> memref<32x128xf32, #tpu.memory_space<vmem_shared>>
      tpu.enqueue_dma source(%arg9 : memref<32x128xf32, #tpu.memory_space<vmem>>) target(%dma_start3A_239 : memref<32x128xf32, #tpu.memory_space<vmem_shared>>) target_semaphore(%run_scoped3A : memref<!tpu.dma_semaphore, #tpu.memory_space<semaphore_mem>>)
      %dma_wait3A_240 = arith.constant 0 : i32
      %dma_wait3A_241 = tpu.memref_slice %arg13[%add3A_42, %dma_wait3A_240] : memref<10240x128xf32, #tpu.memory_space<vmem_shared>> -> memref<32x128xf32, #tpu.memory_space<vmem_shared>>
      %dma_wait3A_242 = arith.constant 0 : i32
      %dma_wait3A_243 = tpu.memref_slice %arg13[%add3A_42, %dma_wait3A_242] : memref<10240x128xf32, #tpu.memory_space<vmem_shared>> -> memref<32x128xf32, #tpu.memory_space<vmem_shared>>
      tpu.wait_dma2 semaphore(%run_scoped3A : memref<!tpu.dma_semaphore, #tpu.memory_space<semaphore_mem>>) src(%arg9 : memref<32x128xf32, #tpu.memory_space<vmem>>) dst(%dma_wait3A_243 : memref<32x128xf32, #tpu.memory_space<vmem_shared>>)
      tpu.yield
    }) : () -> ()
    %add3A_43 = arith.constant 544 : i32
    %add3A_44 = arith.addi %mul3A_8, %add3A_43 : i32
    "tpu.region"() ({
      %run_scoped3A = tpu.sem_alloc : memref<!tpu.dma_semaphore, #tpu.memory_space<semaphore_mem>>
      %dma_start3A_236 = arith.constant 0 : i32
      %dma_start3A_237 = tpu.memref_slice %arg13[%add3A_44, %dma_start3A_236] : memref<10240x128xf32, #tpu.memory_space<vmem_shared>> -> memref<32x128xf32, #tpu.memory_space<vmem_shared>>
      %dma_start3A_238 = arith.constant 0 : i32
      %dma_start3A_239 = tpu.memref_slice %arg13[%add3A_44, %dma_start3A_238] : memref<10240x128xf32, #tpu.memory_space<vmem_shared>> -> memref<32x128xf32, #tpu.memory_space<vmem_shared>>
      tpu.enqueue_dma source(%arg9 : memref<32x128xf32, #tpu.memory_space<vmem>>) target(%dma_start3A_239 : memref<32x128xf32, #tpu.memory_space<vmem_shared>>) target_semaphore(%run_scoped3A : memref<!tpu.dma_semaphore, #tpu.memory_space<semaphore_mem>>)
      %dma_wait3A_240 = arith.constant 0 : i32
      %dma_wait3A_241 = tpu.memref_slice %arg13[%add3A_44, %dma_wait3A_240] : memref<10240x128xf32, #tpu.memory_space<vmem_shared>> -> memref<32x128xf32, #tpu.memory_space<vmem_shared>>
      %dma_wait3A_242 = arith.constant 0 : i32
      %dma_wait3A_243 = tpu.memref_slice %arg13[%add3A_44, %dma_wait3A_242] : memref<10240x128xf32, #tpu.memory_space<vmem_shared>> -> memref<32x128xf32, #tpu.memory_space<vmem_shared>>
      tpu.wait_dma2 semaphore(%run_scoped3A : memref<!tpu.dma_semaphore, #tpu.memory_space<semaphore_mem>>) src(%arg9 : memref<32x128xf32, #tpu.memory_space<vmem>>) dst(%dma_wait3A_243 : memref<32x128xf32, #tpu.memory_space<vmem_shared>>)
      tpu.yield
    }) : () -> ()
    %add3A_45 = arith.constant 576 : i32
    %add3A_46 = arith.addi %mul3A_8, %add3A_45 : i32
    "tpu.region"() ({
      %run_scoped3A = tpu.sem_alloc : memref<!tpu.dma_semaphore, #tpu.memory_space<semaphore_mem>>
      %dma_start3A_236 = arith.constant 0 : i32
      %dma_start3A_237 = tpu.memref_slice %arg13[%add3A_46, %dma_start3A_236] : memref<10240x128xf32, #tpu.memory_space<vmem_shared>> -> memref<32x128xf32, #tpu.memory_space<vmem_shared>>
      %dma_start3A_238 = arith.constant 0 : i32
      %dma_start3A_239 = tpu.memref_slice %arg13[%add3A_46, %dma_start3A_238] : memref<10240x128xf32, #tpu.memory_space<vmem_shared>> -> memref<32x128xf32, #tpu.memory_space<vmem_shared>>
      tpu.enqueue_dma source(%arg9 : memref<32x128xf32, #tpu.memory_space<vmem>>) target(%dma_start3A_239 : memref<32x128xf32, #tpu.memory_space<vmem_shared>>) target_semaphore(%run_scoped3A : memref<!tpu.dma_semaphore, #tpu.memory_space<semaphore_mem>>)
      %dma_wait3A_240 = arith.constant 0 : i32
      %dma_wait3A_241 = tpu.memref_slice %arg13[%add3A_46, %dma_wait3A_240] : memref<10240x128xf32, #tpu.memory_space<vmem_shared>> -> memref<32x128xf32, #tpu.memory_space<vmem_shared>>
      %dma_wait3A_242 = arith.constant 0 : i32
      %dma_wait3A_243 = tpu.memref_slice %arg13[%add3A_46, %dma_wait3A_242] : memref<10240x128xf32, #tpu.memory_space<vmem_shared>> -> memref<32x128xf32, #tpu.memory_space<vmem_shared>>
      tpu.wait_dma2 semaphore(%run_scoped3A : memref<!tpu.dma_semaphore, #tpu.memory_space<semaphore_mem>>) src(%arg9 : memref<32x128xf32, #tpu.memory_space<vmem>>) dst(%dma_wait3A_243 : memref<32x128xf32, #tpu.memory_space<vmem_shared>>)
      tpu.yield
    }) : () -> ()
    %add3A_47 = arith.constant 608 : i32
    %add3A_48 = arith.addi %mul3A_8, %add3A_47 : i32
    "tpu.region"() ({
      %run_scoped3A = tpu.sem_alloc : memref<!tpu.dma_semaphore, #tpu.memory_space<semaphore_mem>>
      %dma_start3A_236 = arith.constant 0 : i32
      %dma_start3A_237 = tpu.memref_slice %arg13[%add3A_48, %dma_start3A_236] : memref<10240x128xf32, #tpu.memory_space<vmem_shared>> -> memref<32x128xf32, #tpu.memory_space<vmem_shared>>
      %dma_start3A_238 = arith.constant 0 : i32
      %dma_start3A_239 = tpu.memref_slice %arg13[%add3A_48, %dma_start3A_238] : memref<10240x128xf32, #tpu.memory_space<vmem_shared>> -> memref<32x128xf32, #tpu.memory_space<vmem_shared>>
      tpu.enqueue_dma source(%arg9 : memref<32x128xf32, #tpu.memory_space<vmem>>) target(%dma_start3A_239 : memref<32x128xf32, #tpu.memory_space<vmem_shared>>) target_semaphore(%run_scoped3A : memref<!tpu.dma_semaphore, #tpu.memory_space<semaphore_mem>>)
      %dma_wait3A_240 = arith.constant 0 : i32
      %dma_wait3A_241 = tpu.memref_slice %arg13[%add3A_48, %dma_wait3A_240] : memref<10240x128xf32, #tpu.memory_space<vmem_shared>> -> memref<32x128xf32, #tpu.memory_space<vmem_shared>>
      %dma_wait3A_242 = arith.constant 0 : i32
      %dma_wait3A_243 = tpu.memref_slice %arg13[%add3A_48, %dma_wait3A_242] : memref<10240x128xf32, #tpu.memory_space<vmem_shared>> -> memref<32x128xf32, #tpu.memory_space<vmem_shared>>
      tpu.wait_dma2 semaphore(%run_scoped3A : memref<!tpu.dma_semaphore, #tpu.memory_space<semaphore_mem>>) src(%arg9 : memref<32x128xf32, #tpu.memory_space<vmem>>) dst(%dma_wait3A_243 : memref<32x128xf32, #tpu.memory_space<vmem_shared>>)
      tpu.yield
    }) : () -> ()
    %barrier3A = arith.constant 0 : index
    tpu.barrier barrier_id(%barrier3A)
    %mul3A_49 = arith.constant 10000 : i32
    %mul3A_50 = arith.muli %add3A, %mul3A_49 : i32
    %add3A_51 = arith.constant 0 : i32
    %add3A_52 = arith.addi %mul3A_50, %add3A_51 : i32
    %multiple_of3A = tpu.assume_multiple %add3A_52, 8 : i32
    %add3A_53 = arith.constant 0 : i32
    %add3A_54 = arith.addi %mul3A_50, %add3A_53 : i32
    %multiple_of3A_55 = tpu.assume_multiple %add3A_54, 8 : i32
    %dma_start3A = arith.constant 0 : i32
    %dma_start3A_56 = arith.constant 0 : i32
    %dma_start3A_57 = arith.constant 0 : i32
    %dma_start3A_58 = tpu.memref_slice %arg6[%dma_start3A, %dma_start3A_57] : memref<5x80xi32, #tpu.memory_space<vmem>> -> memref<1x80xi32, #tpu.memory_space<vmem>>
    %dma_start3A_59 = tpu.memref_squeeze %dma_start3A_58 : memref<1x80xi32, #tpu.memory_space<vmem>> -> memref<80xi32, #tpu.memory_space<vmem>>
    %dma_start3A_60 = tpu.memref_slice %arg3[%multiple_of3A] : memref<320000xi32, #tpu.memory_space<hbm>> -> memref<80xi32, #tpu.memory_space<hbm>>
    %dma_start3A_61 = tpu.memref_slice %arg10[%dma_start3A_56] : memref<5x!tpu.dma_semaphore, #tpu.memory_space<semaphore_mem>> -> memref<1x!tpu.dma_semaphore, #tpu.memory_space<semaphore_mem>>
    %dma_start3A_62 = tpu.memref_squeeze %dma_start3A_61 : memref<1x!tpu.dma_semaphore, #tpu.memory_space<semaphore_mem>> -> memref<!tpu.dma_semaphore, #tpu.memory_space<semaphore_mem>>
    %dma_start3A_63 = arith.constant 0 : i32
    %dma_start3A_64 = tpu.memref_slice %arg6[%dma_start3A, %dma_start3A_63] : memref<5x80xi32, #tpu.memory_space<vmem>> -> memref<1x80xi32, #tpu.memory_space<vmem>>
    %dma_start3A_65 = tpu.memref_squeeze %dma_start3A_64 : memref<1x80xi32, #tpu.memory_space<vmem>> -> memref<80xi32, #tpu.memory_space<vmem>>
    %dma_start3A_66 = tpu.memref_slice %arg3[%multiple_of3A] : memref<320000xi32, #tpu.memory_space<hbm>> -> memref<80xi32, #tpu.memory_space<hbm>>
    tpu.enqueue_dma source(%dma_start3A_66 : memref<80xi32, #tpu.memory_space<hbm>>) target(%dma_start3A_65 : memref<80xi32, #tpu.memory_space<vmem>>) target_semaphore(%dma_start3A_62 : memref<!tpu.dma_semaphore, #tpu.memory_space<semaphore_mem>>)
    %dma_start3A_67 = arith.constant 0 : i32
    %dma_start3A_68 = arith.constant 0 : i32
    %dma_start3A_69 = arith.constant 0 : i32
    %dma_start3A_70 = tpu.memref_slice %arg7[%dma_start3A_67, %dma_start3A_69] : memref<5x80xi32, #tpu.memory_space<vmem>> -> memref<1x80xi32, #tpu.memory_space<vmem>>
    %dma_start3A_71 = tpu.memref_squeeze %dma_start3A_70 : memref<1x80xi32, #tpu.memory_space<vmem>> -> memref<80xi32, #tpu.memory_space<vmem>>
    %dma_start3A_72 = tpu.memref_slice %arg4[%multiple_of3A_55] : memref<320000xi32, #tpu.memory_space<hbm>> -> memref<80xi32, #tpu.memory_space<hbm>>
    %dma_start3A_73 = tpu.memref_slice %arg10[%dma_start3A_68] : memref<5x!tpu.dma_semaphore, #tpu.memory_space<semaphore_mem>> -> memref<1x!tpu.dma_semaphore, #tpu.memory_space<semaphore_mem>>
    %dma_start3A_74 = tpu.memref_squeeze %dma_start3A_73 : memref<1x!tpu.dma_semaphore, #tpu.memory_space<semaphore_mem>> -> memref<!tpu.dma_semaphore, #tpu.memory_space<semaphore_mem>>
    %dma_start3A_75 = arith.constant 0 : i32
    %dma_start3A_76 = tpu.memref_slice %arg7[%dma_start3A_67, %dma_start3A_75] : memref<5x80xi32, #tpu.memory_space<vmem>> -> memref<1x80xi32, #tpu.memory_space<vmem>>
    %dma_start3A_77 = tpu.memref_squeeze %dma_start3A_76 : memref<1x80xi32, #tpu.memory_space<vmem>> -> memref<80xi32, #tpu.memory_space<vmem>>
    %dma_start3A_78 = tpu.memref_slice %arg4[%multiple_of3A_55] : memref<320000xi32, #tpu.memory_space<hbm>> -> memref<80xi32, #tpu.memory_space<hbm>>
    tpu.enqueue_dma source(%dma_start3A_78 : memref<80xi32, #tpu.memory_space<hbm>>) target(%dma_start3A_77 : memref<80xi32, #tpu.memory_space<vmem>>) target_semaphore(%dma_start3A_74 : memref<!tpu.dma_semaphore, #tpu.memory_space<semaphore_mem>>)
    %scan3A_79 = arith.constant 0 : i32
    %scan3A_80 = arith.constant 0 : i32
    %scan3A_81 = arith.constant 125 : i32
    %scan3A_82 = arith.addi %scan3A_80, %scan3A_81 : i32
    %scan3A_83 = arith.constant 1 : i32
    %scan3A_84 = scf.for %scan3A_236 = %scan3A_80 to %scan3A_82 step %scan3A_83 iter_args(%scan3A_237 = %scan3A_79) -> (i32)  : i32 {
      %ge3A = arith.constant 4 : i32
      %ge3A_238 = arith.cmpi sge, %scan3A_236, %ge3A : i32
      %convert_element_type3A = arith.extui %ge3A_238 : i1 to i32
      %cond3A = arith.constant 0 : i32
      %cond3A_239 = arith.cmpi ne, %convert_element_type3A, %cond3A : i32
      scf.if %cond3A_239 {
        %sub3A = arith.constant 4 : i32
        %sub3A_297 = arith.subi %scan3A_236, %sub3A : i32
        %rem3A_298 = arith.constant 5 : i32
        %rem3A_299 = arith.remsi %sub3A_297, %rem3A_298 : i32
        %sub3A_300 = arith.constant 4 : i32
        %sub3A_301 = arith.subi %scan3A_236, %sub3A_300 : i32
        %rem3A_302 = arith.constant 4 : i32
        %rem3A_303 = arith.remsi %sub3A_301, %rem3A_302 : i32
        %dma_wait3A_304 = arith.constant 0 : i32
        %dma_wait3A_305 = arith.constant 0 : i32
        %dma_wait3A_306 = tpu.memref_slice %arg8[%rem3A_303, %dma_wait3A_304, %dma_wait3A_305] : memref<4x80x128xf32, #tpu.memory_space<vmem>> -> memref<1x80x128xf32, #tpu.memory_space<vmem>>
        %dma_wait3A_307 = tpu.memref_squeeze %dma_wait3A_306 : memref<1x80x128xf32, #tpu.memory_space<vmem>> -> memref<80x128xf32, #tpu.memory_space<vmem>>
        %dma_wait3A_308 = arith.constant 0 : i32
        %dma_wait3A_309 = tpu.memref_slice %arg7[%rem3A_299, %dma_wait3A_308] : memref<5x80xi32, #tpu.memory_space<vmem>> -> memref<1x80xi32, #tpu.memory_space<vmem>>
        %dma_wait3A_310 = tpu.memref_squeeze %dma_wait3A_309 : memref<1x80xi32, #tpu.memory_space<vmem>> -> memref<80xi32, #tpu.memory_space<vmem>>
        %dma_wait3A_311 = arith.constant 0 : i32
        %dma_wait3A_312 = arith.constant 0 : i32
        %dma_wait3A_313 = tpu.memref_slice %arg13[%dma_wait3A_311, %dma_wait3A_312] : memref<10240x128xf32, #tpu.memory_space<vmem_shared>> -> memref<10240x128xf32, #tpu.memory_space<vmem_shared>>
        %dma_wait3A_314 = tpu.memref_slice %arg12[%rem3A_303] : memref<4x!tpu.dma_semaphore, #tpu.memory_space<semaphore_mem>> -> memref<1x!tpu.dma_semaphore, #tpu.memory_space<semaphore_mem>>
        %dma_wait3A_315 = tpu.memref_squeeze %dma_wait3A_314 : memref<1x!tpu.dma_semaphore, #tpu.memory_space<semaphore_mem>> -> memref<!tpu.dma_semaphore, #tpu.memory_space<semaphore_mem>>
        tpu.wait_indirect_dma semaphore(%dma_wait3A_315 : memref<!tpu.dma_semaphore, #tpu.memory_space<semaphore_mem>>) src(%dma_wait3A_307 : memref<80x128xf32, #tpu.memory_space<vmem>>) dst(%dma_wait3A_313 : memref<10240x128xf32, #tpu.memory_space<vmem_shared>>)
      } else {
      }
      %add3A_240 = arith.constant 1 : i32
      %add3A_241 = arith.addi %scan3A_236, %add3A_240 : i32
      %lt3A = arith.constant 125 : i32
      %lt3A_242 = arith.cmpi slt, %add3A_241, %lt3A : i32
      %convert_element_type3A_243 = arith.extui %lt3A_242 : i1 to i32
      %cond3A_244 = arith.constant 0 : i32
      %cond3A_245 = arith.cmpi ne, %convert_element_type3A_243, %cond3A_244 : i32
      scf.if %cond3A_245 {
        %add3A_297 = arith.constant 1 : i32
        %add3A_298 = arith.addi %scan3A_236, %add3A_297 : i32
        %add3A_299 = arith.constant 1 : i32
        %add3A_300 = arith.addi %scan3A_236, %add3A_299 : i32
        %rem3A_301 = arith.constant 5 : i32
        %rem3A_302 = arith.remsi %add3A_300, %rem3A_301 : i32
        %mul3A_303 = arith.constant 80 : i32
        %mul3A_304 = arith.muli %add3A_298, %mul3A_303 : i32
        %add3A_305 = arith.addi %mul3A_50, %mul3A_304 : i32
        %multiple_of3A_306 = tpu.assume_multiple %add3A_305, 8 : i32
        %mul3A_307 = arith.constant 80 : i32
        %mul3A_308 = arith.muli %add3A_298, %mul3A_307 : i32
        %add3A_309 = arith.addi %mul3A_50, %mul3A_308 : i32
        %multiple_of3A_310 = tpu.assume_multiple %add3A_309, 8 : i32
        %dma_start3A_311 = arith.constant 0 : i32
        %dma_start3A_312 = tpu.memref_slice %arg6[%rem3A_302, %dma_start3A_311] : memref<5x80xi32, #tpu.memory_space<vmem>> -> memref<1x80xi32, #tpu.memory_space<vmem>>
        %dma_start3A_313 = tpu.memref_squeeze %dma_start3A_312 : memref<1x80xi32, #tpu.memory_space<vmem>> -> memref<80xi32, #tpu.memory_space<vmem>>
        %dma_start3A_314 = tpu.memref_slice %arg3[%multiple_of3A_306] : memref<320000xi32, #tpu.memory_space<hbm>> -> memref<80xi32, #tpu.memory_space<hbm>>
        %dma_start3A_315 = tpu.memref_slice %arg10[%rem3A_302] : memref<5x!tpu.dma_semaphore, #tpu.memory_space<semaphore_mem>> -> memref<1x!tpu.dma_semaphore, #tpu.memory_space<semaphore_mem>>
        %dma_start3A_316 = tpu.memref_squeeze %dma_start3A_315 : memref<1x!tpu.dma_semaphore, #tpu.memory_space<semaphore_mem>> -> memref<!tpu.dma_semaphore, #tpu.memory_space<semaphore_mem>>
        %dma_start3A_317 = arith.constant 0 : i32
        %dma_start3A_318 = tpu.memref_slice %arg6[%rem3A_302, %dma_start3A_317] : memref<5x80xi32, #tpu.memory_space<vmem>> -> memref<1x80xi32, #tpu.memory_space<vmem>>
        %dma_start3A_319 = tpu.memref_squeeze %dma_start3A_318 : memref<1x80xi32, #tpu.memory_space<vmem>> -> memref<80xi32, #tpu.memory_space<vmem>>
        %dma_start3A_320 = tpu.memref_slice %arg3[%multiple_of3A_306] : memref<320000xi32, #tpu.memory_space<hbm>> -> memref<80xi32, #tpu.memory_space<hbm>>
        tpu.enqueue_dma source(%dma_start3A_320 : memref<80xi32, #tpu.memory_space<hbm>>) target(%dma_start3A_319 : memref<80xi32, #tpu.memory_space<vmem>>) target_semaphore(%dma_start3A_316 : memref<!tpu.dma_semaphore, #tpu.memory_space<semaphore_mem>>)
        %dma_start3A_321 = arith.constant 0 : i32
        %dma_start3A_322 = tpu.memref_slice %arg7[%rem3A_302, %dma_start3A_321] : memref<5x80xi32, #tpu.memory_space<vmem>> -> memref<1x80xi32, #tpu.memory_space<vmem>>
        %dma_start3A_323 = tpu.memref_squeeze %dma_start3A_322 : memref<1x80xi32, #tpu.memory_space<vmem>> -> memref<80xi32, #tpu.memory_space<vmem>>
        %dma_start3A_324 = tpu.memref_slice %arg4[%multiple_of3A_310] : memref<320000xi32, #tpu.memory_space<hbm>> -> memref<80xi32, #tpu.memory_space<hbm>>
        %dma_start3A_325 = tpu.memref_slice %arg10[%rem3A_302] : memref<5x!tpu.dma_semaphore, #tpu.memory_space<semaphore_mem>> -> memref<1x!tpu.dma_semaphore, #tpu.memory_space<semaphore_mem>>
        %dma_start3A_326 = tpu.memref_squeeze %dma_start3A_325 : memref<1x!tpu.dma_semaphore, #tpu.memory_space<semaphore_mem>> -> memref<!tpu.dma_semaphore, #tpu.memory_space<semaphore_mem>>
        %dma_start3A_327 = arith.constant 0 : i32
        %dma_start3A_328 = tpu.memref_slice %arg7[%rem3A_302, %dma_start3A_327] : memref<5x80xi32, #tpu.memory_space<vmem>> -> memref<1x80xi32, #tpu.memory_space<vmem>>
        %dma_start3A_329 = tpu.memref_squeeze %dma_start3A_328 : memref<1x80xi32, #tpu.memory_space<vmem>> -> memref<80xi32, #tpu.memory_space<vmem>>
        %dma_start3A_330 = tpu.memref_slice %arg4[%multiple_of3A_310] : memref<320000xi32, #tpu.memory_space<hbm>> -> memref<80xi32, #tpu.memory_space<hbm>>
        tpu.enqueue_dma source(%dma_start3A_330 : memref<80xi32, #tpu.memory_space<hbm>>) target(%dma_start3A_329 : memref<80xi32, #tpu.memory_space<vmem>>) target_semaphore(%dma_start3A_326 : memref<!tpu.dma_semaphore, #tpu.memory_space<semaphore_mem>>)
      } else {
      }
      %rem3A = arith.constant 5 : i32
      %rem3A_246 = arith.remsi %scan3A_236, %rem3A : i32
      %mul3A_247 = arith.constant 80 : i32
      %mul3A_248 = arith.muli %scan3A_236, %mul3A_247 : i32
      %add3A_249 = arith.addi %mul3A_50, %mul3A_248 : i32
      %multiple_of3A_250 = tpu.assume_multiple %add3A_249, 8 : i32
      %mul3A_251 = arith.constant 80 : i32
      %mul3A_252 = arith.muli %scan3A_236, %mul3A_251 : i32
      %add3A_253 = arith.addi %mul3A_50, %mul3A_252 : i32
      %multiple_of3A_254 = tpu.assume_multiple %add3A_253, 8 : i32
      %dma_wait3A_255 = arith.constant 0 : i32
      %dma_wait3A_256 = tpu.memref_slice %arg6[%rem3A_246, %dma_wait3A_255] : memref<5x80xi32, #tpu.memory_space<vmem>> -> memref<1x80xi32, #tpu.memory_space<vmem>>
      %dma_wait3A_257 = tpu.memref_squeeze %dma_wait3A_256 : memref<1x80xi32, #tpu.memory_space<vmem>> -> memref<80xi32, #tpu.memory_space<vmem>>
      %dma_wait3A_258 = tpu.memref_slice %arg3[%multiple_of3A_250] : memref<320000xi32, #tpu.memory_space<hbm>> -> memref<80xi32, #tpu.memory_space<hbm>>
      %dma_wait3A_259 = tpu.memref_slice %arg10[%rem3A_246] : memref<5x!tpu.dma_semaphore, #tpu.memory_space<semaphore_mem>> -> memref<1x!tpu.dma_semaphore, #tpu.memory_space<semaphore_mem>>
      %dma_wait3A_260 = tpu.memref_squeeze %dma_wait3A_259 : memref<1x!tpu.dma_semaphore, #tpu.memory_space<semaphore_mem>> -> memref<!tpu.dma_semaphore, #tpu.memory_space<semaphore_mem>>
      %dma_wait3A_261 = arith.constant 0 : i32
      %dma_wait3A_262 = tpu.memref_slice %arg6[%rem3A_246, %dma_wait3A_261] : memref<5x80xi32, #tpu.memory_space<vmem>> -> memref<1x80xi32, #tpu.memory_space<vmem>>
      %dma_wait3A_263 = tpu.memref_squeeze %dma_wait3A_262 : memref<1x80xi32, #tpu.memory_space<vmem>> -> memref<80xi32, #tpu.memory_space<vmem>>
      %dma_wait3A_264 = tpu.memref_slice %arg3[%multiple_of3A_250] : memref<320000xi32, #tpu.memory_space<hbm>> -> memref<80xi32, #tpu.memory_space<hbm>>
      tpu.wait_dma2 semaphore(%dma_wait3A_260 : memref<!tpu.dma_semaphore, #tpu.memory_space<semaphore_mem>>) src(%dma_wait3A_264 : memref<80xi32, #tpu.memory_space<hbm>>) dst(%dma_wait3A_263 : memref<80xi32, #tpu.memory_space<vmem>>)
      %dma_wait3A_265 = arith.constant 0 : i32
      %dma_wait3A_266 = tpu.memref_slice %arg7[%rem3A_246, %dma_wait3A_265] : memref<5x80xi32, #tpu.memory_space<vmem>> -> memref<1x80xi32, #tpu.memory_space<vmem>>
      %dma_wait3A_267 = tpu.memref_squeeze %dma_wait3A_266 : memref<1x80xi32, #tpu.memory_space<vmem>> -> memref<80xi32, #tpu.memory_space<vmem>>
      %dma_wait3A_268 = tpu.memref_slice %arg4[%multiple_of3A_254] : memref<320000xi32, #tpu.memory_space<hbm>> -> memref<80xi32, #tpu.memory_space<hbm>>
      %dma_wait3A_269 = tpu.memref_slice %arg10[%rem3A_246] : memref<5x!tpu.dma_semaphore, #tpu.memory_space<semaphore_mem>> -> memref<1x!tpu.dma_semaphore, #tpu.memory_space<semaphore_mem>>
      %dma_wait3A_270 = tpu.memref_squeeze %dma_wait3A_269 : memref<1x!tpu.dma_semaphore, #tpu.memory_space<semaphore_mem>> -> memref<!tpu.dma_semaphore, #tpu.memory_space<semaphore_mem>>
      %dma_wait3A_271 = arith.constant 0 : i32
      %dma_wait3A_272 = tpu.memref_slice %arg7[%rem3A_246, %dma_wait3A_271] : memref<5x80xi32, #tpu.memory_space<vmem>> -> memref<1x80xi32, #tpu.memory_space<vmem>>
      %dma_wait3A_273 = tpu.memref_squeeze %dma_wait3A_272 : memref<1x80xi32, #tpu.memory_space<vmem>> -> memref<80xi32, #tpu.memory_space<vmem>>
      %dma_wait3A_274 = tpu.memref_slice %arg4[%multiple_of3A_254] : memref<320000xi32, #tpu.memory_space<hbm>> -> memref<80xi32, #tpu.memory_space<hbm>>
      tpu.wait_dma2 semaphore(%dma_wait3A_270 : memref<!tpu.dma_semaphore, #tpu.memory_space<semaphore_mem>>) src(%dma_wait3A_274 : memref<80xi32, #tpu.memory_space<hbm>>) dst(%dma_wait3A_273 : memref<80xi32, #tpu.memory_space<vmem>>)
      %rem3A_275 = arith.constant 5 : i32
      %rem3A_276 = arith.remsi %scan3A_236, %rem3A_275 : i32
      %rem3A_277 = arith.constant 4 : i32
      %rem3A_278 = arith.remsi %scan3A_236, %rem3A_277 : i32
      %dma_start3A_279 = arith.constant 0 : i32
      %dma_start3A_280 = arith.constant 0 : i32
      %dma_start3A_281 = tpu.memref_slice %arg8[%rem3A_278, %dma_start3A_279, %dma_start3A_280] : memref<4x80x128xf32, #tpu.memory_space<vmem>> -> memref<1x80x128xf32, #tpu.memory_space<vmem>>
      %dma_start3A_282 = tpu.memref_squeeze %dma_start3A_281 : memref<1x80x128xf32, #tpu.memory_space<vmem>> -> memref<80x128xf32, #tpu.memory_space<vmem>>
      %dma_start3A_283 = arith.constant 0 : i32
      %dma_start3A_284 = tpu.memref_slice %arg6[%rem3A_276, %dma_start3A_283] : memref<5x80xi32, #tpu.memory_space<vmem>> -> memref<1x80xi32, #tpu.memory_space<vmem>>
      %dma_start3A_285 = tpu.memref_squeeze %dma_start3A_284 : memref<1x80xi32, #tpu.memory_space<vmem>> -> memref<80xi32, #tpu.memory_space<vmem>>
      %dma_start3A_286 = arith.constant 0 : i32
      %dma_start3A_287 = arith.constant 0 : i32
      %dma_start3A_288 = tpu.memref_slice %arg2[%dma_start3A_286, %dma_start3A_287] : memref<10000x128xf32, #tpu.memory_space<hbm>> -> memref<10000x128xf32, #tpu.memory_space<hbm>>
      %dma_start3A_289 = tpu.memref_slice %arg11[%rem3A_278] : memref<4x!tpu.dma_semaphore, #tpu.memory_space<semaphore_mem>> -> memref<1x!tpu.dma_semaphore, #tpu.memory_space<semaphore_mem>>
      %dma_start3A_290 = tpu.memref_squeeze %dma_start3A_289 : memref<1x!tpu.dma_semaphore, #tpu.memory_space<semaphore_mem>> -> memref<!tpu.dma_semaphore, #tpu.memory_space<semaphore_mem>>
      tpu.enqueue_indirect_dma source(%dma_start3A_288 : memref<10000x128xf32, #tpu.memory_space<hbm>>) target(%dma_start3A_282 : memref<80x128xf32, #tpu.memory_space<vmem>>) offsets(%dma_start3A_285 : memref<80xi32, #tpu.memory_space<vmem>>) semaphore(%dma_start3A_290 : memref<!tpu.dma_semaphore, #tpu.memory_space<semaphore_mem>>)
      %ge3A_291 = arith.constant 3 : i32
      %ge3A_292 = arith.cmpi sge, %scan3A_236, %ge3A_291 : i32
      %convert_element_type3A_293 = arith.extui %ge3A_292 : i1 to i32
      %cond3A_294 = arith.constant 0 : i32
      %cond3A_295 = arith.cmpi ne, %convert_element_type3A_293, %cond3A_294 : i32
      scf.if %cond3A_295 {
        %sub3A = arith.constant 3 : i32
        %sub3A_297 = arith.subi %scan3A_236, %sub3A : i32
        %rem3A_298 = arith.constant 5 : i32
        %rem3A_299 = arith.remsi %sub3A_297, %rem3A_298 : i32
        %sub3A_300 = arith.constant 3 : i32
        %sub3A_301 = arith.subi %scan3A_236, %sub3A_300 : i32
        %rem3A_302 = arith.constant 4 : i32
        %rem3A_303 = arith.remsi %sub3A_301, %rem3A_302 : i32
        %dma_wait3A_304 = arith.constant 0 : i32
        %dma_wait3A_305 = arith.constant 0 : i32
        %dma_wait3A_306 = tpu.memref_slice %arg8[%rem3A_303, %dma_wait3A_304, %dma_wait3A_305] : memref<4x80x128xf32, #tpu.memory_space<vmem>> -> memref<1x80x128xf32, #tpu.memory_space<vmem>>
        %dma_wait3A_307 = tpu.memref_squeeze %dma_wait3A_306 : memref<1x80x128xf32, #tpu.memory_space<vmem>> -> memref<80x128xf32, #tpu.memory_space<vmem>>
        %dma_wait3A_308 = arith.constant 0 : i32
        %dma_wait3A_309 = tpu.memref_slice %arg6[%rem3A_299, %dma_wait3A_308] : memref<5x80xi32, #tpu.memory_space<vmem>> -> memref<1x80xi32, #tpu.memory_space<vmem>>
        %dma_wait3A_310 = tpu.memref_squeeze %dma_wait3A_309 : memref<1x80xi32, #tpu.memory_space<vmem>> -> memref<80xi32, #tpu.memory_space<vmem>>
        %dma_wait3A_311 = arith.constant 0 : i32
        %dma_wait3A_312 = arith.constant 0 : i32
        %dma_wait3A_313 = tpu.memref_slice %arg2[%dma_wait3A_311, %dma_wait3A_312] : memref<10000x128xf32, #tpu.memory_space<hbm>> -> memref<10000x128xf32, #tpu.memory_space<hbm>>
        %dma_wait3A_314 = tpu.memref_slice %arg11[%rem3A_303] : memref<4x!tpu.dma_semaphore, #tpu.memory_space<semaphore_mem>> -> memref<1x!tpu.dma_semaphore, #tpu.memory_space<semaphore_mem>>
        %dma_wait3A_315 = tpu.memref_squeeze %dma_wait3A_314 : memref<1x!tpu.dma_semaphore, #tpu.memory_space<semaphore_mem>> -> memref<!tpu.dma_semaphore, #tpu.memory_space<semaphore_mem>>
        tpu.wait_indirect_dma semaphore(%dma_wait3A_315 : memref<!tpu.dma_semaphore, #tpu.memory_space<semaphore_mem>>) src(%dma_wait3A_313 : memref<10000x128xf32, #tpu.memory_space<hbm>>) dst(%dma_wait3A_307 : memref<80x128xf32, #tpu.memory_space<vmem>>)
        %sub3A_316 = arith.constant 3 : i32
        %sub3A_317 = arith.subi %scan3A_236, %sub3A_316 : i32
        %rem3A_318 = arith.constant 5 : i32
        %rem3A_319 = arith.remsi %sub3A_317, %rem3A_318 : i32
        %sub3A_320 = arith.constant 3 : i32
        %sub3A_321 = arith.subi %scan3A_236, %sub3A_320 : i32
        %rem3A_322 = arith.constant 4 : i32
        %rem3A_323 = arith.remsi %sub3A_321, %rem3A_322 : i32
        %dma_start3A_324 = arith.constant 0 : i32
        %dma_start3A_325 = arith.constant 0 : i32
        %dma_start3A_326 = tpu.memref_slice %arg8[%rem3A_323, %dma_start3A_324, %dma_start3A_325] : memref<4x80x128xf32, #tpu.memory_space<vmem>> -> memref<1x80x128xf32, #tpu.memory_space<vmem>>
        %dma_start3A_327 = tpu.memref_squeeze %dma_start3A_326 : memref<1x80x128xf32, #tpu.memory_space<vmem>> -> memref<80x128xf32, #tpu.memory_space<vmem>>
        %dma_start3A_328 = arith.constant 0 : i32
        %dma_start3A_329 = tpu.memref_slice %arg7[%rem3A_319, %dma_start3A_328] : memref<5x80xi32, #tpu.memory_space<vmem>> -> memref<1x80xi32, #tpu.memory_space<vmem>>
        %dma_start3A_330 = tpu.memref_squeeze %dma_start3A_329 : memref<1x80xi32, #tpu.memory_space<vmem>> -> memref<80xi32, #tpu.memory_space<vmem>>
        %dma_start3A_331 = arith.constant 0 : i32
        %dma_start3A_332 = arith.constant 0 : i32
        %dma_start3A_333 = tpu.memref_slice %arg13[%dma_start3A_331, %dma_start3A_332] : memref<10240x128xf32, #tpu.memory_space<vmem_shared>> -> memref<10240x128xf32, #tpu.memory_space<vmem_shared>>
        %dma_start3A_334 = tpu.memref_slice %arg12[%rem3A_323] : memref<4x!tpu.dma_semaphore, #tpu.memory_space<semaphore_mem>> -> memref<1x!tpu.dma_semaphore, #tpu.memory_space<semaphore_mem>>
        %dma_start3A_335 = tpu.memref_squeeze %dma_start3A_334 : memref<1x!tpu.dma_semaphore, #tpu.memory_space<semaphore_mem>> -> memref<!tpu.dma_semaphore, #tpu.memory_space<semaphore_mem>>
        tpu.enqueue_indirect_dma source(%dma_start3A_327 : memref<80x128xf32, #tpu.memory_space<vmem>>) target(%dma_start3A_333 : memref<10240x128xf32, #tpu.memory_space<vmem_shared>>) offsets(%dma_start3A_330 : memref<80xi32, #tpu.memory_space<vmem>>) semaphore(%dma_start3A_335 : memref<!tpu.dma_semaphore, #tpu.memory_space<semaphore_mem>>) {add = true}
      } else {
      }
      %scan3A_296 = arith.constant 0 : i32
      scf.yield %scan3A_296 : i32
    }
    %scan3A_85 = arith.constant 125 : i32
    %dma_wait3A = arith.constant 2 : i32
    %dma_wait3A_86 = arith.constant 2 : i32
    %dma_wait3A_87 = arith.constant 2 : i32
    %dma_wait3A_88 = arith.constant 0 : i32
    %dma_wait3A_89 = arith.constant 0 : i32
    %dma_wait3A_90 = tpu.memref_slice %arg8[%dma_wait3A_86, %dma_wait3A_88, %dma_wait3A_89] : memref<4x80x128xf32, #tpu.memory_space<vmem>> -> memref<1x80x128xf32, #tpu.memory_space<vmem>>
    %dma_wait3A_91 = tpu.memref_squeeze %dma_wait3A_90 : memref<1x80x128xf32, #tpu.memory_space<vmem>> -> memref<80x128xf32, #tpu.memory_space<vmem>>
    %dma_wait3A_92 = arith.constant 0 : i32
    %dma_wait3A_93 = tpu.memref_slice %arg6[%dma_wait3A, %dma_wait3A_92] : memref<5x80xi32, #tpu.memory_space<vmem>> -> memref<1x80xi32, #tpu.memory_space<vmem>>
    %dma_wait3A_94 = tpu.memref_squeeze %dma_wait3A_93 : memref<1x80xi32, #tpu.memory_space<vmem>> -> memref<80xi32, #tpu.memory_space<vmem>>
    %dma_wait3A_95 = arith.constant 0 : i32
    %dma_wait3A_96 = arith.constant 0 : i32
    %dma_wait3A_97 = tpu.memref_slice %arg2[%dma_wait3A_95, %dma_wait3A_96] : memref<10000x128xf32, #tpu.memory_space<hbm>> -> memref<10000x128xf32, #tpu.memory_space<hbm>>
    %dma_wait3A_98 = tpu.memref_slice %arg11[%dma_wait3A_87] : memref<4x!tpu.dma_semaphore, #tpu.memory_space<semaphore_mem>> -> memref<1x!tpu.dma_semaphore, #tpu.memory_space<semaphore_mem>>
    %dma_wait3A_99 = tpu.memref_squeeze %dma_wait3A_98 : memref<1x!tpu.dma_semaphore, #tpu.memory_space<semaphore_mem>> -> memref<!tpu.dma_semaphore, #tpu.memory_space<semaphore_mem>>
    tpu.wait_indirect_dma semaphore(%dma_wait3A_99 : memref<!tpu.dma_semaphore, #tpu.memory_space<semaphore_mem>>) src(%dma_wait3A_97 : memref<10000x128xf32, #tpu.memory_space<hbm>>) dst(%dma_wait3A_91 : memref<80x128xf32, #tpu.memory_space<vmem>>)
    %dma_start3A_100 = arith.constant 2 : i32
    %dma_start3A_101 = arith.constant 2 : i32
    %dma_start3A_102 = arith.constant 2 : i32
    %dma_start3A_103 = arith.constant 0 : i32
    %dma_start3A_104 = arith.constant 0 : i32
    %dma_start3A_105 = tpu.memref_slice %arg8[%dma_start3A_100, %dma_start3A_103, %dma_start3A_104] : memref<4x80x128xf32, #tpu.memory_space<vmem>> -> memref<1x80x128xf32, #tpu.memory_space<vmem>>
    %dma_start3A_106 = tpu.memref_squeeze %dma_start3A_105 : memref<1x80x128xf32, #tpu.memory_space<vmem>> -> memref<80x128xf32, #tpu.memory_space<vmem>>
    %dma_start3A_107 = arith.constant 0 : i32
    %dma_start3A_108 = tpu.memref_slice %arg7[%dma_start3A_101, %dma_start3A_107] : memref<5x80xi32, #tpu.memory_space<vmem>> -> memref<1x80xi32, #tpu.memory_space<vmem>>
    %dma_start3A_109 = tpu.memref_squeeze %dma_start3A_108 : memref<1x80xi32, #tpu.memory_space<vmem>> -> memref<80xi32, #tpu.memory_space<vmem>>
    %dma_start3A_110 = arith.constant 0 : i32
    %dma_start3A_111 = arith.constant 0 : i32
    %dma_start3A_112 = tpu.memref_slice %arg13[%dma_start3A_110, %dma_start3A_111] : memref<10240x128xf32, #tpu.memory_space<vmem_shared>> -> memref<10240x128xf32, #tpu.memory_space<vmem_shared>>
    %dma_start3A_113 = tpu.memref_slice %arg12[%dma_start3A_102] : memref<4x!tpu.dma_semaphore, #tpu.memory_space<semaphore_mem>> -> memref<1x!tpu.dma_semaphore, #tpu.memory_space<semaphore_mem>>
    %dma_start3A_114 = tpu.memref_squeeze %dma_start3A_113 : memref<1x!tpu.dma_semaphore, #tpu.memory_space<semaphore_mem>> -> memref<!tpu.dma_semaphore, #tpu.memory_space<semaphore_mem>>
    tpu.enqueue_indirect_dma source(%dma_start3A_106 : memref<80x128xf32, #tpu.memory_space<vmem>>) target(%dma_start3A_112 : memref<10240x128xf32, #tpu.memory_space<vmem_shared>>) offsets(%dma_start3A_109 : memref<80xi32, #tpu.memory_space<vmem>>) semaphore(%dma_start3A_114 : memref<!tpu.dma_semaphore, #tpu.memory_space<semaphore_mem>>) {add = true}
    %dma_wait3A_115 = arith.constant 3 : i32
    %dma_wait3A_116 = arith.constant 3 : i32
    %dma_wait3A_117 = arith.constant 3 : i32
    %dma_wait3A_118 = arith.constant 0 : i32
    %dma_wait3A_119 = arith.constant 0 : i32
    %dma_wait3A_120 = tpu.memref_slice %arg8[%dma_wait3A_116, %dma_wait3A_118, %dma_wait3A_119] : memref<4x80x128xf32, #tpu.memory_space<vmem>> -> memref<1x80x128xf32, #tpu.memory_space<vmem>>
    %dma_wait3A_121 = tpu.memref_squeeze %dma_wait3A_120 : memref<1x80x128xf32, #tpu.memory_space<vmem>> -> memref<80x128xf32, #tpu.memory_space<vmem>>
    %dma_wait3A_122 = arith.constant 0 : i32
    %dma_wait3A_123 = tpu.memref_slice %arg6[%dma_wait3A_115, %dma_wait3A_122] : memref<5x80xi32, #tpu.memory_space<vmem>> -> memref<1x80xi32, #tpu.memory_space<vmem>>
    %dma_wait3A_124 = tpu.memref_squeeze %dma_wait3A_123 : memref<1x80xi32, #tpu.memory_space<vmem>> -> memref<80xi32, #tpu.memory_space<vmem>>
    %dma_wait3A_125 = arith.constant 0 : i32
    %dma_wait3A_126 = arith.constant 0 : i32
    %dma_wait3A_127 = tpu.memref_slice %arg2[%dma_wait3A_125, %dma_wait3A_126] : memref<10000x128xf32, #tpu.memory_space<hbm>> -> memref<10000x128xf32, #tpu.memory_space<hbm>>
    %dma_wait3A_128 = tpu.memref_slice %arg11[%dma_wait3A_117] : memref<4x!tpu.dma_semaphore, #tpu.memory_space<semaphore_mem>> -> memref<1x!tpu.dma_semaphore, #tpu.memory_space<semaphore_mem>>
    %dma_wait3A_129 = tpu.memref_squeeze %dma_wait3A_128 : memref<1x!tpu.dma_semaphore, #tpu.memory_space<semaphore_mem>> -> memref<!tpu.dma_semaphore, #tpu.memory_space<semaphore_mem>>
    tpu.wait_indirect_dma semaphore(%dma_wait3A_129 : memref<!tpu.dma_semaphore, #tpu.memory_space<semaphore_mem>>) src(%dma_wait3A_127 : memref<10000x128xf32, #tpu.memory_space<hbm>>) dst(%dma_wait3A_121 : memref<80x128xf32, #tpu.memory_space<vmem>>)
    %dma_start3A_130 = arith.constant 3 : i32
    %dma_start3A_131 = arith.constant 3 : i32
    %dma_start3A_132 = arith.constant 3 : i32
    %dma_start3A_133 = arith.constant 0 : i32
    %dma_start3A_134 = arith.constant 0 : i32
    %dma_start3A_135 = tpu.memref_slice %arg8[%dma_start3A_130, %dma_start3A_133, %dma_start3A_134] : memref<4x80x128xf32, #tpu.memory_space<vmem>> -> memref<1x80x128xf32, #tpu.memory_space<vmem>>
    %dma_start3A_136 = tpu.memref_squeeze %dma_start3A_135 : memref<1x80x128xf32, #tpu.memory_space<vmem>> -> memref<80x128xf32, #tpu.memory_space<vmem>>
    %dma_start3A_137 = arith.constant 0 : i32
    %dma_start3A_138 = tpu.memref_slice %arg7[%dma_start3A_131, %dma_start3A_137] : memref<5x80xi32, #tpu.memory_space<vmem>> -> memref<1x80xi32, #tpu.memory_space<vmem>>
    %dma_start3A_139 = tpu.memref_squeeze %dma_start3A_138 : memref<1x80xi32, #tpu.memory_space<vmem>> -> memref<80xi32, #tpu.memory_space<vmem>>
    %dma_start3A_140 = arith.constant 0 : i32
    %dma_start3A_141 = arith.constant 0 : i32
    %dma_start3A_142 = tpu.memref_slice %arg13[%dma_start3A_140, %dma_start3A_141] : memref<10240x128xf32, #tpu.memory_space<vmem_shared>> -> memref<10240x128xf32, #tpu.memory_space<vmem_shared>>
    %dma_start3A_143 = tpu.memref_slice %arg12[%dma_start3A_132] : memref<4x!tpu.dma_semaphore, #tpu.memory_space<semaphore_mem>> -> memref<1x!tpu.dma_semaphore, #tpu.memory_space<semaphore_mem>>
    %dma_start3A_144 = tpu.memref_squeeze %dma_start3A_143 : memref<1x!tpu.dma_semaphore, #tpu.memory_space<semaphore_mem>> -> memref<!tpu.dma_semaphore, #tpu.memory_space<semaphore_mem>>
    tpu.enqueue_indirect_dma source(%dma_start3A_136 : memref<80x128xf32, #tpu.memory_space<vmem>>) target(%dma_start3A_142 : memref<10240x128xf32, #tpu.memory_space<vmem_shared>>) offsets(%dma_start3A_139 : memref<80xi32, #tpu.memory_space<vmem>>) semaphore(%dma_start3A_144 : memref<!tpu.dma_semaphore, #tpu.memory_space<semaphore_mem>>) {add = true}
    %dma_wait3A_145 = arith.constant 4 : i32
    %dma_wait3A_146 = arith.constant 0 : i32
    %dma_wait3A_147 = arith.constant 0 : i32
    %dma_wait3A_148 = arith.constant 0 : i32
    %dma_wait3A_149 = arith.constant 0 : i32
    %dma_wait3A_150 = tpu.memref_slice %arg8[%dma_wait3A_146, %dma_wait3A_148, %dma_wait3A_149] : memref<4x80x128xf32, #tpu.memory_space<vmem>> -> memref<1x80x128xf32, #tpu.memory_space<vmem>>
    %dma_wait3A_151 = tpu.memref_squeeze %dma_wait3A_150 : memref<1x80x128xf32, #tpu.memory_space<vmem>> -> memref<80x128xf32, #tpu.memory_space<vmem>>
    %dma_wait3A_152 = arith.constant 0 : i32
    %dma_wait3A_153 = tpu.memref_slice %arg6[%dma_wait3A_145, %dma_wait3A_152] : memref<5x80xi32, #tpu.memory_space<vmem>> -> memref<1x80xi32, #tpu.memory_space<vmem>>
    %dma_wait3A_154 = tpu.memref_squeeze %dma_wait3A_153 : memref<1x80xi32, #tpu.memory_space<vmem>> -> memref<80xi32, #tpu.memory_space<vmem>>
    %dma_wait3A_155 = arith.constant 0 : i32
    %dma_wait3A_156 = arith.constant 0 : i32
    %dma_wait3A_157 = tpu.memref_slice %arg2[%dma_wait3A_155, %dma_wait3A_156] : memref<10000x128xf32, #tpu.memory_space<hbm>> -> memref<10000x128xf32, #tpu.memory_space<hbm>>
    %dma_wait3A_158 = tpu.memref_slice %arg11[%dma_wait3A_147] : memref<4x!tpu.dma_semaphore, #tpu.memory_space<semaphore_mem>> -> memref<1x!tpu.dma_semaphore, #tpu.memory_space<semaphore_mem>>
    %dma_wait3A_159 = tpu.memref_squeeze %dma_wait3A_158 : memref<1x!tpu.dma_semaphore, #tpu.memory_space<semaphore_mem>> -> memref<!tpu.dma_semaphore, #tpu.memory_space<semaphore_mem>>
    tpu.wait_indirect_dma semaphore(%dma_wait3A_159 : memref<!tpu.dma_semaphore, #tpu.memory_space<semaphore_mem>>) src(%dma_wait3A_157 : memref<10000x128xf32, #tpu.memory_space<hbm>>) dst(%dma_wait3A_151 : memref<80x128xf32, #tpu.memory_space<vmem>>)
    %dma_start3A_160 = arith.constant 0 : i32
    %dma_start3A_161 = arith.constant 4 : i32
    %dma_start3A_162 = arith.constant 0 : i32
    %dma_start3A_163 = arith.constant 0 : i32
    %dma_start3A_164 = arith.constant 0 : i32
    %dma_start3A_165 = tpu.memref_slice %arg8[%dma_start3A_160, %dma_start3A_163, %dma_start3A_164] : memref<4x80x128xf32, #tpu.memory_space<vmem>> -> memref<1x80x128xf32, #tpu.memory_space<vmem>>
    %dma_start3A_166 = tpu.memref_squeeze %dma_start3A_165 : memref<1x80x128xf32, #tpu.memory_space<vmem>> -> memref<80x128xf32, #tpu.memory_space<vmem>>
    %dma_start3A_167 = arith.constant 0 : i32
    %dma_start3A_168 = tpu.memref_slice %arg7[%dma_start3A_161, %dma_start3A_167] : memref<5x80xi32, #tpu.memory_space<vmem>> -> memref<1x80xi32, #tpu.memory_space<vmem>>
    %dma_start3A_169 = tpu.memref_squeeze %dma_start3A_168 : memref<1x80xi32, #tpu.memory_space<vmem>> -> memref<80xi32, #tpu.memory_space<vmem>>
    %dma_start3A_170 = arith.constant 0 : i32
    %dma_start3A_171 = arith.constant 0 : i32
    %dma_start3A_172 = tpu.memref_slice %arg13[%dma_start3A_170, %dma_start3A_171] : memref<10240x128xf32, #tpu.memory_space<vmem_shared>> -> memref<10240x128xf32, #tpu.memory_space<vmem_shared>>
    %dma_start3A_173 = tpu.memref_slice %arg12[%dma_start3A_162] : memref<4x!tpu.dma_semaphore, #tpu.memory_space<semaphore_mem>> -> memref<1x!tpu.dma_semaphore, #tpu.memory_space<semaphore_mem>>
    %dma_start3A_174 = tpu.memref_squeeze %dma_start3A_173 : memref<1x!tpu.dma_semaphore, #tpu.memory_space<semaphore_mem>> -> memref<!tpu.dma_semaphore, #tpu.memory_space<semaphore_mem>>
    tpu.enqueue_indirect_dma source(%dma_start3A_166 : memref<80x128xf32, #tpu.memory_space<vmem>>) target(%dma_start3A_172 : memref<10240x128xf32, #tpu.memory_space<vmem_shared>>) offsets(%dma_start3A_169 : memref<80xi32, #tpu.memory_space<vmem>>) semaphore(%dma_start3A_174 : memref<!tpu.dma_semaphore, #tpu.memory_space<semaphore_mem>>) {add = true}
    %dma_wait3A_175 = arith.constant 1 : i32
    %dma_wait3A_176 = arith.constant 1 : i32
    %dma_wait3A_177 = arith.constant 1 : i32
    %dma_wait3A_178 = arith.constant 0 : i32
    %dma_wait3A_179 = arith.constant 0 : i32
    %dma_wait3A_180 = tpu.memref_slice %arg8[%dma_wait3A_175, %dma_wait3A_178, %dma_wait3A_179] : memref<4x80x128xf32, #tpu.memory_space<vmem>> -> memref<1x80x128xf32, #tpu.memory_space<vmem>>
    %dma_wait3A_181 = tpu.memref_squeeze %dma_wait3A_180 : memref<1x80x128xf32, #tpu.memory_space<vmem>> -> memref<80x128xf32, #tpu.memory_space<vmem>>
    %dma_wait3A_182 = arith.constant 0 : i32
    %dma_wait3A_183 = tpu.memref_slice %arg7[%dma_wait3A_176, %dma_wait3A_182] : memref<5x80xi32, #tpu.memory_space<vmem>> -> memref<1x80xi32, #tpu.memory_space<vmem>>
    %dma_wait3A_184 = tpu.memref_squeeze %dma_wait3A_183 : memref<1x80xi32, #tpu.memory_space<vmem>> -> memref<80xi32, #tpu.memory_space<vmem>>
    %dma_wait3A_185 = arith.constant 0 : i32
    %dma_wait3A_186 = arith.constant 0 : i32
    %dma_wait3A_187 = tpu.memref_slice %arg13[%dma_wait3A_185, %dma_wait3A_186] : memref<10240x128xf32, #tpu.memory_space<vmem_shared>> -> memref<10240x128xf32, #tpu.memory_space<vmem_shared>>
    %dma_wait3A_188 = tpu.memref_slice %arg12[%dma_wait3A_177] : memref<4x!tpu.dma_semaphore, #tpu.memory_space<semaphore_mem>> -> memref<1x!tpu.dma_semaphore, #tpu.memory_space<semaphore_mem>>
    %dma_wait3A_189 = tpu.memref_squeeze %dma_wait3A_188 : memref<1x!tpu.dma_semaphore, #tpu.memory_space<semaphore_mem>> -> memref<!tpu.dma_semaphore, #tpu.memory_space<semaphore_mem>>
    tpu.wait_indirect_dma semaphore(%dma_wait3A_189 : memref<!tpu.dma_semaphore, #tpu.memory_space<semaphore_mem>>) src(%dma_wait3A_181 : memref<80x128xf32, #tpu.memory_space<vmem>>) dst(%dma_wait3A_187 : memref<10240x128xf32, #tpu.memory_space<vmem_shared>>)
    %dma_wait3A_190 = arith.constant 2 : i32
    %dma_wait3A_191 = arith.constant 2 : i32
    %dma_wait3A_192 = arith.constant 2 : i32
    %dma_wait3A_193 = arith.constant 0 : i32
    %dma_wait3A_194 = arith.constant 0 : i32
    %dma_wait3A_195 = tpu.memref_slice %arg8[%dma_wait3A_190, %dma_wait3A_193, %dma_wait3A_194] : memref<4x80x128xf32, #tpu.memory_space<vmem>> -> memref<1x80x128xf32, #tpu.memory_space<vmem>>
    %dma_wait3A_196 = tpu.memref_squeeze %dma_wait3A_195 : memref<1x80x128xf32, #tpu.memory_space<vmem>> -> memref<80x128xf32, #tpu.memory_space<vmem>>
    %dma_wait3A_197 = arith.constant 0 : i32
    %dma_wait3A_198 = tpu.memref_slice %arg7[%dma_wait3A_191, %dma_wait3A_197] : memref<5x80xi32, #tpu.memory_space<vmem>> -> memref<1x80xi32, #tpu.memory_space<vmem>>
    %dma_wait3A_199 = tpu.memref_squeeze %dma_wait3A_198 : memref<1x80xi32, #tpu.memory_space<vmem>> -> memref<80xi32, #tpu.memory_space<vmem>>
    %dma_wait3A_200 = arith.constant 0 : i32
    %dma_wait3A_201 = arith.constant 0 : i32
    %dma_wait3A_202 = tpu.memref_slice %arg13[%dma_wait3A_200, %dma_wait3A_201] : memref<10240x128xf32, #tpu.memory_space<vmem_shared>> -> memref<10240x128xf32, #tpu.memory_space<vmem_shared>>
    %dma_wait3A_203 = tpu.memref_slice %arg12[%dma_wait3A_192] : memref<4x!tpu.dma_semaphore, #tpu.memory_space<semaphore_mem>> -> memref<1x!tpu.dma_semaphore, #tpu.memory_space<semaphore_mem>>
    %dma_wait3A_204 = tpu.memref_squeeze %dma_wait3A_203 : memref<1x!tpu.dma_semaphore, #tpu.memory_space<semaphore_mem>> -> memref<!tpu.dma_semaphore, #tpu.memory_space<semaphore_mem>>
    tpu.wait_indirect_dma semaphore(%dma_wait3A_204 : memref<!tpu.dma_semaphore, #tpu.memory_space<semaphore_mem>>) src(%dma_wait3A_196 : memref<80x128xf32, #tpu.memory_space<vmem>>) dst(%dma_wait3A_202 : memref<10240x128xf32, #tpu.memory_space<vmem_shared>>)
    %dma_wait3A_205 = arith.constant 3 : i32
    %dma_wait3A_206 = arith.constant 3 : i32
    %dma_wait3A_207 = arith.constant 3 : i32
    %dma_wait3A_208 = arith.constant 0 : i32
    %dma_wait3A_209 = arith.constant 0 : i32
    %dma_wait3A_210 = tpu.memref_slice %arg8[%dma_wait3A_205, %dma_wait3A_208, %dma_wait3A_209] : memref<4x80x128xf32, #tpu.memory_space<vmem>> -> memref<1x80x128xf32, #tpu.memory_space<vmem>>
    %dma_wait3A_211 = tpu.memref_squeeze %dma_wait3A_210 : memref<1x80x128xf32, #tpu.memory_space<vmem>> -> memref<80x128xf32, #tpu.memory_space<vmem>>
    %dma_wait3A_212 = arith.constant 0 : i32
    %dma_wait3A_213 = tpu.memref_slice %arg7[%dma_wait3A_206, %dma_wait3A_212] : memref<5x80xi32, #tpu.memory_space<vmem>> -> memref<1x80xi32, #tpu.memory_space<vmem>>
    %dma_wait3A_214 = tpu.memref_squeeze %dma_wait3A_213 : memref<1x80xi32, #tpu.memory_space<vmem>> -> memref<80xi32, #tpu.memory_space<vmem>>
    %dma_wait3A_215 = arith.constant 0 : i32
    %dma_wait3A_216 = arith.constant 0 : i32
    %dma_wait3A_217 = tpu.memref_slice %arg13[%dma_wait3A_215, %dma_wait3A_216] : memref<10240x128xf32, #tpu.memory_space<vmem_shared>> -> memref<10240x128xf32, #tpu.memory_space<vmem_shared>>
    %dma_wait3A_218 = tpu.memref_slice %arg12[%dma_wait3A_207] : memref<4x!tpu.dma_semaphore, #tpu.memory_space<semaphore_mem>> -> memref<1x!tpu.dma_semaphore, #tpu.memory_space<semaphore_mem>>
    %dma_wait3A_219 = tpu.memref_squeeze %dma_wait3A_218 : memref<1x!tpu.dma_semaphore, #tpu.memory_space<semaphore_mem>> -> memref<!tpu.dma_semaphore, #tpu.memory_space<semaphore_mem>>
    tpu.wait_indirect_dma semaphore(%dma_wait3A_219 : memref<!tpu.dma_semaphore, #tpu.memory_space<semaphore_mem>>) src(%dma_wait3A_211 : memref<80x128xf32, #tpu.memory_space<vmem>>) dst(%dma_wait3A_217 : memref<10240x128xf32, #tpu.memory_space<vmem_shared>>)
    %dma_wait3A_220 = arith.constant 0 : i32
    %dma_wait3A_221 = arith.constant 4 : i32
    %dma_wait3A_222 = arith.constant 0 : i32
    %dma_wait3A_223 = arith.constant 0 : i32
    %dma_wait3A_224 = arith.constant 0 : i32
    %dma_wait3A_225 = tpu.memref_slice %arg8[%dma_wait3A_220, %dma_wait3A_223, %dma_wait3A_224] : memref<4x80x128xf32, #tpu.memory_space<vmem>> -> memref<1x80x128xf32, #tpu.memory_space<vmem>>
    %dma_wait3A_226 = tpu.memref_squeeze %dma_wait3A_225 : memref<1x80x128xf32, #tpu.memory_space<vmem>> -> memref<80x128xf32, #tpu.memory_space<vmem>>
    %dma_wait3A_227 = arith.constant 0 : i32
    %dma_wait3A_228 = tpu.memref_slice %arg7[%dma_wait3A_221, %dma_wait3A_227] : memref<5x80xi32, #tpu.memory_space<vmem>> -> memref<1x80xi32, #tpu.memory_space<vmem>>
    %dma_wait3A_229 = tpu.memref_squeeze %dma_wait3A_228 : memref<1x80xi32, #tpu.memory_space<vmem>> -> memref<80xi32, #tpu.memory_space<vmem>>
    %dma_wait3A_230 = arith.constant 0 : i32
    %dma_wait3A_231 = arith.constant 0 : i32
    %dma_wait3A_232 = tpu.memref_slice %arg13[%dma_wait3A_230, %dma_wait3A_231] : memref<10240x128xf32, #tpu.memory_space<vmem_shared>> -> memref<10240x128xf32, #tpu.memory_space<vmem_shared>>
    %dma_wait3A_233 = tpu.memref_slice %arg12[%dma_wait3A_222] : memref<4x!tpu.dma_semaphore, #tpu.memory_space<semaphore_mem>> -> memref<1x!tpu.dma_semaphore, #tpu.memory_space<semaphore_mem>>
    %dma_wait3A_234 = tpu.memref_squeeze %dma_wait3A_233 : memref<1x!tpu.dma_semaphore, #tpu.memory_space<semaphore_mem>> -> memref<!tpu.dma_semaphore, #tpu.memory_space<semaphore_mem>>
    tpu.wait_indirect_dma semaphore(%dma_wait3A_234 : memref<!tpu.dma_semaphore, #tpu.memory_space<semaphore_mem>>) src(%dma_wait3A_226 : memref<80x128xf32, #tpu.memory_space<vmem>>) dst(%dma_wait3A_232 : memref<10240x128xf32, #tpu.memory_space<vmem_shared>>)
    %barrier3A_235 = arith.constant 0 : index
    tpu.barrier barrier_id(%barrier3A_235)
    "tpu.region"() ({
      %run_scoped3A = tpu.sem_alloc : memref<!tpu.dma_semaphore, #tpu.memory_space<semaphore_mem>>
      %dma_start3A_236 = arith.constant 0 : i32
      %dma_start3A_237 = tpu.memref_slice %arg5[%arg0, %mul3A_8, %dma_start3A_236] : memref<2x10240x128xf32, #tpu.memory_space<hbm>> -> memref<1x640x128xf32, #tpu.memory_space<hbm>>
      %dma_start3A_238 = tpu.memref_squeeze %dma_start3A_237 : memref<1x640x128xf32, #tpu.memory_space<hbm>> -> memref<640x128xf32, #tpu.memory_space<hbm>>
      %dma_start3A_239 = arith.constant 0 : i32
      %dma_start3A_240 = tpu.memref_slice %arg13[%mul3A_8, %dma_start3A_239] : memref<10240x128xf32, #tpu.memory_space<vmem_shared>> -> memref<640x128xf32, #tpu.memory_space<vmem_shared>>
      tpu.enqueue_dma source(%dma_start3A_240 : memref<640x128xf32, #tpu.memory_space<vmem_shared>>) target(%dma_start3A_238 : memref<640x128xf32, #tpu.memory_space<hbm>>) target_semaphore(%run_scoped3A : memref<!tpu.dma_semaphore, #tpu.memory_space<semaphore_mem>>)
      %dma_wait3A_241 = arith.constant 0 : i32
      %dma_wait3A_242 = tpu.memref_slice %arg5[%arg0, %mul3A_8, %dma_wait3A_241] : memref<2x10240x128xf32, #tpu.memory_space<hbm>> -> memref<1x640x128xf32, #tpu.memory_space<hbm>>
      %dma_wait3A_243 = tpu.memref_squeeze %dma_wait3A_242 : memref<1x640x128xf32, #tpu.memory_space<hbm>> -> memref<640x128xf32, #tpu.memory_space<hbm>>
      %dma_wait3A_244 = arith.constant 0 : i32
      %dma_wait3A_245 = tpu.memref_slice %arg13[%mul3A_8, %dma_wait3A_244] : memref<10240x128xf32, #tpu.memory_space<vmem_shared>> -> memref<640x128xf32, #tpu.memory_space<vmem_shared>>
      tpu.wait_dma2 semaphore(%run_scoped3A : memref<!tpu.dma_semaphore, #tpu.memory_space<semaphore_mem>>) src(%dma_wait3A_245 : memref<640x128xf32, #tpu.memory_space<vmem_shared>>) dst(%dma_wait3A_243 : memref<640x128xf32, #tpu.memory_space<hbm>>)
      tpu.yield
    }) : () -> ()
    return
  }
}

#map = affine_map<(d0, d1) -> (0, 0)>
#map1 = affine_map<(d0, d1) -> (0)>
#map2 = affine_map<(d0, d1) -> (0, 0, 0)>
module attributes {stable_mosaic.version = 14 : i64} {
  func.func @_agg_body(%arg0: i32, %arg1: i32, %arg2: memref<10000x128xf32, #tpu.memory_space<hbm>>, %arg3: memref<320000xi32, #tpu.memory_space<hbm>>, %arg4: memref<320000xi32, #tpu.memory_space<hbm>>, %arg5: memref<2x10240x128xf32, #tpu.memory_space<hbm>>, %arg6: memref<20480xf32, #tpu.memory_space<hbm>>, %arg7: memref<5x80xi32, #tpu.memory_space<vmem>>, %arg8: memref<5x80xi32, #tpu.memory_space<vmem>>, %arg9: memref<4x80x128xf32, #tpu.memory_space<vmem>>, %arg10: memref<32x128xf32, #tpu.memory_space<vmem>>, %arg11: memref<80xf32, #tpu.memory_space<vmem>>, %arg12: memref<640xf32, #tpu.memory_space<vmem>>, %arg13: memref<5x!tpu.dma_semaphore, #tpu.memory_space<semaphore_mem>>, %arg14: memref<4x!tpu.dma_semaphore, #tpu.memory_space<semaphore_mem>>, %arg15: memref<4x!tpu.dma_semaphore, #tpu.memory_space<semaphore_mem>>, %arg16: memref<4x!tpu.dma_semaphore, #tpu.memory_space<semaphore_mem>>, %arg17: memref<10240x128xf32, #tpu.memory_space<vmem_shared>>, %arg18: memref<10240xf32, #tpu.memory_space<vmem_shared>>) attributes {dimension_semantics = [#tpu.dimension_semantics<core_parallel>, #tpu.dimension_semantics<subcore_parallel>], iteration_bounds = array<i64: 2, 16>, scalar_prefetch = 0 : i64, scratch_operands = 12 : i64, tpu.core_type = #tpu.core_type<sc_vector_subcore>, window_params = [{transform_indices = #map}, {transform_indices = #map1}, {transform_indices = #map1}, {transform_indices = #map2}, {transform_indices = #map1}]} {
    %mul3A = arith.constant 2 : i32
    %mul3A_0 = arith.muli %arg1, %mul3A : i32
    %add3A = arith.addi %mul3A_0, %arg0 : i32
    %scan3A = arith.constant 0 : i32
    %scan3A_1 = arith.constant 0 : i32
    %scan3A_2 = arith.constant 256 : i32
    %scan3A_3 = arith.addi %scan3A_1, %scan3A_2 : i32
    %scan3A_4 = arith.constant 1 : i32
    %scan3A_5 = scf.for %scan3A_316 = %scan3A_1 to %scan3A_3 step %scan3A_4 iter_args(%scan3A_317 = %scan3A) -> (i32)  : i32 {
      %broadcast_in_dim3A = arith.constant 0.000000e+00 : f32
      %broadcast_in_dim3A_318 = vector.broadcast %broadcast_in_dim3A : f32 to vector<16xf32>
      %jit3A = arith.constant 8 : i32
      %div3A = arith.divsi %scan3A_316, %jit3A : i32
      %sign3A = arith.constant 0 : i32
      %sign3A_319 = arith.cmpi sgt, %scan3A_316, %sign3A : i32
      %sign3A_320 = arith.extui %sign3A_319 : i1 to i32
      %sign3A_321 = arith.constant 0 : i32
      %sign3A_322 = arith.cmpi slt, %scan3A_316, %sign3A_321 : i32
      %sign3A_323 = arith.extui %sign3A_322 : i1 to i32
      %sign3A_324 = arith.subi %sign3A_320, %sign3A_323 : i32
      %sign3A_325 = arith.constant 0 : i32
      %sign3A_326 = arith.cmpi sgt, %jit3A, %sign3A_325 : i32
      %sign3A_327 = arith.extui %sign3A_326 : i1 to i32
      %sign3A_328 = arith.constant 0 : i32
      %sign3A_329 = arith.cmpi slt, %jit3A, %sign3A_328 : i32
      %sign3A_330 = arith.extui %sign3A_329 : i1 to i32
      %sign3A_331 = arith.subi %sign3A_327, %sign3A_330 : i32
      %ne3A = arith.cmpi ne, %sign3A_324, %sign3A_331 : i32
      %rem3A = arith.remsi %scan3A_316, %jit3A : i32
      %ne3A_332 = arith.constant 0 : i32
      %ne3A_333 = arith.cmpi ne, %rem3A, %ne3A_332 : i32
      %and3A = arith.andi %ne3A, %ne3A_333 : i1
      %sub3A = arith.constant 1 : i32
      %sub3A_334 = arith.subi %div3A, %sub3A : i32
      %select_n3A = arith.select %and3A, %sub3A_334, %div3A : i32
      %jit3A_335 = arith.constant 8 : i32
      %eq3A = arith.constant 0 : i32
      %eq3A_336 = arith.cmpi eq, %jit3A_335, %eq3A : i32
      %jit3A_337 = arith.constant 1 : i32
      %select_n3A_338 = arith.select %eq3A_336, %jit3A_337, %jit3A_335 : i32
      %rem3A_339 = arith.remsi %scan3A_316, %select_n3A_338 : i32
      %ne3A_340 = arith.constant 0 : i32
      %ne3A_341 = arith.cmpi ne, %rem3A_339, %ne3A_340 : i32
      %lt3A = arith.constant 0 : i32
      %lt3A_342 = arith.cmpi slt, %rem3A_339, %lt3A : i32
      %lt3A_343 = arith.constant 0 : i32
      %lt3A_344 = arith.cmpi slt, %select_n3A_338, %lt3A_343 : i32
      %ne3A_345 = arith.xori %lt3A_342, %lt3A_344 : i1
      %and3A_346 = arith.andi %ne3A_345, %ne3A_341 : i1
      %add3A_347 = arith.addi %rem3A_339, %select_n3A_338 : i32
      %select_n3A_348 = arith.select %and3A_346, %add3A_347, %rem3A_339 : i32
      %mul3A_349 = arith.constant 16 : i32
      %mul3A_350 = arith.muli %select_n3A_348, %mul3A_349 : i32
      %swap3A = arith.index_cast %select_n3A : i32 to index
      %swap3A_351 = arith.index_cast %mul3A_350 : i32 to index
      %swap3A_352 = tpu.vector_load %arg10[%swap3A, %swap3A_351] {strides = array<i32>} : memref<32x128xf32, #tpu.memory_space<vmem>>, vector<1x16xf32>,
      %swap3A_353 = vector.shape_cast %swap3A_352 : vector<1x16xf32> to vector<16xf32>
      %swap3A_354 = vector.shape_cast %broadcast_in_dim3A_318 : vector<16xf32> to vector<1x16xf32>
      tpu.vector_store %arg10[%swap3A, %swap3A_351], %swap3A_354 {strides = array<i32>} : memref<32x128xf32, #tpu.memory_space<vmem>>, vector<1x16xf32>,
      %scan3A_355 = arith.constant 0 : i32
      scf.yield %scan3A_355 : i32
    }
    %scan3A_6 = arith.constant 256 : i32
    %mul3A_7 = arith.constant 640 : i32
    %mul3A_8 = arith.muli %arg1, %mul3A_7 : i32
    %add3A_9 = arith.constant 0 : i32
    %add3A_10 = arith.addi %mul3A_8, %add3A_9 : i32
    "tpu.region"() ({
      %run_scoped3A = tpu.sem_alloc : memref<!tpu.dma_semaphore, #tpu.memory_space<semaphore_mem>>
      %dma_start3A_316 = arith.constant 0 : i32
      %dma_start3A_317 = tpu.memref_slice %arg17[%add3A_10, %dma_start3A_316] : memref<10240x128xf32, #tpu.memory_space<vmem_shared>> -> memref<32x128xf32, #tpu.memory_space<vmem_shared>>
      %dma_start3A_318 = arith.constant 0 : i32
      %dma_start3A_319 = tpu.memref_slice %arg17[%add3A_10, %dma_start3A_318] : memref<10240x128xf32, #tpu.memory_space<vmem_shared>> -> memref<32x128xf32, #tpu.memory_space<vmem_shared>>
      tpu.enqueue_dma source(%arg10 : memref<32x128xf32, #tpu.memory_space<vmem>>) target(%dma_start3A_319 : memref<32x128xf32, #tpu.memory_space<vmem_shared>>) target_semaphore(%run_scoped3A : memref<!tpu.dma_semaphore, #tpu.memory_space<semaphore_mem>>)
      %dma_wait3A_320 = arith.constant 0 : i32
      %dma_wait3A_321 = tpu.memref_slice %arg17[%add3A_10, %dma_wait3A_320] : memref<10240x128xf32, #tpu.memory_space<vmem_shared>> -> memref<32x128xf32, #tpu.memory_space<vmem_shared>>
      %dma_wait3A_322 = arith.constant 0 : i32
      %dma_wait3A_323 = tpu.memref_slice %arg17[%add3A_10, %dma_wait3A_322] : memref<10240x128xf32, #tpu.memory_space<vmem_shared>> -> memref<32x128xf32, #tpu.memory_space<vmem_shared>>
      tpu.wait_dma2 semaphore(%run_scoped3A : memref<!tpu.dma_semaphore, #tpu.memory_space<semaphore_mem>>) src(%arg10 : memref<32x128xf32, #tpu.memory_space<vmem>>) dst(%dma_wait3A_323 : memref<32x128xf32, #tpu.memory_space<vmem_shared>>)
      tpu.yield
    }) : () -> ()
    %add3A_11 = arith.constant 32 : i32
    %add3A_12 = arith.addi %mul3A_8, %add3A_11 : i32
    "tpu.region"() ({
      %run_scoped3A = tpu.sem_alloc : memref<!tpu.dma_semaphore, #tpu.memory_space<semaphore_mem>>
      %dma_start3A_316 = arith.constant 0 : i32
      %dma_start3A_317 = tpu.memref_slice %arg17[%add3A_12, %dma_start3A_316] : memref<10240x128xf32, #tpu.memory_space<vmem_shared>> -> memref<32x128xf32, #tpu.memory_space<vmem_shared>>
      %dma_start3A_318 = arith.constant 0 : i32
      %dma_start3A_319 = tpu.memref_slice %arg17[%add3A_12, %dma_start3A_318] : memref<10240x128xf32, #tpu.memory_space<vmem_shared>> -> memref<32x128xf32, #tpu.memory_space<vmem_shared>>
      tpu.enqueue_dma source(%arg10 : memref<32x128xf32, #tpu.memory_space<vmem>>) target(%dma_start3A_319 : memref<32x128xf32, #tpu.memory_space<vmem_shared>>) target_semaphore(%run_scoped3A : memref<!tpu.dma_semaphore, #tpu.memory_space<semaphore_mem>>)
      %dma_wait3A_320 = arith.constant 0 : i32
      %dma_wait3A_321 = tpu.memref_slice %arg17[%add3A_12, %dma_wait3A_320] : memref<10240x128xf32, #tpu.memory_space<vmem_shared>> -> memref<32x128xf32, #tpu.memory_space<vmem_shared>>
      %dma_wait3A_322 = arith.constant 0 : i32
      %dma_wait3A_323 = tpu.memref_slice %arg17[%add3A_12, %dma_wait3A_322] : memref<10240x128xf32, #tpu.memory_space<vmem_shared>> -> memref<32x128xf32, #tpu.memory_space<vmem_shared>>
      tpu.wait_dma2 semaphore(%run_scoped3A : memref<!tpu.dma_semaphore, #tpu.memory_space<semaphore_mem>>) src(%arg10 : memref<32x128xf32, #tpu.memory_space<vmem>>) dst(%dma_wait3A_323 : memref<32x128xf32, #tpu.memory_space<vmem_shared>>)
      tpu.yield
    }) : () -> ()
    %add3A_13 = arith.constant 64 : i32
    %add3A_14 = arith.addi %mul3A_8, %add3A_13 : i32
    "tpu.region"() ({
      %run_scoped3A = tpu.sem_alloc : memref<!tpu.dma_semaphore, #tpu.memory_space<semaphore_mem>>
      %dma_start3A_316 = arith.constant 0 : i32
      %dma_start3A_317 = tpu.memref_slice %arg17[%add3A_14, %dma_start3A_316] : memref<10240x128xf32, #tpu.memory_space<vmem_shared>> -> memref<32x128xf32, #tpu.memory_space<vmem_shared>>
      %dma_start3A_318 = arith.constant 0 : i32
      %dma_start3A_319 = tpu.memref_slice %arg17[%add3A_14, %dma_start3A_318] : memref<10240x128xf32, #tpu.memory_space<vmem_shared>> -> memref<32x128xf32, #tpu.memory_space<vmem_shared>>
      tpu.enqueue_dma source(%arg10 : memref<32x128xf32, #tpu.memory_space<vmem>>) target(%dma_start3A_319 : memref<32x128xf32, #tpu.memory_space<vmem_shared>>) target_semaphore(%run_scoped3A : memref<!tpu.dma_semaphore, #tpu.memory_space<semaphore_mem>>)
      %dma_wait3A_320 = arith.constant 0 : i32
      %dma_wait3A_321 = tpu.memref_slice %arg17[%add3A_14, %dma_wait3A_320] : memref<10240x128xf32, #tpu.memory_space<vmem_shared>> -> memref<32x128xf32, #tpu.memory_space<vmem_shared>>
      %dma_wait3A_322 = arith.constant 0 : i32
      %dma_wait3A_323 = tpu.memref_slice %arg17[%add3A_14, %dma_wait3A_322] : memref<10240x128xf32, #tpu.memory_space<vmem_shared>> -> memref<32x128xf32, #tpu.memory_space<vmem_shared>>
      tpu.wait_dma2 semaphore(%run_scoped3A : memref<!tpu.dma_semaphore, #tpu.memory_space<semaphore_mem>>) src(%arg10 : memref<32x128xf32, #tpu.memory_space<vmem>>) dst(%dma_wait3A_323 : memref<32x128xf32, #tpu.memory_space<vmem_shared>>)
      tpu.yield
    }) : () -> ()
    %add3A_15 = arith.constant 96 : i32
    %add3A_16 = arith.addi %mul3A_8, %add3A_15 : i32
    "tpu.region"() ({
      %run_scoped3A = tpu.sem_alloc : memref<!tpu.dma_semaphore, #tpu.memory_space<semaphore_mem>>
      %dma_start3A_316 = arith.constant 0 : i32
      %dma_start3A_317 = tpu.memref_slice %arg17[%add3A_16, %dma_start3A_316] : memref<10240x128xf32, #tpu.memory_space<vmem_shared>> -> memref<32x128xf32, #tpu.memory_space<vmem_shared>>
      %dma_start3A_318 = arith.constant 0 : i32
      %dma_start3A_319 = tpu.memref_slice %arg17[%add3A_16, %dma_start3A_318] : memref<10240x128xf32, #tpu.memory_space<vmem_shared>> -> memref<32x128xf32, #tpu.memory_space<vmem_shared>>
      tpu.enqueue_dma source(%arg10 : memref<32x128xf32, #tpu.memory_space<vmem>>) target(%dma_start3A_319 : memref<32x128xf32, #tpu.memory_space<vmem_shared>>) target_semaphore(%run_scoped3A : memref<!tpu.dma_semaphore, #tpu.memory_space<semaphore_mem>>)
      %dma_wait3A_320 = arith.constant 0 : i32
      %dma_wait3A_321 = tpu.memref_slice %arg17[%add3A_16, %dma_wait3A_320] : memref<10240x128xf32, #tpu.memory_space<vmem_shared>> -> memref<32x128xf32, #tpu.memory_space<vmem_shared>>
      %dma_wait3A_322 = arith.constant 0 : i32
      %dma_wait3A_323 = tpu.memref_slice %arg17[%add3A_16, %dma_wait3A_322] : memref<10240x128xf32, #tpu.memory_space<vmem_shared>> -> memref<32x128xf32, #tpu.memory_space<vmem_shared>>
      tpu.wait_dma2 semaphore(%run_scoped3A : memref<!tpu.dma_semaphore, #tpu.memory_space<semaphore_mem>>) src(%arg10 : memref<32x128xf32, #tpu.memory_space<vmem>>) dst(%dma_wait3A_323 : memref<32x128xf32, #tpu.memory_space<vmem_shared>>)
      tpu.yield
    }) : () -> ()
    %add3A_17 = arith.constant 128 : i32
    %add3A_18 = arith.addi %mul3A_8, %add3A_17 : i32
    "tpu.region"() ({
      %run_scoped3A = tpu.sem_alloc : memref<!tpu.dma_semaphore, #tpu.memory_space<semaphore_mem>>
      %dma_start3A_316 = arith.constant 0 : i32
      %dma_start3A_317 = tpu.memref_slice %arg17[%add3A_18, %dma_start3A_316] : memref<10240x128xf32, #tpu.memory_space<vmem_shared>> -> memref<32x128xf32, #tpu.memory_space<vmem_shared>>
      %dma_start3A_318 = arith.constant 0 : i32
      %dma_start3A_319 = tpu.memref_slice %arg17[%add3A_18, %dma_start3A_318] : memref<10240x128xf32, #tpu.memory_space<vmem_shared>> -> memref<32x128xf32, #tpu.memory_space<vmem_shared>>
      tpu.enqueue_dma source(%arg10 : memref<32x128xf32, #tpu.memory_space<vmem>>) target(%dma_start3A_319 : memref<32x128xf32, #tpu.memory_space<vmem_shared>>) target_semaphore(%run_scoped3A : memref<!tpu.dma_semaphore, #tpu.memory_space<semaphore_mem>>)
      %dma_wait3A_320 = arith.constant 0 : i32
      %dma_wait3A_321 = tpu.memref_slice %arg17[%add3A_18, %dma_wait3A_320] : memref<10240x128xf32, #tpu.memory_space<vmem_shared>> -> memref<32x128xf32, #tpu.memory_space<vmem_shared>>
      %dma_wait3A_322 = arith.constant 0 : i32
      %dma_wait3A_323 = tpu.memref_slice %arg17[%add3A_18, %dma_wait3A_322] : memref<10240x128xf32, #tpu.memory_space<vmem_shared>> -> memref<32x128xf32, #tpu.memory_space<vmem_shared>>
      tpu.wait_dma2 semaphore(%run_scoped3A : memref<!tpu.dma_semaphore, #tpu.memory_space<semaphore_mem>>) src(%arg10 : memref<32x128xf32, #tpu.memory_space<vmem>>) dst(%dma_wait3A_323 : memref<32x128xf32, #tpu.memory_space<vmem_shared>>)
      tpu.yield
    }) : () -> ()
    %add3A_19 = arith.constant 160 : i32
    %add3A_20 = arith.addi %mul3A_8, %add3A_19 : i32
    "tpu.region"() ({
      %run_scoped3A = tpu.sem_alloc : memref<!tpu.dma_semaphore, #tpu.memory_space<semaphore_mem>>
      %dma_start3A_316 = arith.constant 0 : i32
      %dma_start3A_317 = tpu.memref_slice %arg17[%add3A_20, %dma_start3A_316] : memref<10240x128xf32, #tpu.memory_space<vmem_shared>> -> memref<32x128xf32, #tpu.memory_space<vmem_shared>>
      %dma_start3A_318 = arith.constant 0 : i32
      %dma_start3A_319 = tpu.memref_slice %arg17[%add3A_20, %dma_start3A_318] : memref<10240x128xf32, #tpu.memory_space<vmem_shared>> -> memref<32x128xf32, #tpu.memory_space<vmem_shared>>
      tpu.enqueue_dma source(%arg10 : memref<32x128xf32, #tpu.memory_space<vmem>>) target(%dma_start3A_319 : memref<32x128xf32, #tpu.memory_space<vmem_shared>>) target_semaphore(%run_scoped3A : memref<!tpu.dma_semaphore, #tpu.memory_space<semaphore_mem>>)
      %dma_wait3A_320 = arith.constant 0 : i32
      %dma_wait3A_321 = tpu.memref_slice %arg17[%add3A_20, %dma_wait3A_320] : memref<10240x128xf32, #tpu.memory_space<vmem_shared>> -> memref<32x128xf32, #tpu.memory_space<vmem_shared>>
      %dma_wait3A_322 = arith.constant 0 : i32
      %dma_wait3A_323 = tpu.memref_slice %arg17[%add3A_20, %dma_wait3A_322] : memref<10240x128xf32, #tpu.memory_space<vmem_shared>> -> memref<32x128xf32, #tpu.memory_space<vmem_shared>>
      tpu.wait_dma2 semaphore(%run_scoped3A : memref<!tpu.dma_semaphore, #tpu.memory_space<semaphore_mem>>) src(%arg10 : memref<32x128xf32, #tpu.memory_space<vmem>>) dst(%dma_wait3A_323 : memref<32x128xf32, #tpu.memory_space<vmem_shared>>)
      tpu.yield
    }) : () -> ()
    %add3A_21 = arith.constant 192 : i32
    %add3A_22 = arith.addi %mul3A_8, %add3A_21 : i32
    "tpu.region"() ({
      %run_scoped3A = tpu.sem_alloc : memref<!tpu.dma_semaphore, #tpu.memory_space<semaphore_mem>>
      %dma_start3A_316 = arith.constant 0 : i32
      %dma_start3A_317 = tpu.memref_slice %arg17[%add3A_22, %dma_start3A_316] : memref<10240x128xf32, #tpu.memory_space<vmem_shared>> -> memref<32x128xf32, #tpu.memory_space<vmem_shared>>
      %dma_start3A_318 = arith.constant 0 : i32
      %dma_start3A_319 = tpu.memref_slice %arg17[%add3A_22, %dma_start3A_318] : memref<10240x128xf32, #tpu.memory_space<vmem_shared>> -> memref<32x128xf32, #tpu.memory_space<vmem_shared>>
      tpu.enqueue_dma source(%arg10 : memref<32x128xf32, #tpu.memory_space<vmem>>) target(%dma_start3A_319 : memref<32x128xf32, #tpu.memory_space<vmem_shared>>) target_semaphore(%run_scoped3A : memref<!tpu.dma_semaphore, #tpu.memory_space<semaphore_mem>>)
      %dma_wait3A_320 = arith.constant 0 : i32
      %dma_wait3A_321 = tpu.memref_slice %arg17[%add3A_22, %dma_wait3A_320] : memref<10240x128xf32, #tpu.memory_space<vmem_shared>> -> memref<32x128xf32, #tpu.memory_space<vmem_shared>>
      %dma_wait3A_322 = arith.constant 0 : i32
      %dma_wait3A_323 = tpu.memref_slice %arg17[%add3A_22, %dma_wait3A_322] : memref<10240x128xf32, #tpu.memory_space<vmem_shared>> -> memref<32x128xf32, #tpu.memory_space<vmem_shared>>
      tpu.wait_dma2 semaphore(%run_scoped3A : memref<!tpu.dma_semaphore, #tpu.memory_space<semaphore_mem>>) src(%arg10 : memref<32x128xf32, #tpu.memory_space<vmem>>) dst(%dma_wait3A_323 : memref<32x128xf32, #tpu.memory_space<vmem_shared>>)
      tpu.yield
    }) : () -> ()
    %add3A_23 = arith.constant 224 : i32
    %add3A_24 = arith.addi %mul3A_8, %add3A_23 : i32
    "tpu.region"() ({
      %run_scoped3A = tpu.sem_alloc : memref<!tpu.dma_semaphore, #tpu.memory_space<semaphore_mem>>
      %dma_start3A_316 = arith.constant 0 : i32
      %dma_start3A_317 = tpu.memref_slice %arg17[%add3A_24, %dma_start3A_316] : memref<10240x128xf32, #tpu.memory_space<vmem_shared>> -> memref<32x128xf32, #tpu.memory_space<vmem_shared>>
      %dma_start3A_318 = arith.constant 0 : i32
      %dma_start3A_319 = tpu.memref_slice %arg17[%add3A_24, %dma_start3A_318] : memref<10240x128xf32, #tpu.memory_space<vmem_shared>> -> memref<32x128xf32, #tpu.memory_space<vmem_shared>>
      tpu.enqueue_dma source(%arg10 : memref<32x128xf32, #tpu.memory_space<vmem>>) target(%dma_start3A_319 : memref<32x128xf32, #tpu.memory_space<vmem_shared>>) target_semaphore(%run_scoped3A : memref<!tpu.dma_semaphore, #tpu.memory_space<semaphore_mem>>)
      %dma_wait3A_320 = arith.constant 0 : i32
      %dma_wait3A_321 = tpu.memref_slice %arg17[%add3A_24, %dma_wait3A_320] : memref<10240x128xf32, #tpu.memory_space<vmem_shared>> -> memref<32x128xf32, #tpu.memory_space<vmem_shared>>
      %dma_wait3A_322 = arith.constant 0 : i32
      %dma_wait3A_323 = tpu.memref_slice %arg17[%add3A_24, %dma_wait3A_322] : memref<10240x128xf32, #tpu.memory_space<vmem_shared>> -> memref<32x128xf32, #tpu.memory_space<vmem_shared>>
      tpu.wait_dma2 semaphore(%run_scoped3A : memref<!tpu.dma_semaphore, #tpu.memory_space<semaphore_mem>>) src(%arg10 : memref<32x128xf32, #tpu.memory_space<vmem>>) dst(%dma_wait3A_323 : memref<32x128xf32, #tpu.memory_space<vmem_shared>>)
      tpu.yield
    }) : () -> ()
    %add3A_25 = arith.constant 256 : i32
    %add3A_26 = arith.addi %mul3A_8, %add3A_25 : i32
    "tpu.region"() ({
      %run_scoped3A = tpu.sem_alloc : memref<!tpu.dma_semaphore, #tpu.memory_space<semaphore_mem>>
      %dma_start3A_316 = arith.constant 0 : i32
      %dma_start3A_317 = tpu.memref_slice %arg17[%add3A_26, %dma_start3A_316] : memref<10240x128xf32, #tpu.memory_space<vmem_shared>> -> memref<32x128xf32, #tpu.memory_space<vmem_shared>>
      %dma_start3A_318 = arith.constant 0 : i32
      %dma_start3A_319 = tpu.memref_slice %arg17[%add3A_26, %dma_start3A_318] : memref<10240x128xf32, #tpu.memory_space<vmem_shared>> -> memref<32x128xf32, #tpu.memory_space<vmem_shared>>
      tpu.enqueue_dma source(%arg10 : memref<32x128xf32, #tpu.memory_space<vmem>>) target(%dma_start3A_319 : memref<32x128xf32, #tpu.memory_space<vmem_shared>>) target_semaphore(%run_scoped3A : memref<!tpu.dma_semaphore, #tpu.memory_space<semaphore_mem>>)
      %dma_wait3A_320 = arith.constant 0 : i32
      %dma_wait3A_321 = tpu.memref_slice %arg17[%add3A_26, %dma_wait3A_320] : memref<10240x128xf32, #tpu.memory_space<vmem_shared>> -> memref<32x128xf32, #tpu.memory_space<vmem_shared>>
      %dma_wait3A_322 = arith.constant 0 : i32
      %dma_wait3A_323 = tpu.memref_slice %arg17[%add3A_26, %dma_wait3A_322] : memref<10240x128xf32, #tpu.memory_space<vmem_shared>> -> memref<32x128xf32, #tpu.memory_space<vmem_shared>>
      tpu.wait_dma2 semaphore(%run_scoped3A : memref<!tpu.dma_semaphore, #tpu.memory_space<semaphore_mem>>) src(%arg10 : memref<32x128xf32, #tpu.memory_space<vmem>>) dst(%dma_wait3A_323 : memref<32x128xf32, #tpu.memory_space<vmem_shared>>)
      tpu.yield
    }) : () -> ()
    %add3A_27 = arith.constant 288 : i32
    %add3A_28 = arith.addi %mul3A_8, %add3A_27 : i32
    "tpu.region"() ({
      %run_scoped3A = tpu.sem_alloc : memref<!tpu.dma_semaphore, #tpu.memory_space<semaphore_mem>>
      %dma_start3A_316 = arith.constant 0 : i32
      %dma_start3A_317 = tpu.memref_slice %arg17[%add3A_28, %dma_start3A_316] : memref<10240x128xf32, #tpu.memory_space<vmem_shared>> -> memref<32x128xf32, #tpu.memory_space<vmem_shared>>
      %dma_start3A_318 = arith.constant 0 : i32
      %dma_start3A_319 = tpu.memref_slice %arg17[%add3A_28, %dma_start3A_318] : memref<10240x128xf32, #tpu.memory_space<vmem_shared>> -> memref<32x128xf32, #tpu.memory_space<vmem_shared>>
      tpu.enqueue_dma source(%arg10 : memref<32x128xf32, #tpu.memory_space<vmem>>) target(%dma_start3A_319 : memref<32x128xf32, #tpu.memory_space<vmem_shared>>) target_semaphore(%run_scoped3A : memref<!tpu.dma_semaphore, #tpu.memory_space<semaphore_mem>>)
      %dma_wait3A_320 = arith.constant 0 : i32
      %dma_wait3A_321 = tpu.memref_slice %arg17[%add3A_28, %dma_wait3A_320] : memref<10240x128xf32, #tpu.memory_space<vmem_shared>> -> memref<32x128xf32, #tpu.memory_space<vmem_shared>>
      %dma_wait3A_322 = arith.constant 0 : i32
      %dma_wait3A_323 = tpu.memref_slice %arg17[%add3A_28, %dma_wait3A_322] : memref<10240x128xf32, #tpu.memory_space<vmem_shared>> -> memref<32x128xf32, #tpu.memory_space<vmem_shared>>
      tpu.wait_dma2 semaphore(%run_scoped3A : memref<!tpu.dma_semaphore, #tpu.memory_space<semaphore_mem>>) src(%arg10 : memref<32x128xf32, #tpu.memory_space<vmem>>) dst(%dma_wait3A_323 : memref<32x128xf32, #tpu.memory_space<vmem_shared>>)
      tpu.yield
    }) : () -> ()
    %add3A_29 = arith.constant 320 : i32
    %add3A_30 = arith.addi %mul3A_8, %add3A_29 : i32
    "tpu.region"() ({
      %run_scoped3A = tpu.sem_alloc : memref<!tpu.dma_semaphore, #tpu.memory_space<semaphore_mem>>
      %dma_start3A_316 = arith.constant 0 : i32
      %dma_start3A_317 = tpu.memref_slice %arg17[%add3A_30, %dma_start3A_316] : memref<10240x128xf32, #tpu.memory_space<vmem_shared>> -> memref<32x128xf32, #tpu.memory_space<vmem_shared>>
      %dma_start3A_318 = arith.constant 0 : i32
      %dma_start3A_319 = tpu.memref_slice %arg17[%add3A_30, %dma_start3A_318] : memref<10240x128xf32, #tpu.memory_space<vmem_shared>> -> memref<32x128xf32, #tpu.memory_space<vmem_shared>>
      tpu.enqueue_dma source(%arg10 : memref<32x128xf32, #tpu.memory_space<vmem>>) target(%dma_start3A_319 : memref<32x128xf32, #tpu.memory_space<vmem_shared>>) target_semaphore(%run_scoped3A : memref<!tpu.dma_semaphore, #tpu.memory_space<semaphore_mem>>)
      %dma_wait3A_320 = arith.constant 0 : i32
      %dma_wait3A_321 = tpu.memref_slice %arg17[%add3A_30, %dma_wait3A_320] : memref<10240x128xf32, #tpu.memory_space<vmem_shared>> -> memref<32x128xf32, #tpu.memory_space<vmem_shared>>
      %dma_wait3A_322 = arith.constant 0 : i32
      %dma_wait3A_323 = tpu.memref_slice %arg17[%add3A_30, %dma_wait3A_322] : memref<10240x128xf32, #tpu.memory_space<vmem_shared>> -> memref<32x128xf32, #tpu.memory_space<vmem_shared>>
      tpu.wait_dma2 semaphore(%run_scoped3A : memref<!tpu.dma_semaphore, #tpu.memory_space<semaphore_mem>>) src(%arg10 : memref<32x128xf32, #tpu.memory_space<vmem>>) dst(%dma_wait3A_323 : memref<32x128xf32, #tpu.memory_space<vmem_shared>>)
      tpu.yield
    }) : () -> ()
    %add3A_31 = arith.constant 352 : i32
    %add3A_32 = arith.addi %mul3A_8, %add3A_31 : i32
    "tpu.region"() ({
      %run_scoped3A = tpu.sem_alloc : memref<!tpu.dma_semaphore, #tpu.memory_space<semaphore_mem>>
      %dma_start3A_316 = arith.constant 0 : i32
      %dma_start3A_317 = tpu.memref_slice %arg17[%add3A_32, %dma_start3A_316] : memref<10240x128xf32, #tpu.memory_space<vmem_shared>> -> memref<32x128xf32, #tpu.memory_space<vmem_shared>>
      %dma_start3A_318 = arith.constant 0 : i32
      %dma_start3A_319 = tpu.memref_slice %arg17[%add3A_32, %dma_start3A_318] : memref<10240x128xf32, #tpu.memory_space<vmem_shared>> -> memref<32x128xf32, #tpu.memory_space<vmem_shared>>
      tpu.enqueue_dma source(%arg10 : memref<32x128xf32, #tpu.memory_space<vmem>>) target(%dma_start3A_319 : memref<32x128xf32, #tpu.memory_space<vmem_shared>>) target_semaphore(%run_scoped3A : memref<!tpu.dma_semaphore, #tpu.memory_space<semaphore_mem>>)
      %dma_wait3A_320 = arith.constant 0 : i32
      %dma_wait3A_321 = tpu.memref_slice %arg17[%add3A_32, %dma_wait3A_320] : memref<10240x128xf32, #tpu.memory_space<vmem_shared>> -> memref<32x128xf32, #tpu.memory_space<vmem_shared>>
      %dma_wait3A_322 = arith.constant 0 : i32
      %dma_wait3A_323 = tpu.memref_slice %arg17[%add3A_32, %dma_wait3A_322] : memref<10240x128xf32, #tpu.memory_space<vmem_shared>> -> memref<32x128xf32, #tpu.memory_space<vmem_shared>>
      tpu.wait_dma2 semaphore(%run_scoped3A : memref<!tpu.dma_semaphore, #tpu.memory_space<semaphore_mem>>) src(%arg10 : memref<32x128xf32, #tpu.memory_space<vmem>>) dst(%dma_wait3A_323 : memref<32x128xf32, #tpu.memory_space<vmem_shared>>)
      tpu.yield
    }) : () -> ()
    %add3A_33 = arith.constant 384 : i32
    %add3A_34 = arith.addi %mul3A_8, %add3A_33 : i32
    "tpu.region"() ({
      %run_scoped3A = tpu.sem_alloc : memref<!tpu.dma_semaphore, #tpu.memory_space<semaphore_mem>>
      %dma_start3A_316 = arith.constant 0 : i32
      %dma_start3A_317 = tpu.memref_slice %arg17[%add3A_34, %dma_start3A_316] : memref<10240x128xf32, #tpu.memory_space<vmem_shared>> -> memref<32x128xf32, #tpu.memory_space<vmem_shared>>
      %dma_start3A_318 = arith.constant 0 : i32
      %dma_start3A_319 = tpu.memref_slice %arg17[%add3A_34, %dma_start3A_318] : memref<10240x128xf32, #tpu.memory_space<vmem_shared>> -> memref<32x128xf32, #tpu.memory_space<vmem_shared>>
      tpu.enqueue_dma source(%arg10 : memref<32x128xf32, #tpu.memory_space<vmem>>) target(%dma_start3A_319 : memref<32x128xf32, #tpu.memory_space<vmem_shared>>) target_semaphore(%run_scoped3A : memref<!tpu.dma_semaphore, #tpu.memory_space<semaphore_mem>>)
      %dma_wait3A_320 = arith.constant 0 : i32
      %dma_wait3A_321 = tpu.memref_slice %arg17[%add3A_34, %dma_wait3A_320] : memref<10240x128xf32, #tpu.memory_space<vmem_shared>> -> memref<32x128xf32, #tpu.memory_space<vmem_shared>>
      %dma_wait3A_322 = arith.constant 0 : i32
      %dma_wait3A_323 = tpu.memref_slice %arg17[%add3A_34, %dma_wait3A_322] : memref<10240x128xf32, #tpu.memory_space<vmem_shared>> -> memref<32x128xf32, #tpu.memory_space<vmem_shared>>
      tpu.wait_dma2 semaphore(%run_scoped3A : memref<!tpu.dma_semaphore, #tpu.memory_space<semaphore_mem>>) src(%arg10 : memref<32x128xf32, #tpu.memory_space<vmem>>) dst(%dma_wait3A_323 : memref<32x128xf32, #tpu.memory_space<vmem_shared>>)
      tpu.yield
    }) : () -> ()
    %add3A_35 = arith.constant 416 : i32
    %add3A_36 = arith.addi %mul3A_8, %add3A_35 : i32
    "tpu.region"() ({
      %run_scoped3A = tpu.sem_alloc : memref<!tpu.dma_semaphore, #tpu.memory_space<semaphore_mem>>
      %dma_start3A_316 = arith.constant 0 : i32
      %dma_start3A_317 = tpu.memref_slice %arg17[%add3A_36, %dma_start3A_316] : memref<10240x128xf32, #tpu.memory_space<vmem_shared>> -> memref<32x128xf32, #tpu.memory_space<vmem_shared>>
      %dma_start3A_318 = arith.constant 0 : i32
      %dma_start3A_319 = tpu.memref_slice %arg17[%add3A_36, %dma_start3A_318] : memref<10240x128xf32, #tpu.memory_space<vmem_shared>> -> memref<32x128xf32, #tpu.memory_space<vmem_shared>>
      tpu.enqueue_dma source(%arg10 : memref<32x128xf32, #tpu.memory_space<vmem>>) target(%dma_start3A_319 : memref<32x128xf32, #tpu.memory_space<vmem_shared>>) target_semaphore(%run_scoped3A : memref<!tpu.dma_semaphore, #tpu.memory_space<semaphore_mem>>)
      %dma_wait3A_320 = arith.constant 0 : i32
      %dma_wait3A_321 = tpu.memref_slice %arg17[%add3A_36, %dma_wait3A_320] : memref<10240x128xf32, #tpu.memory_space<vmem_shared>> -> memref<32x128xf32, #tpu.memory_space<vmem_shared>>
      %dma_wait3A_322 = arith.constant 0 : i32
      %dma_wait3A_323 = tpu.memref_slice %arg17[%add3A_36, %dma_wait3A_322] : memref<10240x128xf32, #tpu.memory_space<vmem_shared>> -> memref<32x128xf32, #tpu.memory_space<vmem_shared>>
      tpu.wait_dma2 semaphore(%run_scoped3A : memref<!tpu.dma_semaphore, #tpu.memory_space<semaphore_mem>>) src(%arg10 : memref<32x128xf32, #tpu.memory_space<vmem>>) dst(%dma_wait3A_323 : memref<32x128xf32, #tpu.memory_space<vmem_shared>>)
      tpu.yield
    }) : () -> ()
    %add3A_37 = arith.constant 448 : i32
    %add3A_38 = arith.addi %mul3A_8, %add3A_37 : i32
    "tpu.region"() ({
      %run_scoped3A = tpu.sem_alloc : memref<!tpu.dma_semaphore, #tpu.memory_space<semaphore_mem>>
      %dma_start3A_316 = arith.constant 0 : i32
      %dma_start3A_317 = tpu.memref_slice %arg17[%add3A_38, %dma_start3A_316] : memref<10240x128xf32, #tpu.memory_space<vmem_shared>> -> memref<32x128xf32, #tpu.memory_space<vmem_shared>>
      %dma_start3A_318 = arith.constant 0 : i32
      %dma_start3A_319 = tpu.memref_slice %arg17[%add3A_38, %dma_start3A_318] : memref<10240x128xf32, #tpu.memory_space<vmem_shared>> -> memref<32x128xf32, #tpu.memory_space<vmem_shared>>
      tpu.enqueue_dma source(%arg10 : memref<32x128xf32, #tpu.memory_space<vmem>>) target(%dma_start3A_319 : memref<32x128xf32, #tpu.memory_space<vmem_shared>>) target_semaphore(%run_scoped3A : memref<!tpu.dma_semaphore, #tpu.memory_space<semaphore_mem>>)
      %dma_wait3A_320 = arith.constant 0 : i32
      %dma_wait3A_321 = tpu.memref_slice %arg17[%add3A_38, %dma_wait3A_320] : memref<10240x128xf32, #tpu.memory_space<vmem_shared>> -> memref<32x128xf32, #tpu.memory_space<vmem_shared>>
      %dma_wait3A_322 = arith.constant 0 : i32
      %dma_wait3A_323 = tpu.memref_slice %arg17[%add3A_38, %dma_wait3A_322] : memref<10240x128xf32, #tpu.memory_space<vmem_shared>> -> memref<32x128xf32, #tpu.memory_space<vmem_shared>>
      tpu.wait_dma2 semaphore(%run_scoped3A : memref<!tpu.dma_semaphore, #tpu.memory_space<semaphore_mem>>) src(%arg10 : memref<32x128xf32, #tpu.memory_space<vmem>>) dst(%dma_wait3A_323 : memref<32x128xf32, #tpu.memory_space<vmem_shared>>)
      tpu.yield
    }) : () -> ()
    %add3A_39 = arith.constant 480 : i32
    %add3A_40 = arith.addi %mul3A_8, %add3A_39 : i32
    "tpu.region"() ({
      %run_scoped3A = tpu.sem_alloc : memref<!tpu.dma_semaphore, #tpu.memory_space<semaphore_mem>>
      %dma_start3A_316 = arith.constant 0 : i32
      %dma_start3A_317 = tpu.memref_slice %arg17[%add3A_40, %dma_start3A_316] : memref<10240x128xf32, #tpu.memory_space<vmem_shared>> -> memref<32x128xf32, #tpu.memory_space<vmem_shared>>
      %dma_start3A_318 = arith.constant 0 : i32
      %dma_start3A_319 = tpu.memref_slice %arg17[%add3A_40, %dma_start3A_318] : memref<10240x128xf32, #tpu.memory_space<vmem_shared>> -> memref<32x128xf32, #tpu.memory_space<vmem_shared>>
      tpu.enqueue_dma source(%arg10 : memref<32x128xf32, #tpu.memory_space<vmem>>) target(%dma_start3A_319 : memref<32x128xf32, #tpu.memory_space<vmem_shared>>) target_semaphore(%run_scoped3A : memref<!tpu.dma_semaphore, #tpu.memory_space<semaphore_mem>>)
      %dma_wait3A_320 = arith.constant 0 : i32
      %dma_wait3A_321 = tpu.memref_slice %arg17[%add3A_40, %dma_wait3A_320] : memref<10240x128xf32, #tpu.memory_space<vmem_shared>> -> memref<32x128xf32, #tpu.memory_space<vmem_shared>>
      %dma_wait3A_322 = arith.constant 0 : i32
      %dma_wait3A_323 = tpu.memref_slice %arg17[%add3A_40, %dma_wait3A_322] : memref<10240x128xf32, #tpu.memory_space<vmem_shared>> -> memref<32x128xf32, #tpu.memory_space<vmem_shared>>
      tpu.wait_dma2 semaphore(%run_scoped3A : memref<!tpu.dma_semaphore, #tpu.memory_space<semaphore_mem>>) src(%arg10 : memref<32x128xf32, #tpu.memory_space<vmem>>) dst(%dma_wait3A_323 : memref<32x128xf32, #tpu.memory_space<vmem_shared>>)
      tpu.yield
    }) : () -> ()
    %add3A_41 = arith.constant 512 : i32
    %add3A_42 = arith.addi %mul3A_8, %add3A_41 : i32
    "tpu.region"() ({
      %run_scoped3A = tpu.sem_alloc : memref<!tpu.dma_semaphore, #tpu.memory_space<semaphore_mem>>
      %dma_start3A_316 = arith.constant 0 : i32
      %dma_start3A_317 = tpu.memref_slice %arg17[%add3A_42, %dma_start3A_316] : memref<10240x128xf32, #tpu.memory_space<vmem_shared>> -> memref<32x128xf32, #tpu.memory_space<vmem_shared>>
      %dma_start3A_318 = arith.constant 0 : i32
      %dma_start3A_319 = tpu.memref_slice %arg17[%add3A_42, %dma_start3A_318] : memref<10240x128xf32, #tpu.memory_space<vmem_shared>> -> memref<32x128xf32, #tpu.memory_space<vmem_shared>>
      tpu.enqueue_dma source(%arg10 : memref<32x128xf32, #tpu.memory_space<vmem>>) target(%dma_start3A_319 : memref<32x128xf32, #tpu.memory_space<vmem_shared>>) target_semaphore(%run_scoped3A : memref<!tpu.dma_semaphore, #tpu.memory_space<semaphore_mem>>)
      %dma_wait3A_320 = arith.constant 0 : i32
      %dma_wait3A_321 = tpu.memref_slice %arg17[%add3A_42, %dma_wait3A_320] : memref<10240x128xf32, #tpu.memory_space<vmem_shared>> -> memref<32x128xf32, #tpu.memory_space<vmem_shared>>
      %dma_wait3A_322 = arith.constant 0 : i32
      %dma_wait3A_323 = tpu.memref_slice %arg17[%add3A_42, %dma_wait3A_322] : memref<10240x128xf32, #tpu.memory_space<vmem_shared>> -> memref<32x128xf32, #tpu.memory_space<vmem_shared>>
      tpu.wait_dma2 semaphore(%run_scoped3A : memref<!tpu.dma_semaphore, #tpu.memory_space<semaphore_mem>>) src(%arg10 : memref<32x128xf32, #tpu.memory_space<vmem>>) dst(%dma_wait3A_323 : memref<32x128xf32, #tpu.memory_space<vmem_shared>>)
      tpu.yield
    }) : () -> ()
    %add3A_43 = arith.constant 544 : i32
    %add3A_44 = arith.addi %mul3A_8, %add3A_43 : i32
    "tpu.region"() ({
      %run_scoped3A = tpu.sem_alloc : memref<!tpu.dma_semaphore, #tpu.memory_space<semaphore_mem>>
      %dma_start3A_316 = arith.constant 0 : i32
      %dma_start3A_317 = tpu.memref_slice %arg17[%add3A_44, %dma_start3A_316] : memref<10240x128xf32, #tpu.memory_space<vmem_shared>> -> memref<32x128xf32, #tpu.memory_space<vmem_shared>>
      %dma_start3A_318 = arith.constant 0 : i32
      %dma_start3A_319 = tpu.memref_slice %arg17[%add3A_44, %dma_start3A_318] : memref<10240x128xf32, #tpu.memory_space<vmem_shared>> -> memref<32x128xf32, #tpu.memory_space<vmem_shared>>
      tpu.enqueue_dma source(%arg10 : memref<32x128xf32, #tpu.memory_space<vmem>>) target(%dma_start3A_319 : memref<32x128xf32, #tpu.memory_space<vmem_shared>>) target_semaphore(%run_scoped3A : memref<!tpu.dma_semaphore, #tpu.memory_space<semaphore_mem>>)
      %dma_wait3A_320 = arith.constant 0 : i32
      %dma_wait3A_321 = tpu.memref_slice %arg17[%add3A_44, %dma_wait3A_320] : memref<10240x128xf32, #tpu.memory_space<vmem_shared>> -> memref<32x128xf32, #tpu.memory_space<vmem_shared>>
      %dma_wait3A_322 = arith.constant 0 : i32
      %dma_wait3A_323 = tpu.memref_slice %arg17[%add3A_44, %dma_wait3A_322] : memref<10240x128xf32, #tpu.memory_space<vmem_shared>> -> memref<32x128xf32, #tpu.memory_space<vmem_shared>>
      tpu.wait_dma2 semaphore(%run_scoped3A : memref<!tpu.dma_semaphore, #tpu.memory_space<semaphore_mem>>) src(%arg10 : memref<32x128xf32, #tpu.memory_space<vmem>>) dst(%dma_wait3A_323 : memref<32x128xf32, #tpu.memory_space<vmem_shared>>)
      tpu.yield
    }) : () -> ()
    %add3A_45 = arith.constant 576 : i32
    %add3A_46 = arith.addi %mul3A_8, %add3A_45 : i32
    "tpu.region"() ({
      %run_scoped3A = tpu.sem_alloc : memref<!tpu.dma_semaphore, #tpu.memory_space<semaphore_mem>>
      %dma_start3A_316 = arith.constant 0 : i32
      %dma_start3A_317 = tpu.memref_slice %arg17[%add3A_46, %dma_start3A_316] : memref<10240x128xf32, #tpu.memory_space<vmem_shared>> -> memref<32x128xf32, #tpu.memory_space<vmem_shared>>
      %dma_start3A_318 = arith.constant 0 : i32
      %dma_start3A_319 = tpu.memref_slice %arg17[%add3A_46, %dma_start3A_318] : memref<10240x128xf32, #tpu.memory_space<vmem_shared>> -> memref<32x128xf32, #tpu.memory_space<vmem_shared>>
      tpu.enqueue_dma source(%arg10 : memref<32x128xf32, #tpu.memory_space<vmem>>) target(%dma_start3A_319 : memref<32x128xf32, #tpu.memory_space<vmem_shared>>) target_semaphore(%run_scoped3A : memref<!tpu.dma_semaphore, #tpu.memory_space<semaphore_mem>>)
      %dma_wait3A_320 = arith.constant 0 : i32
      %dma_wait3A_321 = tpu.memref_slice %arg17[%add3A_46, %dma_wait3A_320] : memref<10240x128xf32, #tpu.memory_space<vmem_shared>> -> memref<32x128xf32, #tpu.memory_space<vmem_shared>>
      %dma_wait3A_322 = arith.constant 0 : i32
      %dma_wait3A_323 = tpu.memref_slice %arg17[%add3A_46, %dma_wait3A_322] : memref<10240x128xf32, #tpu.memory_space<vmem_shared>> -> memref<32x128xf32, #tpu.memory_space<vmem_shared>>
      tpu.wait_dma2 semaphore(%run_scoped3A : memref<!tpu.dma_semaphore, #tpu.memory_space<semaphore_mem>>) src(%arg10 : memref<32x128xf32, #tpu.memory_space<vmem>>) dst(%dma_wait3A_323 : memref<32x128xf32, #tpu.memory_space<vmem_shared>>)
      tpu.yield
    }) : () -> ()
    %add3A_47 = arith.constant 608 : i32
    %add3A_48 = arith.addi %mul3A_8, %add3A_47 : i32
    "tpu.region"() ({
      %run_scoped3A = tpu.sem_alloc : memref<!tpu.dma_semaphore, #tpu.memory_space<semaphore_mem>>
      %dma_start3A_316 = arith.constant 0 : i32
      %dma_start3A_317 = tpu.memref_slice %arg17[%add3A_48, %dma_start3A_316] : memref<10240x128xf32, #tpu.memory_space<vmem_shared>> -> memref<32x128xf32, #tpu.memory_space<vmem_shared>>
      %dma_start3A_318 = arith.constant 0 : i32
      %dma_start3A_319 = tpu.memref_slice %arg17[%add3A_48, %dma_start3A_318] : memref<10240x128xf32, #tpu.memory_space<vmem_shared>> -> memref<32x128xf32, #tpu.memory_space<vmem_shared>>
      tpu.enqueue_dma source(%arg10 : memref<32x128xf32, #tpu.memory_space<vmem>>) target(%dma_start3A_319 : memref<32x128xf32, #tpu.memory_space<vmem_shared>>) target_semaphore(%run_scoped3A : memref<!tpu.dma_semaphore, #tpu.memory_space<semaphore_mem>>)
      %dma_wait3A_320 = arith.constant 0 : i32
      %dma_wait3A_321 = tpu.memref_slice %arg17[%add3A_48, %dma_wait3A_320] : memref<10240x128xf32, #tpu.memory_space<vmem_shared>> -> memref<32x128xf32, #tpu.memory_space<vmem_shared>>
      %dma_wait3A_322 = arith.constant 0 : i32
      %dma_wait3A_323 = tpu.memref_slice %arg17[%add3A_48, %dma_wait3A_322] : memref<10240x128xf32, #tpu.memory_space<vmem_shared>> -> memref<32x128xf32, #tpu.memory_space<vmem_shared>>
      tpu.wait_dma2 semaphore(%run_scoped3A : memref<!tpu.dma_semaphore, #tpu.memory_space<semaphore_mem>>) src(%arg10 : memref<32x128xf32, #tpu.memory_space<vmem>>) dst(%dma_wait3A_323 : memref<32x128xf32, #tpu.memory_space<vmem_shared>>)
      tpu.yield
    }) : () -> ()
    %scan3A_49 = arith.constant 0 : i32
    %scan3A_50 = arith.constant 0 : i32
    %scan3A_51 = arith.constant 5 : i32
    %scan3A_52 = arith.addi %scan3A_50, %scan3A_51 : i32
    %scan3A_53 = arith.constant 1 : i32
    %scan3A_54 = scf.for %scan3A_316 = %scan3A_50 to %scan3A_52 step %scan3A_53 iter_args(%scan3A_317 = %scan3A_49) -> (i32)  : i32 {
      %broadcast_in_dim3A = arith.constant 1.000000e+00 : f32
      %broadcast_in_dim3A_318 = vector.broadcast %broadcast_in_dim3A : f32 to vector<16xf32>
      %mul3A_319 = arith.constant 16 : i32
      %mul3A_320 = arith.muli %scan3A_316, %mul3A_319 : i32
      %swap3A = arith.index_cast %mul3A_320 : i32 to index
      %swap3A_321 = tpu.vector_load %arg11[%swap3A] {strides = array<i32>} : memref<80xf32, #tpu.memory_space<vmem>>, vector<16xf32>,
      %swap3A_322 = vector.shape_cast %swap3A_321 : vector<16xf32> to vector<16xf32>
      %swap3A_323 = vector.shape_cast %broadcast_in_dim3A_318 : vector<16xf32> to vector<16xf32>
      tpu.vector_store %arg11[%swap3A], %swap3A_323 {strides = array<i32>} : memref<80xf32, #tpu.memory_space<vmem>>, vector<16xf32>,
      %scan3A_324 = arith.constant 0 : i32
      scf.yield %scan3A_324 : i32
    }
    %scan3A_55 = arith.constant 5 : i32
    %scan3A_56 = arith.constant 0 : i32
    %scan3A_57 = arith.constant 0 : i32
    %scan3A_58 = arith.constant 40 : i32
    %scan3A_59 = arith.addi %scan3A_57, %scan3A_58 : i32
    %scan3A_60 = arith.constant 1 : i32
    %scan3A_61 = scf.for %scan3A_316 = %scan3A_57 to %scan3A_59 step %scan3A_60 iter_args(%scan3A_317 = %scan3A_56) -> (i32)  : i32 {
      %broadcast_in_dim3A = arith.constant 0.000000e+00 : f32
      %broadcast_in_dim3A_318 = vector.broadcast %broadcast_in_dim3A : f32 to vector<16xf32>
      %mul3A_319 = arith.constant 16 : i32
      %mul3A_320 = arith.muli %scan3A_316, %mul3A_319 : i32
      %swap3A = arith.index_cast %mul3A_320 : i32 to index
      %swap3A_321 = tpu.vector_load %arg12[%swap3A] {strides = array<i32>} : memref<640xf32, #tpu.memory_space<vmem>>, vector<16xf32>,
      %swap3A_322 = vector.shape_cast %swap3A_321 : vector<16xf32> to vector<16xf32>
      %swap3A_323 = vector.shape_cast %broadcast_in_dim3A_318 : vector<16xf32> to vector<16xf32>
      tpu.vector_store %arg12[%swap3A], %swap3A_323 {strides = array<i32>} : memref<640xf32, #tpu.memory_space<vmem>>, vector<16xf32>,
      %scan3A_324 = arith.constant 0 : i32
      scf.yield %scan3A_324 : i32
    }
    %scan3A_62 = arith.constant 40 : i32
    "tpu.region"() ({
      %run_scoped3A = tpu.sem_alloc : memref<!tpu.dma_semaphore, #tpu.memory_space<semaphore_mem>>
      %dma_start3A_316 = tpu.memref_slice %arg18[%mul3A_8] : memref<10240xf32, #tpu.memory_space<vmem_shared>> -> memref<640xf32, #tpu.memory_space<vmem_shared>>
      %dma_start3A_317 = tpu.memref_slice %arg18[%mul3A_8] : memref<10240xf32, #tpu.memory_space<vmem_shared>> -> memref<640xf32, #tpu.memory_space<vmem_shared>>
      tpu.enqueue_dma source(%arg12 : memref<640xf32, #tpu.memory_space<vmem>>) target(%dma_start3A_317 : memref<640xf32, #tpu.memory_space<vmem_shared>>) target_semaphore(%run_scoped3A : memref<!tpu.dma_semaphore, #tpu.memory_space<semaphore_mem>>)
      %dma_wait3A_318 = tpu.memref_slice %arg18[%mul3A_8] : memref<10240xf32, #tpu.memory_space<vmem_shared>> -> memref<640xf32, #tpu.memory_space<vmem_shared>>
      %dma_wait3A_319 = tpu.memref_slice %arg18[%mul3A_8] : memref<10240xf32, #tpu.memory_space<vmem_shared>> -> memref<640xf32, #tpu.memory_space<vmem_shared>>
      tpu.wait_dma2 semaphore(%run_scoped3A : memref<!tpu.dma_semaphore, #tpu.memory_space<semaphore_mem>>) src(%arg12 : memref<640xf32, #tpu.memory_space<vmem>>) dst(%dma_wait3A_319 : memref<640xf32, #tpu.memory_space<vmem_shared>>)
      tpu.yield
    }) : () -> ()
    %barrier3A = arith.constant 0 : index
    tpu.barrier barrier_id(%barrier3A)
    %mul3A_63 = arith.constant 10000 : i32
    %mul3A_64 = arith.muli %add3A, %mul3A_63 : i32
    %add3A_65 = arith.constant 0 : i32
    %add3A_66 = arith.addi %mul3A_64, %add3A_65 : i32
    %multiple_of3A = tpu.assume_multiple %add3A_66, 8 : i32
    %add3A_67 = arith.constant 0 : i32
    %add3A_68 = arith.addi %mul3A_64, %add3A_67 : i32
    %multiple_of3A_69 = tpu.assume_multiple %add3A_68, 8 : i32
    %dma_start3A = arith.constant 0 : i32
    %dma_start3A_70 = arith.constant 0 : i32
    %dma_start3A_71 = arith.constant 0 : i32
    %dma_start3A_72 = tpu.memref_slice %arg7[%dma_start3A, %dma_start3A_71] : memref<5x80xi32, #tpu.memory_space<vmem>> -> memref<1x80xi32, #tpu.memory_space<vmem>>
    %dma_start3A_73 = tpu.memref_squeeze %dma_start3A_72 : memref<1x80xi32, #tpu.memory_space<vmem>> -> memref<80xi32, #tpu.memory_space<vmem>>
    %dma_start3A_74 = tpu.memref_slice %arg3[%multiple_of3A] : memref<320000xi32, #tpu.memory_space<hbm>> -> memref<80xi32, #tpu.memory_space<hbm>>
    %dma_start3A_75 = tpu.memref_slice %arg13[%dma_start3A_70] : memref<5x!tpu.dma_semaphore, #tpu.memory_space<semaphore_mem>> -> memref<1x!tpu.dma_semaphore, #tpu.memory_space<semaphore_mem>>
    %dma_start3A_76 = tpu.memref_squeeze %dma_start3A_75 : memref<1x!tpu.dma_semaphore, #tpu.memory_space<semaphore_mem>> -> memref<!tpu.dma_semaphore, #tpu.memory_space<semaphore_mem>>
    %dma_start3A_77 = arith.constant 0 : i32
    %dma_start3A_78 = tpu.memref_slice %arg7[%dma_start3A, %dma_start3A_77] : memref<5x80xi32, #tpu.memory_space<vmem>> -> memref<1x80xi32, #tpu.memory_space<vmem>>
    %dma_start3A_79 = tpu.memref_squeeze %dma_start3A_78 : memref<1x80xi32, #tpu.memory_space<vmem>> -> memref<80xi32, #tpu.memory_space<vmem>>
    %dma_start3A_80 = tpu.memref_slice %arg3[%multiple_of3A] : memref<320000xi32, #tpu.memory_space<hbm>> -> memref<80xi32, #tpu.memory_space<hbm>>
    tpu.enqueue_dma source(%dma_start3A_80 : memref<80xi32, #tpu.memory_space<hbm>>) target(%dma_start3A_79 : memref<80xi32, #tpu.memory_space<vmem>>) target_semaphore(%dma_start3A_76 : memref<!tpu.dma_semaphore, #tpu.memory_space<semaphore_mem>>)
    %dma_start3A_81 = arith.constant 0 : i32
    %dma_start3A_82 = arith.constant 0 : i32
    %dma_start3A_83 = arith.constant 0 : i32
    %dma_start3A_84 = tpu.memref_slice %arg8[%dma_start3A_81, %dma_start3A_83] : memref<5x80xi32, #tpu.memory_space<vmem>> -> memref<1x80xi32, #tpu.memory_space<vmem>>
    %dma_start3A_85 = tpu.memref_squeeze %dma_start3A_84 : memref<1x80xi32, #tpu.memory_space<vmem>> -> memref<80xi32, #tpu.memory_space<vmem>>
    %dma_start3A_86 = tpu.memref_slice %arg4[%multiple_of3A_69] : memref<320000xi32, #tpu.memory_space<hbm>> -> memref<80xi32, #tpu.memory_space<hbm>>
    %dma_start3A_87 = tpu.memref_slice %arg13[%dma_start3A_82] : memref<5x!tpu.dma_semaphore, #tpu.memory_space<semaphore_mem>> -> memref<1x!tpu.dma_semaphore, #tpu.memory_space<semaphore_mem>>
    %dma_start3A_88 = tpu.memref_squeeze %dma_start3A_87 : memref<1x!tpu.dma_semaphore, #tpu.memory_space<semaphore_mem>> -> memref<!tpu.dma_semaphore, #tpu.memory_space<semaphore_mem>>
    %dma_start3A_89 = arith.constant 0 : i32
    %dma_start3A_90 = tpu.memref_slice %arg8[%dma_start3A_81, %dma_start3A_89] : memref<5x80xi32, #tpu.memory_space<vmem>> -> memref<1x80xi32, #tpu.memory_space<vmem>>
    %dma_start3A_91 = tpu.memref_squeeze %dma_start3A_90 : memref<1x80xi32, #tpu.memory_space<vmem>> -> memref<80xi32, #tpu.memory_space<vmem>>
    %dma_start3A_92 = tpu.memref_slice %arg4[%multiple_of3A_69] : memref<320000xi32, #tpu.memory_space<hbm>> -> memref<80xi32, #tpu.memory_space<hbm>>
    tpu.enqueue_dma source(%dma_start3A_92 : memref<80xi32, #tpu.memory_space<hbm>>) target(%dma_start3A_91 : memref<80xi32, #tpu.memory_space<vmem>>) target_semaphore(%dma_start3A_88 : memref<!tpu.dma_semaphore, #tpu.memory_space<semaphore_mem>>)
    %scan3A_93 = arith.constant 0 : i32
    %scan3A_94 = arith.constant 0 : i32
    %scan3A_95 = arith.constant 125 : i32
    %scan3A_96 = arith.addi %scan3A_94, %scan3A_95 : i32
    %scan3A_97 = arith.constant 1 : i32
    %scan3A_98 = scf.for %scan3A_316 = %scan3A_94 to %scan3A_96 step %scan3A_97 iter_args(%scan3A_317 = %scan3A_93) -> (i32)  : i32 {
      %ge3A = arith.constant 4 : i32
      %ge3A_318 = arith.cmpi sge, %scan3A_316, %ge3A : i32
      %convert_element_type3A = arith.extui %ge3A_318 : i1 to i32
      %cond3A = arith.constant 0 : i32
      %cond3A_319 = arith.cmpi ne, %convert_element_type3A, %cond3A : i32
      scf.if %cond3A_319 {
        %sub3A = arith.constant 4 : i32
        %sub3A_377 = arith.subi %scan3A_316, %sub3A : i32
        %rem3A_378 = arith.constant 5 : i32
        %rem3A_379 = arith.remsi %sub3A_377, %rem3A_378 : i32
        %sub3A_380 = arith.constant 4 : i32
        %sub3A_381 = arith.subi %scan3A_316, %sub3A_380 : i32
        %rem3A_382 = arith.constant 4 : i32
        %rem3A_383 = arith.remsi %sub3A_381, %rem3A_382 : i32
        %dma_wait3A_384 = arith.constant 0 : i32
        %dma_wait3A_385 = arith.constant 0 : i32
        %dma_wait3A_386 = tpu.memref_slice %arg9[%rem3A_383, %dma_wait3A_384, %dma_wait3A_385] : memref<4x80x128xf32, #tpu.memory_space<vmem>> -> memref<1x80x128xf32, #tpu.memory_space<vmem>>
        %dma_wait3A_387 = tpu.memref_squeeze %dma_wait3A_386 : memref<1x80x128xf32, #tpu.memory_space<vmem>> -> memref<80x128xf32, #tpu.memory_space<vmem>>
        %dma_wait3A_388 = arith.constant 0 : i32
        %dma_wait3A_389 = tpu.memref_slice %arg8[%rem3A_379, %dma_wait3A_388] : memref<5x80xi32, #tpu.memory_space<vmem>> -> memref<1x80xi32, #tpu.memory_space<vmem>>
        %dma_wait3A_390 = tpu.memref_squeeze %dma_wait3A_389 : memref<1x80xi32, #tpu.memory_space<vmem>> -> memref<80xi32, #tpu.memory_space<vmem>>
        %dma_wait3A_391 = arith.constant 0 : i32
        %dma_wait3A_392 = arith.constant 0 : i32
        %dma_wait3A_393 = tpu.memref_slice %arg17[%dma_wait3A_391, %dma_wait3A_392] : memref<10240x128xf32, #tpu.memory_space<vmem_shared>> -> memref<10240x128xf32, #tpu.memory_space<vmem_shared>>
        %dma_wait3A_394 = tpu.memref_slice %arg15[%rem3A_383] : memref<4x!tpu.dma_semaphore, #tpu.memory_space<semaphore_mem>> -> memref<1x!tpu.dma_semaphore, #tpu.memory_space<semaphore_mem>>
        %dma_wait3A_395 = tpu.memref_squeeze %dma_wait3A_394 : memref<1x!tpu.dma_semaphore, #tpu.memory_space<semaphore_mem>> -> memref<!tpu.dma_semaphore, #tpu.memory_space<semaphore_mem>>
        tpu.wait_indirect_dma semaphore(%dma_wait3A_395 : memref<!tpu.dma_semaphore, #tpu.memory_space<semaphore_mem>>) src(%dma_wait3A_387 : memref<80x128xf32, #tpu.memory_space<vmem>>) dst(%dma_wait3A_393 : memref<10240x128xf32, #tpu.memory_space<vmem_shared>>)
        %dma_wait3A_396 = arith.constant 0 : i32
        %dma_wait3A_397 = tpu.memref_slice %arg8[%rem3A_379, %dma_wait3A_396] : memref<5x80xi32, #tpu.memory_space<vmem>> -> memref<1x80xi32, #tpu.memory_space<vmem>>
        %dma_wait3A_398 = tpu.memref_squeeze %dma_wait3A_397 : memref<1x80xi32, #tpu.memory_space<vmem>> -> memref<80xi32, #tpu.memory_space<vmem>>
        %dma_wait3A_399 = arith.constant 0 : i32
        %dma_wait3A_400 = tpu.memref_slice %arg18[%dma_wait3A_399] : memref<10240xf32, #tpu.memory_space<vmem_shared>> -> memref<10240xf32, #tpu.memory_space<vmem_shared>>
        %dma_wait3A_401 = tpu.memref_slice %arg16[%rem3A_383] : memref<4x!tpu.dma_semaphore, #tpu.memory_space<semaphore_mem>> -> memref<1x!tpu.dma_semaphore, #tpu.memory_space<semaphore_mem>>
        %dma_wait3A_402 = tpu.memref_squeeze %dma_wait3A_401 : memref<1x!tpu.dma_semaphore, #tpu.memory_space<semaphore_mem>> -> memref<!tpu.dma_semaphore, #tpu.memory_space<semaphore_mem>>
        tpu.wait_indirect_dma semaphore(%dma_wait3A_402 : memref<!tpu.dma_semaphore, #tpu.memory_space<semaphore_mem>>) src(%arg11 : memref<80xf32, #tpu.memory_space<vmem>>) dst(%dma_wait3A_400 : memref<10240xf32, #tpu.memory_space<vmem_shared>>)
      } else {
      }
      %add3A_320 = arith.constant 1 : i32
      %add3A_321 = arith.addi %scan3A_316, %add3A_320 : i32
      %lt3A = arith.constant 125 : i32
      %lt3A_322 = arith.cmpi slt, %add3A_321, %lt3A : i32
      %convert_element_type3A_323 = arith.extui %lt3A_322 : i1 to i32
      %cond3A_324 = arith.constant 0 : i32
      %cond3A_325 = arith.cmpi ne, %convert_element_type3A_323, %cond3A_324 : i32
      scf.if %cond3A_325 {
        %add3A_377 = arith.constant 1 : i32
        %add3A_378 = arith.addi %scan3A_316, %add3A_377 : i32
        %add3A_379 = arith.constant 1 : i32
        %add3A_380 = arith.addi %scan3A_316, %add3A_379 : i32
        %rem3A_381 = arith.constant 5 : i32
        %rem3A_382 = arith.remsi %add3A_380, %rem3A_381 : i32
        %mul3A_383 = arith.constant 80 : i32
        %mul3A_384 = arith.muli %add3A_378, %mul3A_383 : i32
        %add3A_385 = arith.addi %mul3A_64, %mul3A_384 : i32
        %multiple_of3A_386 = tpu.assume_multiple %add3A_385, 8 : i32
        %mul3A_387 = arith.constant 80 : i32
        %mul3A_388 = arith.muli %add3A_378, %mul3A_387 : i32
        %add3A_389 = arith.addi %mul3A_64, %mul3A_388 : i32
        %multiple_of3A_390 = tpu.assume_multiple %add3A_389, 8 : i32
        %dma_start3A_391 = arith.constant 0 : i32
        %dma_start3A_392 = tpu.memref_slice %arg7[%rem3A_382, %dma_start3A_391] : memref<5x80xi32, #tpu.memory_space<vmem>> -> memref<1x80xi32, #tpu.memory_space<vmem>>
        %dma_start3A_393 = tpu.memref_squeeze %dma_start3A_392 : memref<1x80xi32, #tpu.memory_space<vmem>> -> memref<80xi32, #tpu.memory_space<vmem>>
        %dma_start3A_394 = tpu.memref_slice %arg3[%multiple_of3A_386] : memref<320000xi32, #tpu.memory_space<hbm>> -> memref<80xi32, #tpu.memory_space<hbm>>
        %dma_start3A_395 = tpu.memref_slice %arg13[%rem3A_382] : memref<5x!tpu.dma_semaphore, #tpu.memory_space<semaphore_mem>> -> memref<1x!tpu.dma_semaphore, #tpu.memory_space<semaphore_mem>>
        %dma_start3A_396 = tpu.memref_squeeze %dma_start3A_395 : memref<1x!tpu.dma_semaphore, #tpu.memory_space<semaphore_mem>> -> memref<!tpu.dma_semaphore, #tpu.memory_space<semaphore_mem>>
        %dma_start3A_397 = arith.constant 0 : i32
        %dma_start3A_398 = tpu.memref_slice %arg7[%rem3A_382, %dma_start3A_397] : memref<5x80xi32, #tpu.memory_space<vmem>> -> memref<1x80xi32, #tpu.memory_space<vmem>>
        %dma_start3A_399 = tpu.memref_squeeze %dma_start3A_398 : memref<1x80xi32, #tpu.memory_space<vmem>> -> memref<80xi32, #tpu.memory_space<vmem>>
        %dma_start3A_400 = tpu.memref_slice %arg3[%multiple_of3A_386] : memref<320000xi32, #tpu.memory_space<hbm>> -> memref<80xi32, #tpu.memory_space<hbm>>
        tpu.enqueue_dma source(%dma_start3A_400 : memref<80xi32, #tpu.memory_space<hbm>>) target(%dma_start3A_399 : memref<80xi32, #tpu.memory_space<vmem>>) target_semaphore(%dma_start3A_396 : memref<!tpu.dma_semaphore, #tpu.memory_space<semaphore_mem>>)
        %dma_start3A_401 = arith.constant 0 : i32
        %dma_start3A_402 = tpu.memref_slice %arg8[%rem3A_382, %dma_start3A_401] : memref<5x80xi32, #tpu.memory_space<vmem>> -> memref<1x80xi32, #tpu.memory_space<vmem>>
        %dma_start3A_403 = tpu.memref_squeeze %dma_start3A_402 : memref<1x80xi32, #tpu.memory_space<vmem>> -> memref<80xi32, #tpu.memory_space<vmem>>
        %dma_start3A_404 = tpu.memref_slice %arg4[%multiple_of3A_390] : memref<320000xi32, #tpu.memory_space<hbm>> -> memref<80xi32, #tpu.memory_space<hbm>>
        %dma_start3A_405 = tpu.memref_slice %arg13[%rem3A_382] : memref<5x!tpu.dma_semaphore, #tpu.memory_space<semaphore_mem>> -> memref<1x!tpu.dma_semaphore, #tpu.memory_space<semaphore_mem>>
        %dma_start3A_406 = tpu.memref_squeeze %dma_start3A_405 : memref<1x!tpu.dma_semaphore, #tpu.memory_space<semaphore_mem>> -> memref<!tpu.dma_semaphore, #tpu.memory_space<semaphore_mem>>
        %dma_start3A_407 = arith.constant 0 : i32
        %dma_start3A_408 = tpu.memref_slice %arg8[%rem3A_382, %dma_start3A_407] : memref<5x80xi32, #tpu.memory_space<vmem>> -> memref<1x80xi32, #tpu.memory_space<vmem>>
        %dma_start3A_409 = tpu.memref_squeeze %dma_start3A_408 : memref<1x80xi32, #tpu.memory_space<vmem>> -> memref<80xi32, #tpu.memory_space<vmem>>
        %dma_start3A_410 = tpu.memref_slice %arg4[%multiple_of3A_390] : memref<320000xi32, #tpu.memory_space<hbm>> -> memref<80xi32, #tpu.memory_space<hbm>>
        tpu.enqueue_dma source(%dma_start3A_410 : memref<80xi32, #tpu.memory_space<hbm>>) target(%dma_start3A_409 : memref<80xi32, #tpu.memory_space<vmem>>) target_semaphore(%dma_start3A_406 : memref<!tpu.dma_semaphore, #tpu.memory_space<semaphore_mem>>)
      } else {
      }
      %rem3A = arith.constant 5 : i32
      %rem3A_326 = arith.remsi %scan3A_316, %rem3A : i32
      %mul3A_327 = arith.constant 80 : i32
      %mul3A_328 = arith.muli %scan3A_316, %mul3A_327 : i32
      %add3A_329 = arith.addi %mul3A_64, %mul3A_328 : i32
      %multiple_of3A_330 = tpu.assume_multiple %add3A_329, 8 : i32
      %mul3A_331 = arith.constant 80 : i32
      %mul3A_332 = arith.muli %scan3A_316, %mul3A_331 : i32
      %add3A_333 = arith.addi %mul3A_64, %mul3A_332 : i32
      %multiple_of3A_334 = tpu.assume_multiple %add3A_333, 8 : i32
      %dma_wait3A_335 = arith.constant 0 : i32
      %dma_wait3A_336 = tpu.memref_slice %arg7[%rem3A_326, %dma_wait3A_335] : memref<5x80xi32, #tpu.memory_space<vmem>> -> memref<1x80xi32, #tpu.memory_space<vmem>>
      %dma_wait3A_337 = tpu.memref_squeeze %dma_wait3A_336 : memref<1x80xi32, #tpu.memory_space<vmem>> -> memref<80xi32, #tpu.memory_space<vmem>>
      %dma_wait3A_338 = tpu.memref_slice %arg3[%multiple_of3A_330] : memref<320000xi32, #tpu.memory_space<hbm>> -> memref<80xi32, #tpu.memory_space<hbm>>
      %dma_wait3A_339 = tpu.memref_slice %arg13[%rem3A_326] : memref<5x!tpu.dma_semaphore, #tpu.memory_space<semaphore_mem>> -> memref<1x!tpu.dma_semaphore, #tpu.memory_space<semaphore_mem>>
      %dma_wait3A_340 = tpu.memref_squeeze %dma_wait3A_339 : memref<1x!tpu.dma_semaphore, #tpu.memory_space<semaphore_mem>> -> memref<!tpu.dma_semaphore, #tpu.memory_space<semaphore_mem>>
      %dma_wait3A_341 = arith.constant 0 : i32
      %dma_wait3A_342 = tpu.memref_slice %arg7[%rem3A_326, %dma_wait3A_341] : memref<5x80xi32, #tpu.memory_space<vmem>> -> memref<1x80xi32, #tpu.memory_space<vmem>>
      %dma_wait3A_343 = tpu.memref_squeeze %dma_wait3A_342 : memref<1x80xi32, #tpu.memory_space<vmem>> -> memref<80xi32, #tpu.memory_space<vmem>>
      %dma_wait3A_344 = tpu.memref_slice %arg3[%multiple_of3A_330] : memref<320000xi32, #tpu.memory_space<hbm>> -> memref<80xi32, #tpu.memory_space<hbm>>
      tpu.wait_dma2 semaphore(%dma_wait3A_340 : memref<!tpu.dma_semaphore, #tpu.memory_space<semaphore_mem>>) src(%dma_wait3A_344 : memref<80xi32, #tpu.memory_space<hbm>>) dst(%dma_wait3A_343 : memref<80xi32, #tpu.memory_space<vmem>>)
      %dma_wait3A_345 = arith.constant 0 : i32
      %dma_wait3A_346 = tpu.memref_slice %arg8[%rem3A_326, %dma_wait3A_345] : memref<5x80xi32, #tpu.memory_space<vmem>> -> memref<1x80xi32, #tpu.memory_space<vmem>>
      %dma_wait3A_347 = tpu.memref_squeeze %dma_wait3A_346 : memref<1x80xi32, #tpu.memory_space<vmem>> -> memref<80xi32, #tpu.memory_space<vmem>>
      %dma_wait3A_348 = tpu.memref_slice %arg4[%multiple_of3A_334] : memref<320000xi32, #tpu.memory_space<hbm>> -> memref<80xi32, #tpu.memory_space<hbm>>
      %dma_wait3A_349 = tpu.memref_slice %arg13[%rem3A_326] : memref<5x!tpu.dma_semaphore, #tpu.memory_space<semaphore_mem>> -> memref<1x!tpu.dma_semaphore, #tpu.memory_space<semaphore_mem>>
      %dma_wait3A_350 = tpu.memref_squeeze %dma_wait3A_349 : memref<1x!tpu.dma_semaphore, #tpu.memory_space<semaphore_mem>> -> memref<!tpu.dma_semaphore, #tpu.memory_space<semaphore_mem>>
      %dma_wait3A_351 = arith.constant 0 : i32
      %dma_wait3A_352 = tpu.memref_slice %arg8[%rem3A_326, %dma_wait3A_351] : memref<5x80xi32, #tpu.memory_space<vmem>> -> memref<1x80xi32, #tpu.memory_space<vmem>>
      %dma_wait3A_353 = tpu.memref_squeeze %dma_wait3A_352 : memref<1x80xi32, #tpu.memory_space<vmem>> -> memref<80xi32, #tpu.memory_space<vmem>>
      %dma_wait3A_354 = tpu.memref_slice %arg4[%multiple_of3A_334] : memref<320000xi32, #tpu.memory_space<hbm>> -> memref<80xi32, #tpu.memory_space<hbm>>
      tpu.wait_dma2 semaphore(%dma_wait3A_350 : memref<!tpu.dma_semaphore, #tpu.memory_space<semaphore_mem>>) src(%dma_wait3A_354 : memref<80xi32, #tpu.memory_space<hbm>>) dst(%dma_wait3A_353 : memref<80xi32, #tpu.memory_space<vmem>>)
      %rem3A_355 = arith.constant 5 : i32
      %rem3A_356 = arith.remsi %scan3A_316, %rem3A_355 : i32
      %rem3A_357 = arith.constant 4 : i32
      %rem3A_358 = arith.remsi %scan3A_316, %rem3A_357 : i32
      %dma_start3A_359 = arith.constant 0 : i32
      %dma_start3A_360 = arith.constant 0 : i32
      %dma_start3A_361 = tpu.memref_slice %arg9[%rem3A_358, %dma_start3A_359, %dma_start3A_360] : memref<4x80x128xf32, #tpu.memory_space<vmem>> -> memref<1x80x128xf32, #tpu.memory_space<vmem>>
      %dma_start3A_362 = tpu.memref_squeeze %dma_start3A_361 : memref<1x80x128xf32, #tpu.memory_space<vmem>> -> memref<80x128xf32, #tpu.memory_space<vmem>>
      %dma_start3A_363 = arith.constant 0 : i32
      %dma_start3A_364 = tpu.memref_slice %arg7[%rem3A_356, %dma_start3A_363] : memref<5x80xi32, #tpu.memory_space<vmem>> -> memref<1x80xi32, #tpu.memory_space<vmem>>
      %dma_start3A_365 = tpu.memref_squeeze %dma_start3A_364 : memref<1x80xi32, #tpu.memory_space<vmem>> -> memref<80xi32, #tpu.memory_space<vmem>>
      %dma_start3A_366 = arith.constant 0 : i32
      %dma_start3A_367 = arith.constant 0 : i32
      %dma_start3A_368 = tpu.memref_slice %arg2[%dma_start3A_366, %dma_start3A_367] : memref<10000x128xf32, #tpu.memory_space<hbm>> -> memref<10000x128xf32, #tpu.memory_space<hbm>>
      %dma_start3A_369 = tpu.memref_slice %arg14[%rem3A_358] : memref<4x!tpu.dma_semaphore, #tpu.memory_space<semaphore_mem>> -> memref<1x!tpu.dma_semaphore, #tpu.memory_space<semaphore_mem>>
      %dma_start3A_370 = tpu.memref_squeeze %dma_start3A_369 : memref<1x!tpu.dma_semaphore, #tpu.memory_space<semaphore_mem>> -> memref<!tpu.dma_semaphore, #tpu.memory_space<semaphore_mem>>
      tpu.enqueue_indirect_dma source(%dma_start3A_368 : memref<10000x128xf32, #tpu.memory_space<hbm>>) target(%dma_start3A_362 : memref<80x128xf32, #tpu.memory_space<vmem>>) offsets(%dma_start3A_365 : memref<80xi32, #tpu.memory_space<vmem>>) semaphore(%dma_start3A_370 : memref<!tpu.dma_semaphore, #tpu.memory_space<semaphore_mem>>)
      %ge3A_371 = arith.constant 3 : i32
      %ge3A_372 = arith.cmpi sge, %scan3A_316, %ge3A_371 : i32
      %convert_element_type3A_373 = arith.extui %ge3A_372 : i1 to i32
      %cond3A_374 = arith.constant 0 : i32
      %cond3A_375 = arith.cmpi ne, %convert_element_type3A_373, %cond3A_374 : i32
      scf.if %cond3A_375 {
        %sub3A = arith.constant 3 : i32
        %sub3A_377 = arith.subi %scan3A_316, %sub3A : i32
        %rem3A_378 = arith.constant 5 : i32
        %rem3A_379 = arith.remsi %sub3A_377, %rem3A_378 : i32
        %sub3A_380 = arith.constant 3 : i32
        %sub3A_381 = arith.subi %scan3A_316, %sub3A_380 : i32
        %rem3A_382 = arith.constant 4 : i32
        %rem3A_383 = arith.remsi %sub3A_381, %rem3A_382 : i32
        %dma_wait3A_384 = arith.constant 0 : i32
        %dma_wait3A_385 = arith.constant 0 : i32
        %dma_wait3A_386 = tpu.memref_slice %arg9[%rem3A_383, %dma_wait3A_384, %dma_wait3A_385] : memref<4x80x128xf32, #tpu.memory_space<vmem>> -> memref<1x80x128xf32, #tpu.memory_space<vmem>>
        %dma_wait3A_387 = tpu.memref_squeeze %dma_wait3A_386 : memref<1x80x128xf32, #tpu.memory_space<vmem>> -> memref<80x128xf32, #tpu.memory_space<vmem>>
        %dma_wait3A_388 = arith.constant 0 : i32
        %dma_wait3A_389 = tpu.memref_slice %arg7[%rem3A_379, %dma_wait3A_388] : memref<5x80xi32, #tpu.memory_space<vmem>> -> memref<1x80xi32, #tpu.memory_space<vmem>>
        %dma_wait3A_390 = tpu.memref_squeeze %dma_wait3A_389 : memref<1x80xi32, #tpu.memory_space<vmem>> -> memref<80xi32, #tpu.memory_space<vmem>>
        %dma_wait3A_391 = arith.constant 0 : i32
        %dma_wait3A_392 = arith.constant 0 : i32
        %dma_wait3A_393 = tpu.memref_slice %arg2[%dma_wait3A_391, %dma_wait3A_392] : memref<10000x128xf32, #tpu.memory_space<hbm>> -> memref<10000x128xf32, #tpu.memory_space<hbm>>
        %dma_wait3A_394 = tpu.memref_slice %arg14[%rem3A_383] : memref<4x!tpu.dma_semaphore, #tpu.memory_space<semaphore_mem>> -> memref<1x!tpu.dma_semaphore, #tpu.memory_space<semaphore_mem>>
        %dma_wait3A_395 = tpu.memref_squeeze %dma_wait3A_394 : memref<1x!tpu.dma_semaphore, #tpu.memory_space<semaphore_mem>> -> memref<!tpu.dma_semaphore, #tpu.memory_space<semaphore_mem>>
        tpu.wait_indirect_dma semaphore(%dma_wait3A_395 : memref<!tpu.dma_semaphore, #tpu.memory_space<semaphore_mem>>) src(%dma_wait3A_393 : memref<10000x128xf32, #tpu.memory_space<hbm>>) dst(%dma_wait3A_387 : memref<80x128xf32, #tpu.memory_space<vmem>>)
        %sub3A_396 = arith.constant 3 : i32
        %sub3A_397 = arith.subi %scan3A_316, %sub3A_396 : i32
        %rem3A_398 = arith.constant 5 : i32
        %rem3A_399 = arith.remsi %sub3A_397, %rem3A_398 : i32
        %sub3A_400 = arith.constant 3 : i32
        %sub3A_401 = arith.subi %scan3A_316, %sub3A_400 : i32
        %rem3A_402 = arith.constant 4 : i32
        %rem3A_403 = arith.remsi %sub3A_401, %rem3A_402 : i32
        %dma_start3A_404 = arith.constant 0 : i32
        %dma_start3A_405 = arith.constant 0 : i32
        %dma_start3A_406 = tpu.memref_slice %arg9[%rem3A_403, %dma_start3A_404, %dma_start3A_405] : memref<4x80x128xf32, #tpu.memory_space<vmem>> -> memref<1x80x128xf32, #tpu.memory_space<vmem>>
        %dma_start3A_407 = tpu.memref_squeeze %dma_start3A_406 : memref<1x80x128xf32, #tpu.memory_space<vmem>> -> memref<80x128xf32, #tpu.memory_space<vmem>>
        %dma_start3A_408 = arith.constant 0 : i32
        %dma_start3A_409 = tpu.memref_slice %arg8[%rem3A_399, %dma_start3A_408] : memref<5x80xi32, #tpu.memory_space<vmem>> -> memref<1x80xi32, #tpu.memory_space<vmem>>
        %dma_start3A_410 = tpu.memref_squeeze %dma_start3A_409 : memref<1x80xi32, #tpu.memory_space<vmem>> -> memref<80xi32, #tpu.memory_space<vmem>>
        %dma_start3A_411 = arith.constant 0 : i32
        %dma_start3A_412 = arith.constant 0 : i32
        %dma_start3A_413 = tpu.memref_slice %arg17[%dma_start3A_411, %dma_start3A_412] : memref<10240x128xf32, #tpu.memory_space<vmem_shared>> -> memref<10240x128xf32, #tpu.memory_space<vmem_shared>>
        %dma_start3A_414 = tpu.memref_slice %arg15[%rem3A_403] : memref<4x!tpu.dma_semaphore, #tpu.memory_space<semaphore_mem>> -> memref<1x!tpu.dma_semaphore, #tpu.memory_space<semaphore_mem>>
        %dma_start3A_415 = tpu.memref_squeeze %dma_start3A_414 : memref<1x!tpu.dma_semaphore, #tpu.memory_space<semaphore_mem>> -> memref<!tpu.dma_semaphore, #tpu.memory_space<semaphore_mem>>
        tpu.enqueue_indirect_dma source(%dma_start3A_407 : memref<80x128xf32, #tpu.memory_space<vmem>>) target(%dma_start3A_413 : memref<10240x128xf32, #tpu.memory_space<vmem_shared>>) offsets(%dma_start3A_410 : memref<80xi32, #tpu.memory_space<vmem>>) semaphore(%dma_start3A_415 : memref<!tpu.dma_semaphore, #tpu.memory_space<semaphore_mem>>) {add = true}
        %dma_start3A_416 = arith.constant 0 : i32
        %dma_start3A_417 = tpu.memref_slice %arg8[%rem3A_399, %dma_start3A_416] : memref<5x80xi32, #tpu.memory_space<vmem>> -> memref<1x80xi32, #tpu.memory_space<vmem>>
        %dma_start3A_418 = tpu.memref_squeeze %dma_start3A_417 : memref<1x80xi32, #tpu.memory_space<vmem>> -> memref<80xi32, #tpu.memory_space<vmem>>
        %dma_start3A_419 = arith.constant 0 : i32
        %dma_start3A_420 = tpu.memref_slice %arg18[%dma_start3A_419] : memref<10240xf32, #tpu.memory_space<vmem_shared>> -> memref<10240xf32, #tpu.memory_space<vmem_shared>>
        %dma_start3A_421 = tpu.memref_slice %arg16[%rem3A_403] : memref<4x!tpu.dma_semaphore, #tpu.memory_space<semaphore_mem>> -> memref<1x!tpu.dma_semaphore, #tpu.memory_space<semaphore_mem>>
        %dma_start3A_422 = tpu.memref_squeeze %dma_start3A_421 : memref<1x!tpu.dma_semaphore, #tpu.memory_space<semaphore_mem>> -> memref<!tpu.dma_semaphore, #tpu.memory_space<semaphore_mem>>
        tpu.enqueue_indirect_dma source(%arg11 : memref<80xf32, #tpu.memory_space<vmem>>) target(%dma_start3A_420 : memref<10240xf32, #tpu.memory_space<vmem_shared>>) offsets(%dma_start3A_418 : memref<80xi32, #tpu.memory_space<vmem>>) semaphore(%dma_start3A_422 : memref<!tpu.dma_semaphore, #tpu.memory_space<semaphore_mem>>) {add = true}
      } else {
      }
      %scan3A_376 = arith.constant 0 : i32
      scf.yield %scan3A_376 : i32
    }
    %scan3A_99 = arith.constant 125 : i32
    %dma_wait3A = arith.constant 2 : i32
    %dma_wait3A_100 = arith.constant 2 : i32
    %dma_wait3A_101 = arith.constant 2 : i32
    %dma_wait3A_102 = arith.constant 0 : i32
    %dma_wait3A_103 = arith.constant 0 : i32
    %dma_wait3A_104 = tpu.memref_slice %arg9[%dma_wait3A_100, %dma_wait3A_102, %dma_wait3A_103] : memref<4x80x128xf32, #tpu.memory_space<vmem>> -> memref<1x80x128xf32, #tpu.memory_space<vmem>>
    %dma_wait3A_105 = tpu.memref_squeeze %dma_wait3A_104 : memref<1x80x128xf32, #tpu.memory_space<vmem>> -> memref<80x128xf32, #tpu.memory_space<vmem>>
    %dma_wait3A_106 = arith.constant 0 : i32
    %dma_wait3A_107 = tpu.memref_slice %arg7[%dma_wait3A, %dma_wait3A_106] : memref<5x80xi32, #tpu.memory_space<vmem>> -> memref<1x80xi32, #tpu.memory_space<vmem>>
    %dma_wait3A_108 = tpu.memref_squeeze %dma_wait3A_107 : memref<1x80xi32, #tpu.memory_space<vmem>> -> memref<80xi32, #tpu.memory_space<vmem>>
    %dma_wait3A_109 = arith.constant 0 : i32
    %dma_wait3A_110 = arith.constant 0 : i32
    %dma_wait3A_111 = tpu.memref_slice %arg2[%dma_wait3A_109, %dma_wait3A_110] : memref<10000x128xf32, #tpu.memory_space<hbm>> -> memref<10000x128xf32, #tpu.memory_space<hbm>>
    %dma_wait3A_112 = tpu.memref_slice %arg14[%dma_wait3A_101] : memref<4x!tpu.dma_semaphore, #tpu.memory_space<semaphore_mem>> -> memref<1x!tpu.dma_semaphore, #tpu.memory_space<semaphore_mem>>
    %dma_wait3A_113 = tpu.memref_squeeze %dma_wait3A_112 : memref<1x!tpu.dma_semaphore, #tpu.memory_space<semaphore_mem>> -> memref<!tpu.dma_semaphore, #tpu.memory_space<semaphore_mem>>
    tpu.wait_indirect_dma semaphore(%dma_wait3A_113 : memref<!tpu.dma_semaphore, #tpu.memory_space<semaphore_mem>>) src(%dma_wait3A_111 : memref<10000x128xf32, #tpu.memory_space<hbm>>) dst(%dma_wait3A_105 : memref<80x128xf32, #tpu.memory_space<vmem>>)
    %dma_start3A_114 = arith.constant 2 : i32
    %dma_start3A_115 = arith.constant 2 : i32
    %dma_start3A_116 = arith.constant 2 : i32
    %dma_start3A_117 = arith.constant 0 : i32
    %dma_start3A_118 = arith.constant 0 : i32
    %dma_start3A_119 = tpu.memref_slice %arg9[%dma_start3A_114, %dma_start3A_117, %dma_start3A_118] : memref<4x80x128xf32, #tpu.memory_space<vmem>> -> memref<1x80x128xf32, #tpu.memory_space<vmem>>
    %dma_start3A_120 = tpu.memref_squeeze %dma_start3A_119 : memref<1x80x128xf32, #tpu.memory_space<vmem>> -> memref<80x128xf32, #tpu.memory_space<vmem>>
    %dma_start3A_121 = arith.constant 0 : i32
    %dma_start3A_122 = tpu.memref_slice %arg8[%dma_start3A_115, %dma_start3A_121] : memref<5x80xi32, #tpu.memory_space<vmem>> -> memref<1x80xi32, #tpu.memory_space<vmem>>
    %dma_start3A_123 = tpu.memref_squeeze %dma_start3A_122 : memref<1x80xi32, #tpu.memory_space<vmem>> -> memref<80xi32, #tpu.memory_space<vmem>>
    %dma_start3A_124 = arith.constant 0 : i32
    %dma_start3A_125 = arith.constant 0 : i32
    %dma_start3A_126 = tpu.memref_slice %arg17[%dma_start3A_124, %dma_start3A_125] : memref<10240x128xf32, #tpu.memory_space<vmem_shared>> -> memref<10240x128xf32, #tpu.memory_space<vmem_shared>>
    %dma_start3A_127 = tpu.memref_slice %arg15[%dma_start3A_116] : memref<4x!tpu.dma_semaphore, #tpu.memory_space<semaphore_mem>> -> memref<1x!tpu.dma_semaphore, #tpu.memory_space<semaphore_mem>>
    %dma_start3A_128 = tpu.memref_squeeze %dma_start3A_127 : memref<1x!tpu.dma_semaphore, #tpu.memory_space<semaphore_mem>> -> memref<!tpu.dma_semaphore, #tpu.memory_space<semaphore_mem>>
    tpu.enqueue_indirect_dma source(%dma_start3A_120 : memref<80x128xf32, #tpu.memory_space<vmem>>) target(%dma_start3A_126 : memref<10240x128xf32, #tpu.memory_space<vmem_shared>>) offsets(%dma_start3A_123 : memref<80xi32, #tpu.memory_space<vmem>>) semaphore(%dma_start3A_128 : memref<!tpu.dma_semaphore, #tpu.memory_space<semaphore_mem>>) {add = true}
    %dma_start3A_129 = arith.constant 2 : i32
    %dma_start3A_130 = arith.constant 2 : i32
    %dma_start3A_131 = arith.constant 0 : i32
    %dma_start3A_132 = tpu.memref_slice %arg8[%dma_start3A_129, %dma_start3A_131] : memref<5x80xi32, #tpu.memory_space<vmem>> -> memref<1x80xi32, #tpu.memory_space<vmem>>
    %dma_start3A_133 = tpu.memref_squeeze %dma_start3A_132 : memref<1x80xi32, #tpu.memory_space<vmem>> -> memref<80xi32, #tpu.memory_space<vmem>>
    %dma_start3A_134 = arith.constant 0 : i32
    %dma_start3A_135 = tpu.memref_slice %arg18[%dma_start3A_134] : memref<10240xf32, #tpu.memory_space<vmem_shared>> -> memref<10240xf32, #tpu.memory_space<vmem_shared>>
    %dma_start3A_136 = tpu.memref_slice %arg16[%dma_start3A_130] : memref<4x!tpu.dma_semaphore, #tpu.memory_space<semaphore_mem>> -> memref<1x!tpu.dma_semaphore, #tpu.memory_space<semaphore_mem>>
    %dma_start3A_137 = tpu.memref_squeeze %dma_start3A_136 : memref<1x!tpu.dma_semaphore, #tpu.memory_space<semaphore_mem>> -> memref<!tpu.dma_semaphore, #tpu.memory_space<semaphore_mem>>
    tpu.enqueue_indirect_dma source(%arg11 : memref<80xf32, #tpu.memory_space<vmem>>) target(%dma_start3A_135 : memref<10240xf32, #tpu.memory_space<vmem_shared>>) offsets(%dma_start3A_133 : memref<80xi32, #tpu.memory_space<vmem>>) semaphore(%dma_start3A_137 : memref<!tpu.dma_semaphore, #tpu.memory_space<semaphore_mem>>) {add = true}
    %dma_wait3A_138 = arith.constant 3 : i32
    %dma_wait3A_139 = arith.constant 3 : i32
    %dma_wait3A_140 = arith.constant 3 : i32
    %dma_wait3A_141 = arith.constant 0 : i32
    %dma_wait3A_142 = arith.constant 0 : i32
    %dma_wait3A_143 = tpu.memref_slice %arg9[%dma_wait3A_139, %dma_wait3A_141, %dma_wait3A_142] : memref<4x80x128xf32, #tpu.memory_space<vmem>> -> memref<1x80x128xf32, #tpu.memory_space<vmem>>
    %dma_wait3A_144 = tpu.memref_squeeze %dma_wait3A_143 : memref<1x80x128xf32, #tpu.memory_space<vmem>> -> memref<80x128xf32, #tpu.memory_space<vmem>>
    %dma_wait3A_145 = arith.constant 0 : i32
    %dma_wait3A_146 = tpu.memref_slice %arg7[%dma_wait3A_138, %dma_wait3A_145] : memref<5x80xi32, #tpu.memory_space<vmem>> -> memref<1x80xi32, #tpu.memory_space<vmem>>
    %dma_wait3A_147 = tpu.memref_squeeze %dma_wait3A_146 : memref<1x80xi32, #tpu.memory_space<vmem>> -> memref<80xi32, #tpu.memory_space<vmem>>
    %dma_wait3A_148 = arith.constant 0 : i32
    %dma_wait3A_149 = arith.constant 0 : i32
    %dma_wait3A_150 = tpu.memref_slice %arg2[%dma_wait3A_148, %dma_wait3A_149] : memref<10000x128xf32, #tpu.memory_space<hbm>> -> memref<10000x128xf32, #tpu.memory_space<hbm>>
    %dma_wait3A_151 = tpu.memref_slice %arg14[%dma_wait3A_140] : memref<4x!tpu.dma_semaphore, #tpu.memory_space<semaphore_mem>> -> memref<1x!tpu.dma_semaphore, #tpu.memory_space<semaphore_mem>>
    %dma_wait3A_152 = tpu.memref_squeeze %dma_wait3A_151 : memref<1x!tpu.dma_semaphore, #tpu.memory_space<semaphore_mem>> -> memref<!tpu.dma_semaphore, #tpu.memory_space<semaphore_mem>>
    tpu.wait_indirect_dma semaphore(%dma_wait3A_152 : memref<!tpu.dma_semaphore, #tpu.memory_space<semaphore_mem>>) src(%dma_wait3A_150 : memref<10000x128xf32, #tpu.memory_space<hbm>>) dst(%dma_wait3A_144 : memref<80x128xf32, #tpu.memory_space<vmem>>)
    %dma_start3A_153 = arith.constant 3 : i32
    %dma_start3A_154 = arith.constant 3 : i32
    %dma_start3A_155 = arith.constant 3 : i32
    %dma_start3A_156 = arith.constant 0 : i32
    %dma_start3A_157 = arith.constant 0 : i32
    %dma_start3A_158 = tpu.memref_slice %arg9[%dma_start3A_153, %dma_start3A_156, %dma_start3A_157] : memref<4x80x128xf32, #tpu.memory_space<vmem>> -> memref<1x80x128xf32, #tpu.memory_space<vmem>>
    %dma_start3A_159 = tpu.memref_squeeze %dma_start3A_158 : memref<1x80x128xf32, #tpu.memory_space<vmem>> -> memref<80x128xf32, #tpu.memory_space<vmem>>
    %dma_start3A_160 = arith.constant 0 : i32
    %dma_start3A_161 = tpu.memref_slice %arg8[%dma_start3A_154, %dma_start3A_160] : memref<5x80xi32, #tpu.memory_space<vmem>> -> memref<1x80xi32, #tpu.memory_space<vmem>>
    %dma_start3A_162 = tpu.memref_squeeze %dma_start3A_161 : memref<1x80xi32, #tpu.memory_space<vmem>> -> memref<80xi32, #tpu.memory_space<vmem>>
    %dma_start3A_163 = arith.constant 0 : i32
    %dma_start3A_164 = arith.constant 0 : i32
    %dma_start3A_165 = tpu.memref_slice %arg17[%dma_start3A_163, %dma_start3A_164] : memref<10240x128xf32, #tpu.memory_space<vmem_shared>> -> memref<10240x128xf32, #tpu.memory_space<vmem_shared>>
    %dma_start3A_166 = tpu.memref_slice %arg15[%dma_start3A_155] : memref<4x!tpu.dma_semaphore, #tpu.memory_space<semaphore_mem>> -> memref<1x!tpu.dma_semaphore, #tpu.memory_space<semaphore_mem>>
    %dma_start3A_167 = tpu.memref_squeeze %dma_start3A_166 : memref<1x!tpu.dma_semaphore, #tpu.memory_space<semaphore_mem>> -> memref<!tpu.dma_semaphore, #tpu.memory_space<semaphore_mem>>
    tpu.enqueue_indirect_dma source(%dma_start3A_159 : memref<80x128xf32, #tpu.memory_space<vmem>>) target(%dma_start3A_165 : memref<10240x128xf32, #tpu.memory_space<vmem_shared>>) offsets(%dma_start3A_162 : memref<80xi32, #tpu.memory_space<vmem>>) semaphore(%dma_start3A_167 : memref<!tpu.dma_semaphore, #tpu.memory_space<semaphore_mem>>) {add = true}
    %dma_start3A_168 = arith.constant 3 : i32
    %dma_start3A_169 = arith.constant 3 : i32
    %dma_start3A_170 = arith.constant 0 : i32
    %dma_start3A_171 = tpu.memref_slice %arg8[%dma_start3A_168, %dma_start3A_170] : memref<5x80xi32, #tpu.memory_space<vmem>> -> memref<1x80xi32, #tpu.memory_space<vmem>>
    %dma_start3A_172 = tpu.memref_squeeze %dma_start3A_171 : memref<1x80xi32, #tpu.memory_space<vmem>> -> memref<80xi32, #tpu.memory_space<vmem>>
    %dma_start3A_173 = arith.constant 0 : i32
    %dma_start3A_174 = tpu.memref_slice %arg18[%dma_start3A_173] : memref<10240xf32, #tpu.memory_space<vmem_shared>> -> memref<10240xf32, #tpu.memory_space<vmem_shared>>
    %dma_start3A_175 = tpu.memref_slice %arg16[%dma_start3A_169] : memref<4x!tpu.dma_semaphore, #tpu.memory_space<semaphore_mem>> -> memref<1x!tpu.dma_semaphore, #tpu.memory_space<semaphore_mem>>
    %dma_start3A_176 = tpu.memref_squeeze %dma_start3A_175 : memref<1x!tpu.dma_semaphore, #tpu.memory_space<semaphore_mem>> -> memref<!tpu.dma_semaphore, #tpu.memory_space<semaphore_mem>>
    tpu.enqueue_indirect_dma source(%arg11 : memref<80xf32, #tpu.memory_space<vmem>>) target(%dma_start3A_174 : memref<10240xf32, #tpu.memory_space<vmem_shared>>) offsets(%dma_start3A_172 : memref<80xi32, #tpu.memory_space<vmem>>) semaphore(%dma_start3A_176 : memref<!tpu.dma_semaphore, #tpu.memory_space<semaphore_mem>>) {add = true}
    %dma_wait3A_177 = arith.constant 4 : i32
    %dma_wait3A_178 = arith.constant 0 : i32
    %dma_wait3A_179 = arith.constant 0 : i32
    %dma_wait3A_180 = arith.constant 0 : i32
    %dma_wait3A_181 = arith.constant 0 : i32
    %dma_wait3A_182 = tpu.memref_slice %arg9[%dma_wait3A_178, %dma_wait3A_180, %dma_wait3A_181] : memref<4x80x128xf32, #tpu.memory_space<vmem>> -> memref<1x80x128xf32, #tpu.memory_space<vmem>>
    %dma_wait3A_183 = tpu.memref_squeeze %dma_wait3A_182 : memref<1x80x128xf32, #tpu.memory_space<vmem>> -> memref<80x128xf32, #tpu.memory_space<vmem>>
    %dma_wait3A_184 = arith.constant 0 : i32
    %dma_wait3A_185 = tpu.memref_slice %arg7[%dma_wait3A_177, %dma_wait3A_184] : memref<5x80xi32, #tpu.memory_space<vmem>> -> memref<1x80xi32, #tpu.memory_space<vmem>>
    %dma_wait3A_186 = tpu.memref_squeeze %dma_wait3A_185 : memref<1x80xi32, #tpu.memory_space<vmem>> -> memref<80xi32, #tpu.memory_space<vmem>>
    %dma_wait3A_187 = arith.constant 0 : i32
    %dma_wait3A_188 = arith.constant 0 : i32
    %dma_wait3A_189 = tpu.memref_slice %arg2[%dma_wait3A_187, %dma_wait3A_188] : memref<10000x128xf32, #tpu.memory_space<hbm>> -> memref<10000x128xf32, #tpu.memory_space<hbm>>
    %dma_wait3A_190 = tpu.memref_slice %arg14[%dma_wait3A_179] : memref<4x!tpu.dma_semaphore, #tpu.memory_space<semaphore_mem>> -> memref<1x!tpu.dma_semaphore, #tpu.memory_space<semaphore_mem>>
    %dma_wait3A_191 = tpu.memref_squeeze %dma_wait3A_190 : memref<1x!tpu.dma_semaphore, #tpu.memory_space<semaphore_mem>> -> memref<!tpu.dma_semaphore, #tpu.memory_space<semaphore_mem>>
    tpu.wait_indirect_dma semaphore(%dma_wait3A_191 : memref<!tpu.dma_semaphore, #tpu.memory_space<semaphore_mem>>) src(%dma_wait3A_189 : memref<10000x128xf32, #tpu.memory_space<hbm>>) dst(%dma_wait3A_183 : memref<80x128xf32, #tpu.memory_space<vmem>>)
    %dma_start3A_192 = arith.constant 0 : i32
    %dma_start3A_193 = arith.constant 4 : i32
    %dma_start3A_194 = arith.constant 0 : i32
    %dma_start3A_195 = arith.constant 0 : i32
    %dma_start3A_196 = arith.constant 0 : i32
    %dma_start3A_197 = tpu.memref_slice %arg9[%dma_start3A_192, %dma_start3A_195, %dma_start3A_196] : memref<4x80x128xf32, #tpu.memory_space<vmem>> -> memref<1x80x128xf32, #tpu.memory_space<vmem>>
    %dma_start3A_198 = tpu.memref_squeeze %dma_start3A_197 : memref<1x80x128xf32, #tpu.memory_space<vmem>> -> memref<80x128xf32, #tpu.memory_space<vmem>>
    %dma_start3A_199 = arith.constant 0 : i32
    %dma_start3A_200 = tpu.memref_slice %arg8[%dma_start3A_193, %dma_start3A_199] : memref<5x80xi32, #tpu.memory_space<vmem>> -> memref<1x80xi32, #tpu.memory_space<vmem>>
    %dma_start3A_201 = tpu.memref_squeeze %dma_start3A_200 : memref<1x80xi32, #tpu.memory_space<vmem>> -> memref<80xi32, #tpu.memory_space<vmem>>
    %dma_start3A_202 = arith.constant 0 : i32
    %dma_start3A_203 = arith.constant 0 : i32
    %dma_start3A_204 = tpu.memref_slice %arg17[%dma_start3A_202, %dma_start3A_203] : memref<10240x128xf32, #tpu.memory_space<vmem_shared>> -> memref<10240x128xf32, #tpu.memory_space<vmem_shared>>
    %dma_start3A_205 = tpu.memref_slice %arg15[%dma_start3A_194] : memref<4x!tpu.dma_semaphore, #tpu.memory_space<semaphore_mem>> -> memref<1x!tpu.dma_semaphore, #tpu.memory_space<semaphore_mem>>
    %dma_start3A_206 = tpu.memref_squeeze %dma_start3A_205 : memref<1x!tpu.dma_semaphore, #tpu.memory_space<semaphore_mem>> -> memref<!tpu.dma_semaphore, #tpu.memory_space<semaphore_mem>>
    tpu.enqueue_indirect_dma source(%dma_start3A_198 : memref<80x128xf32, #tpu.memory_space<vmem>>) target(%dma_start3A_204 : memref<10240x128xf32, #tpu.memory_space<vmem_shared>>) offsets(%dma_start3A_201 : memref<80xi32, #tpu.memory_space<vmem>>) semaphore(%dma_start3A_206 : memref<!tpu.dma_semaphore, #tpu.memory_space<semaphore_mem>>) {add = true}
    %dma_start3A_207 = arith.constant 4 : i32
    %dma_start3A_208 = arith.constant 0 : i32
    %dma_start3A_209 = arith.constant 0 : i32
    %dma_start3A_210 = tpu.memref_slice %arg8[%dma_start3A_207, %dma_start3A_209] : memref<5x80xi32, #tpu.memory_space<vmem>> -> memref<1x80xi32, #tpu.memory_space<vmem>>
    %dma_start3A_211 = tpu.memref_squeeze %dma_start3A_210 : memref<1x80xi32, #tpu.memory_space<vmem>> -> memref<80xi32, #tpu.memory_space<vmem>>
    %dma_start3A_212 = arith.constant 0 : i32
    %dma_start3A_213 = tpu.memref_slice %arg18[%dma_start3A_212] : memref<10240xf32, #tpu.memory_space<vmem_shared>> -> memref<10240xf32, #tpu.memory_space<vmem_shared>>
    %dma_start3A_214 = tpu.memref_slice %arg16[%dma_start3A_208] : memref<4x!tpu.dma_semaphore, #tpu.memory_space<semaphore_mem>> -> memref<1x!tpu.dma_semaphore, #tpu.memory_space<semaphore_mem>>
    %dma_start3A_215 = tpu.memref_squeeze %dma_start3A_214 : memref<1x!tpu.dma_semaphore, #tpu.memory_space<semaphore_mem>> -> memref<!tpu.dma_semaphore, #tpu.memory_space<semaphore_mem>>
    tpu.enqueue_indirect_dma source(%arg11 : memref<80xf32, #tpu.memory_space<vmem>>) target(%dma_start3A_213 : memref<10240xf32, #tpu.memory_space<vmem_shared>>) offsets(%dma_start3A_211 : memref<80xi32, #tpu.memory_space<vmem>>) semaphore(%dma_start3A_215 : memref<!tpu.dma_semaphore, #tpu.memory_space<semaphore_mem>>) {add = true}
    %dma_wait3A_216 = arith.constant 1 : i32
    %dma_wait3A_217 = arith.constant 1 : i32
    %dma_wait3A_218 = arith.constant 1 : i32
    %dma_wait3A_219 = arith.constant 0 : i32
    %dma_wait3A_220 = arith.constant 0 : i32
    %dma_wait3A_221 = tpu.memref_slice %arg9[%dma_wait3A_216, %dma_wait3A_219, %dma_wait3A_220] : memref<4x80x128xf32, #tpu.memory_space<vmem>> -> memref<1x80x128xf32, #tpu.memory_space<vmem>>
    %dma_wait3A_222 = tpu.memref_squeeze %dma_wait3A_221 : memref<1x80x128xf32, #tpu.memory_space<vmem>> -> memref<80x128xf32, #tpu.memory_space<vmem>>
    %dma_wait3A_223 = arith.constant 0 : i32
    %dma_wait3A_224 = tpu.memref_slice %arg8[%dma_wait3A_217, %dma_wait3A_223] : memref<5x80xi32, #tpu.memory_space<vmem>> -> memref<1x80xi32, #tpu.memory_space<vmem>>
    %dma_wait3A_225 = tpu.memref_squeeze %dma_wait3A_224 : memref<1x80xi32, #tpu.memory_space<vmem>> -> memref<80xi32, #tpu.memory_space<vmem>>
    %dma_wait3A_226 = arith.constant 0 : i32
    %dma_wait3A_227 = arith.constant 0 : i32
    %dma_wait3A_228 = tpu.memref_slice %arg17[%dma_wait3A_226, %dma_wait3A_227] : memref<10240x128xf32, #tpu.memory_space<vmem_shared>> -> memref<10240x128xf32, #tpu.memory_space<vmem_shared>>
    %dma_wait3A_229 = tpu.memref_slice %arg15[%dma_wait3A_218] : memref<4x!tpu.dma_semaphore, #tpu.memory_space<semaphore_mem>> -> memref<1x!tpu.dma_semaphore, #tpu.memory_space<semaphore_mem>>
    %dma_wait3A_230 = tpu.memref_squeeze %dma_wait3A_229 : memref<1x!tpu.dma_semaphore, #tpu.memory_space<semaphore_mem>> -> memref<!tpu.dma_semaphore, #tpu.memory_space<semaphore_mem>>
    tpu.wait_indirect_dma semaphore(%dma_wait3A_230 : memref<!tpu.dma_semaphore, #tpu.memory_space<semaphore_mem>>) src(%dma_wait3A_222 : memref<80x128xf32, #tpu.memory_space<vmem>>) dst(%dma_wait3A_228 : memref<10240x128xf32, #tpu.memory_space<vmem_shared>>)
    %dma_wait3A_231 = arith.constant 1 : i32
    %dma_wait3A_232 = arith.constant 1 : i32
    %dma_wait3A_233 = arith.constant 0 : i32
    %dma_wait3A_234 = tpu.memref_slice %arg8[%dma_wait3A_231, %dma_wait3A_233] : memref<5x80xi32, #tpu.memory_space<vmem>> -> memref<1x80xi32, #tpu.memory_space<vmem>>
    %dma_wait3A_235 = tpu.memref_squeeze %dma_wait3A_234 : memref<1x80xi32, #tpu.memory_space<vmem>> -> memref<80xi32, #tpu.memory_space<vmem>>
    %dma_wait3A_236 = arith.constant 0 : i32
    %dma_wait3A_237 = tpu.memref_slice %arg18[%dma_wait3A_236] : memref<10240xf32, #tpu.memory_space<vmem_shared>> -> memref<10240xf32, #tpu.memory_space<vmem_shared>>
    %dma_wait3A_238 = tpu.memref_slice %arg16[%dma_wait3A_232] : memref<4x!tpu.dma_semaphore, #tpu.memory_space<semaphore_mem>> -> memref<1x!tpu.dma_semaphore, #tpu.memory_space<semaphore_mem>>
    %dma_wait3A_239 = tpu.memref_squeeze %dma_wait3A_238 : memref<1x!tpu.dma_semaphore, #tpu.memory_space<semaphore_mem>> -> memref<!tpu.dma_semaphore, #tpu.memory_space<semaphore_mem>>
    tpu.wait_indirect_dma semaphore(%dma_wait3A_239 : memref<!tpu.dma_semaphore, #tpu.memory_space<semaphore_mem>>) src(%arg11 : memref<80xf32, #tpu.memory_space<vmem>>) dst(%dma_wait3A_237 : memref<10240xf32, #tpu.memory_space<vmem_shared>>)
    %dma_wait3A_240 = arith.constant 2 : i32
    %dma_wait3A_241 = arith.constant 2 : i32
    %dma_wait3A_242 = arith.constant 2 : i32
    %dma_wait3A_243 = arith.constant 0 : i32
    %dma_wait3A_244 = arith.constant 0 : i32
    %dma_wait3A_245 = tpu.memref_slice %arg9[%dma_wait3A_240, %dma_wait3A_243, %dma_wait3A_244] : memref<4x80x128xf32, #tpu.memory_space<vmem>> -> memref<1x80x128xf32, #tpu.memory_space<vmem>>
    %dma_wait3A_246 = tpu.memref_squeeze %dma_wait3A_245 : memref<1x80x128xf32, #tpu.memory_space<vmem>> -> memref<80x128xf32, #tpu.memory_space<vmem>>
    %dma_wait3A_247 = arith.constant 0 : i32
    %dma_wait3A_248 = tpu.memref_slice %arg8[%dma_wait3A_241, %dma_wait3A_247] : memref<5x80xi32, #tpu.memory_space<vmem>> -> memref<1x80xi32, #tpu.memory_space<vmem>>
    %dma_wait3A_249 = tpu.memref_squeeze %dma_wait3A_248 : memref<1x80xi32, #tpu.memory_space<vmem>> -> memref<80xi32, #tpu.memory_space<vmem>>
    %dma_wait3A_250 = arith.constant 0 : i32
    %dma_wait3A_251 = arith.constant 0 : i32
    %dma_wait3A_252 = tpu.memref_slice %arg17[%dma_wait3A_250, %dma_wait3A_251] : memref<10240x128xf32, #tpu.memory_space<vmem_shared>> -> memref<10240x128xf32, #tpu.memory_space<vmem_shared>>
    %dma_wait3A_253 = tpu.memref_slice %arg15[%dma_wait3A_242] : memref<4x!tpu.dma_semaphore, #tpu.memory_space<semaphore_mem>> -> memref<1x!tpu.dma_semaphore, #tpu.memory_space<semaphore_mem>>
    %dma_wait3A_254 = tpu.memref_squeeze %dma_wait3A_253 : memref<1x!tpu.dma_semaphore, #tpu.memory_space<semaphore_mem>> -> memref<!tpu.dma_semaphore, #tpu.memory_space<semaphore_mem>>
    tpu.wait_indirect_dma semaphore(%dma_wait3A_254 : memref<!tpu.dma_semaphore, #tpu.memory_space<semaphore_mem>>) src(%dma_wait3A_246 : memref<80x128xf32, #tpu.memory_space<vmem>>) dst(%dma_wait3A_252 : memref<10240x128xf32, #tpu.memory_space<vmem_shared>>)
    %dma_wait3A_255 = arith.constant 2 : i32
    %dma_wait3A_256 = arith.constant 2 : i32
    %dma_wait3A_257 = arith.constant 0 : i32
    %dma_wait3A_258 = tpu.memref_slice %arg8[%dma_wait3A_255, %dma_wait3A_257] : memref<5x80xi32, #tpu.memory_space<vmem>> -> memref<1x80xi32, #tpu.memory_space<vmem>>
    %dma_wait3A_259 = tpu.memref_squeeze %dma_wait3A_258 : memref<1x80xi32, #tpu.memory_space<vmem>> -> memref<80xi32, #tpu.memory_space<vmem>>
    %dma_wait3A_260 = arith.constant 0 : i32
    %dma_wait3A_261 = tpu.memref_slice %arg18[%dma_wait3A_260] : memref<10240xf32, #tpu.memory_space<vmem_shared>> -> memref<10240xf32, #tpu.memory_space<vmem_shared>>
    %dma_wait3A_262 = tpu.memref_slice %arg16[%dma_wait3A_256] : memref<4x!tpu.dma_semaphore, #tpu.memory_space<semaphore_mem>> -> memref<1x!tpu.dma_semaphore, #tpu.memory_space<semaphore_mem>>
    %dma_wait3A_263 = tpu.memref_squeeze %dma_wait3A_262 : memref<1x!tpu.dma_semaphore, #tpu.memory_space<semaphore_mem>> -> memref<!tpu.dma_semaphore, #tpu.memory_space<semaphore_mem>>
    tpu.wait_indirect_dma semaphore(%dma_wait3A_263 : memref<!tpu.dma_semaphore, #tpu.memory_space<semaphore_mem>>) src(%arg11 : memref<80xf32, #tpu.memory_space<vmem>>) dst(%dma_wait3A_261 : memref<10240xf32, #tpu.memory_space<vmem_shared>>)
    %dma_wait3A_264 = arith.constant 3 : i32
    %dma_wait3A_265 = arith.constant 3 : i32
    %dma_wait3A_266 = arith.constant 3 : i32
    %dma_wait3A_267 = arith.constant 0 : i32
    %dma_wait3A_268 = arith.constant 0 : i32
    %dma_wait3A_269 = tpu.memref_slice %arg9[%dma_wait3A_264, %dma_wait3A_267, %dma_wait3A_268] : memref<4x80x128xf32, #tpu.memory_space<vmem>> -> memref<1x80x128xf32, #tpu.memory_space<vmem>>
    %dma_wait3A_270 = tpu.memref_squeeze %dma_wait3A_269 : memref<1x80x128xf32, #tpu.memory_space<vmem>> -> memref<80x128xf32, #tpu.memory_space<vmem>>
    %dma_wait3A_271 = arith.constant 0 : i32
    %dma_wait3A_272 = tpu.memref_slice %arg8[%dma_wait3A_265, %dma_wait3A_271] : memref<5x80xi32, #tpu.memory_space<vmem>> -> memref<1x80xi32, #tpu.memory_space<vmem>>
    %dma_wait3A_273 = tpu.memref_squeeze %dma_wait3A_272 : memref<1x80xi32, #tpu.memory_space<vmem>> -> memref<80xi32, #tpu.memory_space<vmem>>
    %dma_wait3A_274 = arith.constant 0 : i32
    %dma_wait3A_275 = arith.constant 0 : i32
    %dma_wait3A_276 = tpu.memref_slice %arg17[%dma_wait3A_274, %dma_wait3A_275] : memref<10240x128xf32, #tpu.memory_space<vmem_shared>> -> memref<10240x128xf32, #tpu.memory_space<vmem_shared>>
    %dma_wait3A_277 = tpu.memref_slice %arg15[%dma_wait3A_266] : memref<4x!tpu.dma_semaphore, #tpu.memory_space<semaphore_mem>> -> memref<1x!tpu.dma_semaphore, #tpu.memory_space<semaphore_mem>>
    %dma_wait3A_278 = tpu.memref_squeeze %dma_wait3A_277 : memref<1x!tpu.dma_semaphore, #tpu.memory_space<semaphore_mem>> -> memref<!tpu.dma_semaphore, #tpu.memory_space<semaphore_mem>>
    tpu.wait_indirect_dma semaphore(%dma_wait3A_278 : memref<!tpu.dma_semaphore, #tpu.memory_space<semaphore_mem>>) src(%dma_wait3A_270 : memref<80x128xf32, #tpu.memory_space<vmem>>) dst(%dma_wait3A_276 : memref<10240x128xf32, #tpu.memory_space<vmem_shared>>)
    %dma_wait3A_279 = arith.constant 3 : i32
    %dma_wait3A_280 = arith.constant 3 : i32
    %dma_wait3A_281 = arith.constant 0 : i32
    %dma_wait3A_282 = tpu.memref_slice %arg8[%dma_wait3A_279, %dma_wait3A_281] : memref<5x80xi32, #tpu.memory_space<vmem>> -> memref<1x80xi32, #tpu.memory_space<vmem>>
    %dma_wait3A_283 = tpu.memref_squeeze %dma_wait3A_282 : memref<1x80xi32, #tpu.memory_space<vmem>> -> memref<80xi32, #tpu.memory_space<vmem>>
    %dma_wait3A_284 = arith.constant 0 : i32
    %dma_wait3A_285 = tpu.memref_slice %arg18[%dma_wait3A_284] : memref<10240xf32, #tpu.memory_space<vmem_shared>> -> memref<10240xf32, #tpu.memory_space<vmem_shared>>
    %dma_wait3A_286 = tpu.memref_slice %arg16[%dma_wait3A_280] : memref<4x!tpu.dma_semaphore, #tpu.memory_space<semaphore_mem>> -> memref<1x!tpu.dma_semaphore, #tpu.memory_space<semaphore_mem>>
    %dma_wait3A_287 = tpu.memref_squeeze %dma_wait3A_286 : memref<1x!tpu.dma_semaphore, #tpu.memory_space<semaphore_mem>> -> memref<!tpu.dma_semaphore, #tpu.memory_space<semaphore_mem>>
    tpu.wait_indirect_dma semaphore(%dma_wait3A_287 : memref<!tpu.dma_semaphore, #tpu.memory_space<semaphore_mem>>) src(%arg11 : memref<80xf32, #tpu.memory_space<vmem>>) dst(%dma_wait3A_285 : memref<10240xf32, #tpu.memory_space<vmem_shared>>)
    %dma_wait3A_288 = arith.constant 0 : i32
    %dma_wait3A_289 = arith.constant 4 : i32
    %dma_wait3A_290 = arith.constant 0 : i32
    %dma_wait3A_291 = arith.constant 0 : i32
    %dma_wait3A_292 = arith.constant 0 : i32
    %dma_wait3A_293 = tpu.memref_slice %arg9[%dma_wait3A_288, %dma_wait3A_291, %dma_wait3A_292] : memref<4x80x128xf32, #tpu.memory_space<vmem>> -> memref<1x80x128xf32, #tpu.memory_space<vmem>>
    %dma_wait3A_294 = tpu.memref_squeeze %dma_wait3A_293 : memref<1x80x128xf32, #tpu.memory_space<vmem>> -> memref<80x128xf32, #tpu.memory_space<vmem>>
    %dma_wait3A_295 = arith.constant 0 : i32
    %dma_wait3A_296 = tpu.memref_slice %arg8[%dma_wait3A_289, %dma_wait3A_295] : memref<5x80xi32, #tpu.memory_space<vmem>> -> memref<1x80xi32, #tpu.memory_space<vmem>>
    %dma_wait3A_297 = tpu.memref_squeeze %dma_wait3A_296 : memref<1x80xi32, #tpu.memory_space<vmem>> -> memref<80xi32, #tpu.memory_space<vmem>>
    %dma_wait3A_298 = arith.constant 0 : i32
    %dma_wait3A_299 = arith.constant 0 : i32
    %dma_wait3A_300 = tpu.memref_slice %arg17[%dma_wait3A_298, %dma_wait3A_299] : memref<10240x128xf32, #tpu.memory_space<vmem_shared>> -> memref<10240x128xf32, #tpu.memory_space<vmem_shared>>
    %dma_wait3A_301 = tpu.memref_slice %arg15[%dma_wait3A_290] : memref<4x!tpu.dma_semaphore, #tpu.memory_space<semaphore_mem>> -> memref<1x!tpu.dma_semaphore, #tpu.memory_space<semaphore_mem>>
    %dma_wait3A_302 = tpu.memref_squeeze %dma_wait3A_301 : memref<1x!tpu.dma_semaphore, #tpu.memory_space<semaphore_mem>> -> memref<!tpu.dma_semaphore, #tpu.memory_space<semaphore_mem>>
    tpu.wait_indirect_dma semaphore(%dma_wait3A_302 : memref<!tpu.dma_semaphore, #tpu.memory_space<semaphore_mem>>) src(%dma_wait3A_294 : memref<80x128xf32, #tpu.memory_space<vmem>>) dst(%dma_wait3A_300 : memref<10240x128xf32, #tpu.memory_space<vmem_shared>>)
    %dma_wait3A_303 = arith.constant 4 : i32
    %dma_wait3A_304 = arith.constant 0 : i32
    %dma_wait3A_305 = arith.constant 0 : i32
    %dma_wait3A_306 = tpu.memref_slice %arg8[%dma_wait3A_303, %dma_wait3A_305] : memref<5x80xi32, #tpu.memory_space<vmem>> -> memref<1x80xi32, #tpu.memory_space<vmem>>
    %dma_wait3A_307 = tpu.memref_squeeze %dma_wait3A_306 : memref<1x80xi32, #tpu.memory_space<vmem>> -> memref<80xi32, #tpu.memory_space<vmem>>
    %dma_wait3A_308 = arith.constant 0 : i32
    %dma_wait3A_309 = tpu.memref_slice %arg18[%dma_wait3A_308] : memref<10240xf32, #tpu.memory_space<vmem_shared>> -> memref<10240xf32, #tpu.memory_space<vmem_shared>>
    %dma_wait3A_310 = tpu.memref_slice %arg16[%dma_wait3A_304] : memref<4x!tpu.dma_semaphore, #tpu.memory_space<semaphore_mem>> -> memref<1x!tpu.dma_semaphore, #tpu.memory_space<semaphore_mem>>
    %dma_wait3A_311 = tpu.memref_squeeze %dma_wait3A_310 : memref<1x!tpu.dma_semaphore, #tpu.memory_space<semaphore_mem>> -> memref<!tpu.dma_semaphore, #tpu.memory_space<semaphore_mem>>
    tpu.wait_indirect_dma semaphore(%dma_wait3A_311 : memref<!tpu.dma_semaphore, #tpu.memory_space<semaphore_mem>>) src(%arg11 : memref<80xf32, #tpu.memory_space<vmem>>) dst(%dma_wait3A_309 : memref<10240xf32, #tpu.memory_space<vmem_shared>>)
    %barrier3A_312 = arith.constant 0 : index
    tpu.barrier barrier_id(%barrier3A_312)
    "tpu.region"() ({
      %run_scoped3A = tpu.sem_alloc : memref<!tpu.dma_semaphore, #tpu.memory_space<semaphore_mem>>
      %dma_start3A_316 = arith.constant 0 : i32
      %dma_start3A_317 = tpu.memref_slice %arg5[%arg0, %mul3A_8, %dma_start3A_316] : memref<2x10240x128xf32, #tpu.memory_space<hbm>> -> memref<1x640x128xf32, #tpu.memory_space<hbm>>
      %dma_start3A_318 = tpu.memref_squeeze %dma_start3A_317 : memref<1x640x128xf32, #tpu.memory_space<hbm>> -> memref<640x128xf32, #tpu.memory_space<hbm>>
      %dma_start3A_319 = arith.constant 0 : i32
      %dma_start3A_320 = tpu.memref_slice %arg17[%mul3A_8, %dma_start3A_319] : memref<10240x128xf32, #tpu.memory_space<vmem_shared>> -> memref<640x128xf32, #tpu.memory_space<vmem_shared>>
      tpu.enqueue_dma source(%dma_start3A_320 : memref<640x128xf32, #tpu.memory_space<vmem_shared>>) target(%dma_start3A_318 : memref<640x128xf32, #tpu.memory_space<hbm>>) target_semaphore(%run_scoped3A : memref<!tpu.dma_semaphore, #tpu.memory_space<semaphore_mem>>)
      %dma_wait3A_321 = arith.constant 0 : i32
      %dma_wait3A_322 = tpu.memref_slice %arg5[%arg0, %mul3A_8, %dma_wait3A_321] : memref<2x10240x128xf32, #tpu.memory_space<hbm>> -> memref<1x640x128xf32, #tpu.memory_space<hbm>>
      %dma_wait3A_323 = tpu.memref_squeeze %dma_wait3A_322 : memref<1x640x128xf32, #tpu.memory_space<hbm>> -> memref<640x128xf32, #tpu.memory_space<hbm>>
      %dma_wait3A_324 = arith.constant 0 : i32
      %dma_wait3A_325 = tpu.memref_slice %arg17[%mul3A_8, %dma_wait3A_324] : memref<10240x128xf32, #tpu.memory_space<vmem_shared>> -> memref<640x128xf32, #tpu.memory_space<vmem_shared>>
      tpu.wait_dma2 semaphore(%run_scoped3A : memref<!tpu.dma_semaphore, #tpu.memory_space<semaphore_mem>>) src(%dma_wait3A_325 : memref<640x128xf32, #tpu.memory_space<vmem_shared>>) dst(%dma_wait3A_323 : memref<640x128xf32, #tpu.memory_space<hbm>>)
      tpu.yield
    }) : () -> ()
    %mul3A_313 = arith.constant 10240 : i32
    %mul3A_314 = arith.muli %arg0, %mul3A_313 : i32
    %add3A_315 = arith.addi %mul3A_314, %mul3A_8 : i32
    "tpu.region"() ({
      %run_scoped3A = tpu.sem_alloc : memref<!tpu.dma_semaphore, #tpu.memory_space<semaphore_mem>>
      %dma_start3A_316 = tpu.memref_slice %arg6[%add3A_315] : memref<20480xf32, #tpu.memory_space<hbm>> -> memref<640xf32, #tpu.memory_space<hbm>>
      %dma_start3A_317 = tpu.memref_slice %arg18[%mul3A_8] : memref<10240xf32, #tpu.memory_space<vmem_shared>> -> memref<640xf32, #tpu.memory_space<vmem_shared>>
      tpu.enqueue_dma source(%dma_start3A_317 : memref<640xf32, #tpu.memory_space<vmem_shared>>) target(%dma_start3A_316 : memref<640xf32, #tpu.memory_space<hbm>>) target_semaphore(%run_scoped3A : memref<!tpu.dma_semaphore, #tpu.memory_space<semaphore_mem>>)
      %dma_wait3A_318 = tpu.memref_slice %arg6[%add3A_315] : memref<20480xf32, #tpu.memory_space<hbm>> -> memref<640xf32, #tpu.memory_space<hbm>>
      %dma_wait3A_319 = tpu.memref_slice %arg18[%mul3A_8] : memref<10240xf32, #tpu.memory_space<vmem_shared>> -> memref<640xf32, #tpu.memory_space<vmem_shared>>
      tpu.wait_dma2 semaphore(%run_scoped3A : memref<!tpu.dma_semaphore, #tpu.memory_space<semaphore_mem>>) src(%dma_wait3A_319 : memref<640xf32, #tpu.memory_space<vmem_shared>>) dst(%dma_wait3A_318 : memref<640xf32, #tpu.memory_space<hbm>>)
      tpu.yield
    }) : () -> ()
    return
  }
}

#map = affine_map<(d0, d1) -> (0, 0)>
#map1 = affine_map<(d0, d1) -> (0)>
#map2 = affine_map<(d0, d1) -> (0, 0, 0)>
module attributes {stable_mosaic.version = 14 : i64} {
  func.func @_agg_body(%arg0: i32, %arg1: i32, %arg2: memref<10000x128xf32, #tpu.memory_space<hbm>>, %arg3: memref<320000xi32, #tpu.memory_space<hbm>>, %arg4: memref<320000xi32, #tpu.memory_space<hbm>>, %arg5: memref<2x10240x128xf32, #tpu.memory_space<hbm>>, %arg6: memref<5x80xi32, #tpu.memory_space<vmem>>, %arg7: memref<5x80xi32, #tpu.memory_space<vmem>>, %arg8: memref<4x80x128xf32, #tpu.memory_space<vmem>>, %arg9: memref<32x128xf32, #tpu.memory_space<vmem>>, %arg10: memref<5x!tpu.dma_semaphore, #tpu.memory_space<semaphore_mem>>, %arg11: memref<4x!tpu.dma_semaphore, #tpu.memory_space<semaphore_mem>>, %arg12: memref<4x!tpu.dma_semaphore, #tpu.memory_space<semaphore_mem>>, %arg13: memref<10240x128xf32, #tpu.memory_space<vmem_shared>>) attributes {dimension_semantics = [#tpu.dimension_semantics<core_parallel>, #tpu.dimension_semantics<subcore_parallel>], iteration_bounds = array<i64: 2, 16>, scalar_prefetch = 0 : i64, scratch_operands = 8 : i64, tpu.core_type = #tpu.core_type<sc_vector_subcore>, window_params = [{transform_indices = #map}, {transform_indices = #map1}, {transform_indices = #map1}, {transform_indices = #map2}]} {
    %mul3A = arith.constant 2 : i32
    %mul3A_0 = arith.muli %arg1, %mul3A : i32
    %add3A = arith.addi %mul3A_0, %arg0 : i32
    %scan3A = arith.constant 0 : i32
    %scan3A_1 = arith.constant 0 : i32
    %scan3A_2 = arith.constant 256 : i32
    %scan3A_3 = arith.addi %scan3A_1, %scan3A_2 : i32
    %scan3A_4 = arith.constant 1 : i32
    %scan3A_5 = scf.for %scan3A_236 = %scan3A_1 to %scan3A_3 step %scan3A_4 iter_args(%scan3A_237 = %scan3A) -> (i32)  : i32 {
      %broadcast_in_dim3A = arith.constant 0.000000e+00 : f32
      %broadcast_in_dim3A_238 = vector.broadcast %broadcast_in_dim3A : f32 to vector<16xf32>
      %jit3A = arith.constant 8 : i32
      %div3A = arith.divsi %scan3A_236, %jit3A : i32
      %sign3A = arith.constant 0 : i32
      %sign3A_239 = arith.cmpi sgt, %scan3A_236, %sign3A : i32
      %sign3A_240 = arith.extui %sign3A_239 : i1 to i32
      %sign3A_241 = arith.constant 0 : i32
      %sign3A_242 = arith.cmpi slt, %scan3A_236, %sign3A_241 : i32
      %sign3A_243 = arith.extui %sign3A_242 : i1 to i32
      %sign3A_244 = arith.subi %sign3A_240, %sign3A_243 : i32
      %sign3A_245 = arith.constant 0 : i32
      %sign3A_246 = arith.cmpi sgt, %jit3A, %sign3A_245 : i32
      %sign3A_247 = arith.extui %sign3A_246 : i1 to i32
      %sign3A_248 = arith.constant 0 : i32
      %sign3A_249 = arith.cmpi slt, %jit3A, %sign3A_248 : i32
      %sign3A_250 = arith.extui %sign3A_249 : i1 to i32
      %sign3A_251 = arith.subi %sign3A_247, %sign3A_250 : i32
      %ne3A = arith.cmpi ne, %sign3A_244, %sign3A_251 : i32
      %rem3A = arith.remsi %scan3A_236, %jit3A : i32
      %ne3A_252 = arith.constant 0 : i32
      %ne3A_253 = arith.cmpi ne, %rem3A, %ne3A_252 : i32
      %and3A = arith.andi %ne3A, %ne3A_253 : i1
      %sub3A = arith.constant 1 : i32
      %sub3A_254 = arith.subi %div3A, %sub3A : i32
      %select_n3A = arith.select %and3A, %sub3A_254, %div3A : i32
      %jit3A_255 = arith.constant 8 : i32
      %eq3A = arith.constant 0 : i32
      %eq3A_256 = arith.cmpi eq, %jit3A_255, %eq3A : i32
      %jit3A_257 = arith.constant 1 : i32
      %select_n3A_258 = arith.select %eq3A_256, %jit3A_257, %jit3A_255 : i32
      %rem3A_259 = arith.remsi %scan3A_236, %select_n3A_258 : i32
      %ne3A_260 = arith.constant 0 : i32
      %ne3A_261 = arith.cmpi ne, %rem3A_259, %ne3A_260 : i32
      %lt3A = arith.constant 0 : i32
      %lt3A_262 = arith.cmpi slt, %rem3A_259, %lt3A : i32
      %lt3A_263 = arith.constant 0 : i32
      %lt3A_264 = arith.cmpi slt, %select_n3A_258, %lt3A_263 : i32
      %ne3A_265 = arith.xori %lt3A_262, %lt3A_264 : i1
      %and3A_266 = arith.andi %ne3A_265, %ne3A_261 : i1
      %add3A_267 = arith.addi %rem3A_259, %select_n3A_258 : i32
      %select_n3A_268 = arith.select %and3A_266, %add3A_267, %rem3A_259 : i32
      %mul3A_269 = arith.constant 16 : i32
      %mul3A_270 = arith.muli %select_n3A_268, %mul3A_269 : i32
      %swap3A = arith.index_cast %select_n3A : i32 to index
      %swap3A_271 = arith.index_cast %mul3A_270 : i32 to index
      %swap3A_272 = tpu.vector_load %arg9[%swap3A, %swap3A_271] {strides = array<i32>} : memref<32x128xf32, #tpu.memory_space<vmem>>, vector<1x16xf32>,
      %swap3A_273 = vector.shape_cast %swap3A_272 : vector<1x16xf32> to vector<16xf32>
      %swap3A_274 = vector.shape_cast %broadcast_in_dim3A_238 : vector<16xf32> to vector<1x16xf32>
      tpu.vector_store %arg9[%swap3A, %swap3A_271], %swap3A_274 {strides = array<i32>} : memref<32x128xf32, #tpu.memory_space<vmem>>, vector<1x16xf32>,
      %scan3A_275 = arith.constant 0 : i32
      scf.yield %scan3A_275 : i32
    }
    %scan3A_6 = arith.constant 256 : i32
    %mul3A_7 = arith.constant 640 : i32
    %mul3A_8 = arith.muli %arg1, %mul3A_7 : i32
    %add3A_9 = arith.constant 0 : i32
    %add3A_10 = arith.addi %mul3A_8, %add3A_9 : i32
    "tpu.region"() ({
      %run_scoped3A = tpu.sem_alloc : memref<!tpu.dma_semaphore, #tpu.memory_space<semaphore_mem>>
      %dma_start3A_236 = arith.constant 0 : i32
      %dma_start3A_237 = tpu.memref_slice %arg13[%add3A_10, %dma_start3A_236] : memref<10240x128xf32, #tpu.memory_space<vmem_shared>> -> memref<32x128xf32, #tpu.memory_space<vmem_shared>>
      %dma_start3A_238 = arith.constant 0 : i32
      %dma_start3A_239 = tpu.memref_slice %arg13[%add3A_10, %dma_start3A_238] : memref<10240x128xf32, #tpu.memory_space<vmem_shared>> -> memref<32x128xf32, #tpu.memory_space<vmem_shared>>
      tpu.enqueue_dma source(%arg9 : memref<32x128xf32, #tpu.memory_space<vmem>>) target(%dma_start3A_239 : memref<32x128xf32, #tpu.memory_space<vmem_shared>>) target_semaphore(%run_scoped3A : memref<!tpu.dma_semaphore, #tpu.memory_space<semaphore_mem>>)
      %dma_wait3A_240 = arith.constant 0 : i32
      %dma_wait3A_241 = tpu.memref_slice %arg13[%add3A_10, %dma_wait3A_240] : memref<10240x128xf32, #tpu.memory_space<vmem_shared>> -> memref<32x128xf32, #tpu.memory_space<vmem_shared>>
      %dma_wait3A_242 = arith.constant 0 : i32
      %dma_wait3A_243 = tpu.memref_slice %arg13[%add3A_10, %dma_wait3A_242] : memref<10240x128xf32, #tpu.memory_space<vmem_shared>> -> memref<32x128xf32, #tpu.memory_space<vmem_shared>>
      tpu.wait_dma2 semaphore(%run_scoped3A : memref<!tpu.dma_semaphore, #tpu.memory_space<semaphore_mem>>) src(%arg9 : memref<32x128xf32, #tpu.memory_space<vmem>>) dst(%dma_wait3A_243 : memref<32x128xf32, #tpu.memory_space<vmem_shared>>)
      tpu.yield
    }) : () -> ()
    %add3A_11 = arith.constant 32 : i32
    %add3A_12 = arith.addi %mul3A_8, %add3A_11 : i32
    "tpu.region"() ({
      %run_scoped3A = tpu.sem_alloc : memref<!tpu.dma_semaphore, #tpu.memory_space<semaphore_mem>>
      %dma_start3A_236 = arith.constant 0 : i32
      %dma_start3A_237 = tpu.memref_slice %arg13[%add3A_12, %dma_start3A_236] : memref<10240x128xf32, #tpu.memory_space<vmem_shared>> -> memref<32x128xf32, #tpu.memory_space<vmem_shared>>
      %dma_start3A_238 = arith.constant 0 : i32
      %dma_start3A_239 = tpu.memref_slice %arg13[%add3A_12, %dma_start3A_238] : memref<10240x128xf32, #tpu.memory_space<vmem_shared>> -> memref<32x128xf32, #tpu.memory_space<vmem_shared>>
      tpu.enqueue_dma source(%arg9 : memref<32x128xf32, #tpu.memory_space<vmem>>) target(%dma_start3A_239 : memref<32x128xf32, #tpu.memory_space<vmem_shared>>) target_semaphore(%run_scoped3A : memref<!tpu.dma_semaphore, #tpu.memory_space<semaphore_mem>>)
      %dma_wait3A_240 = arith.constant 0 : i32
      %dma_wait3A_241 = tpu.memref_slice %arg13[%add3A_12, %dma_wait3A_240] : memref<10240x128xf32, #tpu.memory_space<vmem_shared>> -> memref<32x128xf32, #tpu.memory_space<vmem_shared>>
      %dma_wait3A_242 = arith.constant 0 : i32
      %dma_wait3A_243 = tpu.memref_slice %arg13[%add3A_12, %dma_wait3A_242] : memref<10240x128xf32, #tpu.memory_space<vmem_shared>> -> memref<32x128xf32, #tpu.memory_space<vmem_shared>>
      tpu.wait_dma2 semaphore(%run_scoped3A : memref<!tpu.dma_semaphore, #tpu.memory_space<semaphore_mem>>) src(%arg9 : memref<32x128xf32, #tpu.memory_space<vmem>>) dst(%dma_wait3A_243 : memref<32x128xf32, #tpu.memory_space<vmem_shared>>)
      tpu.yield
    }) : () -> ()
    %add3A_13 = arith.constant 64 : i32
    %add3A_14 = arith.addi %mul3A_8, %add3A_13 : i32
    "tpu.region"() ({
      %run_scoped3A = tpu.sem_alloc : memref<!tpu.dma_semaphore, #tpu.memory_space<semaphore_mem>>
      %dma_start3A_236 = arith.constant 0 : i32
      %dma_start3A_237 = tpu.memref_slice %arg13[%add3A_14, %dma_start3A_236] : memref<10240x128xf32, #tpu.memory_space<vmem_shared>> -> memref<32x128xf32, #tpu.memory_space<vmem_shared>>
      %dma_start3A_238 = arith.constant 0 : i32
      %dma_start3A_239 = tpu.memref_slice %arg13[%add3A_14, %dma_start3A_238] : memref<10240x128xf32, #tpu.memory_space<vmem_shared>> -> memref<32x128xf32, #tpu.memory_space<vmem_shared>>
      tpu.enqueue_dma source(%arg9 : memref<32x128xf32, #tpu.memory_space<vmem>>) target(%dma_start3A_239 : memref<32x128xf32, #tpu.memory_space<vmem_shared>>) target_semaphore(%run_scoped3A : memref<!tpu.dma_semaphore, #tpu.memory_space<semaphore_mem>>)
      %dma_wait3A_240 = arith.constant 0 : i32
      %dma_wait3A_241 = tpu.memref_slice %arg13[%add3A_14, %dma_wait3A_240] : memref<10240x128xf32, #tpu.memory_space<vmem_shared>> -> memref<32x128xf32, #tpu.memory_space<vmem_shared>>
      %dma_wait3A_242 = arith.constant 0 : i32
      %dma_wait3A_243 = tpu.memref_slice %arg13[%add3A_14, %dma_wait3A_242] : memref<10240x128xf32, #tpu.memory_space<vmem_shared>> -> memref<32x128xf32, #tpu.memory_space<vmem_shared>>
      tpu.wait_dma2 semaphore(%run_scoped3A : memref<!tpu.dma_semaphore, #tpu.memory_space<semaphore_mem>>) src(%arg9 : memref<32x128xf32, #tpu.memory_space<vmem>>) dst(%dma_wait3A_243 : memref<32x128xf32, #tpu.memory_space<vmem_shared>>)
      tpu.yield
    }) : () -> ()
    %add3A_15 = arith.constant 96 : i32
    %add3A_16 = arith.addi %mul3A_8, %add3A_15 : i32
    "tpu.region"() ({
      %run_scoped3A = tpu.sem_alloc : memref<!tpu.dma_semaphore, #tpu.memory_space<semaphore_mem>>
      %dma_start3A_236 = arith.constant 0 : i32
      %dma_start3A_237 = tpu.memref_slice %arg13[%add3A_16, %dma_start3A_236] : memref<10240x128xf32, #tpu.memory_space<vmem_shared>> -> memref<32x128xf32, #tpu.memory_space<vmem_shared>>
      %dma_start3A_238 = arith.constant 0 : i32
      %dma_start3A_239 = tpu.memref_slice %arg13[%add3A_16, %dma_start3A_238] : memref<10240x128xf32, #tpu.memory_space<vmem_shared>> -> memref<32x128xf32, #tpu.memory_space<vmem_shared>>
      tpu.enqueue_dma source(%arg9 : memref<32x128xf32, #tpu.memory_space<vmem>>) target(%dma_start3A_239 : memref<32x128xf32, #tpu.memory_space<vmem_shared>>) target_semaphore(%run_scoped3A : memref<!tpu.dma_semaphore, #tpu.memory_space<semaphore_mem>>)
      %dma_wait3A_240 = arith.constant 0 : i32
      %dma_wait3A_241 = tpu.memref_slice %arg13[%add3A_16, %dma_wait3A_240] : memref<10240x128xf32, #tpu.memory_space<vmem_shared>> -> memref<32x128xf32, #tpu.memory_space<vmem_shared>>
      %dma_wait3A_242 = arith.constant 0 : i32
      %dma_wait3A_243 = tpu.memref_slice %arg13[%add3A_16, %dma_wait3A_242] : memref<10240x128xf32, #tpu.memory_space<vmem_shared>> -> memref<32x128xf32, #tpu.memory_space<vmem_shared>>
      tpu.wait_dma2 semaphore(%run_scoped3A : memref<!tpu.dma_semaphore, #tpu.memory_space<semaphore_mem>>) src(%arg9 : memref<32x128xf32, #tpu.memory_space<vmem>>) dst(%dma_wait3A_243 : memref<32x128xf32, #tpu.memory_space<vmem_shared>>)
      tpu.yield
    }) : () -> ()
    %add3A_17 = arith.constant 128 : i32
    %add3A_18 = arith.addi %mul3A_8, %add3A_17 : i32
    "tpu.region"() ({
      %run_scoped3A = tpu.sem_alloc : memref<!tpu.dma_semaphore, #tpu.memory_space<semaphore_mem>>
      %dma_start3A_236 = arith.constant 0 : i32
      %dma_start3A_237 = tpu.memref_slice %arg13[%add3A_18, %dma_start3A_236] : memref<10240x128xf32, #tpu.memory_space<vmem_shared>> -> memref<32x128xf32, #tpu.memory_space<vmem_shared>>
      %dma_start3A_238 = arith.constant 0 : i32
      %dma_start3A_239 = tpu.memref_slice %arg13[%add3A_18, %dma_start3A_238] : memref<10240x128xf32, #tpu.memory_space<vmem_shared>> -> memref<32x128xf32, #tpu.memory_space<vmem_shared>>
      tpu.enqueue_dma source(%arg9 : memref<32x128xf32, #tpu.memory_space<vmem>>) target(%dma_start3A_239 : memref<32x128xf32, #tpu.memory_space<vmem_shared>>) target_semaphore(%run_scoped3A : memref<!tpu.dma_semaphore, #tpu.memory_space<semaphore_mem>>)
      %dma_wait3A_240 = arith.constant 0 : i32
      %dma_wait3A_241 = tpu.memref_slice %arg13[%add3A_18, %dma_wait3A_240] : memref<10240x128xf32, #tpu.memory_space<vmem_shared>> -> memref<32x128xf32, #tpu.memory_space<vmem_shared>>
      %dma_wait3A_242 = arith.constant 0 : i32
      %dma_wait3A_243 = tpu.memref_slice %arg13[%add3A_18, %dma_wait3A_242] : memref<10240x128xf32, #tpu.memory_space<vmem_shared>> -> memref<32x128xf32, #tpu.memory_space<vmem_shared>>
      tpu.wait_dma2 semaphore(%run_scoped3A : memref<!tpu.dma_semaphore, #tpu.memory_space<semaphore_mem>>) src(%arg9 : memref<32x128xf32, #tpu.memory_space<vmem>>) dst(%dma_wait3A_243 : memref<32x128xf32, #tpu.memory_space<vmem_shared>>)
      tpu.yield
    }) : () -> ()
    %add3A_19 = arith.constant 160 : i32
    %add3A_20 = arith.addi %mul3A_8, %add3A_19 : i32
    "tpu.region"() ({
      %run_scoped3A = tpu.sem_alloc : memref<!tpu.dma_semaphore, #tpu.memory_space<semaphore_mem>>
      %dma_start3A_236 = arith.constant 0 : i32
      %dma_start3A_237 = tpu.memref_slice %arg13[%add3A_20, %dma_start3A_236] : memref<10240x128xf32, #tpu.memory_space<vmem_shared>> -> memref<32x128xf32, #tpu.memory_space<vmem_shared>>
      %dma_start3A_238 = arith.constant 0 : i32
      %dma_start3A_239 = tpu.memref_slice %arg13[%add3A_20, %dma_start3A_238] : memref<10240x128xf32, #tpu.memory_space<vmem_shared>> -> memref<32x128xf32, #tpu.memory_space<vmem_shared>>
      tpu.enqueue_dma source(%arg9 : memref<32x128xf32, #tpu.memory_space<vmem>>) target(%dma_start3A_239 : memref<32x128xf32, #tpu.memory_space<vmem_shared>>) target_semaphore(%run_scoped3A : memref<!tpu.dma_semaphore, #tpu.memory_space<semaphore_mem>>)
      %dma_wait3A_240 = arith.constant 0 : i32
      %dma_wait3A_241 = tpu.memref_slice %arg13[%add3A_20, %dma_wait3A_240] : memref<10240x128xf32, #tpu.memory_space<vmem_shared>> -> memref<32x128xf32, #tpu.memory_space<vmem_shared>>
      %dma_wait3A_242 = arith.constant 0 : i32
      %dma_wait3A_243 = tpu.memref_slice %arg13[%add3A_20, %dma_wait3A_242] : memref<10240x128xf32, #tpu.memory_space<vmem_shared>> -> memref<32x128xf32, #tpu.memory_space<vmem_shared>>
      tpu.wait_dma2 semaphore(%run_scoped3A : memref<!tpu.dma_semaphore, #tpu.memory_space<semaphore_mem>>) src(%arg9 : memref<32x128xf32, #tpu.memory_space<vmem>>) dst(%dma_wait3A_243 : memref<32x128xf32, #tpu.memory_space<vmem_shared>>)
      tpu.yield
    }) : () -> ()
    %add3A_21 = arith.constant 192 : i32
    %add3A_22 = arith.addi %mul3A_8, %add3A_21 : i32
    "tpu.region"() ({
      %run_scoped3A = tpu.sem_alloc : memref<!tpu.dma_semaphore, #tpu.memory_space<semaphore_mem>>
      %dma_start3A_236 = arith.constant 0 : i32
      %dma_start3A_237 = tpu.memref_slice %arg13[%add3A_22, %dma_start3A_236] : memref<10240x128xf32, #tpu.memory_space<vmem_shared>> -> memref<32x128xf32, #tpu.memory_space<vmem_shared>>
      %dma_start3A_238 = arith.constant 0 : i32
      %dma_start3A_239 = tpu.memref_slice %arg13[%add3A_22, %dma_start3A_238] : memref<10240x128xf32, #tpu.memory_space<vmem_shared>> -> memref<32x128xf32, #tpu.memory_space<vmem_shared>>
      tpu.enqueue_dma source(%arg9 : memref<32x128xf32, #tpu.memory_space<vmem>>) target(%dma_start3A_239 : memref<32x128xf32, #tpu.memory_space<vmem_shared>>) target_semaphore(%run_scoped3A : memref<!tpu.dma_semaphore, #tpu.memory_space<semaphore_mem>>)
      %dma_wait3A_240 = arith.constant 0 : i32
      %dma_wait3A_241 = tpu.memref_slice %arg13[%add3A_22, %dma_wait3A_240] : memref<10240x128xf32, #tpu.memory_space<vmem_shared>> -> memref<32x128xf32, #tpu.memory_space<vmem_shared>>
      %dma_wait3A_242 = arith.constant 0 : i32
      %dma_wait3A_243 = tpu.memref_slice %arg13[%add3A_22, %dma_wait3A_242] : memref<10240x128xf32, #tpu.memory_space<vmem_shared>> -> memref<32x128xf32, #tpu.memory_space<vmem_shared>>
      tpu.wait_dma2 semaphore(%run_scoped3A : memref<!tpu.dma_semaphore, #tpu.memory_space<semaphore_mem>>) src(%arg9 : memref<32x128xf32, #tpu.memory_space<vmem>>) dst(%dma_wait3A_243 : memref<32x128xf32, #tpu.memory_space<vmem_shared>>)
      tpu.yield
    }) : () -> ()
    %add3A_23 = arith.constant 224 : i32
    %add3A_24 = arith.addi %mul3A_8, %add3A_23 : i32
    "tpu.region"() ({
      %run_scoped3A = tpu.sem_alloc : memref<!tpu.dma_semaphore, #tpu.memory_space<semaphore_mem>>
      %dma_start3A_236 = arith.constant 0 : i32
      %dma_start3A_237 = tpu.memref_slice %arg13[%add3A_24, %dma_start3A_236] : memref<10240x128xf32, #tpu.memory_space<vmem_shared>> -> memref<32x128xf32, #tpu.memory_space<vmem_shared>>
      %dma_start3A_238 = arith.constant 0 : i32
      %dma_start3A_239 = tpu.memref_slice %arg13[%add3A_24, %dma_start3A_238] : memref<10240x128xf32, #tpu.memory_space<vmem_shared>> -> memref<32x128xf32, #tpu.memory_space<vmem_shared>>
      tpu.enqueue_dma source(%arg9 : memref<32x128xf32, #tpu.memory_space<vmem>>) target(%dma_start3A_239 : memref<32x128xf32, #tpu.memory_space<vmem_shared>>) target_semaphore(%run_scoped3A : memref<!tpu.dma_semaphore, #tpu.memory_space<semaphore_mem>>)
      %dma_wait3A_240 = arith.constant 0 : i32
      %dma_wait3A_241 = tpu.memref_slice %arg13[%add3A_24, %dma_wait3A_240] : memref<10240x128xf32, #tpu.memory_space<vmem_shared>> -> memref<32x128xf32, #tpu.memory_space<vmem_shared>>
      %dma_wait3A_242 = arith.constant 0 : i32
      %dma_wait3A_243 = tpu.memref_slice %arg13[%add3A_24, %dma_wait3A_242] : memref<10240x128xf32, #tpu.memory_space<vmem_shared>> -> memref<32x128xf32, #tpu.memory_space<vmem_shared>>
      tpu.wait_dma2 semaphore(%run_scoped3A : memref<!tpu.dma_semaphore, #tpu.memory_space<semaphore_mem>>) src(%arg9 : memref<32x128xf32, #tpu.memory_space<vmem>>) dst(%dma_wait3A_243 : memref<32x128xf32, #tpu.memory_space<vmem_shared>>)
      tpu.yield
    }) : () -> ()
    %add3A_25 = arith.constant 256 : i32
    %add3A_26 = arith.addi %mul3A_8, %add3A_25 : i32
    "tpu.region"() ({
      %run_scoped3A = tpu.sem_alloc : memref<!tpu.dma_semaphore, #tpu.memory_space<semaphore_mem>>
      %dma_start3A_236 = arith.constant 0 : i32
      %dma_start3A_237 = tpu.memref_slice %arg13[%add3A_26, %dma_start3A_236] : memref<10240x128xf32, #tpu.memory_space<vmem_shared>> -> memref<32x128xf32, #tpu.memory_space<vmem_shared>>
      %dma_start3A_238 = arith.constant 0 : i32
      %dma_start3A_239 = tpu.memref_slice %arg13[%add3A_26, %dma_start3A_238] : memref<10240x128xf32, #tpu.memory_space<vmem_shared>> -> memref<32x128xf32, #tpu.memory_space<vmem_shared>>
      tpu.enqueue_dma source(%arg9 : memref<32x128xf32, #tpu.memory_space<vmem>>) target(%dma_start3A_239 : memref<32x128xf32, #tpu.memory_space<vmem_shared>>) target_semaphore(%run_scoped3A : memref<!tpu.dma_semaphore, #tpu.memory_space<semaphore_mem>>)
      %dma_wait3A_240 = arith.constant 0 : i32
      %dma_wait3A_241 = tpu.memref_slice %arg13[%add3A_26, %dma_wait3A_240] : memref<10240x128xf32, #tpu.memory_space<vmem_shared>> -> memref<32x128xf32, #tpu.memory_space<vmem_shared>>
      %dma_wait3A_242 = arith.constant 0 : i32
      %dma_wait3A_243 = tpu.memref_slice %arg13[%add3A_26, %dma_wait3A_242] : memref<10240x128xf32, #tpu.memory_space<vmem_shared>> -> memref<32x128xf32, #tpu.memory_space<vmem_shared>>
      tpu.wait_dma2 semaphore(%run_scoped3A : memref<!tpu.dma_semaphore, #tpu.memory_space<semaphore_mem>>) src(%arg9 : memref<32x128xf32, #tpu.memory_space<vmem>>) dst(%dma_wait3A_243 : memref<32x128xf32, #tpu.memory_space<vmem_shared>>)
      tpu.yield
    }) : () -> ()
    %add3A_27 = arith.constant 288 : i32
    %add3A_28 = arith.addi %mul3A_8, %add3A_27 : i32
    "tpu.region"() ({
      %run_scoped3A = tpu.sem_alloc : memref<!tpu.dma_semaphore, #tpu.memory_space<semaphore_mem>>
      %dma_start3A_236 = arith.constant 0 : i32
      %dma_start3A_237 = tpu.memref_slice %arg13[%add3A_28, %dma_start3A_236] : memref<10240x128xf32, #tpu.memory_space<vmem_shared>> -> memref<32x128xf32, #tpu.memory_space<vmem_shared>>
      %dma_start3A_238 = arith.constant 0 : i32
      %dma_start3A_239 = tpu.memref_slice %arg13[%add3A_28, %dma_start3A_238] : memref<10240x128xf32, #tpu.memory_space<vmem_shared>> -> memref<32x128xf32, #tpu.memory_space<vmem_shared>>
      tpu.enqueue_dma source(%arg9 : memref<32x128xf32, #tpu.memory_space<vmem>>) target(%dma_start3A_239 : memref<32x128xf32, #tpu.memory_space<vmem_shared>>) target_semaphore(%run_scoped3A : memref<!tpu.dma_semaphore, #tpu.memory_space<semaphore_mem>>)
      %dma_wait3A_240 = arith.constant 0 : i32
      %dma_wait3A_241 = tpu.memref_slice %arg13[%add3A_28, %dma_wait3A_240] : memref<10240x128xf32, #tpu.memory_space<vmem_shared>> -> memref<32x128xf32, #tpu.memory_space<vmem_shared>>
      %dma_wait3A_242 = arith.constant 0 : i32
      %dma_wait3A_243 = tpu.memref_slice %arg13[%add3A_28, %dma_wait3A_242] : memref<10240x128xf32, #tpu.memory_space<vmem_shared>> -> memref<32x128xf32, #tpu.memory_space<vmem_shared>>
      tpu.wait_dma2 semaphore(%run_scoped3A : memref<!tpu.dma_semaphore, #tpu.memory_space<semaphore_mem>>) src(%arg9 : memref<32x128xf32, #tpu.memory_space<vmem>>) dst(%dma_wait3A_243 : memref<32x128xf32, #tpu.memory_space<vmem_shared>>)
      tpu.yield
    }) : () -> ()
    %add3A_29 = arith.constant 320 : i32
    %add3A_30 = arith.addi %mul3A_8, %add3A_29 : i32
    "tpu.region"() ({
      %run_scoped3A = tpu.sem_alloc : memref<!tpu.dma_semaphore, #tpu.memory_space<semaphore_mem>>
      %dma_start3A_236 = arith.constant 0 : i32
      %dma_start3A_237 = tpu.memref_slice %arg13[%add3A_30, %dma_start3A_236] : memref<10240x128xf32, #tpu.memory_space<vmem_shared>> -> memref<32x128xf32, #tpu.memory_space<vmem_shared>>
      %dma_start3A_238 = arith.constant 0 : i32
      %dma_start3A_239 = tpu.memref_slice %arg13[%add3A_30, %dma_start3A_238] : memref<10240x128xf32, #tpu.memory_space<vmem_shared>> -> memref<32x128xf32, #tpu.memory_space<vmem_shared>>
      tpu.enqueue_dma source(%arg9 : memref<32x128xf32, #tpu.memory_space<vmem>>) target(%dma_start3A_239 : memref<32x128xf32, #tpu.memory_space<vmem_shared>>) target_semaphore(%run_scoped3A : memref<!tpu.dma_semaphore, #tpu.memory_space<semaphore_mem>>)
      %dma_wait3A_240 = arith.constant 0 : i32
      %dma_wait3A_241 = tpu.memref_slice %arg13[%add3A_30, %dma_wait3A_240] : memref<10240x128xf32, #tpu.memory_space<vmem_shared>> -> memref<32x128xf32, #tpu.memory_space<vmem_shared>>
      %dma_wait3A_242 = arith.constant 0 : i32
      %dma_wait3A_243 = tpu.memref_slice %arg13[%add3A_30, %dma_wait3A_242] : memref<10240x128xf32, #tpu.memory_space<vmem_shared>> -> memref<32x128xf32, #tpu.memory_space<vmem_shared>>
      tpu.wait_dma2 semaphore(%run_scoped3A : memref<!tpu.dma_semaphore, #tpu.memory_space<semaphore_mem>>) src(%arg9 : memref<32x128xf32, #tpu.memory_space<vmem>>) dst(%dma_wait3A_243 : memref<32x128xf32, #tpu.memory_space<vmem_shared>>)
      tpu.yield
    }) : () -> ()
    %add3A_31 = arith.constant 352 : i32
    %add3A_32 = arith.addi %mul3A_8, %add3A_31 : i32
    "tpu.region"() ({
      %run_scoped3A = tpu.sem_alloc : memref<!tpu.dma_semaphore, #tpu.memory_space<semaphore_mem>>
      %dma_start3A_236 = arith.constant 0 : i32
      %dma_start3A_237 = tpu.memref_slice %arg13[%add3A_32, %dma_start3A_236] : memref<10240x128xf32, #tpu.memory_space<vmem_shared>> -> memref<32x128xf32, #tpu.memory_space<vmem_shared>>
      %dma_start3A_238 = arith.constant 0 : i32
      %dma_start3A_239 = tpu.memref_slice %arg13[%add3A_32, %dma_start3A_238] : memref<10240x128xf32, #tpu.memory_space<vmem_shared>> -> memref<32x128xf32, #tpu.memory_space<vmem_shared>>
      tpu.enqueue_dma source(%arg9 : memref<32x128xf32, #tpu.memory_space<vmem>>) target(%dma_start3A_239 : memref<32x128xf32, #tpu.memory_space<vmem_shared>>) target_semaphore(%run_scoped3A : memref<!tpu.dma_semaphore, #tpu.memory_space<semaphore_mem>>)
      %dma_wait3A_240 = arith.constant 0 : i32
      %dma_wait3A_241 = tpu.memref_slice %arg13[%add3A_32, %dma_wait3A_240] : memref<10240x128xf32, #tpu.memory_space<vmem_shared>> -> memref<32x128xf32, #tpu.memory_space<vmem_shared>>
      %dma_wait3A_242 = arith.constant 0 : i32
      %dma_wait3A_243 = tpu.memref_slice %arg13[%add3A_32, %dma_wait3A_242] : memref<10240x128xf32, #tpu.memory_space<vmem_shared>> -> memref<32x128xf32, #tpu.memory_space<vmem_shared>>
      tpu.wait_dma2 semaphore(%run_scoped3A : memref<!tpu.dma_semaphore, #tpu.memory_space<semaphore_mem>>) src(%arg9 : memref<32x128xf32, #tpu.memory_space<vmem>>) dst(%dma_wait3A_243 : memref<32x128xf32, #tpu.memory_space<vmem_shared>>)
      tpu.yield
    }) : () -> ()
    %add3A_33 = arith.constant 384 : i32
    %add3A_34 = arith.addi %mul3A_8, %add3A_33 : i32
    "tpu.region"() ({
      %run_scoped3A = tpu.sem_alloc : memref<!tpu.dma_semaphore, #tpu.memory_space<semaphore_mem>>
      %dma_start3A_236 = arith.constant 0 : i32
      %dma_start3A_237 = tpu.memref_slice %arg13[%add3A_34, %dma_start3A_236] : memref<10240x128xf32, #tpu.memory_space<vmem_shared>> -> memref<32x128xf32, #tpu.memory_space<vmem_shared>>
      %dma_start3A_238 = arith.constant 0 : i32
      %dma_start3A_239 = tpu.memref_slice %arg13[%add3A_34, %dma_start3A_238] : memref<10240x128xf32, #tpu.memory_space<vmem_shared>> -> memref<32x128xf32, #tpu.memory_space<vmem_shared>>
      tpu.enqueue_dma source(%arg9 : memref<32x128xf32, #tpu.memory_space<vmem>>) target(%dma_start3A_239 : memref<32x128xf32, #tpu.memory_space<vmem_shared>>) target_semaphore(%run_scoped3A : memref<!tpu.dma_semaphore, #tpu.memory_space<semaphore_mem>>)
      %dma_wait3A_240 = arith.constant 0 : i32
      %dma_wait3A_241 = tpu.memref_slice %arg13[%add3A_34, %dma_wait3A_240] : memref<10240x128xf32, #tpu.memory_space<vmem_shared>> -> memref<32x128xf32, #tpu.memory_space<vmem_shared>>
      %dma_wait3A_242 = arith.constant 0 : i32
      %dma_wait3A_243 = tpu.memref_slice %arg13[%add3A_34, %dma_wait3A_242] : memref<10240x128xf32, #tpu.memory_space<vmem_shared>> -> memref<32x128xf32, #tpu.memory_space<vmem_shared>>
      tpu.wait_dma2 semaphore(%run_scoped3A : memref<!tpu.dma_semaphore, #tpu.memory_space<semaphore_mem>>) src(%arg9 : memref<32x128xf32, #tpu.memory_space<vmem>>) dst(%dma_wait3A_243 : memref<32x128xf32, #tpu.memory_space<vmem_shared>>)
      tpu.yield
    }) : () -> ()
    %add3A_35 = arith.constant 416 : i32
    %add3A_36 = arith.addi %mul3A_8, %add3A_35 : i32
    "tpu.region"() ({
      %run_scoped3A = tpu.sem_alloc : memref<!tpu.dma_semaphore, #tpu.memory_space<semaphore_mem>>
      %dma_start3A_236 = arith.constant 0 : i32
      %dma_start3A_237 = tpu.memref_slice %arg13[%add3A_36, %dma_start3A_236] : memref<10240x128xf32, #tpu.memory_space<vmem_shared>> -> memref<32x128xf32, #tpu.memory_space<vmem_shared>>
      %dma_start3A_238 = arith.constant 0 : i32
      %dma_start3A_239 = tpu.memref_slice %arg13[%add3A_36, %dma_start3A_238] : memref<10240x128xf32, #tpu.memory_space<vmem_shared>> -> memref<32x128xf32, #tpu.memory_space<vmem_shared>>
      tpu.enqueue_dma source(%arg9 : memref<32x128xf32, #tpu.memory_space<vmem>>) target(%dma_start3A_239 : memref<32x128xf32, #tpu.memory_space<vmem_shared>>) target_semaphore(%run_scoped3A : memref<!tpu.dma_semaphore, #tpu.memory_space<semaphore_mem>>)
      %dma_wait3A_240 = arith.constant 0 : i32
      %dma_wait3A_241 = tpu.memref_slice %arg13[%add3A_36, %dma_wait3A_240] : memref<10240x128xf32, #tpu.memory_space<vmem_shared>> -> memref<32x128xf32, #tpu.memory_space<vmem_shared>>
      %dma_wait3A_242 = arith.constant 0 : i32
      %dma_wait3A_243 = tpu.memref_slice %arg13[%add3A_36, %dma_wait3A_242] : memref<10240x128xf32, #tpu.memory_space<vmem_shared>> -> memref<32x128xf32, #tpu.memory_space<vmem_shared>>
      tpu.wait_dma2 semaphore(%run_scoped3A : memref<!tpu.dma_semaphore, #tpu.memory_space<semaphore_mem>>) src(%arg9 : memref<32x128xf32, #tpu.memory_space<vmem>>) dst(%dma_wait3A_243 : memref<32x128xf32, #tpu.memory_space<vmem_shared>>)
      tpu.yield
    }) : () -> ()
    %add3A_37 = arith.constant 448 : i32
    %add3A_38 = arith.addi %mul3A_8, %add3A_37 : i32
    "tpu.region"() ({
      %run_scoped3A = tpu.sem_alloc : memref<!tpu.dma_semaphore, #tpu.memory_space<semaphore_mem>>
      %dma_start3A_236 = arith.constant 0 : i32
      %dma_start3A_237 = tpu.memref_slice %arg13[%add3A_38, %dma_start3A_236] : memref<10240x128xf32, #tpu.memory_space<vmem_shared>> -> memref<32x128xf32, #tpu.memory_space<vmem_shared>>
      %dma_start3A_238 = arith.constant 0 : i32
      %dma_start3A_239 = tpu.memref_slice %arg13[%add3A_38, %dma_start3A_238] : memref<10240x128xf32, #tpu.memory_space<vmem_shared>> -> memref<32x128xf32, #tpu.memory_space<vmem_shared>>
      tpu.enqueue_dma source(%arg9 : memref<32x128xf32, #tpu.memory_space<vmem>>) target(%dma_start3A_239 : memref<32x128xf32, #tpu.memory_space<vmem_shared>>) target_semaphore(%run_scoped3A : memref<!tpu.dma_semaphore, #tpu.memory_space<semaphore_mem>>)
      %dma_wait3A_240 = arith.constant 0 : i32
      %dma_wait3A_241 = tpu.memref_slice %arg13[%add3A_38, %dma_wait3A_240] : memref<10240x128xf32, #tpu.memory_space<vmem_shared>> -> memref<32x128xf32, #tpu.memory_space<vmem_shared>>
      %dma_wait3A_242 = arith.constant 0 : i32
      %dma_wait3A_243 = tpu.memref_slice %arg13[%add3A_38, %dma_wait3A_242] : memref<10240x128xf32, #tpu.memory_space<vmem_shared>> -> memref<32x128xf32, #tpu.memory_space<vmem_shared>>
      tpu.wait_dma2 semaphore(%run_scoped3A : memref<!tpu.dma_semaphore, #tpu.memory_space<semaphore_mem>>) src(%arg9 : memref<32x128xf32, #tpu.memory_space<vmem>>) dst(%dma_wait3A_243 : memref<32x128xf32, #tpu.memory_space<vmem_shared>>)
      tpu.yield
    }) : () -> ()
    %add3A_39 = arith.constant 480 : i32
    %add3A_40 = arith.addi %mul3A_8, %add3A_39 : i32
    "tpu.region"() ({
      %run_scoped3A = tpu.sem_alloc : memref<!tpu.dma_semaphore, #tpu.memory_space<semaphore_mem>>
      %dma_start3A_236 = arith.constant 0 : i32
      %dma_start3A_237 = tpu.memref_slice %arg13[%add3A_40, %dma_start3A_236] : memref<10240x128xf32, #tpu.memory_space<vmem_shared>> -> memref<32x128xf32, #tpu.memory_space<vmem_shared>>
      %dma_start3A_238 = arith.constant 0 : i32
      %dma_start3A_239 = tpu.memref_slice %arg13[%add3A_40, %dma_start3A_238] : memref<10240x128xf32, #tpu.memory_space<vmem_shared>> -> memref<32x128xf32, #tpu.memory_space<vmem_shared>>
      tpu.enqueue_dma source(%arg9 : memref<32x128xf32, #tpu.memory_space<vmem>>) target(%dma_start3A_239 : memref<32x128xf32, #tpu.memory_space<vmem_shared>>) target_semaphore(%run_scoped3A : memref<!tpu.dma_semaphore, #tpu.memory_space<semaphore_mem>>)
      %dma_wait3A_240 = arith.constant 0 : i32
      %dma_wait3A_241 = tpu.memref_slice %arg13[%add3A_40, %dma_wait3A_240] : memref<10240x128xf32, #tpu.memory_space<vmem_shared>> -> memref<32x128xf32, #tpu.memory_space<vmem_shared>>
      %dma_wait3A_242 = arith.constant 0 : i32
      %dma_wait3A_243 = tpu.memref_slice %arg13[%add3A_40, %dma_wait3A_242] : memref<10240x128xf32, #tpu.memory_space<vmem_shared>> -> memref<32x128xf32, #tpu.memory_space<vmem_shared>>
      tpu.wait_dma2 semaphore(%run_scoped3A : memref<!tpu.dma_semaphore, #tpu.memory_space<semaphore_mem>>) src(%arg9 : memref<32x128xf32, #tpu.memory_space<vmem>>) dst(%dma_wait3A_243 : memref<32x128xf32, #tpu.memory_space<vmem_shared>>)
      tpu.yield
    }) : () -> ()
    %add3A_41 = arith.constant 512 : i32
    %add3A_42 = arith.addi %mul3A_8, %add3A_41 : i32
    "tpu.region"() ({
      %run_scoped3A = tpu.sem_alloc : memref<!tpu.dma_semaphore, #tpu.memory_space<semaphore_mem>>
      %dma_start3A_236 = arith.constant 0 : i32
      %dma_start3A_237 = tpu.memref_slice %arg13[%add3A_42, %dma_start3A_236] : memref<10240x128xf32, #tpu.memory_space<vmem_shared>> -> memref<32x128xf32, #tpu.memory_space<vmem_shared>>
      %dma_start3A_238 = arith.constant 0 : i32
      %dma_start3A_239 = tpu.memref_slice %arg13[%add3A_42, %dma_start3A_238] : memref<10240x128xf32, #tpu.memory_space<vmem_shared>> -> memref<32x128xf32, #tpu.memory_space<vmem_shared>>
      tpu.enqueue_dma source(%arg9 : memref<32x128xf32, #tpu.memory_space<vmem>>) target(%dma_start3A_239 : memref<32x128xf32, #tpu.memory_space<vmem_shared>>) target_semaphore(%run_scoped3A : memref<!tpu.dma_semaphore, #tpu.memory_space<semaphore_mem>>)
      %dma_wait3A_240 = arith.constant 0 : i32
      %dma_wait3A_241 = tpu.memref_slice %arg13[%add3A_42, %dma_wait3A_240] : memref<10240x128xf32, #tpu.memory_space<vmem_shared>> -> memref<32x128xf32, #tpu.memory_space<vmem_shared>>
      %dma_wait3A_242 = arith.constant 0 : i32
      %dma_wait3A_243 = tpu.memref_slice %arg13[%add3A_42, %dma_wait3A_242] : memref<10240x128xf32, #tpu.memory_space<vmem_shared>> -> memref<32x128xf32, #tpu.memory_space<vmem_shared>>
      tpu.wait_dma2 semaphore(%run_scoped3A : memref<!tpu.dma_semaphore, #tpu.memory_space<semaphore_mem>>) src(%arg9 : memref<32x128xf32, #tpu.memory_space<vmem>>) dst(%dma_wait3A_243 : memref<32x128xf32, #tpu.memory_space<vmem_shared>>)
      tpu.yield
    }) : () -> ()
    %add3A_43 = arith.constant 544 : i32
    %add3A_44 = arith.addi %mul3A_8, %add3A_43 : i32
    "tpu.region"() ({
      %run_scoped3A = tpu.sem_alloc : memref<!tpu.dma_semaphore, #tpu.memory_space<semaphore_mem>>
      %dma_start3A_236 = arith.constant 0 : i32
      %dma_start3A_237 = tpu.memref_slice %arg13[%add3A_44, %dma_start3A_236] : memref<10240x128xf32, #tpu.memory_space<vmem_shared>> -> memref<32x128xf32, #tpu.memory_space<vmem_shared>>
      %dma_start3A_238 = arith.constant 0 : i32
      %dma_start3A_239 = tpu.memref_slice %arg13[%add3A_44, %dma_start3A_238] : memref<10240x128xf32, #tpu.memory_space<vmem_shared>> -> memref<32x128xf32, #tpu.memory_space<vmem_shared>>
      tpu.enqueue_dma source(%arg9 : memref<32x128xf32, #tpu.memory_space<vmem>>) target(%dma_start3A_239 : memref<32x128xf32, #tpu.memory_space<vmem_shared>>) target_semaphore(%run_scoped3A : memref<!tpu.dma_semaphore, #tpu.memory_space<semaphore_mem>>)
      %dma_wait3A_240 = arith.constant 0 : i32
      %dma_wait3A_241 = tpu.memref_slice %arg13[%add3A_44, %dma_wait3A_240] : memref<10240x128xf32, #tpu.memory_space<vmem_shared>> -> memref<32x128xf32, #tpu.memory_space<vmem_shared>>
      %dma_wait3A_242 = arith.constant 0 : i32
      %dma_wait3A_243 = tpu.memref_slice %arg13[%add3A_44, %dma_wait3A_242] : memref<10240x128xf32, #tpu.memory_space<vmem_shared>> -> memref<32x128xf32, #tpu.memory_space<vmem_shared>>
      tpu.wait_dma2 semaphore(%run_scoped3A : memref<!tpu.dma_semaphore, #tpu.memory_space<semaphore_mem>>) src(%arg9 : memref<32x128xf32, #tpu.memory_space<vmem>>) dst(%dma_wait3A_243 : memref<32x128xf32, #tpu.memory_space<vmem_shared>>)
      tpu.yield
    }) : () -> ()
    %add3A_45 = arith.constant 576 : i32
    %add3A_46 = arith.addi %mul3A_8, %add3A_45 : i32
    "tpu.region"() ({
      %run_scoped3A = tpu.sem_alloc : memref<!tpu.dma_semaphore, #tpu.memory_space<semaphore_mem>>
      %dma_start3A_236 = arith.constant 0 : i32
      %dma_start3A_237 = tpu.memref_slice %arg13[%add3A_46, %dma_start3A_236] : memref<10240x128xf32, #tpu.memory_space<vmem_shared>> -> memref<32x128xf32, #tpu.memory_space<vmem_shared>>
      %dma_start3A_238 = arith.constant 0 : i32
      %dma_start3A_239 = tpu.memref_slice %arg13[%add3A_46, %dma_start3A_238] : memref<10240x128xf32, #tpu.memory_space<vmem_shared>> -> memref<32x128xf32, #tpu.memory_space<vmem_shared>>
      tpu.enqueue_dma source(%arg9 : memref<32x128xf32, #tpu.memory_space<vmem>>) target(%dma_start3A_239 : memref<32x128xf32, #tpu.memory_space<vmem_shared>>) target_semaphore(%run_scoped3A : memref<!tpu.dma_semaphore, #tpu.memory_space<semaphore_mem>>)
      %dma_wait3A_240 = arith.constant 0 : i32
      %dma_wait3A_241 = tpu.memref_slice %arg13[%add3A_46, %dma_wait3A_240] : memref<10240x128xf32, #tpu.memory_space<vmem_shared>> -> memref<32x128xf32, #tpu.memory_space<vmem_shared>>
      %dma_wait3A_242 = arith.constant 0 : i32
      %dma_wait3A_243 = tpu.memref_slice %arg13[%add3A_46, %dma_wait3A_242] : memref<10240x128xf32, #tpu.memory_space<vmem_shared>> -> memref<32x128xf32, #tpu.memory_space<vmem_shared>>
      tpu.wait_dma2 semaphore(%run_scoped3A : memref<!tpu.dma_semaphore, #tpu.memory_space<semaphore_mem>>) src(%arg9 : memref<32x128xf32, #tpu.memory_space<vmem>>) dst(%dma_wait3A_243 : memref<32x128xf32, #tpu.memory_space<vmem_shared>>)
      tpu.yield
    }) : () -> ()
    %add3A_47 = arith.constant 608 : i32
    %add3A_48 = arith.addi %mul3A_8, %add3A_47 : i32
    "tpu.region"() ({
      %run_scoped3A = tpu.sem_alloc : memref<!tpu.dma_semaphore, #tpu.memory_space<semaphore_mem>>
      %dma_start3A_236 = arith.constant 0 : i32
      %dma_start3A_237 = tpu.memref_slice %arg13[%add3A_48, %dma_start3A_236] : memref<10240x128xf32, #tpu.memory_space<vmem_shared>> -> memref<32x128xf32, #tpu.memory_space<vmem_shared>>
      %dma_start3A_238 = arith.constant 0 : i32
      %dma_start3A_239 = tpu.memref_slice %arg13[%add3A_48, %dma_start3A_238] : memref<10240x128xf32, #tpu.memory_space<vmem_shared>> -> memref<32x128xf32, #tpu.memory_space<vmem_shared>>
      tpu.enqueue_dma source(%arg9 : memref<32x128xf32, #tpu.memory_space<vmem>>) target(%dma_start3A_239 : memref<32x128xf32, #tpu.memory_space<vmem_shared>>) target_semaphore(%run_scoped3A : memref<!tpu.dma_semaphore, #tpu.memory_space<semaphore_mem>>)
      %dma_wait3A_240 = arith.constant 0 : i32
      %dma_wait3A_241 = tpu.memref_slice %arg13[%add3A_48, %dma_wait3A_240] : memref<10240x128xf32, #tpu.memory_space<vmem_shared>> -> memref<32x128xf32, #tpu.memory_space<vmem_shared>>
      %dma_wait3A_242 = arith.constant 0 : i32
      %dma_wait3A_243 = tpu.memref_slice %arg13[%add3A_48, %dma_wait3A_242] : memref<10240x128xf32, #tpu.memory_space<vmem_shared>> -> memref<32x128xf32, #tpu.memory_space<vmem_shared>>
      tpu.wait_dma2 semaphore(%run_scoped3A : memref<!tpu.dma_semaphore, #tpu.memory_space<semaphore_mem>>) src(%arg9 : memref<32x128xf32, #tpu.memory_space<vmem>>) dst(%dma_wait3A_243 : memref<32x128xf32, #tpu.memory_space<vmem_shared>>)
      tpu.yield
    }) : () -> ()
    %barrier3A = arith.constant 0 : index
    tpu.barrier barrier_id(%barrier3A)
    %mul3A_49 = arith.constant 10000 : i32
    %mul3A_50 = arith.muli %add3A, %mul3A_49 : i32
    %add3A_51 = arith.constant 0 : i32
    %add3A_52 = arith.addi %mul3A_50, %add3A_51 : i32
    %multiple_of3A = tpu.assume_multiple %add3A_52, 8 : i32
    %add3A_53 = arith.constant 0 : i32
    %add3A_54 = arith.addi %mul3A_50, %add3A_53 : i32
    %multiple_of3A_55 = tpu.assume_multiple %add3A_54, 8 : i32
    %dma_start3A = arith.constant 0 : i32
    %dma_start3A_56 = arith.constant 0 : i32
    %dma_start3A_57 = arith.constant 0 : i32
    %dma_start3A_58 = tpu.memref_slice %arg6[%dma_start3A, %dma_start3A_57] : memref<5x80xi32, #tpu.memory_space<vmem>> -> memref<1x80xi32, #tpu.memory_space<vmem>>
    %dma_start3A_59 = tpu.memref_squeeze %dma_start3A_58 : memref<1x80xi32, #tpu.memory_space<vmem>> -> memref<80xi32, #tpu.memory_space<vmem>>
    %dma_start3A_60 = tpu.memref_slice %arg3[%multiple_of3A] : memref<320000xi32, #tpu.memory_space<hbm>> -> memref<80xi32, #tpu.memory_space<hbm>>
    %dma_start3A_61 = tpu.memref_slice %arg10[%dma_start3A_56] : memref<5x!tpu.dma_semaphore, #tpu.memory_space<semaphore_mem>> -> memref<1x!tpu.dma_semaphore, #tpu.memory_space<semaphore_mem>>
    %dma_start3A_62 = tpu.memref_squeeze %dma_start3A_61 : memref<1x!tpu.dma_semaphore, #tpu.memory_space<semaphore_mem>> -> memref<!tpu.dma_semaphore, #tpu.memory_space<semaphore_mem>>
    %dma_start3A_63 = arith.constant 0 : i32
    %dma_start3A_64 = tpu.memref_slice %arg6[%dma_start3A, %dma_start3A_63] : memref<5x80xi32, #tpu.memory_space<vmem>> -> memref<1x80xi32, #tpu.memory_space<vmem>>
    %dma_start3A_65 = tpu.memref_squeeze %dma_start3A_64 : memref<1x80xi32, #tpu.memory_space<vmem>> -> memref<80xi32, #tpu.memory_space<vmem>>
    %dma_start3A_66 = tpu.memref_slice %arg3[%multiple_of3A] : memref<320000xi32, #tpu.memory_space<hbm>> -> memref<80xi32, #tpu.memory_space<hbm>>
    tpu.enqueue_dma source(%dma_start3A_66 : memref<80xi32, #tpu.memory_space<hbm>>) target(%dma_start3A_65 : memref<80xi32, #tpu.memory_space<vmem>>) target_semaphore(%dma_start3A_62 : memref<!tpu.dma_semaphore, #tpu.memory_space<semaphore_mem>>)
    %dma_start3A_67 = arith.constant 0 : i32
    %dma_start3A_68 = arith.constant 0 : i32
    %dma_start3A_69 = arith.constant 0 : i32
    %dma_start3A_70 = tpu.memref_slice %arg7[%dma_start3A_67, %dma_start3A_69] : memref<5x80xi32, #tpu.memory_space<vmem>> -> memref<1x80xi32, #tpu.memory_space<vmem>>
    %dma_start3A_71 = tpu.memref_squeeze %dma_start3A_70 : memref<1x80xi32, #tpu.memory_space<vmem>> -> memref<80xi32, #tpu.memory_space<vmem>>
    %dma_start3A_72 = tpu.memref_slice %arg4[%multiple_of3A_55] : memref<320000xi32, #tpu.memory_space<hbm>> -> memref<80xi32, #tpu.memory_space<hbm>>
    %dma_start3A_73 = tpu.memref_slice %arg10[%dma_start3A_68] : memref<5x!tpu.dma_semaphore, #tpu.memory_space<semaphore_mem>> -> memref<1x!tpu.dma_semaphore, #tpu.memory_space<semaphore_mem>>
    %dma_start3A_74 = tpu.memref_squeeze %dma_start3A_73 : memref<1x!tpu.dma_semaphore, #tpu.memory_space<semaphore_mem>> -> memref<!tpu.dma_semaphore, #tpu.memory_space<semaphore_mem>>
    %dma_start3A_75 = arith.constant 0 : i32
    %dma_start3A_76 = tpu.memref_slice %arg7[%dma_start3A_67, %dma_start3A_75] : memref<5x80xi32, #tpu.memory_space<vmem>> -> memref<1x80xi32, #tpu.memory_space<vmem>>
    %dma_start3A_77 = tpu.memref_squeeze %dma_start3A_76 : memref<1x80xi32, #tpu.memory_space<vmem>> -> memref<80xi32, #tpu.memory_space<vmem>>
    %dma_start3A_78 = tpu.memref_slice %arg4[%multiple_of3A_55] : memref<320000xi32, #tpu.memory_space<hbm>> -> memref<80xi32, #tpu.memory_space<hbm>>
    tpu.enqueue_dma source(%dma_start3A_78 : memref<80xi32, #tpu.memory_space<hbm>>) target(%dma_start3A_77 : memref<80xi32, #tpu.memory_space<vmem>>) target_semaphore(%dma_start3A_74 : memref<!tpu.dma_semaphore, #tpu.memory_space<semaphore_mem>>)
    %scan3A_79 = arith.constant 0 : i32
    %scan3A_80 = arith.constant 0 : i32
    %scan3A_81 = arith.constant 125 : i32
    %scan3A_82 = arith.addi %scan3A_80, %scan3A_81 : i32
    %scan3A_83 = arith.constant 1 : i32
    %scan3A_84 = scf.for %scan3A_236 = %scan3A_80 to %scan3A_82 step %scan3A_83 iter_args(%scan3A_237 = %scan3A_79) -> (i32)  : i32 {
      %ge3A = arith.constant 4 : i32
      %ge3A_238 = arith.cmpi sge, %scan3A_236, %ge3A : i32
      %convert_element_type3A = arith.extui %ge3A_238 : i1 to i32
      %cond3A = arith.constant 0 : i32
      %cond3A_239 = arith.cmpi ne, %convert_element_type3A, %cond3A : i32
      scf.if %cond3A_239 {
        %sub3A = arith.constant 4 : i32
        %sub3A_297 = arith.subi %scan3A_236, %sub3A : i32
        %rem3A_298 = arith.constant 5 : i32
        %rem3A_299 = arith.remsi %sub3A_297, %rem3A_298 : i32
        %sub3A_300 = arith.constant 4 : i32
        %sub3A_301 = arith.subi %scan3A_236, %sub3A_300 : i32
        %rem3A_302 = arith.constant 4 : i32
        %rem3A_303 = arith.remsi %sub3A_301, %rem3A_302 : i32
        %dma_wait3A_304 = arith.constant 0 : i32
        %dma_wait3A_305 = arith.constant 0 : i32
        %dma_wait3A_306 = tpu.memref_slice %arg8[%rem3A_303, %dma_wait3A_304, %dma_wait3A_305] : memref<4x80x128xf32, #tpu.memory_space<vmem>> -> memref<1x80x128xf32, #tpu.memory_space<vmem>>
        %dma_wait3A_307 = tpu.memref_squeeze %dma_wait3A_306 : memref<1x80x128xf32, #tpu.memory_space<vmem>> -> memref<80x128xf32, #tpu.memory_space<vmem>>
        %dma_wait3A_308 = arith.constant 0 : i32
        %dma_wait3A_309 = tpu.memref_slice %arg7[%rem3A_299, %dma_wait3A_308] : memref<5x80xi32, #tpu.memory_space<vmem>> -> memref<1x80xi32, #tpu.memory_space<vmem>>
        %dma_wait3A_310 = tpu.memref_squeeze %dma_wait3A_309 : memref<1x80xi32, #tpu.memory_space<vmem>> -> memref<80xi32, #tpu.memory_space<vmem>>
        %dma_wait3A_311 = arith.constant 0 : i32
        %dma_wait3A_312 = arith.constant 0 : i32
        %dma_wait3A_313 = tpu.memref_slice %arg13[%dma_wait3A_311, %dma_wait3A_312] : memref<10240x128xf32, #tpu.memory_space<vmem_shared>> -> memref<10240x128xf32, #tpu.memory_space<vmem_shared>>
        %dma_wait3A_314 = tpu.memref_slice %arg12[%rem3A_303] : memref<4x!tpu.dma_semaphore, #tpu.memory_space<semaphore_mem>> -> memref<1x!tpu.dma_semaphore, #tpu.memory_space<semaphore_mem>>
        %dma_wait3A_315 = tpu.memref_squeeze %dma_wait3A_314 : memref<1x!tpu.dma_semaphore, #tpu.memory_space<semaphore_mem>> -> memref<!tpu.dma_semaphore, #tpu.memory_space<semaphore_mem>>
        tpu.wait_indirect_dma semaphore(%dma_wait3A_315 : memref<!tpu.dma_semaphore, #tpu.memory_space<semaphore_mem>>) src(%dma_wait3A_307 : memref<80x128xf32, #tpu.memory_space<vmem>>) dst(%dma_wait3A_313 : memref<10240x128xf32, #tpu.memory_space<vmem_shared>>)
      } else {
      }
      %add3A_240 = arith.constant 1 : i32
      %add3A_241 = arith.addi %scan3A_236, %add3A_240 : i32
      %lt3A = arith.constant 125 : i32
      %lt3A_242 = arith.cmpi slt, %add3A_241, %lt3A : i32
      %convert_element_type3A_243 = arith.extui %lt3A_242 : i1 to i32
      %cond3A_244 = arith.constant 0 : i32
      %cond3A_245 = arith.cmpi ne, %convert_element_type3A_243, %cond3A_244 : i32
      scf.if %cond3A_245 {
        %add3A_297 = arith.constant 1 : i32
        %add3A_298 = arith.addi %scan3A_236, %add3A_297 : i32
        %add3A_299 = arith.constant 1 : i32
        %add3A_300 = arith.addi %scan3A_236, %add3A_299 : i32
        %rem3A_301 = arith.constant 5 : i32
        %rem3A_302 = arith.remsi %add3A_300, %rem3A_301 : i32
        %mul3A_303 = arith.constant 80 : i32
        %mul3A_304 = arith.muli %add3A_298, %mul3A_303 : i32
        %add3A_305 = arith.addi %mul3A_50, %mul3A_304 : i32
        %multiple_of3A_306 = tpu.assume_multiple %add3A_305, 8 : i32
        %mul3A_307 = arith.constant 80 : i32
        %mul3A_308 = arith.muli %add3A_298, %mul3A_307 : i32
        %add3A_309 = arith.addi %mul3A_50, %mul3A_308 : i32
        %multiple_of3A_310 = tpu.assume_multiple %add3A_309, 8 : i32
        %dma_start3A_311 = arith.constant 0 : i32
        %dma_start3A_312 = tpu.memref_slice %arg6[%rem3A_302, %dma_start3A_311] : memref<5x80xi32, #tpu.memory_space<vmem>> -> memref<1x80xi32, #tpu.memory_space<vmem>>
        %dma_start3A_313 = tpu.memref_squeeze %dma_start3A_312 : memref<1x80xi32, #tpu.memory_space<vmem>> -> memref<80xi32, #tpu.memory_space<vmem>>
        %dma_start3A_314 = tpu.memref_slice %arg3[%multiple_of3A_306] : memref<320000xi32, #tpu.memory_space<hbm>> -> memref<80xi32, #tpu.memory_space<hbm>>
        %dma_start3A_315 = tpu.memref_slice %arg10[%rem3A_302] : memref<5x!tpu.dma_semaphore, #tpu.memory_space<semaphore_mem>> -> memref<1x!tpu.dma_semaphore, #tpu.memory_space<semaphore_mem>>
        %dma_start3A_316 = tpu.memref_squeeze %dma_start3A_315 : memref<1x!tpu.dma_semaphore, #tpu.memory_space<semaphore_mem>> -> memref<!tpu.dma_semaphore, #tpu.memory_space<semaphore_mem>>
        %dma_start3A_317 = arith.constant 0 : i32
        %dma_start3A_318 = tpu.memref_slice %arg6[%rem3A_302, %dma_start3A_317] : memref<5x80xi32, #tpu.memory_space<vmem>> -> memref<1x80xi32, #tpu.memory_space<vmem>>
        %dma_start3A_319 = tpu.memref_squeeze %dma_start3A_318 : memref<1x80xi32, #tpu.memory_space<vmem>> -> memref<80xi32, #tpu.memory_space<vmem>>
        %dma_start3A_320 = tpu.memref_slice %arg3[%multiple_of3A_306] : memref<320000xi32, #tpu.memory_space<hbm>> -> memref<80xi32, #tpu.memory_space<hbm>>
        tpu.enqueue_dma source(%dma_start3A_320 : memref<80xi32, #tpu.memory_space<hbm>>) target(%dma_start3A_319 : memref<80xi32, #tpu.memory_space<vmem>>) target_semaphore(%dma_start3A_316 : memref<!tpu.dma_semaphore, #tpu.memory_space<semaphore_mem>>)
        %dma_start3A_321 = arith.constant 0 : i32
        %dma_start3A_322 = tpu.memref_slice %arg7[%rem3A_302, %dma_start3A_321] : memref<5x80xi32, #tpu.memory_space<vmem>> -> memref<1x80xi32, #tpu.memory_space<vmem>>
        %dma_start3A_323 = tpu.memref_squeeze %dma_start3A_322 : memref<1x80xi32, #tpu.memory_space<vmem>> -> memref<80xi32, #tpu.memory_space<vmem>>
        %dma_start3A_324 = tpu.memref_slice %arg4[%multiple_of3A_310] : memref<320000xi32, #tpu.memory_space<hbm>> -> memref<80xi32, #tpu.memory_space<hbm>>
        %dma_start3A_325 = tpu.memref_slice %arg10[%rem3A_302] : memref<5x!tpu.dma_semaphore, #tpu.memory_space<semaphore_mem>> -> memref<1x!tpu.dma_semaphore, #tpu.memory_space<semaphore_mem>>
        %dma_start3A_326 = tpu.memref_squeeze %dma_start3A_325 : memref<1x!tpu.dma_semaphore, #tpu.memory_space<semaphore_mem>> -> memref<!tpu.dma_semaphore, #tpu.memory_space<semaphore_mem>>
        %dma_start3A_327 = arith.constant 0 : i32
        %dma_start3A_328 = tpu.memref_slice %arg7[%rem3A_302, %dma_start3A_327] : memref<5x80xi32, #tpu.memory_space<vmem>> -> memref<1x80xi32, #tpu.memory_space<vmem>>
        %dma_start3A_329 = tpu.memref_squeeze %dma_start3A_328 : memref<1x80xi32, #tpu.memory_space<vmem>> -> memref<80xi32, #tpu.memory_space<vmem>>
        %dma_start3A_330 = tpu.memref_slice %arg4[%multiple_of3A_310] : memref<320000xi32, #tpu.memory_space<hbm>> -> memref<80xi32, #tpu.memory_space<hbm>>
        tpu.enqueue_dma source(%dma_start3A_330 : memref<80xi32, #tpu.memory_space<hbm>>) target(%dma_start3A_329 : memref<80xi32, #tpu.memory_space<vmem>>) target_semaphore(%dma_start3A_326 : memref<!tpu.dma_semaphore, #tpu.memory_space<semaphore_mem>>)
      } else {
      }
      %rem3A = arith.constant 5 : i32
      %rem3A_246 = arith.remsi %scan3A_236, %rem3A : i32
      %mul3A_247 = arith.constant 80 : i32
      %mul3A_248 = arith.muli %scan3A_236, %mul3A_247 : i32
      %add3A_249 = arith.addi %mul3A_50, %mul3A_248 : i32
      %multiple_of3A_250 = tpu.assume_multiple %add3A_249, 8 : i32
      %mul3A_251 = arith.constant 80 : i32
      %mul3A_252 = arith.muli %scan3A_236, %mul3A_251 : i32
      %add3A_253 = arith.addi %mul3A_50, %mul3A_252 : i32
      %multiple_of3A_254 = tpu.assume_multiple %add3A_253, 8 : i32
      %dma_wait3A_255 = arith.constant 0 : i32
      %dma_wait3A_256 = tpu.memref_slice %arg6[%rem3A_246, %dma_wait3A_255] : memref<5x80xi32, #tpu.memory_space<vmem>> -> memref<1x80xi32, #tpu.memory_space<vmem>>
      %dma_wait3A_257 = tpu.memref_squeeze %dma_wait3A_256 : memref<1x80xi32, #tpu.memory_space<vmem>> -> memref<80xi32, #tpu.memory_space<vmem>>
      %dma_wait3A_258 = tpu.memref_slice %arg3[%multiple_of3A_250] : memref<320000xi32, #tpu.memory_space<hbm>> -> memref<80xi32, #tpu.memory_space<hbm>>
      %dma_wait3A_259 = tpu.memref_slice %arg10[%rem3A_246] : memref<5x!tpu.dma_semaphore, #tpu.memory_space<semaphore_mem>> -> memref<1x!tpu.dma_semaphore, #tpu.memory_space<semaphore_mem>>
      %dma_wait3A_260 = tpu.memref_squeeze %dma_wait3A_259 : memref<1x!tpu.dma_semaphore, #tpu.memory_space<semaphore_mem>> -> memref<!tpu.dma_semaphore, #tpu.memory_space<semaphore_mem>>
      %dma_wait3A_261 = arith.constant 0 : i32
      %dma_wait3A_262 = tpu.memref_slice %arg6[%rem3A_246, %dma_wait3A_261] : memref<5x80xi32, #tpu.memory_space<vmem>> -> memref<1x80xi32, #tpu.memory_space<vmem>>
      %dma_wait3A_263 = tpu.memref_squeeze %dma_wait3A_262 : memref<1x80xi32, #tpu.memory_space<vmem>> -> memref<80xi32, #tpu.memory_space<vmem>>
      %dma_wait3A_264 = tpu.memref_slice %arg3[%multiple_of3A_250] : memref<320000xi32, #tpu.memory_space<hbm>> -> memref<80xi32, #tpu.memory_space<hbm>>
      tpu.wait_dma2 semaphore(%dma_wait3A_260 : memref<!tpu.dma_semaphore, #tpu.memory_space<semaphore_mem>>) src(%dma_wait3A_264 : memref<80xi32, #tpu.memory_space<hbm>>) dst(%dma_wait3A_263 : memref<80xi32, #tpu.memory_space<vmem>>)
      %dma_wait3A_265 = arith.constant 0 : i32
      %dma_wait3A_266 = tpu.memref_slice %arg7[%rem3A_246, %dma_wait3A_265] : memref<5x80xi32, #tpu.memory_space<vmem>> -> memref<1x80xi32, #tpu.memory_space<vmem>>
      %dma_wait3A_267 = tpu.memref_squeeze %dma_wait3A_266 : memref<1x80xi32, #tpu.memory_space<vmem>> -> memref<80xi32, #tpu.memory_space<vmem>>
      %dma_wait3A_268 = tpu.memref_slice %arg4[%multiple_of3A_254] : memref<320000xi32, #tpu.memory_space<hbm>> -> memref<80xi32, #tpu.memory_space<hbm>>
      %dma_wait3A_269 = tpu.memref_slice %arg10[%rem3A_246] : memref<5x!tpu.dma_semaphore, #tpu.memory_space<semaphore_mem>> -> memref<1x!tpu.dma_semaphore, #tpu.memory_space<semaphore_mem>>
      %dma_wait3A_270 = tpu.memref_squeeze %dma_wait3A_269 : memref<1x!tpu.dma_semaphore, #tpu.memory_space<semaphore_mem>> -> memref<!tpu.dma_semaphore, #tpu.memory_space<semaphore_mem>>
      %dma_wait3A_271 = arith.constant 0 : i32
      %dma_wait3A_272 = tpu.memref_slice %arg7[%rem3A_246, %dma_wait3A_271] : memref<5x80xi32, #tpu.memory_space<vmem>> -> memref<1x80xi32, #tpu.memory_space<vmem>>
      %dma_wait3A_273 = tpu.memref_squeeze %dma_wait3A_272 : memref<1x80xi32, #tpu.memory_space<vmem>> -> memref<80xi32, #tpu.memory_space<vmem>>
      %dma_wait3A_274 = tpu.memref_slice %arg4[%multiple_of3A_254] : memref<320000xi32, #tpu.memory_space<hbm>> -> memref<80xi32, #tpu.memory_space<hbm>>
      tpu.wait_dma2 semaphore(%dma_wait3A_270 : memref<!tpu.dma_semaphore, #tpu.memory_space<semaphore_mem>>) src(%dma_wait3A_274 : memref<80xi32, #tpu.memory_space<hbm>>) dst(%dma_wait3A_273 : memref<80xi32, #tpu.memory_space<vmem>>)
      %rem3A_275 = arith.constant 5 : i32
      %rem3A_276 = arith.remsi %scan3A_236, %rem3A_275 : i32
      %rem3A_277 = arith.constant 4 : i32
      %rem3A_278 = arith.remsi %scan3A_236, %rem3A_277 : i32
      %dma_start3A_279 = arith.constant 0 : i32
      %dma_start3A_280 = arith.constant 0 : i32
      %dma_start3A_281 = tpu.memref_slice %arg8[%rem3A_278, %dma_start3A_279, %dma_start3A_280] : memref<4x80x128xf32, #tpu.memory_space<vmem>> -> memref<1x80x128xf32, #tpu.memory_space<vmem>>
      %dma_start3A_282 = tpu.memref_squeeze %dma_start3A_281 : memref<1x80x128xf32, #tpu.memory_space<vmem>> -> memref<80x128xf32, #tpu.memory_space<vmem>>
      %dma_start3A_283 = arith.constant 0 : i32
      %dma_start3A_284 = tpu.memref_slice %arg6[%rem3A_276, %dma_start3A_283] : memref<5x80xi32, #tpu.memory_space<vmem>> -> memref<1x80xi32, #tpu.memory_space<vmem>>
      %dma_start3A_285 = tpu.memref_squeeze %dma_start3A_284 : memref<1x80xi32, #tpu.memory_space<vmem>> -> memref<80xi32, #tpu.memory_space<vmem>>
      %dma_start3A_286 = arith.constant 0 : i32
      %dma_start3A_287 = arith.constant 0 : i32
      %dma_start3A_288 = tpu.memref_slice %arg2[%dma_start3A_286, %dma_start3A_287] : memref<10000x128xf32, #tpu.memory_space<hbm>> -> memref<10000x128xf32, #tpu.memory_space<hbm>>
      %dma_start3A_289 = tpu.memref_slice %arg11[%rem3A_278] : memref<4x!tpu.dma_semaphore, #tpu.memory_space<semaphore_mem>> -> memref<1x!tpu.dma_semaphore, #tpu.memory_space<semaphore_mem>>
      %dma_start3A_290 = tpu.memref_squeeze %dma_start3A_289 : memref<1x!tpu.dma_semaphore, #tpu.memory_space<semaphore_mem>> -> memref<!tpu.dma_semaphore, #tpu.memory_space<semaphore_mem>>
      tpu.enqueue_indirect_dma source(%dma_start3A_288 : memref<10000x128xf32, #tpu.memory_space<hbm>>) target(%dma_start3A_282 : memref<80x128xf32, #tpu.memory_space<vmem>>) offsets(%dma_start3A_285 : memref<80xi32, #tpu.memory_space<vmem>>) semaphore(%dma_start3A_290 : memref<!tpu.dma_semaphore, #tpu.memory_space<semaphore_mem>>)
      %ge3A_291 = arith.constant 3 : i32
      %ge3A_292 = arith.cmpi sge, %scan3A_236, %ge3A_291 : i32
      %convert_element_type3A_293 = arith.extui %ge3A_292 : i1 to i32
      %cond3A_294 = arith.constant 0 : i32
      %cond3A_295 = arith.cmpi ne, %convert_element_type3A_293, %cond3A_294 : i32
      scf.if %cond3A_295 {
        %sub3A = arith.constant 3 : i32
        %sub3A_297 = arith.subi %scan3A_236, %sub3A : i32
        %rem3A_298 = arith.constant 5 : i32
        %rem3A_299 = arith.remsi %sub3A_297, %rem3A_298 : i32
        %sub3A_300 = arith.constant 3 : i32
        %sub3A_301 = arith.subi %scan3A_236, %sub3A_300 : i32
        %rem3A_302 = arith.constant 4 : i32
        %rem3A_303 = arith.remsi %sub3A_301, %rem3A_302 : i32
        %dma_wait3A_304 = arith.constant 0 : i32
        %dma_wait3A_305 = arith.constant 0 : i32
        %dma_wait3A_306 = tpu.memref_slice %arg8[%rem3A_303, %dma_wait3A_304, %dma_wait3A_305] : memref<4x80x128xf32, #tpu.memory_space<vmem>> -> memref<1x80x128xf32, #tpu.memory_space<vmem>>
        %dma_wait3A_307 = tpu.memref_squeeze %dma_wait3A_306 : memref<1x80x128xf32, #tpu.memory_space<vmem>> -> memref<80x128xf32, #tpu.memory_space<vmem>>
        %dma_wait3A_308 = arith.constant 0 : i32
        %dma_wait3A_309 = tpu.memref_slice %arg6[%rem3A_299, %dma_wait3A_308] : memref<5x80xi32, #tpu.memory_space<vmem>> -> memref<1x80xi32, #tpu.memory_space<vmem>>
        %dma_wait3A_310 = tpu.memref_squeeze %dma_wait3A_309 : memref<1x80xi32, #tpu.memory_space<vmem>> -> memref<80xi32, #tpu.memory_space<vmem>>
        %dma_wait3A_311 = arith.constant 0 : i32
        %dma_wait3A_312 = arith.constant 0 : i32
        %dma_wait3A_313 = tpu.memref_slice %arg2[%dma_wait3A_311, %dma_wait3A_312] : memref<10000x128xf32, #tpu.memory_space<hbm>> -> memref<10000x128xf32, #tpu.memory_space<hbm>>
        %dma_wait3A_314 = tpu.memref_slice %arg11[%rem3A_303] : memref<4x!tpu.dma_semaphore, #tpu.memory_space<semaphore_mem>> -> memref<1x!tpu.dma_semaphore, #tpu.memory_space<semaphore_mem>>
        %dma_wait3A_315 = tpu.memref_squeeze %dma_wait3A_314 : memref<1x!tpu.dma_semaphore, #tpu.memory_space<semaphore_mem>> -> memref<!tpu.dma_semaphore, #tpu.memory_space<semaphore_mem>>
        tpu.wait_indirect_dma semaphore(%dma_wait3A_315 : memref<!tpu.dma_semaphore, #tpu.memory_space<semaphore_mem>>) src(%dma_wait3A_313 : memref<10000x128xf32, #tpu.memory_space<hbm>>) dst(%dma_wait3A_307 : memref<80x128xf32, #tpu.memory_space<vmem>>)
        %sub3A_316 = arith.constant 3 : i32
        %sub3A_317 = arith.subi %scan3A_236, %sub3A_316 : i32
        %rem3A_318 = arith.constant 5 : i32
        %rem3A_319 = arith.remsi %sub3A_317, %rem3A_318 : i32
        %sub3A_320 = arith.constant 3 : i32
        %sub3A_321 = arith.subi %scan3A_236, %sub3A_320 : i32
        %rem3A_322 = arith.constant 4 : i32
        %rem3A_323 = arith.remsi %sub3A_321, %rem3A_322 : i32
        %dma_start3A_324 = arith.constant 0 : i32
        %dma_start3A_325 = arith.constant 0 : i32
        %dma_start3A_326 = tpu.memref_slice %arg8[%rem3A_323, %dma_start3A_324, %dma_start3A_325] : memref<4x80x128xf32, #tpu.memory_space<vmem>> -> memref<1x80x128xf32, #tpu.memory_space<vmem>>
        %dma_start3A_327 = tpu.memref_squeeze %dma_start3A_326 : memref<1x80x128xf32, #tpu.memory_space<vmem>> -> memref<80x128xf32, #tpu.memory_space<vmem>>
        %dma_start3A_328 = arith.constant 0 : i32
        %dma_start3A_329 = tpu.memref_slice %arg7[%rem3A_319, %dma_start3A_328] : memref<5x80xi32, #tpu.memory_space<vmem>> -> memref<1x80xi32, #tpu.memory_space<vmem>>
        %dma_start3A_330 = tpu.memref_squeeze %dma_start3A_329 : memref<1x80xi32, #tpu.memory_space<vmem>> -> memref<80xi32, #tpu.memory_space<vmem>>
        %dma_start3A_331 = arith.constant 0 : i32
        %dma_start3A_332 = arith.constant 0 : i32
        %dma_start3A_333 = tpu.memref_slice %arg13[%dma_start3A_331, %dma_start3A_332] : memref<10240x128xf32, #tpu.memory_space<vmem_shared>> -> memref<10240x128xf32, #tpu.memory_space<vmem_shared>>
        %dma_start3A_334 = tpu.memref_slice %arg12[%rem3A_323] : memref<4x!tpu.dma_semaphore, #tpu.memory_space<semaphore_mem>> -> memref<1x!tpu.dma_semaphore, #tpu.memory_space<semaphore_mem>>
        %dma_start3A_335 = tpu.memref_squeeze %dma_start3A_334 : memref<1x!tpu.dma_semaphore, #tpu.memory_space<semaphore_mem>> -> memref<!tpu.dma_semaphore, #tpu.memory_space<semaphore_mem>>
        tpu.enqueue_indirect_dma source(%dma_start3A_327 : memref<80x128xf32, #tpu.memory_space<vmem>>) target(%dma_start3A_333 : memref<10240x128xf32, #tpu.memory_space<vmem_shared>>) offsets(%dma_start3A_330 : memref<80xi32, #tpu.memory_space<vmem>>) semaphore(%dma_start3A_335 : memref<!tpu.dma_semaphore, #tpu.memory_space<semaphore_mem>>) {add = true}
      } else {
      }
      %scan3A_296 = arith.constant 0 : i32
      scf.yield %scan3A_296 : i32
    }
    %scan3A_85 = arith.constant 125 : i32
    %dma_wait3A = arith.constant 2 : i32
    %dma_wait3A_86 = arith.constant 2 : i32
    %dma_wait3A_87 = arith.constant 2 : i32
    %dma_wait3A_88 = arith.constant 0 : i32
    %dma_wait3A_89 = arith.constant 0 : i32
    %dma_wait3A_90 = tpu.memref_slice %arg8[%dma_wait3A_86, %dma_wait3A_88, %dma_wait3A_89] : memref<4x80x128xf32, #tpu.memory_space<vmem>> -> memref<1x80x128xf32, #tpu.memory_space<vmem>>
    %dma_wait3A_91 = tpu.memref_squeeze %dma_wait3A_90 : memref<1x80x128xf32, #tpu.memory_space<vmem>> -> memref<80x128xf32, #tpu.memory_space<vmem>>
    %dma_wait3A_92 = arith.constant 0 : i32
    %dma_wait3A_93 = tpu.memref_slice %arg6[%dma_wait3A, %dma_wait3A_92] : memref<5x80xi32, #tpu.memory_space<vmem>> -> memref<1x80xi32, #tpu.memory_space<vmem>>
    %dma_wait3A_94 = tpu.memref_squeeze %dma_wait3A_93 : memref<1x80xi32, #tpu.memory_space<vmem>> -> memref<80xi32, #tpu.memory_space<vmem>>
    %dma_wait3A_95 = arith.constant 0 : i32
    %dma_wait3A_96 = arith.constant 0 : i32
    %dma_wait3A_97 = tpu.memref_slice %arg2[%dma_wait3A_95, %dma_wait3A_96] : memref<10000x128xf32, #tpu.memory_space<hbm>> -> memref<10000x128xf32, #tpu.memory_space<hbm>>
    %dma_wait3A_98 = tpu.memref_slice %arg11[%dma_wait3A_87] : memref<4x!tpu.dma_semaphore, #tpu.memory_space<semaphore_mem>> -> memref<1x!tpu.dma_semaphore, #tpu.memory_space<semaphore_mem>>
    %dma_wait3A_99 = tpu.memref_squeeze %dma_wait3A_98 : memref<1x!tpu.dma_semaphore, #tpu.memory_space<semaphore_mem>> -> memref<!tpu.dma_semaphore, #tpu.memory_space<semaphore_mem>>
    tpu.wait_indirect_dma semaphore(%dma_wait3A_99 : memref<!tpu.dma_semaphore, #tpu.memory_space<semaphore_mem>>) src(%dma_wait3A_97 : memref<10000x128xf32, #tpu.memory_space<hbm>>) dst(%dma_wait3A_91 : memref<80x128xf32, #tpu.memory_space<vmem>>)
    %dma_start3A_100 = arith.constant 2 : i32
    %dma_start3A_101 = arith.constant 2 : i32
    %dma_start3A_102 = arith.constant 2 : i32
    %dma_start3A_103 = arith.constant 0 : i32
    %dma_start3A_104 = arith.constant 0 : i32
    %dma_start3A_105 = tpu.memref_slice %arg8[%dma_start3A_100, %dma_start3A_103, %dma_start3A_104] : memref<4x80x128xf32, #tpu.memory_space<vmem>> -> memref<1x80x128xf32, #tpu.memory_space<vmem>>
    %dma_start3A_106 = tpu.memref_squeeze %dma_start3A_105 : memref<1x80x128xf32, #tpu.memory_space<vmem>> -> memref<80x128xf32, #tpu.memory_space<vmem>>
    %dma_start3A_107 = arith.constant 0 : i32
    %dma_start3A_108 = tpu.memref_slice %arg7[%dma_start3A_101, %dma_start3A_107] : memref<5x80xi32, #tpu.memory_space<vmem>> -> memref<1x80xi32, #tpu.memory_space<vmem>>
    %dma_start3A_109 = tpu.memref_squeeze %dma_start3A_108 : memref<1x80xi32, #tpu.memory_space<vmem>> -> memref<80xi32, #tpu.memory_space<vmem>>
    %dma_start3A_110 = arith.constant 0 : i32
    %dma_start3A_111 = arith.constant 0 : i32
    %dma_start3A_112 = tpu.memref_slice %arg13[%dma_start3A_110, %dma_start3A_111] : memref<10240x128xf32, #tpu.memory_space<vmem_shared>> -> memref<10240x128xf32, #tpu.memory_space<vmem_shared>>
    %dma_start3A_113 = tpu.memref_slice %arg12[%dma_start3A_102] : memref<4x!tpu.dma_semaphore, #tpu.memory_space<semaphore_mem>> -> memref<1x!tpu.dma_semaphore, #tpu.memory_space<semaphore_mem>>
    %dma_start3A_114 = tpu.memref_squeeze %dma_start3A_113 : memref<1x!tpu.dma_semaphore, #tpu.memory_space<semaphore_mem>> -> memref<!tpu.dma_semaphore, #tpu.memory_space<semaphore_mem>>
    tpu.enqueue_indirect_dma source(%dma_start3A_106 : memref<80x128xf32, #tpu.memory_space<vmem>>) target(%dma_start3A_112 : memref<10240x128xf32, #tpu.memory_space<vmem_shared>>) offsets(%dma_start3A_109 : memref<80xi32, #tpu.memory_space<vmem>>) semaphore(%dma_start3A_114 : memref<!tpu.dma_semaphore, #tpu.memory_space<semaphore_mem>>) {add = true}
    %dma_wait3A_115 = arith.constant 3 : i32
    %dma_wait3A_116 = arith.constant 3 : i32
    %dma_wait3A_117 = arith.constant 3 : i32
    %dma_wait3A_118 = arith.constant 0 : i32
    %dma_wait3A_119 = arith.constant 0 : i32
    %dma_wait3A_120 = tpu.memref_slice %arg8[%dma_wait3A_116, %dma_wait3A_118, %dma_wait3A_119] : memref<4x80x128xf32, #tpu.memory_space<vmem>> -> memref<1x80x128xf32, #tpu.memory_space<vmem>>
    %dma_wait3A_121 = tpu.memref_squeeze %dma_wait3A_120 : memref<1x80x128xf32, #tpu.memory_space<vmem>> -> memref<80x128xf32, #tpu.memory_space<vmem>>
    %dma_wait3A_122 = arith.constant 0 : i32
    %dma_wait3A_123 = tpu.memref_slice %arg6[%dma_wait3A_115, %dma_wait3A_122] : memref<5x80xi32, #tpu.memory_space<vmem>> -> memref<1x80xi32, #tpu.memory_space<vmem>>
    %dma_wait3A_124 = tpu.memref_squeeze %dma_wait3A_123 : memref<1x80xi32, #tpu.memory_space<vmem>> -> memref<80xi32, #tpu.memory_space<vmem>>
    %dma_wait3A_125 = arith.constant 0 : i32
    %dma_wait3A_126 = arith.constant 0 : i32
    %dma_wait3A_127 = tpu.memref_slice %arg2[%dma_wait3A_125, %dma_wait3A_126] : memref<10000x128xf32, #tpu.memory_space<hbm>> -> memref<10000x128xf32, #tpu.memory_space<hbm>>
    %dma_wait3A_128 = tpu.memref_slice %arg11[%dma_wait3A_117] : memref<4x!tpu.dma_semaphore, #tpu.memory_space<semaphore_mem>> -> memref<1x!tpu.dma_semaphore, #tpu.memory_space<semaphore_mem>>
    %dma_wait3A_129 = tpu.memref_squeeze %dma_wait3A_128 : memref<1x!tpu.dma_semaphore, #tpu.memory_space<semaphore_mem>> -> memref<!tpu.dma_semaphore, #tpu.memory_space<semaphore_mem>>
    tpu.wait_indirect_dma semaphore(%dma_wait3A_129 : memref<!tpu.dma_semaphore, #tpu.memory_space<semaphore_mem>>) src(%dma_wait3A_127 : memref<10000x128xf32, #tpu.memory_space<hbm>>) dst(%dma_wait3A_121 : memref<80x128xf32, #tpu.memory_space<vmem>>)
    %dma_start3A_130 = arith.constant 3 : i32
    %dma_start3A_131 = arith.constant 3 : i32
    %dma_start3A_132 = arith.constant 3 : i32
    %dma_start3A_133 = arith.constant 0 : i32
    %dma_start3A_134 = arith.constant 0 : i32
    %dma_start3A_135 = tpu.memref_slice %arg8[%dma_start3A_130, %dma_start3A_133, %dma_start3A_134] : memref<4x80x128xf32, #tpu.memory_space<vmem>> -> memref<1x80x128xf32, #tpu.memory_space<vmem>>
    %dma_start3A_136 = tpu.memref_squeeze %dma_start3A_135 : memref<1x80x128xf32, #tpu.memory_space<vmem>> -> memref<80x128xf32, #tpu.memory_space<vmem>>
    %dma_start3A_137 = arith.constant 0 : i32
    %dma_start3A_138 = tpu.memref_slice %arg7[%dma_start3A_131, %dma_start3A_137] : memref<5x80xi32, #tpu.memory_space<vmem>> -> memref<1x80xi32, #tpu.memory_space<vmem>>
    %dma_start3A_139 = tpu.memref_squeeze %dma_start3A_138 : memref<1x80xi32, #tpu.memory_space<vmem>> -> memref<80xi32, #tpu.memory_space<vmem>>
    %dma_start3A_140 = arith.constant 0 : i32
    %dma_start3A_141 = arith.constant 0 : i32
    %dma_start3A_142 = tpu.memref_slice %arg13[%dma_start3A_140, %dma_start3A_141] : memref<10240x128xf32, #tpu.memory_space<vmem_shared>> -> memref<10240x128xf32, #tpu.memory_space<vmem_shared>>
    %dma_start3A_143 = tpu.memref_slice %arg12[%dma_start3A_132] : memref<4x!tpu.dma_semaphore, #tpu.memory_space<semaphore_mem>> -> memref<1x!tpu.dma_semaphore, #tpu.memory_space<semaphore_mem>>
    %dma_start3A_144 = tpu.memref_squeeze %dma_start3A_143 : memref<1x!tpu.dma_semaphore, #tpu.memory_space<semaphore_mem>> -> memref<!tpu.dma_semaphore, #tpu.memory_space<semaphore_mem>>
    tpu.enqueue_indirect_dma source(%dma_start3A_136 : memref<80x128xf32, #tpu.memory_space<vmem>>) target(%dma_start3A_142 : memref<10240x128xf32, #tpu.memory_space<vmem_shared>>) offsets(%dma_start3A_139 : memref<80xi32, #tpu.memory_space<vmem>>) semaphore(%dma_start3A_144 : memref<!tpu.dma_semaphore, #tpu.memory_space<semaphore_mem>>) {add = true}
    %dma_wait3A_145 = arith.constant 4 : i32
    %dma_wait3A_146 = arith.constant 0 : i32
    %dma_wait3A_147 = arith.constant 0 : i32
    %dma_wait3A_148 = arith.constant 0 : i32
    %dma_wait3A_149 = arith.constant 0 : i32
    %dma_wait3A_150 = tpu.memref_slice %arg8[%dma_wait3A_146, %dma_wait3A_148, %dma_wait3A_149] : memref<4x80x128xf32, #tpu.memory_space<vmem>> -> memref<1x80x128xf32, #tpu.memory_space<vmem>>
    %dma_wait3A_151 = tpu.memref_squeeze %dma_wait3A_150 : memref<1x80x128xf32, #tpu.memory_space<vmem>> -> memref<80x128xf32, #tpu.memory_space<vmem>>
    %dma_wait3A_152 = arith.constant 0 : i32
    %dma_wait3A_153 = tpu.memref_slice %arg6[%dma_wait3A_145, %dma_wait3A_152] : memref<5x80xi32, #tpu.memory_space<vmem>> -> memref<1x80xi32, #tpu.memory_space<vmem>>
    %dma_wait3A_154 = tpu.memref_squeeze %dma_wait3A_153 : memref<1x80xi32, #tpu.memory_space<vmem>> -> memref<80xi32, #tpu.memory_space<vmem>>
    %dma_wait3A_155 = arith.constant 0 : i32
    %dma_wait3A_156 = arith.constant 0 : i32
    %dma_wait3A_157 = tpu.memref_slice %arg2[%dma_wait3A_155, %dma_wait3A_156] : memref<10000x128xf32, #tpu.memory_space<hbm>> -> memref<10000x128xf32, #tpu.memory_space<hbm>>
    %dma_wait3A_158 = tpu.memref_slice %arg11[%dma_wait3A_147] : memref<4x!tpu.dma_semaphore, #tpu.memory_space<semaphore_mem>> -> memref<1x!tpu.dma_semaphore, #tpu.memory_space<semaphore_mem>>
    %dma_wait3A_159 = tpu.memref_squeeze %dma_wait3A_158 : memref<1x!tpu.dma_semaphore, #tpu.memory_space<semaphore_mem>> -> memref<!tpu.dma_semaphore, #tpu.memory_space<semaphore_mem>>
    tpu.wait_indirect_dma semaphore(%dma_wait3A_159 : memref<!tpu.dma_semaphore, #tpu.memory_space<semaphore_mem>>) src(%dma_wait3A_157 : memref<10000x128xf32, #tpu.memory_space<hbm>>) dst(%dma_wait3A_151 : memref<80x128xf32, #tpu.memory_space<vmem>>)
    %dma_start3A_160 = arith.constant 0 : i32
    %dma_start3A_161 = arith.constant 4 : i32
    %dma_start3A_162 = arith.constant 0 : i32
    %dma_start3A_163 = arith.constant 0 : i32
    %dma_start3A_164 = arith.constant 0 : i32
    %dma_start3A_165 = tpu.memref_slice %arg8[%dma_start3A_160, %dma_start3A_163, %dma_start3A_164] : memref<4x80x128xf32, #tpu.memory_space<vmem>> -> memref<1x80x128xf32, #tpu.memory_space<vmem>>
    %dma_start3A_166 = tpu.memref_squeeze %dma_start3A_165 : memref<1x80x128xf32, #tpu.memory_space<vmem>> -> memref<80x128xf32, #tpu.memory_space<vmem>>
    %dma_start3A_167 = arith.constant 0 : i32
    %dma_start3A_168 = tpu.memref_slice %arg7[%dma_start3A_161, %dma_start3A_167] : memref<5x80xi32, #tpu.memory_space<vmem>> -> memref<1x80xi32, #tpu.memory_space<vmem>>
    %dma_start3A_169 = tpu.memref_squeeze %dma_start3A_168 : memref<1x80xi32, #tpu.memory_space<vmem>> -> memref<80xi32, #tpu.memory_space<vmem>>
    %dma_start3A_170 = arith.constant 0 : i32
    %dma_start3A_171 = arith.constant 0 : i32
    %dma_start3A_172 = tpu.memref_slice %arg13[%dma_start3A_170, %dma_start3A_171] : memref<10240x128xf32, #tpu.memory_space<vmem_shared>> -> memref<10240x128xf32, #tpu.memory_space<vmem_shared>>
    %dma_start3A_173 = tpu.memref_slice %arg12[%dma_start3A_162] : memref<4x!tpu.dma_semaphore, #tpu.memory_space<semaphore_mem>> -> memref<1x!tpu.dma_semaphore, #tpu.memory_space<semaphore_mem>>
    %dma_start3A_174 = tpu.memref_squeeze %dma_start3A_173 : memref<1x!tpu.dma_semaphore, #tpu.memory_space<semaphore_mem>> -> memref<!tpu.dma_semaphore, #tpu.memory_space<semaphore_mem>>
    tpu.enqueue_indirect_dma source(%dma_start3A_166 : memref<80x128xf32, #tpu.memory_space<vmem>>) target(%dma_start3A_172 : memref<10240x128xf32, #tpu.memory_space<vmem_shared>>) offsets(%dma_start3A_169 : memref<80xi32, #tpu.memory_space<vmem>>) semaphore(%dma_start3A_174 : memref<!tpu.dma_semaphore, #tpu.memory_space<semaphore_mem>>) {add = true}
    %dma_wait3A_175 = arith.constant 1 : i32
    %dma_wait3A_176 = arith.constant 1 : i32
    %dma_wait3A_177 = arith.constant 1 : i32
    %dma_wait3A_178 = arith.constant 0 : i32
    %dma_wait3A_179 = arith.constant 0 : i32
    %dma_wait3A_180 = tpu.memref_slice %arg8[%dma_wait3A_175, %dma_wait3A_178, %dma_wait3A_179] : memref<4x80x128xf32, #tpu.memory_space<vmem>> -> memref<1x80x128xf32, #tpu.memory_space<vmem>>
    %dma_wait3A_181 = tpu.memref_squeeze %dma_wait3A_180 : memref<1x80x128xf32, #tpu.memory_space<vmem>> -> memref<80x128xf32, #tpu.memory_space<vmem>>
    %dma_wait3A_182 = arith.constant 0 : i32
    %dma_wait3A_183 = tpu.memref_slice %arg7[%dma_wait3A_176, %dma_wait3A_182] : memref<5x80xi32, #tpu.memory_space<vmem>> -> memref<1x80xi32, #tpu.memory_space<vmem>>
    %dma_wait3A_184 = tpu.memref_squeeze %dma_wait3A_183 : memref<1x80xi32, #tpu.memory_space<vmem>> -> memref<80xi32, #tpu.memory_space<vmem>>
    %dma_wait3A_185 = arith.constant 0 : i32
    %dma_wait3A_186 = arith.constant 0 : i32
    %dma_wait3A_187 = tpu.memref_slice %arg13[%dma_wait3A_185, %dma_wait3A_186] : memref<10240x128xf32, #tpu.memory_space<vmem_shared>> -> memref<10240x128xf32, #tpu.memory_space<vmem_shared>>
    %dma_wait3A_188 = tpu.memref_slice %arg12[%dma_wait3A_177] : memref<4x!tpu.dma_semaphore, #tpu.memory_space<semaphore_mem>> -> memref<1x!tpu.dma_semaphore, #tpu.memory_space<semaphore_mem>>
    %dma_wait3A_189 = tpu.memref_squeeze %dma_wait3A_188 : memref<1x!tpu.dma_semaphore, #tpu.memory_space<semaphore_mem>> -> memref<!tpu.dma_semaphore, #tpu.memory_space<semaphore_mem>>
    tpu.wait_indirect_dma semaphore(%dma_wait3A_189 : memref<!tpu.dma_semaphore, #tpu.memory_space<semaphore_mem>>) src(%dma_wait3A_181 : memref<80x128xf32, #tpu.memory_space<vmem>>) dst(%dma_wait3A_187 : memref<10240x128xf32, #tpu.memory_space<vmem_shared>>)
    %dma_wait3A_190 = arith.constant 2 : i32
    %dma_wait3A_191 = arith.constant 2 : i32
    %dma_wait3A_192 = arith.constant 2 : i32
    %dma_wait3A_193 = arith.constant 0 : i32
    %dma_wait3A_194 = arith.constant 0 : i32
    %dma_wait3A_195 = tpu.memref_slice %arg8[%dma_wait3A_190, %dma_wait3A_193, %dma_wait3A_194] : memref<4x80x128xf32, #tpu.memory_space<vmem>> -> memref<1x80x128xf32, #tpu.memory_space<vmem>>
    %dma_wait3A_196 = tpu.memref_squeeze %dma_wait3A_195 : memref<1x80x128xf32, #tpu.memory_space<vmem>> -> memref<80x128xf32, #tpu.memory_space<vmem>>
    %dma_wait3A_197 = arith.constant 0 : i32
    %dma_wait3A_198 = tpu.memref_slice %arg7[%dma_wait3A_191, %dma_wait3A_197] : memref<5x80xi32, #tpu.memory_space<vmem>> -> memref<1x80xi32, #tpu.memory_space<vmem>>
    %dma_wait3A_199 = tpu.memref_squeeze %dma_wait3A_198 : memref<1x80xi32, #tpu.memory_space<vmem>> -> memref<80xi32, #tpu.memory_space<vmem>>
    %dma_wait3A_200 = arith.constant 0 : i32
    %dma_wait3A_201 = arith.constant 0 : i32
    %dma_wait3A_202 = tpu.memref_slice %arg13[%dma_wait3A_200, %dma_wait3A_201] : memref<10240x128xf32, #tpu.memory_space<vmem_shared>> -> memref<10240x128xf32, #tpu.memory_space<vmem_shared>>
    %dma_wait3A_203 = tpu.memref_slice %arg12[%dma_wait3A_192] : memref<4x!tpu.dma_semaphore, #tpu.memory_space<semaphore_mem>> -> memref<1x!tpu.dma_semaphore, #tpu.memory_space<semaphore_mem>>
    %dma_wait3A_204 = tpu.memref_squeeze %dma_wait3A_203 : memref<1x!tpu.dma_semaphore, #tpu.memory_space<semaphore_mem>> -> memref<!tpu.dma_semaphore, #tpu.memory_space<semaphore_mem>>
    tpu.wait_indirect_dma semaphore(%dma_wait3A_204 : memref<!tpu.dma_semaphore, #tpu.memory_space<semaphore_mem>>) src(%dma_wait3A_196 : memref<80x128xf32, #tpu.memory_space<vmem>>) dst(%dma_wait3A_202 : memref<10240x128xf32, #tpu.memory_space<vmem_shared>>)
    %dma_wait3A_205 = arith.constant 3 : i32
    %dma_wait3A_206 = arith.constant 3 : i32
    %dma_wait3A_207 = arith.constant 3 : i32
    %dma_wait3A_208 = arith.constant 0 : i32
    %dma_wait3A_209 = arith.constant 0 : i32
    %dma_wait3A_210 = tpu.memref_slice %arg8[%dma_wait3A_205, %dma_wait3A_208, %dma_wait3A_209] : memref<4x80x128xf32, #tpu.memory_space<vmem>> -> memref<1x80x128xf32, #tpu.memory_space<vmem>>
    %dma_wait3A_211 = tpu.memref_squeeze %dma_wait3A_210 : memref<1x80x128xf32, #tpu.memory_space<vmem>> -> memref<80x128xf32, #tpu.memory_space<vmem>>
    %dma_wait3A_212 = arith.constant 0 : i32
    %dma_wait3A_213 = tpu.memref_slice %arg7[%dma_wait3A_206, %dma_wait3A_212] : memref<5x80xi32, #tpu.memory_space<vmem>> -> memref<1x80xi32, #tpu.memory_space<vmem>>
    %dma_wait3A_214 = tpu.memref_squeeze %dma_wait3A_213 : memref<1x80xi32, #tpu.memory_space<vmem>> -> memref<80xi32, #tpu.memory_space<vmem>>
    %dma_wait3A_215 = arith.constant 0 : i32
    %dma_wait3A_216 = arith.constant 0 : i32
    %dma_wait3A_217 = tpu.memref_slice %arg13[%dma_wait3A_215, %dma_wait3A_216] : memref<10240x128xf32, #tpu.memory_space<vmem_shared>> -> memref<10240x128xf32, #tpu.memory_space<vmem_shared>>
    %dma_wait3A_218 = tpu.memref_slice %arg12[%dma_wait3A_207] : memref<4x!tpu.dma_semaphore, #tpu.memory_space<semaphore_mem>> -> memref<1x!tpu.dma_semaphore, #tpu.memory_space<semaphore_mem>>
    %dma_wait3A_219 = tpu.memref_squeeze %dma_wait3A_218 : memref<1x!tpu.dma_semaphore, #tpu.memory_space<semaphore_mem>> -> memref<!tpu.dma_semaphore, #tpu.memory_space<semaphore_mem>>
    tpu.wait_indirect_dma semaphore(%dma_wait3A_219 : memref<!tpu.dma_semaphore, #tpu.memory_space<semaphore_mem>>) src(%dma_wait3A_211 : memref<80x128xf32, #tpu.memory_space<vmem>>) dst(%dma_wait3A_217 : memref<10240x128xf32, #tpu.memory_space<vmem_shared>>)
    %dma_wait3A_220 = arith.constant 0 : i32
    %dma_wait3A_221 = arith.constant 4 : i32
    %dma_wait3A_222 = arith.constant 0 : i32
    %dma_wait3A_223 = arith.constant 0 : i32
    %dma_wait3A_224 = arith.constant 0 : i32
    %dma_wait3A_225 = tpu.memref_slice %arg8[%dma_wait3A_220, %dma_wait3A_223, %dma_wait3A_224] : memref<4x80x128xf32, #tpu.memory_space<vmem>> -> memref<1x80x128xf32, #tpu.memory_space<vmem>>
    %dma_wait3A_226 = tpu.memref_squeeze %dma_wait3A_225 : memref<1x80x128xf32, #tpu.memory_space<vmem>> -> memref<80x128xf32, #tpu.memory_space<vmem>>
    %dma_wait3A_227 = arith.constant 0 : i32
    %dma_wait3A_228 = tpu.memref_slice %arg7[%dma_wait3A_221, %dma_wait3A_227] : memref<5x80xi32, #tpu.memory_space<vmem>> -> memref<1x80xi32, #tpu.memory_space<vmem>>
    %dma_wait3A_229 = tpu.memref_squeeze %dma_wait3A_228 : memref<1x80xi32, #tpu.memory_space<vmem>> -> memref<80xi32, #tpu.memory_space<vmem>>
    %dma_wait3A_230 = arith.constant 0 : i32
    %dma_wait3A_231 = arith.constant 0 : i32
    %dma_wait3A_232 = tpu.memref_slice %arg13[%dma_wait3A_230, %dma_wait3A_231] : memref<10240x128xf32, #tpu.memory_space<vmem_shared>> -> memref<10240x128xf32, #tpu.memory_space<vmem_shared>>
    %dma_wait3A_233 = tpu.memref_slice %arg12[%dma_wait3A_222] : memref<4x!tpu.dma_semaphore, #tpu.memory_space<semaphore_mem>> -> memref<1x!tpu.dma_semaphore, #tpu.memory_space<semaphore_mem>>
    %dma_wait3A_234 = tpu.memref_squeeze %dma_wait3A_233 : memref<1x!tpu.dma_semaphore, #tpu.memory_space<semaphore_mem>> -> memref<!tpu.dma_semaphore, #tpu.memory_space<semaphore_mem>>
    tpu.wait_indirect_dma semaphore(%dma_wait3A_234 : memref<!tpu.dma_semaphore, #tpu.memory_space<semaphore_mem>>) src(%dma_wait3A_226 : memref<80x128xf32, #tpu.memory_space<vmem>>) dst(%dma_wait3A_232 : memref<10240x128xf32, #tpu.memory_space<vmem_shared>>)
    %barrier3A_235 = arith.constant 0 : index
    tpu.barrier barrier_id(%barrier3A_235)
    "tpu.region"() ({
      %run_scoped3A = tpu.sem_alloc : memref<!tpu.dma_semaphore, #tpu.memory_space<semaphore_mem>>
      %dma_start3A_236 = arith.constant 0 : i32
      %dma_start3A_237 = tpu.memref_slice %arg5[%arg0, %mul3A_8, %dma_start3A_236] : memref<2x10240x128xf32, #tpu.memory_space<hbm>> -> memref<1x640x128xf32, #tpu.memory_space<hbm>>
      %dma_start3A_238 = tpu.memref_squeeze %dma_start3A_237 : memref<1x640x128xf32, #tpu.memory_space<hbm>> -> memref<640x128xf32, #tpu.memory_space<hbm>>
      %dma_start3A_239 = arith.constant 0 : i32
      %dma_start3A_240 = tpu.memref_slice %arg13[%mul3A_8, %dma_start3A_239] : memref<10240x128xf32, #tpu.memory_space<vmem_shared>> -> memref<640x128xf32, #tpu.memory_space<vmem_shared>>
      tpu.enqueue_dma source(%dma_start3A_240 : memref<640x128xf32, #tpu.memory_space<vmem_shared>>) target(%dma_start3A_238 : memref<640x128xf32, #tpu.memory_space<hbm>>) target_semaphore(%run_scoped3A : memref<!tpu.dma_semaphore, #tpu.memory_space<semaphore_mem>>)
      %dma_wait3A_241 = arith.constant 0 : i32
      %dma_wait3A_242 = tpu.memref_slice %arg5[%arg0, %mul3A_8, %dma_wait3A_241] : memref<2x10240x128xf32, #tpu.memory_space<hbm>> -> memref<1x640x128xf32, #tpu.memory_space<hbm>>
      %dma_wait3A_243 = tpu.memref_squeeze %dma_wait3A_242 : memref<1x640x128xf32, #tpu.memory_space<hbm>> -> memref<640x128xf32, #tpu.memory_space<hbm>>
      %dma_wait3A_244 = arith.constant 0 : i32
      %dma_wait3A_245 = tpu.memref_slice %arg13[%mul3A_8, %dma_wait3A_244] : memref<10240x128xf32, #tpu.memory_space<vmem_shared>> -> memref<640x128xf32, #tpu.memory_space<vmem_shared>>
      tpu.wait_dma2 semaphore(%run_scoped3A : memref<!tpu.dma_semaphore, #tpu.memory_space<semaphore_mem>>) src(%dma_wait3A_245 : memref<640x128xf32, #tpu.memory_space<vmem_shared>>) dst(%dma_wait3A_243 : memref<640x128xf32, #tpu.memory_space<hbm>>)
      tpu.yield
    }) : () -> ()
    return
  }
}

module attributes {stable_mosaic.version = 14 : i64} {
  func.func @_dense_body(%arg0: i32, %arg1: memref<2x2000x128xf32, #tpu.memory_space<vmem>>, %arg2: memref<2x2000x1xf32, #tpu.memory_space<vmem>>, %arg3: memref<2000x128xf32, #tpu.memory_space<vmem>>, %arg4: memref<128x128xf32, #tpu.memory_space<vmem>>, %arg5: memref<128x128xf32, #tpu.memory_space<vmem>>, %arg6: memref<1x128xf32, #tpu.memory_space<vmem>>, %arg7: memref<2000x128xf32, #tpu.memory_space<vmem>>) attributes {dimension_semantics = [#tpu.dimension_semantics<arbitrary>], iteration_bounds = array<i64: 5>, scalar_prefetch = 0 : i64, scratch_operands = 0 : i64, tpu.core_type = #tpu.core_type<tc>, window_params = [{transform_indices = @transform_0, window_bounds = array<i64: 2, 2000, 128>}, {transform_indices = @transform_1, window_bounds = array<i64: 2, 2000, 1>}, {transform_indices = @transform_2, window_bounds = array<i64: 2000, 128>}, {pipeline_mode = #tpu.pipeline_mode<synchronous>, transform_indices = @transform_3, window_bounds = array<i64: 128, 128>}, {pipeline_mode = #tpu.pipeline_mode<synchronous>, transform_indices = @transform_4, window_bounds = array<i64: 128, 128>}, {pipeline_mode = #tpu.pipeline_mode<synchronous>, transform_indices = @transform_5, window_bounds = array<i64: 1, 128>}, {transform_indices = @transform_6, window_bounds = array<i64: 2000, 128>}]} {
    %get3A = arith.constant 0 : index
    %get3A_0 = arith.constant 0 : index
    %get3A_1 = arith.constant 0 : index
    %get3A_2 = vector.load %arg1[%get3A, %get3A_0, %get3A_1] : memref<2x2000x128xf32, #tpu.memory_space<vmem>>, vector<1x2000x128xf32>
    %get3A_3 = vector.shape_cast %get3A_2 : vector<1x2000x128xf32> to vector<2000x128xf32>
    %get3A_4 = arith.constant 1 : index
    %get3A_5 = arith.constant 0 : index
    %get3A_6 = arith.constant 0 : index
    %get3A_7 = vector.load %arg1[%get3A_4, %get3A_5, %get3A_6] : memref<2x2000x128xf32, #tpu.memory_space<vmem>>, vector<1x2000x128xf32>
    %get3A_8 = vector.shape_cast %get3A_7 : vector<1x2000x128xf32> to vector<2000x128xf32>
    %add3A = arith.addf %get3A_3, %get3A_8 : vector<2000x128xf32>
    %get3A_9 = arith.constant 0 : index
    %get3A_10 = arith.constant 0 : index
    %get3A_11 = arith.constant 0 : index
    %get3A_12 = vector.load %arg2[%get3A_9, %get3A_10, %get3A_11] : memref<2x2000x1xf32, #tpu.memory_space<vmem>>, vector<1x2000x1xf32>
    %get3A_13 = vector.shape_cast %get3A_12 : vector<1x2000x1xf32> to vector<2000x1xf32>
    %get3A_14 = arith.constant 1 : index
    %get3A_15 = arith.constant 0 : index
    %get3A_16 = arith.constant 0 : index
    %get3A_17 = vector.load %arg2[%get3A_14, %get3A_15, %get3A_16] : memref<2x2000x1xf32, #tpu.memory_space<vmem>>, vector<1x2000x1xf32>
    %get3A_18 = vector.shape_cast %get3A_17 : vector<1x2000x1xf32> to vector<2000x1xf32>
    %add3A_19 = arith.addf %get3A_13, %get3A_18 : vector<2000x1xf32>
    %max3A = arith.constant 1.000000e+00 : f32
    %max3A_20 = vector.broadcast %max3A : f32 to vector<2000x1xf32>
    %max3A_21 = arith.maximumf %add3A_19, %max3A_20 : vector<2000x1xf32>
    %div3A = vector.broadcast %max3A_21 : vector<2000x1xf32> to vector<2000x128xf32>
    %div3A_22 = arith.divf %add3A, %div3A : vector<2000x128xf32>
    %get3A_23 = arith.constant 0 : index
    %get3A_24 = arith.constant 0 : index
    %get3A_25 = vector.load %arg4[%get3A_23, %get3A_24] : memref<128x128xf32, #tpu.memory_space<vmem>>, vector<128x128xf32>
    %dot_general3A = arith.constant dense<0.000000e+00> : vector<2000x128xf32>
    %dot_general3A_26 = tpu.matmul %div3A_22, %get3A_25, %dot_general3A {dimension_numbers = #tpu.dot_dimension_numbers<[1], [0], [0], [1], [0, 0, 1, 1], [], []>, transpose_lhs_hint = false} : vector<2000x128xf32>, vector<128x128xf32>, vector<2000x128xf32> -> vector<2000x128xf32>
    %get3A_27 = arith.constant 0 : index
    %get3A_28 = arith.constant 0 : index
    %get3A_29 = vector.load %arg6[%get3A_27, %get3A_28] : memref<1x128xf32, #tpu.memory_space<vmem>>, vector<1x128xf32>
    %add3A_30 = vector.broadcast %get3A_29 : vector<1x128xf32> to vector<2000x128xf32>
    %add3A_31 = arith.addf %dot_general3A_26, %add3A_30 : vector<2000x128xf32>
    %get3A_32 = arith.constant 0 : index
    %get3A_33 = arith.constant 0 : index
    %get3A_34 = vector.load %arg3[%get3A_32, %get3A_33] : memref<2000x128xf32, #tpu.memory_space<vmem>>, vector<2000x128xf32>
    %get3A_35 = arith.constant 0 : index
    %get3A_36 = arith.constant 0 : index
    %get3A_37 = vector.load %arg5[%get3A_35, %get3A_36] : memref<128x128xf32, #tpu.memory_space<vmem>>, vector<128x128xf32>
    %dot_general3A_38 = arith.constant dense<0.000000e+00> : vector<2000x128xf32>
    %dot_general3A_39 = tpu.matmul %get3A_34, %get3A_37, %dot_general3A_38 {dimension_numbers = #tpu.dot_dimension_numbers<[1], [0], [0], [1], [0, 0, 1, 1], [], []>, transpose_lhs_hint = false} : vector<2000x128xf32>, vector<128x128xf32>, vector<2000x128xf32> -> vector<2000x128xf32>
    %add3A_40 = arith.addf %add3A_31, %dot_general3A_39 : vector<2000x128xf32>
    %swap3A = arith.constant 0 : index
    %swap3A_41 = arith.constant 0 : index
    %swap3A_42 = vector.load %arg7[%swap3A, %swap3A_41] : memref<2000x128xf32, #tpu.memory_space<vmem>>, vector<2000x128xf32>
    tpu.vector_store %arg7[%swap3A, %swap3A_41], %add3A_40 {strides = array<i32>} : memref<2000x128xf32, #tpu.memory_space<vmem>>, vector<2000x128xf32>,
    return
  }
  func.func @transform_0(%arg0: i32) -> (i32, i32, i32) {
    %c0_i32 = arith.constant 0 : i32
    %c0_i32_0 = arith.constant 0 : i32
    %c0_i32_1 = arith.constant 0 : i32
    return %c0_i32, %arg0, %c0_i32_0 : i32, i32, i32
  }
  func.func @transform_1(%arg0: i32) -> (i32, i32, i32) {
    %c0_i32 = arith.constant 0 : i32
    %c0_i32_0 = arith.constant 0 : i32
    %c0_i32_1 = arith.constant 0 : i32
    return %c0_i32, %arg0, %c0_i32_0 : i32, i32, i32
  }
  func.func @transform_2(%arg0: i32) -> (i32, i32) {
    %c0_i32 = arith.constant 0 : i32
    %c0_i32_0 = arith.constant 0 : i32
    return %arg0, %c0_i32 : i32, i32
  }
  func.func @transform_3(%arg0: i32) -> (i32, i32) {
    %c0_i32 = arith.constant 0 : i32
    %c0_i32_0 = arith.constant 0 : i32
    %c0_i32_1 = arith.constant 0 : i32
    return %c0_i32, %c0_i32_0 : i32, i32
  }
  func.func @transform_4(%arg0: i32) -> (i32, i32) {
    %c0_i32 = arith.constant 0 : i32
    %c0_i32_0 = arith.constant 0 : i32
    %c0_i32_1 = arith.constant 0 : i32
    return %c0_i32, %c0_i32_0 : i32, i32
  }
  func.func @transform_5(%arg0: i32) -> (i32, i32) {
    %c0_i32 = arith.constant 0 : i32
    %c0_i32_0 = arith.constant 0 : i32
    %c0_i32_1 = arith.constant 0 : i32
    return %c0_i32, %c0_i32_0 : i32, i32
  }
  func.func @transform_6(%arg0: i32) -> (i32, i32) {
    %c0_i32 = arith.constant 0 : i32
    %c0_i32_0 = arith.constant 0 : i32
    return %arg0, %c0_i32 : i32, i32
  }
}

module attributes {stable_mosaic.version = 14 : i64} {
  func.func @_dense_body(%arg0: i32, %arg1: memref<2x2000x128xf32, #tpu.memory_space<vmem>>, %arg2: memref<2x2000x1xf32, #tpu.memory_space<vmem>>, %arg3: memref<2000x128xf32, #tpu.memory_space<vmem>>, %arg4: memref<128x128xf32, #tpu.memory_space<vmem>>, %arg5: memref<128x128xf32, #tpu.memory_space<vmem>>, %arg6: memref<1x128xf32, #tpu.memory_space<vmem>>, %arg7: memref<2000x128xf32, #tpu.memory_space<vmem>>) attributes {dimension_semantics = [#tpu.dimension_semantics<arbitrary>], iteration_bounds = array<i64: 5>, scalar_prefetch = 0 : i64, scratch_operands = 0 : i64, tpu.core_type = #tpu.core_type<tc>, window_params = [{transform_indices = @transform_0, window_bounds = array<i64: 2, 2000, 128>}, {transform_indices = @transform_1, window_bounds = array<i64: 2, 2000, 1>}, {transform_indices = @transform_2, window_bounds = array<i64: 2000, 128>}, {pipeline_mode = #tpu.pipeline_mode<synchronous>, transform_indices = @transform_3, window_bounds = array<i64: 128, 128>}, {pipeline_mode = #tpu.pipeline_mode<synchronous>, transform_indices = @transform_4, window_bounds = array<i64: 128, 128>}, {pipeline_mode = #tpu.pipeline_mode<synchronous>, transform_indices = @transform_5, window_bounds = array<i64: 1, 128>}, {transform_indices = @transform_6, window_bounds = array<i64: 2000, 128>}]} {
    %get3A = arith.constant 0 : index
    %get3A_0 = arith.constant 0 : index
    %get3A_1 = arith.constant 0 : index
    %get3A_2 = vector.load %arg1[%get3A, %get3A_0, %get3A_1] : memref<2x2000x128xf32, #tpu.memory_space<vmem>>, vector<1x2000x128xf32>
    %get3A_3 = vector.shape_cast %get3A_2 : vector<1x2000x128xf32> to vector<2000x128xf32>
    %get3A_4 = arith.constant 1 : index
    %get3A_5 = arith.constant 0 : index
    %get3A_6 = arith.constant 0 : index
    %get3A_7 = vector.load %arg1[%get3A_4, %get3A_5, %get3A_6] : memref<2x2000x128xf32, #tpu.memory_space<vmem>>, vector<1x2000x128xf32>
    %get3A_8 = vector.shape_cast %get3A_7 : vector<1x2000x128xf32> to vector<2000x128xf32>
    %add3A = arith.addf %get3A_3, %get3A_8 : vector<2000x128xf32>
    %get3A_9 = arith.constant 0 : index
    %get3A_10 = arith.constant 0 : index
    %get3A_11 = arith.constant 0 : index
    %get3A_12 = vector.load %arg2[%get3A_9, %get3A_10, %get3A_11] : memref<2x2000x1xf32, #tpu.memory_space<vmem>>, vector<1x2000x1xf32>
    %get3A_13 = vector.shape_cast %get3A_12 : vector<1x2000x1xf32> to vector<2000x1xf32>
    %get3A_14 = arith.constant 1 : index
    %get3A_15 = arith.constant 0 : index
    %get3A_16 = arith.constant 0 : index
    %get3A_17 = vector.load %arg2[%get3A_14, %get3A_15, %get3A_16] : memref<2x2000x1xf32, #tpu.memory_space<vmem>>, vector<1x2000x1xf32>
    %get3A_18 = vector.shape_cast %get3A_17 : vector<1x2000x1xf32> to vector<2000x1xf32>
    %add3A_19 = arith.addf %get3A_13, %get3A_18 : vector<2000x1xf32>
    %max3A = arith.constant 1.000000e+00 : f32
    %max3A_20 = vector.broadcast %max3A : f32 to vector<2000x1xf32>
    %max3A_21 = arith.maximumf %add3A_19, %max3A_20 : vector<2000x1xf32>
    %div3A = vector.broadcast %max3A_21 : vector<2000x1xf32> to vector<2000x128xf32>
    %div3A_22 = arith.divf %add3A, %div3A : vector<2000x128xf32>
    %get3A_23 = arith.constant 0 : index
    %get3A_24 = arith.constant 0 : index
    %get3A_25 = vector.load %arg4[%get3A_23, %get3A_24] : memref<128x128xf32, #tpu.memory_space<vmem>>, vector<128x128xf32>
    %dot_general3A = arith.constant dense<0.000000e+00> : vector<2000x128xf32>
    %dot_general3A_26 = tpu.matmul %div3A_22, %get3A_25, %dot_general3A {dimension_numbers = #tpu.dot_dimension_numbers<[1], [0], [0], [1], [0, 0, 1, 1], [], []>, transpose_lhs_hint = false} : vector<2000x128xf32>, vector<128x128xf32>, vector<2000x128xf32> -> vector<2000x128xf32>
    %get3A_27 = arith.constant 0 : index
    %get3A_28 = arith.constant 0 : index
    %get3A_29 = vector.load %arg6[%get3A_27, %get3A_28] : memref<1x128xf32, #tpu.memory_space<vmem>>, vector<1x128xf32>
    %add3A_30 = vector.broadcast %get3A_29 : vector<1x128xf32> to vector<2000x128xf32>
    %add3A_31 = arith.addf %dot_general3A_26, %add3A_30 : vector<2000x128xf32>
    %get3A_32 = arith.constant 0 : index
    %get3A_33 = arith.constant 0 : index
    %get3A_34 = vector.load %arg3[%get3A_32, %get3A_33] : memref<2000x128xf32, #tpu.memory_space<vmem>>, vector<2000x128xf32>
    %get3A_35 = arith.constant 0 : index
    %get3A_36 = arith.constant 0 : index
    %get3A_37 = vector.load %arg5[%get3A_35, %get3A_36] : memref<128x128xf32, #tpu.memory_space<vmem>>, vector<128x128xf32>
    %dot_general3A_38 = arith.constant dense<0.000000e+00> : vector<2000x128xf32>
    %dot_general3A_39 = tpu.matmul %get3A_34, %get3A_37, %dot_general3A_38 {dimension_numbers = #tpu.dot_dimension_numbers<[1], [0], [0], [1], [0, 0, 1, 1], [], []>, transpose_lhs_hint = false} : vector<2000x128xf32>, vector<128x128xf32>, vector<2000x128xf32> -> vector<2000x128xf32>
    %add3A_40 = arith.addf %add3A_31, %dot_general3A_39 : vector<2000x128xf32>
    %max3A_41 = arith.constant 0.000000e+00 : f32
    %max3A_42 = vector.broadcast %max3A_41 : f32 to vector<2000x128xf32>
    %max3A_43 = arith.maximumf %add3A_40, %max3A_42 : vector<2000x128xf32>
    %swap3A = arith.constant 0 : index
    %swap3A_44 = arith.constant 0 : index
    %swap3A_45 = vector.load %arg7[%swap3A, %swap3A_44] : memref<2000x128xf32, #tpu.memory_space<vmem>>, vector<2000x128xf32>
    tpu.vector_store %arg7[%swap3A, %swap3A_44], %max3A_43 {strides = array<i32>} : memref<2000x128xf32, #tpu.memory_space<vmem>>, vector<2000x128xf32>,
    return
  }
  func.func @transform_0(%arg0: i32) -> (i32, i32, i32) {
    %c0_i32 = arith.constant 0 : i32
    %c0_i32_0 = arith.constant 0 : i32
    %c0_i32_1 = arith.constant 0 : i32
    return %c0_i32, %arg0, %c0_i32_0 : i32, i32, i32
  }
  func.func @transform_1(%arg0: i32) -> (i32, i32, i32) {
    %c0_i32 = arith.constant 0 : i32
    %c0_i32_0 = arith.constant 0 : i32
    %c0_i32_1 = arith.constant 0 : i32
    return %c0_i32, %arg0, %c0_i32_0 : i32, i32, i32
  }
  func.func @transform_2(%arg0: i32) -> (i32, i32) {
    %c0_i32 = arith.constant 0 : i32
    %c0_i32_0 = arith.constant 0 : i32
    return %arg0, %c0_i32 : i32, i32
  }
  func.func @transform_3(%arg0: i32) -> (i32, i32) {
    %c0_i32 = arith.constant 0 : i32
    %c0_i32_0 = arith.constant 0 : i32
    %c0_i32_1 = arith.constant 0 : i32
    return %c0_i32, %c0_i32_0 : i32, i32
  }
  func.func @transform_4(%arg0: i32) -> (i32, i32) {
    %c0_i32 = arith.constant 0 : i32
    %c0_i32_0 = arith.constant 0 : i32
    %c0_i32_1 = arith.constant 0 : i32
    return %c0_i32, %c0_i32_0 : i32, i32
  }
  func.func @transform_5(%arg0: i32) -> (i32, i32) {
    %c0_i32 = arith.constant 0 : i32
    %c0_i32_0 = arith.constant 0 : i32
    %c0_i32_1 = arith.constant 0 : i32
    return %c0_i32, %c0_i32_0 : i32, i32
  }
  func.func @transform_6(%arg0: i32) -> (i32, i32) {
    %c0_i32 = arith.constant 0 : i32
    %c0_i32_0 = arith.constant 0 : i32
    return %arg0, %c0_i32 : i32, i32
  }
}

</mosaic_0001>

<sc_bundles>
// kernel: kernel.11.cloned.1.call-start
scs
__scs_entry_jumppad:
0x0: {  	(pc) =	sbr.rel $0x88, $3  }
0x1: {  	(tag) =	ssettag $0x0;
	lr =	simm.s32 $0x1  }
0x2: {  	[smem:$0x3F96] =	sst lr;
	_ =	strace $0xD0000000  }
0x3: {  	_ = 	snop  }
0x4: {  	_ = 	snop  }
0x5: {  	_ = 	snop  }
0x6: {  	_ = 	snop  }
0x7: {  	_ = 	snop  }
__scs_overlays_trampoline_lowered:
0x8: {  	[smem:$0x3FA5] =	sst s0  }
0x9: {  	[smem:$0x3FA6] =	sst s1  }
0xa: {  	[smem:$0x3FA7] =	sst s2  }
0xb: {  	[smem:$0x3FA8] =	sst s3  }
0xc: {  	[smem:$0x3FA9] =	sst s4  }
0xd: {  	[smem:$0x3FAA] =	sst s5  }
0xe: {  	[smem:$0x3FAB] =	sst s6  }
0xf: {  	[smem:$0x3FAC] =	sst s7  }
0x10: {  	[smem:$0x3FAD] =	sst s8  }
0x11: {  	[smem:$0x3FAE] =	sst s9;
	s0 =	simm.s32 @!p0 $0x0  }
0x12: {  	s1 =	sld [smem:$0x3F94];
	s0 =	simm.s32 @p0 $0x1  }
0x13: {  	[smem:$0x3FAF] =	sst s0;
	s0 =	simm.s32 @!p1 $0x0  }
0x14: {  	s2 =	sld [smem:$0x3F93];
	s0 =	simm.s32 @p1 $0x1  }
0x15: {  	[smem:$0x3FB0] =	sst s0;
	s0 =	simm.s32 @!p2 $0x0  }
0x16: {  	s3 =	sld [smem:$0x3FDB];
	s0 =	simm.s32 @p2 $0x1  }
0x17: {  	s4 =	simm.s32 $0x1BF5;
	[smem:$0x3FB2] =	sst s0  }
0x18: {  	s0 =	sld [smem:$0x3F95];
	_ =	swait.ge [sflag:s4], $0x0  }
0x19: {  	s7 =	sld [smem:$0x3F96]  }
0x1a: {  	s8 =	sadd.s32 $0xFFFFE003, lr  }
0x1b: {  	s9 =	sadd.s32 $0xFFFFFEF7, lr;
	s5 =	simm.s32 $0xFFFFFFFF;
	p2 =	slt.u32 s8, $0xFFFFF086  }
0x1c: {  	p1 =	slt.u32 s9, $0xF7A;
	s5 =	simm.s32 @!p2 $0x0  }
0x1d: {  	s5 =	simm.s32 @p1 $0x1;
	p0 =	seq.s32 s7, s2  }
0x1e: {  	s7 =	smul.u32 @!p0 $0xF7A, s2;
	p2 =	seq.s32 @!p0 s5, $0x0  }
0x1f: {  	s9 =	smul.u32 $0xF7A, s1;
	s8 =	simm.s32 @!p0 $0x1BF5;
	p2 =	por !p2, p0  }
0x20: {  	[sflag:s8] =	ssyncset.s32 @!p0 $0xFFFFF086;
	s6 =	sadd.s32 @!p0 s3, s7;
	s7 =	simm.s32 @!p0 $0x108  }
0x21: {  	s3 =	sadd.s32 s3, s9;
	s6 =	sadd.s32 @!p0 $0x88, s6;
	s7 =	simm.s32 @p2 $0x1082  }
0x22: {  	[simem:s7], [sflag:s8] =	dma.local @!p0 [hbm:s6], $0xF7A  }
0x23: {  	s9 =	sor.u32 $0xD0000000, s2;
	s6 =	simm.s32 $0x108;
	_ =	swait.ge @!p0 [sflag:s8], $0x0  }
0x24: {  	s3 =	sadd.s32 $0x88, s3;
	s6 =	simm.s32 @!p1 $0x1082;
	[sflag:s4] =	ssyncset.s32 $0xFFFFF086  }
0x25: {  	[simem:s6], [sflag:s4] =	dma.local [hbm:s3], $0xF7A  }
0x26: {  	[smem:$0x3F96] =	sst s1;
	(tag) =	ssettag s2;
	_ =	strace s9  }
0x27: {  	s1 =	sld [smem:$0x3FA6]  }
0x28: {  	s2 =	sld [smem:$0x3FA7]  }
0x29: {  	s4 =	sld [smem:$0x3FA9]  }
0x2a: {  	p0 =	seq.s32 s5, $0x0;
	s5 =	sld [smem:$0x3FAA]  }
0x2b: {  	s6 =	sld [smem:$0x3FAB]  }
0x2c: {  	s7 =	sld [smem:$0x3FAC]  }
0x2d: {  	s3 =	simm.s32 $0x108;
	s8 =	sld [smem:$0x3FAD]  }
0x2e: {  	s3 =	simm.s32 @!p0 $0x1082;
	s9 =	sld [smem:$0x3FAE]  }
0x2f: {  	lr =	sadd.s32 s0, s3;
	s0 =	sld [smem:$0x3FA5]  }
0x30: {  	s3 =	sld [smem:$0x3FA8]  }
0x31: {  	[smem:$0x3FB1] =	sst s10  }
0x32: {  	s10 =	sld [smem:$0x3FAF];
	_ =	sdelay $0x3  }
0x33: {  	p0 =	seq.s32 s10, $0x1;
	s10 =	sld [smem:$0x3FB1];
	_ =	sdelay $0x3  }
0x34: {  	[smem:$0x3FB1] =	sst s10  }
0x35: {  	s10 =	sld [smem:$0x3FB0];
	_ =	sdelay $0x3  }
0x36: {  	p1 =	seq.s32 s10, $0x1;
	s10 =	sld [smem:$0x3FB1];
	_ =	sdelay $0x3  }
0x37: {  	[smem:$0x3FB1] =	sst s10  }
0x38: {  	s10 =	sld [smem:$0x3FB2]  }
0x39: {  	_ = 	snop;
	(pc) =	sbr.ind lr, $3  }
0x3a: {  	_ = 	snop  }
0x3b: {  	_ = 	snop  }
0x3c: {  	p2 =	seq.s32 s10, $0x1;
	s10 =	sld [smem:$0x3FB1]  }
0x3d: {  	_ =	shalt  }
0x3e: {  	_ =	shalt  }
0x3f: {  	_ =	shalt  }
0x40: {  	_ =	shalt  }
0x41: {  	_ =	shalt  }
0x42: {  	_ =	shalt  }
0x43: {  	_ =	shalt  }
0x44: {  	_ =	shalt  }
0x45: {  	_ =	shalt  }
0x46: {  	_ =	shalt  }
0x47: {  	_ =	shalt  }
0x48: {  	_ =	shalt  }
0x49: {  	_ =	shalt  }
0x4a: {  	_ =	shalt  }
0x4b: {  	_ =	shalt  }
0x4c: {  	_ =	shalt  }
0x4d: {  	_ =	shalt  }
0x4e: {  	_ =	shalt  }
0x4f: {  	_ =	shalt  }
0x50: {  	_ =	shalt  }
0x51: {  	_ =	shalt  }
0x52: {  	_ =	shalt  }
0x53: {  	_ =	shalt  }
0x54: {  	_ =	shalt  }
0x55: {  	_ =	shalt  }
0x56: {  	_ =	shalt  }
0x57: {  	_ =	shalt  }
0x58: {  	_ =	shalt  }
0x59: {  	_ =	shalt  }
0x5a: {  	_ =	shalt  }
0x5b: {  	_ =	shalt  }
0x5c: {  	_ =	shalt  }
0x5d: {  	_ =	shalt  }
0x5e: {  	_ =	shalt  }
0x5f: {  	_ =	shalt  }
0x60: {  	_ =	shalt  }
0x61: {  	_ =	shalt  }
0x62: {  	_ =	shalt  }
0x63: {  	_ =	shalt  }
0x64: {  	_ =	shalt  }
0x65: {  	_ =	shalt  }
0x66: {  	_ =	shalt  }
0x67: {  	_ =	shalt  }
0x68: {  	_ =	shalt  }
0x69: {  	_ =	shalt  }
0x6a: {  	_ =	shalt  }
0x6b: {  	_ =	shalt  }
0x6c: {  	_ =	shalt  }
0x6d: {  	_ =	shalt  }
0x6e: {  	_ =	shalt  }
0x6f: {  	_ =	shalt  }
0x70: {  	_ =	shalt  }
0x71: {  	_ =	shalt  }
0x72: {  	_ =	shalt  }
0x73: {  	_ =	shalt  }
0x74: {  	_ =	shalt  }
0x75: {  	_ =	shalt  }
0x76: {  	_ =	shalt  }
0x77: {  	_ =	shalt  }
0x78: {  	_ =	shalt  }
0x79: {  	_ =	shalt  }
0x7a: {  	_ =	shalt  }
0x7b: {  	_ =	shalt  }
0x7c: {  	_ =	shalt  }
0x7d: {  	_ =	shalt  }
0x7e: {  	_ =	shalt  }
0x7f: {  	_ =	shalt  }
0x80: {  	_ =	shalt  }
0x81: {  	_ =	shalt  }
0x82: {  	_ =	shalt  }
0x83: {  	_ =	shalt  }
0x84: {  	_ =	shalt  }
0x85: {  	_ =	shalt  }
0x86: {  	_ =	shalt  }
0x87: {  	_ =	shalt  }
.Lfunc_end0:
.L_simem_size_0:
called_computation.1_lowered:
.L_overlay_start_0:
0x88: {  	s2 =	sld [smem:$0x3FD9]  }
0x89: {  	s3 =	sld [smem:$0x3FFE];
	_ =	sdelay $0x1  }
0x8a: {  	s1 =	srdreg.scid  }
0x8b: {  	s0 =	sand.u32 $0x1, s1  }
0x8c: {  	s17 =	sshll.u32 s0, $0xA;
	s2 =	sadd.s32 s3, s2  }
0x8d: {  	s2 =	sadd.s32 s2, s17  }
0x8e: {  	[smem:$0x3FBD] =	sst s2  }
0x8f: {  	_ = 	snop  }
0x90: {  	s2 =	sld [smem:$0x3FD0];
	(tm) =	ssettm $0x1  }
0x91: {  	s18 =	sld [smem:$0x3FFB];
	_ =	sdelay $0x3  }
0x92: {  	_ =	strace s18  }
0x93: {  	s3 =	sld [smem:$0x3FFC];
	_ =	sdelay $0x3  }
0x94: {  	_ =	strace s3  }
0x95: {  	s3 =	sld [smem:$0x3FFD];
	_ =	sdelay $0x3  }
0x96: {  	_ =	strace s3  }
0x97: {  	_ =	strace $0x8FFFFFFF  }
0x98: {  	s19 =	sld [smem:$0x3FDB];
	_ =	sdelay $0x1  }
0x99: {  	s4 =	simm.s32 $_scs_section_size  }
0x9a: {  	s5 =	simm.s32 $_size__tile_overlayer_lowered;
	s6 =	simm.s32 $_tile_overlayer_lowered  }
0x9b: {  	s22 =	simm.s32 $0x1BFF;
	s21 =	sshll.u32 s6, $0x1;
	s3 =	sadd.s32 s4, s19  }
0x9c: {  	s7 =	simm.s32 $0x0;
	s20 =	sshll.u32 s5, $0x1;
	s5 =	sadd.s32 s21, s3  }
0x9d: {  	[timem:s7], [sflag:s22] =	dma.local [hbm:s5], s20  }
0x9e: {  	_ =	swait.ge [sflag:s22], s20  }
0x9f: {  	s4 =	ssub.s32 $0x0, s20;
	[sflag:s22] =	ssyncset.done $0x0  }
0xa0: {  	[sflag:s22] =	ssyncadd.s32 s4;
	_ =	sdelay $0x1  }
0xa1: {  	s23 =	simm.s32 $0x1B8B  }
0xa2: {  	_ =	swait.ge [sflag:s23], $0x1  }
0xa3: {  	[sflag:s23] =	ssyncset.done $0x0  }
0xa4: {  	s25 =	simm.s32 $0x1B8E;
	s24 =	sld [smem:$0x3FFE];
	[sflag:s23] =	ssyncadd.s32 $0xFFFFFFFF  }
0xa5: {  	s26 =	simm.s32 $execute0_lowered;
	[smem:$0x3FD2] =	sst s25  }
0xa6: {  	s5 =	sshll.u32 s26, $0x1;
	_ =	strace $0x80000049;
	[dreg:$0x1] =	wrdreg $0xFFFFFFFF  }
0xa7: {  	s28 =	simm.s32 $_size_execute0_lowered;
	s3 =	sadd.s32 s3, s5;
	[dreg:$0x0] =	wrdreg $0x0  }
0xa8: {  	s5 =	sshll.u32 s28, $0x1;
	[dreg:$0x2] =	wrdreg s3  }
0xa9: {  	[dreg:$0x3] =	wrdreg s5  }
0xaa: {  	[dreg:$0x4] =	wrdreg $0xC0  }
0xab: {  	_ =	task [dreg:s7], $0x5FFFF  }
0xac: {  	[dreg:$0x1] =	wrdreg $0xFFFFFFFF  }
0xad: {  	[dreg:$0x0] =	wrdreg $0x60  }
0xae: {  	[dreg:$0x2] =	wrdreg s2  }
0xaf: {  	[dreg:$0x3] =	wrdreg s24  }
0xb0: {  	[dreg:$0x4] =	wrdreg $0xB8000  }
0xb1: {  	[dreg:$0x5] =	wrdreg $0x9  }
0xb2: {  	_ =	task.clear_ibuf [dreg:s7], $0x6FFFF;
	_ =	strace $0x90000049  }
0xb3: {  	s29 =	simm.s32 $0x9;
	_ =	strace $0x8000004B  }
0xb4: {  	_ =	swait.ge [sflag:s29], $0x1  }
0xb5: {  	[sflag:s29] =	ssyncadd.s32 $0xFFFFFFFF  }
0xb6: {  	_ =	strace $0x9000004B  }
0xb7: {  	_ =	sfence  }
0xb8: {  	s30 =	sld [smem:$0x0];
	_ =	sdelay $0x2  }
0xb9: {  	s31 =	sshll.u32 s1, $0xD;
	s1 =	sshrl.u32 s1, $0x2  }
0xba: {  	s3 =	sand.u32 $0x4000, s31;
	s1 =	sadd.s32 s1, s30  }
0xbb: {  	s0 =	sor.u32 s3, s0;
	s1 =	sshll.u32 s1, $0x11  }
0xbc: {  	s0 =	sor.u32 s1, s0  }
0xbd: {  	s0 =	sadd.s32 $0x8F2B, s0  }
0xbe: {  	[sflag:s0] =	ssyncadd.remote.s32 $0x1  }
0xbf: {  	_ =	sfence.sel $0xFFFF  }
0xc0: {  	[dreg:$0x0] =	wrdreg $0xFFFFFFFF;
	(pc) =	sbr.abs _section_cstart, $3  }
0xc1: {  	[dreg:$0x1] =	wrdreg $0xFFFFFFFF  }
0xc2: {  	_ =	task.clear_ibuf [dreg:s7], $0x2FFFF;
	_ =	strace $0x9FFFFFFF  }
0xc3: {  	(tm) =	ssettm $0x7FFFFFFF  }
tec
execute0_lowered:
.L_overlay_start_1:
0x0: {  	(tag) =	ssettag $0x1  }
0x1: {  	s0 =	rddreg [dreg:$0x0];
	s10 =	stileid.u32  }
0x2: {  	s2 =	srdreg.scid;
	s6 =	smul.u32 $0x14000, s10  }
0x3: {  	s1 =	rddreg [dreg:$0x1];
	s2 =	sand.u32 $0x1, s2;
	s8 =	smul.u32 $0x50000, s10  }
0x4: {  	s3 =	rddreg [dreg:$0x2];
	s4 =	simm.s32 $0x0;
	s5 =	smul.u32 $0x140000, s2  }
0x5: {  	[smem:$0x7FF] =	sst s4;
	s9 =	ssub.s32 $0x2, s2;
	s25 =	sshrl.u32 s8, $0x2  }
0x6: {  	s26 =	sshrl.u32 s9, $0x1;
	s7 =	sadd.s32 s6, s5;
	s5 =	sadd.s32 $0xCE00, s1  }
0x7: {  	s6 =	sadd.s32 $0x3000, s1;
	s8 =	ssub.s32 s9, s26;
	s7 =	sshrl.u32 s7, $0x3  }
0x8: {  	s26 =	smax.u32 s8, $0x1;
	s1 =	sadd.s32 s7, s1;
	s7 =	sadd.s32 s25, s3  }
0x9: {  	_ =	strace $0x8000004A;
	[dreg:$0x14] =	wrdreg s26;
	s11 =	sadd.s32 $0x1000, s7  }
0xa: {  	s12 =	sadd.s32 $0x2000, s7;
	[dreg:$0x4] =	wrdreg s11  }
0xb: {  	s13 =	sadd.s32 $0x3000, s7;
	[dreg:$0x5] =	wrdreg s12  }
0xc: {  	s14 =	sadd.s32 $0x4000, s7;
	[dreg:$0x6] =	wrdreg s13  }
0xd: {  	s15 =	sadd.s32 $0x5000, s7;
	[dreg:$0x7] =	wrdreg s14  }
0xe: {  	s10 =	sshll.u32 s10, $0x1;
	s16 =	sadd.s32 $0x6000, s7;
	[dreg:$0x8] =	wrdreg s15  }
0xf: {  	s2 =	sor.u32 s2, s10;
	s17 =	sadd.s32 $0x7000, s7;
	[dreg:$0x9] =	wrdreg s16  }
0x10: {  	s10 =	simm.s32 $0x8;
	s18 =	sadd.s32 $0x8000, s7;
	[dreg:$0xa] =	wrdreg s17  }
0x11: {  	s9 =	simm.s32 $0x50;
	s19 =	sadd.s32 $0x9000, s7;
	[dreg:$0xb] =	wrdreg s18  }
0x12: {  	s8 =	simm.s32 $0xE;
	s20 =	sadd.s32 $0xA000, s7;
	[dreg:$0xc] =	wrdreg s19  }
0x13: {  	s21 =	sadd.s32 $0xB000, s7;
	s23 =	sadd.s32 $0xC000, s7;
	[dreg:$0xd] =	wrdreg s20  }
0x14: {  	s24 =	sadd.s32 $0xD000, s7;
	s1 =	sadd.s32 $0x16C00, s1;
	[dreg:$0xe] =	wrdreg s21  }
0x15: {  	s26 =	sadd.s32 $0xE000, s7;
	s28 =	sadd.s32 $0xF000, s7;
	[dreg:$0xf] =	wrdreg s23  }
0x16: {  	s29 =	sadd.s32 $0x10000, s7;
	s30 =	sadd.s32 $0x11000, s7;
	[dreg:$0x10] =	wrdreg s24  }
0x17: {  	s31 =	sadd.s32 $0x12000, s7;
	s14 =	smul.u32 $0x2710, s2;
	[dreg:$0x13] =	wrdreg s1  }
.Ltmp0:
0x18: {  	s1 =	sadd.s32 $0x13000, s7;
	s11 =	simm.s32 $0x9;
	(pc) =	sbr.rel .LBB2_1-.Ltmp0, $4  }
0x19: {  	s12 =	simm.s32 $0x6;
	s13 =	simm.s32 $0xB;
	s22 =	sshrl.u32 s14, $0x3  }
0x1a: {  	s15 =	simm.s32 $0xC;
	s16 =	simm.s32 $0xD;
	s25 =	sadd.s32 s5, s22  }
0x1b: {  	s17 =	simm.s32 $0xA;
	s2 =	sadd.s32 s6, s22;
	[dreg:$0x11] =	wrdreg s25  }
0x1c: {  	v0 =	vimm.f32 $0.0e+00;
	s18 =	simm.s32 $0x0;
	[dreg:$0x12] =	wrdreg s2;
	s2 =	simm.s32 $0xA800  }
.LBB2_8:
0x1d: {  	_ =	swait.ge [sflag:s10], $0x2800  }
0x1e: {  	[sflag:s10] =	ssyncset.done $0x0  }
0x1f: {  	s19 =	simm.s32 $0x500;
	s20 =	simm.s32 $0x5800;
	[sflag:s10] =	ssyncadd.s32 $0xFFFFD800  }
0x20: {  	[spmem:s3] =	stream.indirect.scatter.add.f32 [tilespmem:s20], [sflag:$0xC], $0x80, s19, s9, $0xb8;
	[tilespmem:$0x1F800] =	vst v63  }
0x21: {  	_ =	swait.ge [sflag:s11], $0x2800  }
0x22: {  	[sflag:s11] =	ssyncset.done $0x0  }
0x23: {  	s24 =	simm.s32 $0x580;
	s25 =	simm.s32 $0x8000;
	[sflag:s11] =	ssyncadd.s32 $0xFFFFD800  }
0x24: {  	[spmem:s3] =	stream.indirect.scatter.add.f32 [tilespmem:s25], [sflag:$0xD], $0x80, s24, s9, $0xb8;
	[tilespmem:$0x1F800] =	vst v63  }
0x25: {  	_ =	swait.ge [sflag:s12], $0x2800  }
0x26: {  	[sflag:s12] =	ssyncset.done $0x0  }
0x27: {  	s21 =	simm.s32 $0x600;
	s22 =	simm.s32 $0x800;
	[sflag:s12] =	ssyncadd.s32 $0xFFFFD800  }
0x28: {  	[spmem:s3] =	stream.indirect.scatter.add.f32 [tilespmem:s22], [sflag:$0xA], $0x80, s21, s9, $0xb8;
	[tilespmem:$0x1F800] =	vst v63  }
0x29: {  	_ =	swait.ge [sflag:s13], $0x2800  }
0x2a: {  	[sflag:s13] =	ssyncset.done $0x0  }
0x2b: {  	[sflag:s13] =	ssyncadd.s32 $0xFFFFD800  }
0x2c: {  	_ =	swait.ge [sflag:s15], $0x2800  }
0x2d: {  	[sflag:s15] =	ssyncset.done $0x0  }
0x2e: {  	[sflag:s15] =	ssyncadd.s32 $0xFFFFD800  }
0x2f: {  	_ =	swait.ge [sflag:s16], $0x2800  }
0x30: {  	[sflag:s16] =	ssyncset.done $0x0  }
0x31: {  	[sflag:s16] =	ssyncadd.s32 $0xFFFFD800  }
0x32: {  	_ =	swait.ge [sflag:s17], $0x2800  }
0x33: {  	[sflag:s17] =	ssyncset.done $0x0  }
0x34: {  	s23 =	stileid.u32;
	[sflag:s17] =	ssyncadd.s32 $0xFFFFD800  }
0x35: {  	s19 =	sshll.u32 s23, $0x6;
	[bflag:$0x0] =	sbarrier.arrive $0xFFFF  }
0x36: {  	s19 =	sor.u32 $0x1C0E, s19;
	s24 =	sshrl.u32 s7, $0x3;
	s21 =	rddreg [dreg:$0x13]  }
0x37: {  	[hbm:s21], [sflag:s19] =	dma.local [spmem:s24], $0x2800  }
0x38: {  	_ =	swait.ge [sflag:s8], $0x2800  }
0x39: {  	s18 =	sadd.s32 $0x1, s18;
	s25 =	rddreg [dreg:$0x14]  }
0x3a: {  	p0 =	sne.s32 s18, s25  }
.Ltmp1:
0x3b: {  	_ = 	snop;
	(pc) =	sbr.rel @!p0 .LBB2_9-.Ltmp1, $3  }
0x3c: {  	_ =	sdelay $0x1  }
0x3d: {  	[sflag:s8] =	ssyncset.done $0x0  }
0x3e: {  	[sflag:s8] =	ssyncadd.s32 $0xFFFFD800  }
.LBB2_1:
0x3f: {  	s19 =	sand.u32 $0x3E00, s4  }
0x40: {  	s20 =	sand.u32 $0x70, s4;
	s21 =	sshrl.u32 s19, $0x2  }
0x41: {  	s19 =	simm.s32 $0x40;
	s21 =	sor.u32 s20, s21;
	s20 =	simm.s32 $0x0  }
.LBB2_2:
0x42: {  	p0 =	sne.s32 s19, $0x3FC0  }
0x43: {  	[tilespmem:s21+$0xA800] =	vst v0;
	s20 =	sadd.s32 $0x10, s20;
	s21 =	smov.u32 s19;
	s19 =	sadd.s32 $0x40, s19  }
.Ltmp2:
0x44: {  	(pc) =	sbr.rel @p0 .LBB2_2-.Ltmp2, $4  }
0x45: {  	_ = 	snop  }
0x46: {  	s21 =	sand.u32 $0x3E00, s21  }
0x47: {  	s22 =	sand.u32 $0x70, s20;
	s21 =	sshrl.u32 s21, $0x2  }
0x48: {  	s21 =	sor.u32 s22, s21  }
0x49: {  	[tilespmem:s21+$0xA800] =	vst v0  }
0x4a: {  	[spmem:s7] =	stream.linear.scatter [tilespmem:s2], [sflag:$0xE], $0x1000, $0x38;
	[tilespmem:$0x1F800] =	vst v63  }
0x4b: {  	_ =	swait.ge [sflag:s8], $0x1000  }
0x4c: {  	[sflag:s8] =	ssyncset.done $0x0  }
0x4d: {  	s19 =	rddreg [dreg:$0x4];
	[sflag:s8] =	ssyncadd.s32 $0xFFFFF000  }
0x4e: {  	[spmem:s19] =	stream.linear.scatter [tilespmem:s2], [sflag:$0xE], $0x1000, $0x38;
	[tilespmem:$0x1F800] =	vst v63  }
0x4f: {  	_ =	swait.ge [sflag:s8], $0x1000  }
0x50: {  	[sflag:s8] =	ssyncset.done $0x0  }
0x51: {  	s24 =	rddreg [dreg:$0x5];
	[sflag:s8] =	ssyncadd.s32 $0xFFFFF000  }
0x52: {  	[spmem:s24] =	stream.linear.scatter [tilespmem:s2], [sflag:$0xE], $0x1000, $0x38;
	[tilespmem:$0x1F800] =	vst v63  }
0x53: {  	_ =	swait.ge [sflag:s8], $0x1000  }
0x54: {  	[sflag:s8] =	ssyncset.done $0x0  }
0x55: {  	s25 =	rddreg [dreg:$0x6];
	[sflag:s8] =	ssyncadd.s32 $0xFFFFF000  }
0x56: {  	[spmem:s25] =	stream.linear.scatter [tilespmem:s2], [sflag:$0xE], $0x1000, $0x38;
	[tilespmem:$0x1F800] =	vst v63  }
0x57: {  	_ =	swait.ge [sflag:s8], $0x1000  }
0x58: {  	[sflag:s8] =	ssyncset.done $0x0  }
0x59: {  	s20 =	rddreg [dreg:$0x7];
	[sflag:s8] =	ssyncadd.s32 $0xFFFFF000  }
0x5a: {  	[spmem:s20] =	stream.linear.scatter [tilespmem:s2], [sflag:$0xE], $0x1000, $0x38;
	[tilespmem:$0x1F800] =	vst v63  }
0x5b: {  	_ =	swait.ge [sflag:s8], $0x1000  }
0x5c: {  	[sflag:s8] =	ssyncset.done $0x0  }
0x5d: {  	s21 =	rddreg [dreg:$0x8];
	[sflag:s8] =	ssyncadd.s32 $0xFFFFF000  }
0x5e: {  	[spmem:s21] =	stream.linear.scatter [tilespmem:s2], [sflag:$0xE], $0x1000, $0x38;
	[tilespmem:$0x1F800] =	vst v63  }
0x5f: {  	_ =	swait.ge [sflag:s8], $0x1000  }
0x60: {  	[sflag:s8] =	ssyncset.done $0x0  }
0x61: {  	s22 =	rddreg [dreg:$0x9];
	[sflag:s8] =	ssyncadd.s32 $0xFFFFF000  }
0x62: {  	[spmem:s22] =	stream.linear.scatter [tilespmem:s2], [sflag:$0xE], $0x1000, $0x38;
	[tilespmem:$0x1F800] =	vst v63  }
0x63: {  	_ =	swait.ge [sflag:s8], $0x1000  }
0x64: {  	[sflag:s8] =	ssyncset.done $0x0  }
0x65: {  	s23 =	rddreg [dreg:$0xa];
	[sflag:s8] =	ssyncadd.s32 $0xFFFFF000  }
0x66: {  	[spmem:s23] =	stream.linear.scatter [tilespmem:s2], [sflag:$0xE], $0x1000, $0x38;
	[tilespmem:$0x1F800] =	vst v63  }
0x67: {  	_ =	swait.ge [sflag:s8], $0x1000  }
0x68: {  	[sflag:s8] =	ssyncset.done $0x0  }
0x69: {  	s24 =	rddreg [dreg:$0xb];
	[sflag:s8] =	ssyncadd.s32 $0xFFFFF000  }
0x6a: {  	[spmem:s24] =	stream.linear.scatter [tilespmem:s2], [sflag:$0xE], $0x1000, $0x38;
	[tilespmem:$0x1F800] =	vst v63  }
0x6b: {  	_ =	swait.ge [sflag:s8], $0x1000  }
0x6c: {  	[sflag:s8] =	ssyncset.done $0x0  }
0x6d: {  	s25 =	rddreg [dreg:$0xc];
	[sflag:s8] =	ssyncadd.s32 $0xFFFFF000  }
0x6e: {  	[spmem:s25] =	stream.linear.scatter [tilespmem:s2], [sflag:$0xE], $0x1000, $0x38;
	[tilespmem:$0x1F800] =	vst v63  }
0x6f: {  	_ =	swait.ge [sflag:s8], $0x1000  }
0x70: {  	[sflag:s8] =	ssyncset.done $0x0  }
0x71: {  	s20 =	rddreg [dreg:$0xd];
	[sflag:s8] =	ssyncadd.s32 $0xFFFFF000  }
0x72: {  	[spmem:s20] =	stream.linear.scatter [tilespmem:s2], [sflag:$0xE], $0x1000, $0x38;
	[tilespmem:$0x1F800] =	vst v63  }
0x73: {  	_ =	swait.ge [sflag:s8], $0x1000  }
0x74: {  	[sflag:s8] =	ssyncset.done $0x0  }
0x75: {  	s21 =	rddreg [dreg:$0xe];
	[sflag:s8] =	ssyncadd.s32 $0xFFFFF000  }
0x76: {  	[spmem:s21] =	stream.linear.scatter [tilespmem:s2], [sflag:$0xE], $0x1000, $0x38;
	[tilespmem:$0x1F800] =	vst v63  }
0x77: {  	_ =	swait.ge [sflag:s8], $0x1000  }
0x78: {  	[sflag:s8] =	ssyncset.done $0x0  }
0x79: {  	s22 =	rddreg [dreg:$0xf];
	[sflag:s8] =	ssyncadd.s32 $0xFFFFF000  }
0x7a: {  	[spmem:s22] =	stream.linear.scatter [tilespmem:s2], [sflag:$0xE], $0x1000, $0x38;
	[tilespmem:$0x1F800] =	vst v63  }
0x7b: {  	_ =	swait.ge [sflag:s8], $0x1000  }
0x7c: {  	[sflag:s8] =	ssyncset.done $0x0  }
0x7d: {  	s23 =	rddreg [dreg:$0x10];
	[sflag:s8] =	ssyncadd.s32 $0xFFFFF000  }
0x7e: {  	[spmem:s23] =	stream.linear.scatter [tilespmem:s2], [sflag:$0xE], $0x1000, $0x38;
	[tilespmem:$0x1F800] =	vst v63  }
0x7f: {  	_ =	swait.ge [sflag:s8], $0x1000  }
0x80: {  	[sflag:s8] =	ssyncset.done $0x0  }
0x81: {  	[sflag:s8] =	ssyncadd.s32 $0xFFFFF000  }
0x82: {  	[spmem:s26] =	stream.linear.scatter [tilespmem:s2], [sflag:$0xE], $0x1000, $0x38;
	[tilespmem:$0x1F800] =	vst v63  }
0x83: {  	_ =	swait.ge [sflag:s8], $0x1000  }
0x84: {  	[sflag:s8] =	ssyncset.done $0x0  }
0x85: {  	[sflag:s8] =	ssyncadd.s32 $0xFFFFF000  }
0x86: {  	[spmem:s28] =	stream.linear.scatter [tilespmem:s2], [sflag:$0xE], $0x1000, $0x38;
	[tilespmem:$0x1F800] =	vst v63  }
0x87: {  	_ =	swait.ge [sflag:s8], $0x1000  }
0x88: {  	[sflag:s8] =	ssyncset.done $0x0  }
0x89: {  	[sflag:s8] =	ssyncadd.s32 $0xFFFFF000  }
0x8a: {  	[spmem:s29] =	stream.linear.scatter [tilespmem:s2], [sflag:$0xE], $0x1000, $0x38;
	[tilespmem:$0x1F800] =	vst v63  }
0x8b: {  	_ =	swait.ge [sflag:s8], $0x1000  }
0x8c: {  	[sflag:s8] =	ssyncset.done $0x0  }
0x8d: {  	[sflag:s8] =	ssyncadd.s32 $0xFFFFF000  }
0x8e: {  	[spmem:s30] =	stream.linear.scatter [tilespmem:s2], [sflag:$0xE], $0x1000, $0x38;
	[tilespmem:$0x1F800] =	vst v63  }
0x8f: {  	_ =	swait.ge [sflag:s8], $0x1000  }
0x90: {  	[sflag:s8] =	ssyncset.done $0x0  }
0x91: {  	[sflag:s8] =	ssyncadd.s32 $0xFFFFF000  }
0x92: {  	[spmem:s31] =	stream.linear.scatter [tilespmem:s2], [sflag:$0xE], $0x1000, $0x38;
	[tilespmem:$0x1F800] =	vst v63  }
0x93: {  	_ =	swait.ge [sflag:s8], $0x1000  }
0x94: {  	[sflag:s8] =	ssyncset.done $0x0  }
0x95: {  	[sflag:s8] =	ssyncadd.s32 $0xFFFFF000  }
0x96: {  	[spmem:s1] =	stream.linear.scatter [tilespmem:s2], [sflag:$0xE], $0x1000, $0x38;
	[tilespmem:$0x1F800] =	vst v63  }
0x97: {  	_ =	swait.ge [sflag:s8], $0x1000  }
0x98: {  	[sflag:s8] =	ssyncset.done $0x0  }
0x99: {  	[sflag:s8] =	ssyncadd.s32 $0xFFFFF000  }
.Ltmp3:
0x9a: {  	[bflag:$0x0] =	sbarrier.arrive $0xFFFF;
	(pc) =	sbr.rel .LBB2_4-.Ltmp3, $4  }
0x9b: {  	s19 =	simm.s32 $0x0;
	s20 =	rddreg [dreg:$0x11]  }
0x9c: {  	[tilespmem:s19], [sflag:$0x1] =	stream.linear.gather [hbm4b:s20+s19], $0x50, $0x38;
	[tilespmem:$0x1F800] =	vst v63  }
0x9d: {  	s25 =	simm.s32 $0x400;
	s24 =	rddreg [dreg:$0x12]  }
0x9e: {  	[tilespmem:s25], [sflag:$0x1] =	stream.linear.gather [hbm4b:s24+s19], $0x50, $0x38;
	[tilespmem:$0x1F800] =	vst v63  }
.LBB2_6:
0x9f: {  	s20 =	sadd.s32 $0x1, s19  }
0xa0: {  	s22 =	smul.u32 $0xCD, s20;
	_ =	sdelay $0x1  }
0xa1: {  	s22 =	sshrl.u32 s22, $0xA  }
0xa2: {  	s23 =	smul.u32 $0x50, s20;
	s22 =	sand.u32 $0x3F, s22  }
0xa3: {  	s22 =	smul.u32 $0x5, s22;
	_ =	sdelay $0x1  }
0xa4: {  	s23 =	sadd.s32 s14, s23;
	s22 =	ssub.s32 s20, s22  }
0xa5: {  	s23 =	sshrl.u32 s23, $0x3;
	s22 =	sand.u32 $0xFF, s22  }
0xa6: {  	s25 =	sadd.s32 s5, s23;
	s24 =	sadd.s32 $0x1, s22;
	s22 =	sshll.u32 s22, $0x7  }
0xa7: {  	[tilespmem:s22], [sflag:s24] =	stream.linear.gather [hbm4b:s25+s4], $0x50, $0x38;
	[tilespmem:$0x1F800] =	vst v63  }
0xa8: {  	s21 =	smov.u32 @p0 s19;
	s23 =	sadd.s32 s6, s23;
	s22 =	sor.u32 $0x400, s22  }
0xa9: {  	[tilespmem:s22], [sflag:s24] =	stream.linear.gather [hbm4b:s23+s4], $0x50, $0x38;
	[tilespmem:$0x1F800] =	vst v63  }
.LBB2_7:
0xaa: {  	s22 =	smul.u32 $0xCD, s19;
	_ =	sdelay $0x1  }
0xab: {  	s22 =	sshrl.u32 s22, $0xA  }
0xac: {  	s22 =	sand.u32 $0x3F, s22  }
0xad: {  	s22 =	smul.u32 $0x5, s22;
	_ =	sdelay $0x1  }
0xae: {  	s22 =	ssub.s32 s19, s22  }
0xaf: {  	s22 =	sand.u32 $0xFF, s22  }
0xb0: {  	s23 =	sadd.s32 $0x1, s22  }
0xb1: {  	_ =	swait.ge [sflag:s23], $0x50  }
0xb2: {  	s24 =	smul.u32 $0xA000, s21;
	[sflag:s23] =	ssyncset.done $0x0  }
0xb3: {  	p0 =	slt.u32 s19, $0x3;
	[sflag:s23] =	ssyncadd.s32 $0xFFFFFFB0  }
0xb4: {  	s25 =	sadd.s32 $0x6, s21;
	s24 =	sshra.s32 s24, $0x2;
	_ =	swait.ge [sflag:s23], $0x50  }
0xb5: {  	s19 =	sadd.s32 @!p0 $0xFFFFFFFD, s19;
	s22 =	sshll.u32 s22, $0x7;
	[sflag:s23] =	ssyncset.done $0x0  }
0xb6: {  	[sflag:s23] =	ssyncadd.s32 $0xFFFFFFB0;
	s23 =	sadd.s32 $0x800, s24;
	s24 =	smul.u32 @!p0 $0xCD, s19  }
0xb7: {  	[tilespmem:s23], [sflag:s25] =	stream.indirect.gather [hbm4b:s0+s9], $0x80, s22, s9, $0xb8;
	[tilespmem:$0x1F800] =	vst v63  }
0xb8: {  	s21 =	sshrl.u32 @!p0 s24, $0xA  }
0xb9: {  	s21 =	sand.u32 @!p0 $0x3F, s21  }
0xba: {  	s22 =	sand.u32 @!p0 $0x3, s19;
	s21 =	smul.u32 @!p0 $0x5, s21  }
0xbb: {  	s24 =	sadd.s32 @!p0 $0x6, s22  }
0xbc: {  	s23 =	smul.u32 @!p0 $0xA000, s22;
	_ =	swait.ge @!p0 [sflag:s24], $0x2800;
	s19 =	ssub.s32 @!p0 s19, s21  }
0xbd: {  	s22 =	sadd.s32 @!p0 $0xA, s22;
	[sflag:s24] =	ssyncset.done @!p0 $0x0;
	s19 =	sand.u32 @!p0 $0xF7, s19  }
0xbe: {  	[sflag:s24] =	ssyncadd.s32 @!p0 $0xFFFFD800;
	s21 =	sshrl.u32 @!p0 s23, $0x2;
	s19 =	sshll.u32 @!p0 s19, $0x7  }
0xbf: {  	s23 =	simm.s32 @!p0 $0x50;
	s21 =	sadd.s32 @!p0 $0x800, s21;
	s19 =	sor.u32 @!p0 $0x400, s19  }
0xc0: {  	[spmem:s3] =	stream.indirect.scatter.add.f32 @!p0 [tilespmem:s21], [sflag:s22], $0x80, s19, s23, $0xb8;
	[tilespmem:$0x1F800] =	vst v63  }
0xc1: {  	p0 =	slt.u32 s20, $0x7D  }
.Ltmp4:
0xc2: {  	_ = 	snop;
	(pc) =	sbr.rel @!p0 .LBB2_8-.Ltmp4, $2  }
0xc3: {  	_ =	sdelay $0x2  }
0xc4: {  	s19 =	smov.u32 s20  }
.LBB2_4:
0xc5: {  	p0 =	slt.u32 s19, $0x4  }
0xc6: {  	p1 =	seq.s32 @!p0 s19, $0x7C  }
0xc7: {  	p1 =	por p0, !p1  }
.Ltmp5:
0xc8: {  	s21 =	sand.u32 @!p0 $0x3, s19;
	(pc) =	sbr.rel @p1 .LBB2_6-.Ltmp5, $4  }
0xc9: {  	s20 =	sadd.s32 @!p0 $0xA, s21  }
0xca: {  	_ =	swait.ge @!p0 [sflag:s20], $0x2800  }
0xcb: {  	[sflag:s20] =	ssyncset.done @!p0 $0x0  }
0xcc: {  	[sflag:s20] =	ssyncadd.s32 @!p0 $0xFFFFD800  }
.Ltmp6:
0xcd: {  	(pc) =	sbr.rel .LBB2_7-.Ltmp6, $2  }
0xce: {  	_ =	sdelay $0x2  }
0xcf: {  	s20 =	simm.s32 @!p0 $0x7D;
	s21 =	simm.s32 @!p0 $0x0  }
.LBB2_9:
0xd0: {  	_ =	sfence.sel $0x180000  }
0xd1: {  	[bflag:$0x0] =	sbarrier.arrive $0xFFFF  }
0xd2: {  	_ =	strace $0x9000004A  }
0xd3: {  	s0 =	stileid.u32;
	[bflag:$0x2] =	sbarrier.arrive $0xFFFF  }
0xd4: {  	p0 =	sne.s32 s0, $0x0;
	s0 =	rddreg [dreg:$0x3]  }
0xd5: {  	s0 =	sadd.s32 @!p0 $0x100000, s0  }
0xd6: {  	[sflag:s0] =	ssyncadd.tile.s32 @!p0 $0x1;
	_ =	shalt  }
.Lfunc_end2:
_tile_overlayer_lowered:
.L_overlay_start_2:
0xd7: {  	(tag) =	ssettag $0x2  }
0xd8: {  	s0 =	rddreg [dreg:$0x0];
	s2 =	stileid.u32  }
0xd9: {  	s1 =	rddreg [dreg:$0x1];
	p0 =	sne.s32 s2, $0x0  }
0xda: {  	s3 =	rddreg [dreg:$0x2];
	[bflag:$0x3] =	sbarrier.arrive $0xFFFF;
	s2 =	simm.s32 @!p0 $0x1C0E  }
0xdb: {  	[timem:s3], [sflag:s2] =	dma.local @!p0 [hbm:s0], s1  }
0xdc: {  	s0 =	simm.s32 @!p0 $0xE  }
0xdd: {  	_ =	swait.ge @!p0 [sflag:s0], s1  }
0xde: {  	s1 =	ssub.s32 @!p0 $0x0, s1;
	[sflag:s0] =	ssyncset.done @!p0 $0x0  }
0xdf: {  	[sflag:s0] =	ssyncadd.s32 @!p0 s1  }
0xe0: {  	[bflag:$0x3] =	sbarrier.arrive $0xFFFF  }
0xe1: {  	_ =	shalt  }

// kernel: kernel.14.cloned.1.call-start
scs
__scs_entry_jumppad:
0x0: {  	(pc) =	sbr.rel $0x88, $3  }
0x1: {  	(tag) =	ssettag $0x0;
	lr =	simm.s32 $0x1  }
0x2: {  	[smem:$0x3F96] =	sst lr;
	_ =	strace $0xD0000000  }
0x3: {  	_ = 	snop  }
0x4: {  	_ = 	snop  }
0x5: {  	_ = 	snop  }
0x6: {  	_ = 	snop  }
0x7: {  	_ = 	snop  }
__scs_overlays_trampoline_lowered:
0x8: {  	[smem:$0x3FA5] =	sst s0  }
0x9: {  	[smem:$0x3FA6] =	sst s1  }
0xa: {  	[smem:$0x3FA7] =	sst s2  }
0xb: {  	[smem:$0x3FA8] =	sst s3  }
0xc: {  	[smem:$0x3FA9] =	sst s4  }
0xd: {  	[smem:$0x3FAA] =	sst s5  }
0xe: {  	[smem:$0x3FAB] =	sst s6  }
0xf: {  	[smem:$0x3FAC] =	sst s7  }
0x10: {  	[smem:$0x3FAD] =	sst s8  }
0x11: {  	[smem:$0x3FAE] =	sst s9;
	s0 =	simm.s32 @!p0 $0x0  }
0x12: {  	s1 =	sld [smem:$0x3F94];
	s0 =	simm.s32 @p0 $0x1  }
0x13: {  	[smem:$0x3FAF] =	sst s0;
	s0 =	simm.s32 @!p1 $0x0  }
0x14: {  	s2 =	sld [smem:$0x3F93];
	s0 =	simm.s32 @p1 $0x1  }
0x15: {  	[smem:$0x3FB0] =	sst s0;
	s0 =	simm.s32 @!p2 $0x0  }
0x16: {  	s3 =	sld [smem:$0x3FDB];
	s0 =	simm.s32 @p2 $0x1  }
0x17: {  	s4 =	simm.s32 $0x1BF5;
	[smem:$0x3FB2] =	sst s0  }
0x18: {  	s0 =	sld [smem:$0x3F95];
	_ =	swait.ge [sflag:s4], $0x0  }
0x19: {  	s7 =	sld [smem:$0x3F96]  }
0x1a: {  	s8 =	sadd.s32 $0xFFFFE003, lr  }
0x1b: {  	s9 =	sadd.s32 $0xFFFFFEF7, lr;
	s5 =	simm.s32 $0xFFFFFFFF;
	p2 =	slt.u32 s8, $0xFFFFF086  }
0x1c: {  	p1 =	slt.u32 s9, $0xF7A;
	s5 =	simm.s32 @!p2 $0x0  }
0x1d: {  	s5 =	simm.s32 @p1 $0x1;
	p0 =	seq.s32 s7, s2  }
0x1e: {  	s7 =	smul.u32 @!p0 $0xF7A, s2;
	p2 =	seq.s32 @!p0 s5, $0x0  }
0x1f: {  	s9 =	smul.u32 $0xF7A, s1;
	s8 =	simm.s32 @!p0 $0x1BF5;
	p2 =	por !p2, p0  }
0x20: {  	[sflag:s8] =	ssyncset.s32 @!p0 $0xFFFFF086;
	s6 =	sadd.s32 @!p0 s3, s7;
	s7 =	simm.s32 @!p0 $0x108  }
0x21: {  	s3 =	sadd.s32 s3, s9;
	s6 =	sadd.s32 @!p0 $0x88, s6;
	s7 =	simm.s32 @p2 $0x1082  }
0x22: {  	[simem:s7], [sflag:s8] =	dma.local @!p0 [hbm:s6], $0xF7A  }
0x23: {  	s9 =	sor.u32 $0xD0000000, s2;
	s6 =	simm.s32 $0x108;
	_ =	swait.ge @!p0 [sflag:s8], $0x0  }
0x24: {  	s3 =	sadd.s32 $0x88, s3;
	s6 =	simm.s32 @!p1 $0x1082;
	[sflag:s4] =	ssyncset.s32 $0xFFFFF086  }
0x25: {  	[simem:s6], [sflag:s4] =	dma.local [hbm:s3], $0xF7A  }
0x26: {  	[smem:$0x3F96] =	sst s1;
	(tag) =	ssettag s2;
	_ =	strace s9  }
0x27: {  	s1 =	sld [smem:$0x3FA6]  }
0x28: {  	s2 =	sld [smem:$0x3FA7]  }
0x29: {  	s4 =	sld [smem:$0x3FA9]  }
0x2a: {  	p0 =	seq.s32 s5, $0x0;
	s5 =	sld [smem:$0x3FAA]  }
0x2b: {  	s6 =	sld [smem:$0x3FAB]  }
0x2c: {  	s7 =	sld [smem:$0x3FAC]  }
0x2d: {  	s3 =	simm.s32 $0x108;
	s8 =	sld [smem:$0x3FAD]  }
0x2e: {  	s3 =	simm.s32 @!p0 $0x1082;
	s9 =	sld [smem:$0x3FAE]  }
0x2f: {  	lr =	sadd.s32 s0, s3;
	s0 =	sld [smem:$0x3FA5]  }
0x30: {  	s3 =	sld [smem:$0x3FA8]  }
0x31: {  	[smem:$0x3FB1] =	sst s10  }
0x32: {  	s10 =	sld [smem:$0x3FAF];
	_ =	sdelay $0x3  }
0x33: {  	p0 =	seq.s32 s10, $0x1;
	s10 =	sld [smem:$0x3FB1];
	_ =	sdelay $0x3  }
0x34: {  	[smem:$0x3FB1] =	sst s10  }
0x35: {  	s10 =	sld [smem:$0x3FB0];
	_ =	sdelay $0x3  }
0x36: {  	p1 =	seq.s32 s10, $0x1;
	s10 =	sld [smem:$0x3FB1];
	_ =	sdelay $0x3  }
0x37: {  	[smem:$0x3FB1] =	sst s10  }
0x38: {  	s10 =	sld [smem:$0x3FB2]  }
0x39: {  	_ = 	snop;
	(pc) =	sbr.ind lr, $3  }
0x3a: {  	_ = 	snop  }
0x3b: {  	_ = 	snop  }
0x3c: {  	p2 =	seq.s32 s10, $0x1;
	s10 =	sld [smem:$0x3FB1]  }
0x3d: {  	_ =	shalt  }
0x3e: {  	_ =	shalt  }
0x3f: {  	_ =	shalt  }
0x40: {  	_ =	shalt  }
0x41: {  	_ =	shalt  }
0x42: {  	_ =	shalt  }
0x43: {  	_ =	shalt  }
0x44: {  	_ =	shalt  }
0x45: {  	_ =	shalt  }
0x46: {  	_ =	shalt  }
0x47: {  	_ =	shalt  }
0x48: {  	_ =	shalt  }
0x49: {  	_ =	shalt  }
0x4a: {  	_ =	shalt  }
0x4b: {  	_ =	shalt  }
0x4c: {  	_ =	shalt  }
0x4d: {  	_ =	shalt  }
0x4e: {  	_ =	shalt  }
0x4f: {  	_ =	shalt  }
0x50: {  	_ =	shalt  }
0x51: {  	_ =	shalt  }
0x52: {  	_ =	shalt  }
0x53: {  	_ =	shalt  }
0x54: {  	_ =	shalt  }
0x55: {  	_ =	shalt  }
0x56: {  	_ =	shalt  }
0x57: {  	_ =	shalt  }
0x58: {  	_ =	shalt  }
0x59: {  	_ =	shalt  }
0x5a: {  	_ =	shalt  }
0x5b: {  	_ =	shalt  }
0x5c: {  	_ =	shalt  }
0x5d: {  	_ =	shalt  }
0x5e: {  	_ =	shalt  }
0x5f: {  	_ =	shalt  }
0x60: {  	_ =	shalt  }
0x61: {  	_ =	shalt  }
0x62: {  	_ =	shalt  }
0x63: {  	_ =	shalt  }
0x64: {  	_ =	shalt  }
0x65: {  	_ =	shalt  }
0x66: {  	_ =	shalt  }
0x67: {  	_ =	shalt  }
0x68: {  	_ =	shalt  }
0x69: {  	_ =	shalt  }
0x6a: {  	_ =	shalt  }
0x6b: {  	_ =	shalt  }
0x6c: {  	_ =	shalt  }
0x6d: {  	_ =	shalt  }
0x6e: {  	_ =	shalt  }
0x6f: {  	_ =	shalt  }
0x70: {  	_ =	shalt  }
0x71: {  	_ =	shalt  }
0x72: {  	_ =	shalt  }
0x73: {  	_ =	shalt  }
0x74: {  	_ =	shalt  }
0x75: {  	_ =	shalt  }
0x76: {  	_ =	shalt  }
0x77: {  	_ =	shalt  }
0x78: {  	_ =	shalt  }
0x79: {  	_ =	shalt  }
0x7a: {  	_ =	shalt  }
0x7b: {  	_ =	shalt  }
0x7c: {  	_ =	shalt  }
0x7d: {  	_ =	shalt  }
0x7e: {  	_ =	shalt  }
0x7f: {  	_ =	shalt  }
0x80: {  	_ =	shalt  }
0x81: {  	_ =	shalt  }
0x82: {  	_ =	shalt  }
0x83: {  	_ =	shalt  }
0x84: {  	_ =	shalt  }
0x85: {  	_ =	shalt  }
0x86: {  	_ =	shalt  }
0x87: {  	_ =	shalt  }
.Lfunc_end0:
.L_simem_size_0:
called_computation.2_lowered:
.L_overlay_start_0:
0x88: {  	s2 =	sld [smem:$0x3FD9]  }
0x89: {  	s3 =	sld [smem:$0x3FFE];
	_ =	sdelay $0x1  }
0x8a: {  	s1 =	srdreg.scid  }
0x8b: {  	s0 =	sand.u32 $0x1, s1  }
0x8c: {  	s17 =	sshll.u32 s0, $0xA;
	s2 =	sadd.s32 s3, s2  }
0x8d: {  	s2 =	sadd.s32 s2, s17  }
0x8e: {  	[smem:$0x3FBD] =	sst s2  }
0x8f: {  	_ = 	snop  }
0x90: {  	s2 =	sld [smem:$0x3FD0];
	(tm) =	ssettm $0x1  }
0x91: {  	s18 =	sld [smem:$0x3FFB];
	_ =	sdelay $0x3  }
0x92: {  	_ =	strace s18  }
0x93: {  	s3 =	sld [smem:$0x3FFC];
	_ =	sdelay $0x3  }
0x94: {  	_ =	strace s3  }
0x95: {  	s3 =	sld [smem:$0x3FFD];
	_ =	sdelay $0x3  }
0x96: {  	_ =	strace s3  }
0x97: {  	_ =	strace $0x8FFFFFFF  }
0x98: {  	s19 =	sld [smem:$0x3FDB];
	_ =	sdelay $0x1  }
0x99: {  	s4 =	simm.s32 $_scs_section_size  }
0x9a: {  	s5 =	simm.s32 $_size__tile_overlayer_lowered;
	s6 =	simm.s32 $_tile_overlayer_lowered  }
0x9b: {  	s22 =	simm.s32 $0x1BFF;
	s21 =	sshll.u32 s6, $0x1;
	s3 =	sadd.s32 s4, s19  }
0x9c: {  	s7 =	simm.s32 $0x0;
	s20 =	sshll.u32 s5, $0x1;
	s5 =	sadd.s32 s21, s3  }
0x9d: {  	[timem:s7], [sflag:s22] =	dma.local [hbm:s5], s20  }
0x9e: {  	_ =	swait.ge [sflag:s22], s20  }
0x9f: {  	s4 =	ssub.s32 $0x0, s20;
	[sflag:s22] =	ssyncset.done $0x0  }
0xa0: {  	[sflag:s22] =	ssyncadd.s32 s4;
	_ =	sdelay $0x1  }
0xa1: {  	s23 =	simm.s32 $0x1B8B  }
0xa2: {  	_ =	swait.ge [sflag:s23], $0x1  }
0xa3: {  	[sflag:s23] =	ssyncset.done $0x0  }
0xa4: {  	s25 =	simm.s32 $0x1B8E;
	s24 =	sld [smem:$0x3FFE];
	[sflag:s23] =	ssyncadd.s32 $0xFFFFFFFF  }
0xa5: {  	s26 =	simm.s32 $execute0_lowered;
	[smem:$0x3FD2] =	sst s25  }
0xa6: {  	s5 =	sshll.u32 s26, $0x1;
	_ =	strace $0x8000004C;
	[dreg:$0x1] =	wrdreg $0xFFFFFFFF  }
0xa7: {  	s28 =	simm.s32 $_size_execute0_lowered;
	s3 =	sadd.s32 s3, s5;
	[dreg:$0x0] =	wrdreg $0x0  }
0xa8: {  	s5 =	sshll.u32 s28, $0x1;
	[dreg:$0x2] =	wrdreg s3  }
0xa9: {  	[dreg:$0x3] =	wrdreg s5  }
0xaa: {  	[dreg:$0x4] =	wrdreg $0xC0  }
0xab: {  	_ =	task [dreg:s7], $0x5FFFF  }
0xac: {  	[dreg:$0x1] =	wrdreg $0xFFFFFFFF  }
0xad: {  	[dreg:$0x0] =	wrdreg $0x60  }
0xae: {  	[dreg:$0x2] =	wrdreg s2  }
0xaf: {  	[dreg:$0x3] =	wrdreg s24  }
0xb0: {  	[dreg:$0x4] =	wrdreg $0xB8000  }
0xb1: {  	[dreg:$0x5] =	wrdreg $0x9  }
0xb2: {  	_ =	task.clear_ibuf [dreg:s7], $0x6FFFF;
	_ =	strace $0x9000004C  }
0xb3: {  	s29 =	simm.s32 $0x9;
	_ =	strace $0x8000004E  }
0xb4: {  	_ =	swait.ge [sflag:s29], $0x1  }
0xb5: {  	[sflag:s29] =	ssyncadd.s32 $0xFFFFFFFF  }
0xb6: {  	_ =	strace $0x9000004E  }
0xb7: {  	_ =	sfence  }
0xb8: {  	s30 =	sld [smem:$0x0];
	_ =	sdelay $0x2  }
0xb9: {  	s31 =	sshll.u32 s1, $0xD;
	s1 =	sshrl.u32 s1, $0x2  }
0xba: {  	s3 =	sand.u32 $0x4000, s31;
	s1 =	sadd.s32 s1, s30  }
0xbb: {  	s0 =	sor.u32 s3, s0;
	s1 =	sshll.u32 s1, $0x11  }
0xbc: {  	s0 =	sor.u32 s1, s0  }
0xbd: {  	s0 =	sadd.s32 $0x8F2B, s0  }
0xbe: {  	[sflag:s0] =	ssyncadd.remote.s32 $0x1  }
0xbf: {  	_ =	sfence.sel $0xFFFF  }
0xc0: {  	[dreg:$0x0] =	wrdreg $0xFFFFFFFF;
	(pc) =	sbr.abs _section_cstart, $3  }
0xc1: {  	[dreg:$0x1] =	wrdreg $0xFFFFFFFF  }
0xc2: {  	_ =	task.clear_ibuf [dreg:s7], $0x2FFFF;
	_ =	strace $0x9FFFFFFF  }
0xc3: {  	(tm) =	ssettm $0x7FFFFFFF  }
tec
execute0_lowered:
.L_overlay_start_1:
0x0: {  	(tag) =	ssettag $0x1  }
0x1: {  	s0 =	rddreg [dreg:$0x0];
	s10 =	stileid.u32  }
0x2: {  	s2 =	srdreg.scid;
	s6 =	smul.u32 $0x14000, s10  }
0x3: {  	s1 =	rddreg [dreg:$0x1];
	s2 =	sand.u32 $0x1, s2;
	s8 =	smul.u32 $0x50000, s10  }
0x4: {  	s3 =	rddreg [dreg:$0x2];
	s4 =	simm.s32 $0x0;
	s5 =	smul.u32 $0x140000, s2  }
0x5: {  	[smem:$0x7FF] =	sst s4;
	s9 =	ssub.s32 $0x2, s2;
	s25 =	sshrl.u32 s8, $0x2  }
0x6: {  	s26 =	sshrl.u32 s9, $0x1;
	s7 =	sadd.s32 s6, s5;
	s5 =	sadd.s32 $0xCE00, s1  }
0x7: {  	s6 =	sadd.s32 $0x3000, s1;
	s8 =	ssub.s32 s9, s26;
	s7 =	sshrl.u32 s7, $0x3  }
0x8: {  	s26 =	smax.u32 s8, $0x1;
	s1 =	sadd.s32 s7, s1;
	s7 =	sadd.s32 s25, s3  }
0x9: {  	_ =	strace $0x8000004D;
	[dreg:$0x14] =	wrdreg s26;
	s11 =	sadd.s32 $0x1000, s7  }
0xa: {  	s12 =	sadd.s32 $0x2000, s7;
	[dreg:$0x4] =	wrdreg s11  }
0xb: {  	s13 =	sadd.s32 $0x3000, s7;
	[dreg:$0x5] =	wrdreg s12  }
0xc: {  	s14 =	sadd.s32 $0x4000, s7;
	[dreg:$0x6] =	wrdreg s13  }
0xd: {  	s15 =	sadd.s32 $0x5000, s7;
	[dreg:$0x7] =	wrdreg s14  }
0xe: {  	s10 =	sshll.u32 s10, $0x1;
	s16 =	sadd.s32 $0x6000, s7;
	[dreg:$0x8] =	wrdreg s15  }
0xf: {  	s2 =	sor.u32 s2, s10;
	s17 =	sadd.s32 $0x7000, s7;
	[dreg:$0x9] =	wrdreg s16  }
0x10: {  	s10 =	simm.s32 $0x8;
	s18 =	sadd.s32 $0x8000, s7;
	[dreg:$0xa] =	wrdreg s17  }
0x11: {  	s9 =	simm.s32 $0x50;
	s19 =	sadd.s32 $0x9000, s7;
	[dreg:$0xb] =	wrdreg s18  }
0x12: {  	s8 =	simm.s32 $0xE;
	s20 =	sadd.s32 $0xA000, s7;
	[dreg:$0xc] =	wrdreg s19  }
0x13: {  	s21 =	sadd.s32 $0xB000, s7;
	s23 =	sadd.s32 $0xC000, s7;
	[dreg:$0xd] =	wrdreg s20  }
0x14: {  	s24 =	sadd.s32 $0xD000, s7;
	s1 =	sadd.s32 $0x16C00, s1;
	[dreg:$0xe] =	wrdreg s21  }
0x15: {  	s26 =	sadd.s32 $0xE000, s7;
	s28 =	sadd.s32 $0xF000, s7;
	[dreg:$0xf] =	wrdreg s23  }
0x16: {  	s29 =	sadd.s32 $0x10000, s7;
	s30 =	sadd.s32 $0x11000, s7;
	[dreg:$0x10] =	wrdreg s24  }
0x17: {  	s31 =	sadd.s32 $0x12000, s7;
	s14 =	smul.u32 $0x2710, s2;
	[dreg:$0x13] =	wrdreg s1  }
.Ltmp0:
0x18: {  	s1 =	sadd.s32 $0x13000, s7;
	s11 =	simm.s32 $0x9;
	(pc) =	sbr.rel .LBB2_1-.Ltmp0, $4  }
0x19: {  	s12 =	simm.s32 $0x6;
	s13 =	simm.s32 $0xB;
	s22 =	sshrl.u32 s14, $0x3  }
0x1a: {  	s15 =	simm.s32 $0xC;
	s16 =	simm.s32 $0xD;
	s25 =	sadd.s32 s5, s22  }
0x1b: {  	s17 =	simm.s32 $0xA;
	s2 =	sadd.s32 s6, s22;
	[dreg:$0x11] =	wrdreg s25  }
0x1c: {  	v0 =	vimm.f32 $0.0e+00;
	s18 =	simm.s32 $0x0;
	[dreg:$0x12] =	wrdreg s2;
	s2 =	simm.s32 $0xA800  }
.LBB2_8:
0x1d: {  	_ =	swait.ge [sflag:s10], $0x2800  }
0x1e: {  	[sflag:s10] =	ssyncset.done $0x0  }
0x1f: {  	s19 =	simm.s32 $0x500;
	s20 =	simm.s32 $0x5800;
	[sflag:s10] =	ssyncadd.s32 $0xFFFFD800  }
0x20: {  	[spmem:s3] =	stream.indirect.scatter.add.f32 [tilespmem:s20], [sflag:$0xC], $0x80, s19, s9, $0xb8;
	[tilespmem:$0x1F800] =	vst v63  }
0x21: {  	_ =	swait.ge [sflag:s11], $0x2800  }
0x22: {  	[sflag:s11] =	ssyncset.done $0x0  }
0x23: {  	s24 =	simm.s32 $0x580;
	s25 =	simm.s32 $0x8000;
	[sflag:s11] =	ssyncadd.s32 $0xFFFFD800  }
0x24: {  	[spmem:s3] =	stream.indirect.scatter.add.f32 [tilespmem:s25], [sflag:$0xD], $0x80, s24, s9, $0xb8;
	[tilespmem:$0x1F800] =	vst v63  }
0x25: {  	_ =	swait.ge [sflag:s12], $0x2800  }
0x26: {  	[sflag:s12] =	ssyncset.done $0x0  }
0x27: {  	s21 =	simm.s32 $0x600;
	s22 =	simm.s32 $0x800;
	[sflag:s12] =	ssyncadd.s32 $0xFFFFD800  }
0x28: {  	[spmem:s3] =	stream.indirect.scatter.add.f32 [tilespmem:s22], [sflag:$0xA], $0x80, s21, s9, $0xb8;
	[tilespmem:$0x1F800] =	vst v63  }
0x29: {  	_ =	swait.ge [sflag:s13], $0x2800  }
0x2a: {  	[sflag:s13] =	ssyncset.done $0x0  }
0x2b: {  	[sflag:s13] =	ssyncadd.s32 $0xFFFFD800  }
0x2c: {  	_ =	swait.ge [sflag:s15], $0x2800  }
0x2d: {  	[sflag:s15] =	ssyncset.done $0x0  }
0x2e: {  	[sflag:s15] =	ssyncadd.s32 $0xFFFFD800  }
0x2f: {  	_ =	swait.ge [sflag:s16], $0x2800  }
0x30: {  	[sflag:s16] =	ssyncset.done $0x0  }
0x31: {  	[sflag:s16] =	ssyncadd.s32 $0xFFFFD800  }
0x32: {  	_ =	swait.ge [sflag:s17], $0x2800  }
0x33: {  	[sflag:s17] =	ssyncset.done $0x0  }
0x34: {  	s23 =	stileid.u32;
	[sflag:s17] =	ssyncadd.s32 $0xFFFFD800  }
0x35: {  	s19 =	sshll.u32 s23, $0x6;
	[bflag:$0x0] =	sbarrier.arrive $0xFFFF  }
0x36: {  	s19 =	sor.u32 $0x1C0E, s19;
	s24 =	sshrl.u32 s7, $0x3;
	s21 =	rddreg [dreg:$0x13]  }
0x37: {  	[hbm:s21], [sflag:s19] =	dma.local [spmem:s24], $0x2800  }
0x38: {  	_ =	swait.ge [sflag:s8], $0x2800  }
0x39: {  	s18 =	sadd.s32 $0x1, s18;
	s25 =	rddreg [dreg:$0x14]  }
0x3a: {  	p0 =	sne.s32 s18, s25  }
.Ltmp1:
0x3b: {  	_ = 	snop;
	(pc) =	sbr.rel @!p0 .LBB2_9-.Ltmp1, $3  }
0x3c: {  	_ =	sdelay $0x1  }
0x3d: {  	[sflag:s8] =	ssyncset.done $0x0  }
0x3e: {  	[sflag:s8] =	ssyncadd.s32 $0xFFFFD800  }
.LBB2_1:
0x3f: {  	s19 =	sand.u32 $0x3E00, s4  }
0x40: {  	s20 =	sand.u32 $0x70, s4;
	s21 =	sshrl.u32 s19, $0x2  }
0x41: {  	s19 =	simm.s32 $0x40;
	s21 =	sor.u32 s20, s21;
	s20 =	simm.s32 $0x0  }
.LBB2_2:
0x42: {  	p0 =	sne.s32 s19, $0x3FC0  }
0x43: {  	[tilespmem:s21+$0xA800] =	vst v0;
	s20 =	sadd.s32 $0x10, s20;
	s21 =	smov.u32 s19;
	s19 =	sadd.s32 $0x40, s19  }
.Ltmp2:
0x44: {  	(pc) =	sbr.rel @p0 .LBB2_2-.Ltmp2, $4  }
0x45: {  	_ = 	snop  }
0x46: {  	s21 =	sand.u32 $0x3E00, s21  }
0x47: {  	s22 =	sand.u32 $0x70, s20;
	s21 =	sshrl.u32 s21, $0x2  }
0x48: {  	s21 =	sor.u32 s22, s21  }
0x49: {  	[tilespmem:s21+$0xA800] =	vst v0  }
0x4a: {  	[spmem:s7] =	stream.linear.scatter [tilespmem:s2], [sflag:$0xE], $0x1000, $0x38;
	[tilespmem:$0x1F800] =	vst v63  }
0x4b: {  	_ =	swait.ge [sflag:s8], $0x1000  }
0x4c: {  	[sflag:s8] =	ssyncset.done $0x0  }
0x4d: {  	s19 =	rddreg [dreg:$0x4];
	[sflag:s8] =	ssyncadd.s32 $0xFFFFF000  }
0x4e: {  	[spmem:s19] =	stream.linear.scatter [tilespmem:s2], [sflag:$0xE], $0x1000, $0x38;
	[tilespmem:$0x1F800] =	vst v63  }
0x4f: {  	_ =	swait.ge [sflag:s8], $0x1000  }
0x50: {  	[sflag:s8] =	ssyncset.done $0x0  }
0x51: {  	s24 =	rddreg [dreg:$0x5];
	[sflag:s8] =	ssyncadd.s32 $0xFFFFF000  }
0x52: {  	[spmem:s24] =	stream.linear.scatter [tilespmem:s2], [sflag:$0xE], $0x1000, $0x38;
	[tilespmem:$0x1F800] =	vst v63  }
0x53: {  	_ =	swait.ge [sflag:s8], $0x1000  }
0x54: {  	[sflag:s8] =	ssyncset.done $0x0  }
0x55: {  	s25 =	rddreg [dreg:$0x6];
	[sflag:s8] =	ssyncadd.s32 $0xFFFFF000  }
0x56: {  	[spmem:s25] =	stream.linear.scatter [tilespmem:s2], [sflag:$0xE], $0x1000, $0x38;
	[tilespmem:$0x1F800] =	vst v63  }
0x57: {  	_ =	swait.ge [sflag:s8], $0x1000  }
0x58: {  	[sflag:s8] =	ssyncset.done $0x0  }
0x59: {  	s20 =	rddreg [dreg:$0x7];
	[sflag:s8] =	ssyncadd.s32 $0xFFFFF000  }
0x5a: {  	[spmem:s20] =	stream.linear.scatter [tilespmem:s2], [sflag:$0xE], $0x1000, $0x38;
	[tilespmem:$0x1F800] =	vst v63  }
0x5b: {  	_ =	swait.ge [sflag:s8], $0x1000  }
0x5c: {  	[sflag:s8] =	ssyncset.done $0x0  }
0x5d: {  	s21 =	rddreg [dreg:$0x8];
	[sflag:s8] =	ssyncadd.s32 $0xFFFFF000  }
0x5e: {  	[spmem:s21] =	stream.linear.scatter [tilespmem:s2], [sflag:$0xE], $0x1000, $0x38;
	[tilespmem:$0x1F800] =	vst v63  }
0x5f: {  	_ =	swait.ge [sflag:s8], $0x1000  }
0x60: {  	[sflag:s8] =	ssyncset.done $0x0  }
0x61: {  	s22 =	rddreg [dreg:$0x9];
	[sflag:s8] =	ssyncadd.s32 $0xFFFFF000  }
0x62: {  	[spmem:s22] =	stream.linear.scatter [tilespmem:s2], [sflag:$0xE], $0x1000, $0x38;
	[tilespmem:$0x1F800] =	vst v63  }
0x63: {  	_ =	swait.ge [sflag:s8], $0x1000  }
0x64: {  	[sflag:s8] =	ssyncset.done $0x0  }
0x65: {  	s23 =	rddreg [dreg:$0xa];
	[sflag:s8] =	ssyncadd.s32 $0xFFFFF000  }
0x66: {  	[spmem:s23] =	stream.linear.scatter [tilespmem:s2], [sflag:$0xE], $0x1000, $0x38;
	[tilespmem:$0x1F800] =	vst v63  }
0x67: {  	_ =	swait.ge [sflag:s8], $0x1000  }
0x68: {  	[sflag:s8] =	ssyncset.done $0x0  }
0x69: {  	s24 =	rddreg [dreg:$0xb];
	[sflag:s8] =	ssyncadd.s32 $0xFFFFF000  }
0x6a: {  	[spmem:s24] =	stream.linear.scatter [tilespmem:s2], [sflag:$0xE], $0x1000, $0x38;
	[tilespmem:$0x1F800] =	vst v63  }
0x6b: {  	_ =	swait.ge [sflag:s8], $0x1000  }
0x6c: {  	[sflag:s8] =	ssyncset.done $0x0  }
0x6d: {  	s25 =	rddreg [dreg:$0xc];
	[sflag:s8] =	ssyncadd.s32 $0xFFFFF000  }
0x6e: {  	[spmem:s25] =	stream.linear.scatter [tilespmem:s2], [sflag:$0xE], $0x1000, $0x38;
	[tilespmem:$0x1F800] =	vst v63  }
0x6f: {  	_ =	swait.ge [sflag:s8], $0x1000  }
0x70: {  	[sflag:s8] =	ssyncset.done $0x0  }
0x71: {  	s20 =	rddreg [dreg:$0xd];
	[sflag:s8] =	ssyncadd.s32 $0xFFFFF000  }
0x72: {  	[spmem:s20] =	stream.linear.scatter [tilespmem:s2], [sflag:$0xE], $0x1000, $0x38;
	[tilespmem:$0x1F800] =	vst v63  }
0x73: {  	_ =	swait.ge [sflag:s8], $0x1000  }
0x74: {  	[sflag:s8] =	ssyncset.done $0x0  }
0x75: {  	s21 =	rddreg [dreg:$0xe];
	[sflag:s8] =	ssyncadd.s32 $0xFFFFF000  }
0x76: {  	[spmem:s21] =	stream.linear.scatter [tilespmem:s2], [sflag:$0xE], $0x1000, $0x38;
	[tilespmem:$0x1F800] =	vst v63  }
0x77: {  	_ =	swait.ge [sflag:s8], $0x1000  }
0x78: {  	[sflag:s8] =	ssyncset.done $0x0  }
0x79: {  	s22 =	rddreg [dreg:$0xf];
	[sflag:s8] =	ssyncadd.s32 $0xFFFFF000  }
0x7a: {  	[spmem:s22] =	stream.linear.scatter [tilespmem:s2], [sflag:$0xE], $0x1000, $0x38;
	[tilespmem:$0x1F800] =	vst v63  }
0x7b: {  	_ =	swait.ge [sflag:s8], $0x1000  }
0x7c: {  	[sflag:s8] =	ssyncset.done $0x0  }
0x7d: {  	s23 =	rddreg [dreg:$0x10];
	[sflag:s8] =	ssyncadd.s32 $0xFFFFF000  }
0x7e: {  	[spmem:s23] =	stream.linear.scatter [tilespmem:s2], [sflag:$0xE], $0x1000, $0x38;
	[tilespmem:$0x1F800] =	vst v63  }
0x7f: {  	_ =	swait.ge [sflag:s8], $0x1000  }
0x80: {  	[sflag:s8] =	ssyncset.done $0x0  }
0x81: {  	[sflag:s8] =	ssyncadd.s32 $0xFFFFF000  }
0x82: {  	[spmem:s26] =	stream.linear.scatter [tilespmem:s2], [sflag:$0xE], $0x1000, $0x38;
	[tilespmem:$0x1F800] =	vst v63  }
0x83: {  	_ =	swait.ge [sflag:s8], $0x1000  }
0x84: {  	[sflag:s8] =	ssyncset.done $0x0  }
0x85: {  	[sflag:s8] =	ssyncadd.s32 $0xFFFFF000  }
0x86: {  	[spmem:s28] =	stream.linear.scatter [tilespmem:s2], [sflag:$0xE], $0x1000, $0x38;
	[tilespmem:$0x1F800] =	vst v63  }
0x87: {  	_ =	swait.ge [sflag:s8], $0x1000  }
0x88: {  	[sflag:s8] =	ssyncset.done $0x0  }
0x89: {  	[sflag:s8] =	ssyncadd.s32 $0xFFFFF000  }
0x8a: {  	[spmem:s29] =	stream.linear.scatter [tilespmem:s2], [sflag:$0xE], $0x1000, $0x38;
	[tilespmem:$0x1F800] =	vst v63  }
0x8b: {  	_ =	swait.ge [sflag:s8], $0x1000  }
0x8c: {  	[sflag:s8] =	ssyncset.done $0x0  }
0x8d: {  	[sflag:s8] =	ssyncadd.s32 $0xFFFFF000  }
0x8e: {  	[spmem:s30] =	stream.linear.scatter [tilespmem:s2], [sflag:$0xE], $0x1000, $0x38;
	[tilespmem:$0x1F800] =	vst v63  }
0x8f: {  	_ =	swait.ge [sflag:s8], $0x1000  }
0x90: {  	[sflag:s8] =	ssyncset.done $0x0  }
0x91: {  	[sflag:s8] =	ssyncadd.s32 $0xFFFFF000  }
0x92: {  	[spmem:s31] =	stream.linear.scatter [tilespmem:s2], [sflag:$0xE], $0x1000, $0x38;
	[tilespmem:$0x1F800] =	vst v63  }
0x93: {  	_ =	swait.ge [sflag:s8], $0x1000  }
0x94: {  	[sflag:s8] =	ssyncset.done $0x0  }
0x95: {  	[sflag:s8] =	ssyncadd.s32 $0xFFFFF000  }
0x96: {  	[spmem:s1] =	stream.linear.scatter [tilespmem:s2], [sflag:$0xE], $0x1000, $0x38;
	[tilespmem:$0x1F800] =	vst v63  }
0x97: {  	_ =	swait.ge [sflag:s8], $0x1000  }
0x98: {  	[sflag:s8] =	ssyncset.done $0x0  }
0x99: {  	[sflag:s8] =	ssyncadd.s32 $0xFFFFF000  }
.Ltmp3:
0x9a: {  	[bflag:$0x0] =	sbarrier.arrive $0xFFFF;
	(pc) =	sbr.rel .LBB2_4-.Ltmp3, $4  }
0x9b: {  	s19 =	simm.s32 $0x0;
	s20 =	rddreg [dreg:$0x11]  }
0x9c: {  	[tilespmem:s19], [sflag:$0x1] =	stream.linear.gather [hbm4b:s20+s19], $0x50, $0x38;
	[tilespmem:$0x1F800] =	vst v63  }
0x9d: {  	s25 =	simm.s32 $0x400;
	s24 =	rddreg [dreg:$0x12]  }
0x9e: {  	[tilespmem:s25], [sflag:$0x1] =	stream.linear.gather [hbm4b:s24+s19], $0x50, $0x38;
	[tilespmem:$0x1F800] =	vst v63  }
.LBB2_6:
0x9f: {  	s20 =	sadd.s32 $0x1, s19  }
0xa0: {  	s22 =	smul.u32 $0xCD, s20;
	_ =	sdelay $0x1  }
0xa1: {  	s22 =	sshrl.u32 s22, $0xA  }
0xa2: {  	s23 =	smul.u32 $0x50, s20;
	s22 =	sand.u32 $0x3F, s22  }
0xa3: {  	s22 =	smul.u32 $0x5, s22;
	_ =	sdelay $0x1  }
0xa4: {  	s23 =	sadd.s32 s14, s23;
	s22 =	ssub.s32 s20, s22  }
0xa5: {  	s23 =	sshrl.u32 s23, $0x3;
	s22 =	sand.u32 $0xFF, s22  }
0xa6: {  	s25 =	sadd.s32 s5, s23;
	s24 =	sadd.s32 $0x1, s22;
	s22 =	sshll.u32 s22, $0x7  }
0xa7: {  	[tilespmem:s22], [sflag:s24] =	stream.linear.gather [hbm4b:s25+s4], $0x50, $0x38;
	[tilespmem:$0x1F800] =	vst v63  }
0xa8: {  	s21 =	smov.u32 @p0 s19;
	s23 =	sadd.s32 s6, s23;
	s22 =	sor.u32 $0x400, s22  }
0xa9: {  	[tilespmem:s22], [sflag:s24] =	stream.linear.gather [hbm4b:s23+s4], $0x50, $0x38;
	[tilespmem:$0x1F800] =	vst v63  }
.LBB2_7:
0xaa: {  	s22 =	smul.u32 $0xCD, s19;
	_ =	sdelay $0x1  }
0xab: {  	s22 =	sshrl.u32 s22, $0xA  }
0xac: {  	s22 =	sand.u32 $0x3F, s22  }
0xad: {  	s22 =	smul.u32 $0x5, s22;
	_ =	sdelay $0x1  }
0xae: {  	s22 =	ssub.s32 s19, s22  }
0xaf: {  	s22 =	sand.u32 $0xFF, s22  }
0xb0: {  	s23 =	sadd.s32 $0x1, s22  }
0xb1: {  	_ =	swait.ge [sflag:s23], $0x50  }
0xb2: {  	s24 =	smul.u32 $0xA000, s21;
	[sflag:s23] =	ssyncset.done $0x0  }
0xb3: {  	p0 =	slt.u32 s19, $0x3;
	[sflag:s23] =	ssyncadd.s32 $0xFFFFFFB0  }
0xb4: {  	s25 =	sadd.s32 $0x6, s21;
	s24 =	sshra.s32 s24, $0x2;
	_ =	swait.ge [sflag:s23], $0x50  }
0xb5: {  	s19 =	sadd.s32 @!p0 $0xFFFFFFFD, s19;
	s22 =	sshll.u32 s22, $0x7;
	[sflag:s23] =	ssyncset.done $0x0  }
0xb6: {  	[sflag:s23] =	ssyncadd.s32 $0xFFFFFFB0;
	s23 =	sadd.s32 $0x800, s24;
	s24 =	smul.u32 @!p0 $0xCD, s19  }
0xb7: {  	[tilespmem:s23], [sflag:s25] =	stream.indirect.gather [hbm4b:s0+s9], $0x80, s22, s9, $0xb8;
	[tilespmem:$0x1F800] =	vst v63  }
0xb8: {  	s21 =	sshrl.u32 @!p0 s24, $0xA  }
0xb9: {  	s21 =	sand.u32 @!p0 $0x3F, s21  }
0xba: {  	s22 =	sand.u32 @!p0 $0x3, s19;
	s21 =	smul.u32 @!p0 $0x5, s21  }
0xbb: {  	s24 =	sadd.s32 @!p0 $0x6, s22  }
0xbc: {  	s23 =	smul.u32 @!p0 $0xA000, s22;
	_ =	swait.ge @!p0 [sflag:s24], $0x2800;
	s19 =	ssub.s32 @!p0 s19, s21  }
0xbd: {  	s22 =	sadd.s32 @!p0 $0xA, s22;
	[sflag:s24] =	ssyncset.done @!p0 $0x0;
	s19 =	sand.u32 @!p0 $0xF7, s19  }
0xbe: {  	[sflag:s24] =	ssyncadd.s32 @!p0 $0xFFFFD800;
	s21 =	sshrl.u32 @!p0 s23, $0x2;
	s19 =	sshll.u32 @!p0 s19, $0x7  }
0xbf: {  	s23 =	simm.s32 @!p0 $0x50;
	s21 =	sadd.s32 @!p0 $0x800, s21;
	s19 =	sor.u32 @!p0 $0x400, s19  }
0xc0: {  	[spmem:s3] =	stream.indirect.scatter.add.f32 @!p0 [tilespmem:s21], [sflag:s22], $0x80, s19, s23, $0xb8;
	[tilespmem:$0x1F800] =	vst v63  }
0xc1: {  	p0 =	slt.u32 s20, $0x7D  }
.Ltmp4:
0xc2: {  	_ = 	snop;
	(pc) =	sbr.rel @!p0 .LBB2_8-.Ltmp4, $2  }
0xc3: {  	_ =	sdelay $0x2  }
0xc4: {  	s19 =	smov.u32 s20  }
.LBB2_4:
0xc5: {  	p0 =	slt.u32 s19, $0x4  }
0xc6: {  	p1 =	seq.s32 @!p0 s19, $0x7C  }
0xc7: {  	p1 =	por p0, !p1  }
.Ltmp5:
0xc8: {  	s21 =	sand.u32 @!p0 $0x3, s19;
	(pc) =	sbr.rel @p1 .LBB2_6-.Ltmp5, $4  }
0xc9: {  	s20 =	sadd.s32 @!p0 $0xA, s21  }
0xca: {  	_ =	swait.ge @!p0 [sflag:s20], $0x2800  }
0xcb: {  	[sflag:s20] =	ssyncset.done @!p0 $0x0  }
0xcc: {  	[sflag:s20] =	ssyncadd.s32 @!p0 $0xFFFFD800  }
.Ltmp6:
0xcd: {  	(pc) =	sbr.rel .LBB2_7-.Ltmp6, $2  }
0xce: {  	_ =	sdelay $0x2  }
0xcf: {  	s20 =	simm.s32 @!p0 $0x7D;
	s21 =	simm.s32 @!p0 $0x0  }
.LBB2_9:
0xd0: {  	_ =	sfence.sel $0x180000  }
0xd1: {  	[bflag:$0x0] =	sbarrier.arrive $0xFFFF  }
0xd2: {  	_ =	strace $0x9000004D  }
0xd3: {  	s0 =	stileid.u32;
	[bflag:$0x2] =	sbarrier.arrive $0xFFFF  }
0xd4: {  	p0 =	sne.s32 s0, $0x0;
	s0 =	rddreg [dreg:$0x3]  }
0xd5: {  	s0 =	sadd.s32 @!p0 $0x100000, s0  }
0xd6: {  	[sflag:s0] =	ssyncadd.tile.s32 @!p0 $0x1;
	_ =	shalt  }
.Lfunc_end2:
_tile_overlayer_lowered:
.L_overlay_start_2:
0xd7: {  	(tag) =	ssettag $0x2  }
0xd8: {  	s0 =	rddreg [dreg:$0x0];
	s2 =	stileid.u32  }
0xd9: {  	s1 =	rddreg [dreg:$0x1];
	p0 =	sne.s32 s2, $0x0  }
0xda: {  	s3 =	rddreg [dreg:$0x2];
	[bflag:$0x3] =	sbarrier.arrive $0xFFFF;
	s2 =	simm.s32 @!p0 $0x1C0E  }
0xdb: {  	[timem:s3], [sflag:s2] =	dma.local @!p0 [hbm:s0], s1  }
0xdc: {  	s0 =	simm.s32 @!p0 $0xE  }
0xdd: {  	_ =	swait.ge @!p0 [sflag:s0], s1  }
0xde: {  	s1 =	ssub.s32 @!p0 $0x0, s1;
	[sflag:s0] =	ssyncset.done @!p0 $0x0  }
0xdf: {  	[sflag:s0] =	ssyncadd.s32 @!p0 s1  }
0xe0: {  	[bflag:$0x3] =	sbarrier.arrive $0xFFFF  }
0xe1: {  	_ =	shalt  }

// kernel: kernel.8.cloned.1.call-start
scs
__scs_entry_jumppad:
0x0: {  	(pc) =	sbr.rel $0x88, $3  }
0x1: {  	(tag) =	ssettag $0x0;
	lr =	simm.s32 $0x1  }
0x2: {  	[smem:$0x3F96] =	sst lr;
	_ =	strace $0xD0000000  }
0x3: {  	_ = 	snop  }
0x4: {  	_ = 	snop  }
0x5: {  	_ = 	snop  }
0x6: {  	_ = 	snop  }
0x7: {  	_ = 	snop  }
__scs_overlays_trampoline_lowered:
0x8: {  	[smem:$0x3FA5] =	sst s0  }
0x9: {  	[smem:$0x3FA6] =	sst s1  }
0xa: {  	[smem:$0x3FA7] =	sst s2  }
0xb: {  	[smem:$0x3FA8] =	sst s3  }
0xc: {  	[smem:$0x3FA9] =	sst s4  }
0xd: {  	[smem:$0x3FAA] =	sst s5  }
0xe: {  	[smem:$0x3FAB] =	sst s6  }
0xf: {  	[smem:$0x3FAC] =	sst s7  }
0x10: {  	[smem:$0x3FAD] =	sst s8  }
0x11: {  	[smem:$0x3FAE] =	sst s9;
	s0 =	simm.s32 @!p0 $0x0  }
0x12: {  	s1 =	sld [smem:$0x3F94];
	s0 =	simm.s32 @p0 $0x1  }
0x13: {  	[smem:$0x3FAF] =	sst s0;
	s0 =	simm.s32 @!p1 $0x0  }
0x14: {  	s2 =	sld [smem:$0x3F93];
	s0 =	simm.s32 @p1 $0x1  }
0x15: {  	[smem:$0x3FB0] =	sst s0;
	s0 =	simm.s32 @!p2 $0x0  }
0x16: {  	s3 =	sld [smem:$0x3FDB];
	s0 =	simm.s32 @p2 $0x1  }
0x17: {  	s4 =	simm.s32 $0x1BF5;
	[smem:$0x3FB2] =	sst s0  }
0x18: {  	s0 =	sld [smem:$0x3F95];
	_ =	swait.ge [sflag:s4], $0x0  }
0x19: {  	s7 =	sld [smem:$0x3F96]  }
0x1a: {  	s8 =	sadd.s32 $0xFFFFE003, lr  }
0x1b: {  	s9 =	sadd.s32 $0xFFFFFEF7, lr;
	s5 =	simm.s32 $0xFFFFFFFF;
	p2 =	slt.u32 s8, $0xFFFFF086  }
0x1c: {  	p1 =	slt.u32 s9, $0xF7A;
	s5 =	simm.s32 @!p2 $0x0  }
0x1d: {  	s5 =	simm.s32 @p1 $0x1;
	p0 =	seq.s32 s7, s2  }
0x1e: {  	s7 =	smul.u32 @!p0 $0xF7A, s2;
	p2 =	seq.s32 @!p0 s5, $0x0  }
0x1f: {  	s9 =	smul.u32 $0xF7A, s1;
	s8 =	simm.s32 @!p0 $0x1BF5;
	p2 =	por !p2, p0  }
0x20: {  	[sflag:s8] =	ssyncset.s32 @!p0 $0xFFFFF086;
	s6 =	sadd.s32 @!p0 s3, s7;
	s7 =	simm.s32 @!p0 $0x108  }
0x21: {  	s3 =	sadd.s32 s3, s9;
	s6 =	sadd.s32 @!p0 $0x88, s6;
	s7 =	simm.s32 @p2 $0x1082  }
0x22: {  	[simem:s7], [sflag:s8] =	dma.local @!p0 [hbm:s6], $0xF7A  }
0x23: {  	s9 =	sor.u32 $0xD0000000, s2;
	s6 =	simm.s32 $0x108;
	_ =	swait.ge @!p0 [sflag:s8], $0x0  }
0x24: {  	s3 =	sadd.s32 $0x88, s3;
	s6 =	simm.s32 @!p1 $0x1082;
	[sflag:s4] =	ssyncset.s32 $0xFFFFF086  }
0x25: {  	[simem:s6], [sflag:s4] =	dma.local [hbm:s3], $0xF7A  }
0x26: {  	[smem:$0x3F96] =	sst s1;
	(tag) =	ssettag s2;
	_ =	strace s9  }
0x27: {  	s1 =	sld [smem:$0x3FA6]  }
0x28: {  	s2 =	sld [smem:$0x3FA7]  }
0x29: {  	s4 =	sld [smem:$0x3FA9]  }
0x2a: {  	p0 =	seq.s32 s5, $0x0;
	s5 =	sld [smem:$0x3FAA]  }
0x2b: {  	s6 =	sld [smem:$0x3FAB]  }
0x2c: {  	s7 =	sld [smem:$0x3FAC]  }
0x2d: {  	s3 =	simm.s32 $0x108;
	s8 =	sld [smem:$0x3FAD]  }
0x2e: {  	s3 =	simm.s32 @!p0 $0x1082;
	s9 =	sld [smem:$0x3FAE]  }
0x2f: {  	lr =	sadd.s32 s0, s3;
	s0 =	sld [smem:$0x3FA5]  }
0x30: {  	s3 =	sld [smem:$0x3FA8]  }
0x31: {  	[smem:$0x3FB1] =	sst s10  }
0x32: {  	s10 =	sld [smem:$0x3FAF];
	_ =	sdelay $0x3  }
0x33: {  	p0 =	seq.s32 s10, $0x1;
	s10 =	sld [smem:$0x3FB1];
	_ =	sdelay $0x3  }
0x34: {  	[smem:$0x3FB1] =	sst s10  }
0x35: {  	s10 =	sld [smem:$0x3FB0];
	_ =	sdelay $0x3  }
0x36: {  	p1 =	seq.s32 s10, $0x1;
	s10 =	sld [smem:$0x3FB1];
	_ =	sdelay $0x3  }
0x37: {  	[smem:$0x3FB1] =	sst s10  }
0x38: {  	s10 =	sld [smem:$0x3FB2]  }
0x39: {  	_ = 	snop;
	(pc) =	sbr.ind lr, $3  }
0x3a: {  	_ = 	snop  }
0x3b: {  	_ = 	snop  }
0x3c: {  	p2 =	seq.s32 s10, $0x1;
	s10 =	sld [smem:$0x3FB1]  }
0x3d: {  	_ =	shalt  }
0x3e: {  	_ =	shalt  }
0x3f: {  	_ =	shalt  }
0x40: {  	_ =	shalt  }
0x41: {  	_ =	shalt  }
0x42: {  	_ =	shalt  }
0x43: {  	_ =	shalt  }
0x44: {  	_ =	shalt  }
0x45: {  	_ =	shalt  }
0x46: {  	_ =	shalt  }
0x47: {  	_ =	shalt  }
0x48: {  	_ =	shalt  }
0x49: {  	_ =	shalt  }
0x4a: {  	_ =	shalt  }
0x4b: {  	_ =	shalt  }
0x4c: {  	_ =	shalt  }
0x4d: {  	_ =	shalt  }
0x4e: {  	_ =	shalt  }
0x4f: {  	_ =	shalt  }
0x50: {  	_ =	shalt  }
0x51: {  	_ =	shalt  }
0x52: {  	_ =	shalt  }
0x53: {  	_ =	shalt  }
0x54: {  	_ =	shalt  }
0x55: {  	_ =	shalt  }
0x56: {  	_ =	shalt  }
0x57: {  	_ =	shalt  }
0x58: {  	_ =	shalt  }
0x59: {  	_ =	shalt  }
0x5a: {  	_ =	shalt  }
0x5b: {  	_ =	shalt  }
0x5c: {  	_ =	shalt  }
0x5d: {  	_ =	shalt  }
0x5e: {  	_ =	shalt  }
0x5f: {  	_ =	shalt  }
0x60: {  	_ =	shalt  }
0x61: {  	_ =	shalt  }
0x62: {  	_ =	shalt  }
0x63: {  	_ =	shalt  }
0x64: {  	_ =	shalt  }
0x65: {  	_ =	shalt  }
0x66: {  	_ =	shalt  }
0x67: {  	_ =	shalt  }
0x68: {  	_ =	shalt  }
0x69: {  	_ =	shalt  }
0x6a: {  	_ =	shalt  }
0x6b: {  	_ =	shalt  }
0x6c: {  	_ =	shalt  }
0x6d: {  	_ =	shalt  }
0x6e: {  	_ =	shalt  }
0x6f: {  	_ =	shalt  }
0x70: {  	_ =	shalt  }
0x71: {  	_ =	shalt  }
0x72: {  	_ =	shalt  }
0x73: {  	_ =	shalt  }
0x74: {  	_ =	shalt  }
0x75: {  	_ =	shalt  }
0x76: {  	_ =	shalt  }
0x77: {  	_ =	shalt  }
0x78: {  	_ =	shalt  }
0x79: {  	_ =	shalt  }
0x7a: {  	_ =	shalt  }
0x7b: {  	_ =	shalt  }
0x7c: {  	_ =	shalt  }
0x7d: {  	_ =	shalt  }
0x7e: {  	_ =	shalt  }
0x7f: {  	_ =	shalt  }
0x80: {  	_ =	shalt  }
0x81: {  	_ =	shalt  }
0x82: {  	_ =	shalt  }
0x83: {  	_ =	shalt  }
0x84: {  	_ =	shalt  }
0x85: {  	_ =	shalt  }
0x86: {  	_ =	shalt  }
0x87: {  	_ =	shalt  }
.Lfunc_end0:
.L_simem_size_0:
called_computation_lowered:
.L_overlay_start_0:
0x88: {  	s2 =	sld [smem:$0x3FD9]  }
0x89: {  	s3 =	sld [smem:$0x3FFE];
	_ =	sdelay $0x1  }
0x8a: {  	s1 =	srdreg.scid  }
0x8b: {  	s0 =	sand.u32 $0x1, s1  }
0x8c: {  	s17 =	sshll.u32 s0, $0xA;
	s2 =	sadd.s32 s3, s2  }
0x8d: {  	s2 =	sadd.s32 s2, s17  }
0x8e: {  	[smem:$0x3FBD] =	sst s2  }
0x8f: {  	_ = 	snop  }
0x90: {  	s2 =	sld [smem:$0x3FC9]  }
0x91: {  	s18 =	sld [smem:$0x3FD0];
	(tm) =	ssettm $0x1  }
0x92: {  	s4 =	sld [smem:$0x3FFB];
	_ =	sdelay $0x3  }
0x93: {  	_ =	strace s4  }
0x94: {  	s4 =	sld [smem:$0x3FFC];
	_ =	sdelay $0x3  }
0x95: {  	_ =	strace s4  }
0x96: {  	s4 =	sld [smem:$0x3FFD];
	_ =	sdelay $0x3  }
0x97: {  	_ =	strace s4  }
0x98: {  	_ =	strace $0x8FFFFFFF  }
0x99: {  	s19 =	sld [smem:$0x3FDB];
	_ =	sdelay $0x1  }
0x9a: {  	s5 =	simm.s32 $_scs_section_size  }
0x9b: {  	s6 =	simm.s32 $_size__tile_overlayer_lowered;
	s7 =	simm.s32 $_tile_overlayer_lowered  }
0x9c: {  	s22 =	simm.s32 $0x1BFF;
	s21 =	sshll.u32 s7, $0x1;
	s4 =	sadd.s32 s5, s19  }
0x9d: {  	s8 =	simm.s32 $0x0;
	s20 =	sshll.u32 s6, $0x1;
	s6 =	sadd.s32 s21, s4  }
0x9e: {  	[timem:s8], [sflag:s22] =	dma.local [hbm:s6], s20  }
0x9f: {  	_ =	swait.ge [sflag:s22], s20  }
0xa0: {  	s5 =	ssub.s32 $0x0, s20;
	[sflag:s22] =	ssyncset.done $0x0  }
0xa1: {  	[sflag:s22] =	ssyncadd.s32 s5;
	_ =	sdelay $0x1  }
0xa2: {  	s23 =	simm.s32 $0x1B8B  }
0xa3: {  	_ =	swait.ge [sflag:s23], $0x1  }
0xa4: {  	[sflag:s23] =	ssyncset.done $0x0  }
0xa5: {  	s25 =	simm.s32 $0x1B8E;
	s24 =	sld [smem:$0x3FFE];
	[sflag:s23] =	ssyncadd.s32 $0xFFFFFFFF  }
0xa6: {  	s26 =	simm.s32 $execute0_lowered;
	[smem:$0x3FD2] =	sst s25  }
0xa7: {  	s6 =	sshll.u32 s26, $0x1;
	_ =	strace $0x80000046;
	[dreg:$0x1] =	wrdreg $0xFFFFFFFF  }
0xa8: {  	s28 =	simm.s32 $_size_execute0_lowered;
	s4 =	sadd.s32 s4, s6;
	[dreg:$0x0] =	wrdreg $0x0  }
0xa9: {  	s6 =	sshll.u32 s28, $0x1;
	[dreg:$0x2] =	wrdreg s4  }
0xaa: {  	[dreg:$0x3] =	wrdreg s6  }
0xab: {  	[dreg:$0x4] =	wrdreg $0xC0  }
0xac: {  	_ =	task [dreg:s8], $0x5FFFF  }
0xad: {  	[dreg:$0x1] =	wrdreg $0xFFFFFFFF  }
0xae: {  	[dreg:$0x0] =	wrdreg $0x60  }
0xaf: {  	[dreg:$0x2] =	wrdreg s2  }
0xb0: {  	[dreg:$0x3] =	wrdreg s24  }
0xb1: {  	[dreg:$0x4] =	wrdreg s18  }
0xb2: {  	[dreg:$0x5] =	wrdreg $0xBB000  }
0xb3: {  	[dreg:$0x6] =	wrdreg $0x1FB000  }
0xb4: {  	[dreg:$0x7] =	wrdreg $0x9  }
0xb5: {  	_ =	task.clear_ibuf [dreg:s8], $0x8FFFF;
	_ =	strace $0x90000046  }
0xb6: {  	s29 =	simm.s32 $0x9;
	_ =	strace $0x80000048  }
0xb7: {  	_ =	swait.ge [sflag:s29], $0x1  }
0xb8: {  	[sflag:s29] =	ssyncadd.s32 $0xFFFFFFFF  }
0xb9: {  	_ =	strace $0x90000048  }
0xba: {  	_ =	sfence  }
0xbb: {  	s30 =	sld [smem:$0x0];
	_ =	sdelay $0x2  }
0xbc: {  	s31 =	sshll.u32 s1, $0xD;
	s1 =	sshrl.u32 s1, $0x2  }
0xbd: {  	s3 =	sand.u32 $0x4000, s31;
	s1 =	sadd.s32 s1, s30  }
0xbe: {  	s0 =	sor.u32 s3, s0;
	s1 =	sshll.u32 s1, $0x11  }
0xbf: {  	s0 =	sor.u32 s1, s0  }
0xc0: {  	s0 =	sadd.s32 $0x8F2B, s0  }
0xc1: {  	[sflag:s0] =	ssyncadd.remote.s32 $0x1  }
0xc2: {  	_ =	sfence.sel $0xFFFF  }
0xc3: {  	[dreg:$0x0] =	wrdreg $0xFFFFFFFF;
	(pc) =	sbr.abs _section_cstart, $3  }
0xc4: {  	[dreg:$0x1] =	wrdreg $0xFFFFFFFF  }
0xc5: {  	_ =	task.clear_ibuf [dreg:s8], $0x2FFFF;
	_ =	strace $0x9FFFFFFF  }
0xc6: {  	(tm) =	ssettm $0x7FFFFFFF  }
0xc7: {  	_ =	shalt  }
tec
execute0_lowered:
.L_overlay_start_1:
0x0: {  	(tag) =	ssettag $0x1  }
0x1: {  	s0 =	rddreg [dreg:$0x0]  }
0x2: {  	s1 =	rddreg [dreg:$0x1]  }
0x3: {  	s2 =	rddreg [dreg:$0x2]  }
0x4: {  	s3 =	rddreg [dreg:$0x3];
	s13 =	stileid.u32  }
0x5: {  	s5 =	srdreg.scid;
	s8 =	smul.u32 $0x14000, s13  }
0x6: {  	s4 =	rddreg [dreg:$0x4];
	s11 =	smul.u32 $0x50000, s13  }
0x7: {  	s9 =	sand.u32 $0x1, s5;
	s17 =	sshll.u32 s13, $0x1;
	s13 =	smul.u32 $0x280, s13  }
0x8: {  	s5 =	simm.s32 $0x0;
	s6 =	sadd.s32 $0xCE00, s1;
	s7 =	smul.u32 $0x140000, s9  }
0x9: {  	[smem:$0x7FF] =	sst s5;
	s10 =	ssub.s32 $0x2, s9;
	s12 =	sor.u32 s9, s17  }
0xa: {  	s9 =	smul.u32 $0x2800, s9;
	_ =	strace $0x80000047;
	s16 =	sshrl.u32 s10, $0x1  }
0xb: {  	s11 =	sshrl.u32 s11, $0x2;
	s7 =	sadd.s32 s8, s7;
	s10 =	ssub.s32 s10, s16  }
0xc: {  	s9 =	sadd.s32 s13, s9;
	s8 =	sshrl.u32 s7, $0x3;
	s7 =	sadd.s32 $0x3000, s1  }
0xd: {  	s9 =	sshrl.u32 s9, $0x3;
	s15 =	smax.u32 s10, $0x1;
	s1 =	sadd.s32 s8, s1  }
0xe: {  	s8 =	sadd.s32 s11, s3;
	s2 =	sadd.s32 s2, s9;
	[dreg:$0x14] =	wrdreg s15  }
0xf: {  	s11 =	sadd.s32 $0x1000, s8;
	[dreg:$0x10] =	wrdreg s2  }
0x10: {  	s18 =	sadd.s32 $0x2000, s8;
	[dreg:$0x6] =	wrdreg s11  }
0x11: {  	s19 =	sadd.s32 $0x3000, s8;
	[dreg:$0x7] =	wrdreg s18  }
0x12: {  	s20 =	sadd.s32 $0x4000, s8;
	[dreg:$0x8] =	wrdreg s19  }
0x13: {  	s21 =	sadd.s32 $0x5000, s8;
	[dreg:$0x9] =	wrdreg s20  }
0x14: {  	s22 =	sadd.s32 $0x6000, s8;
	[dreg:$0xa] =	wrdreg s21  }
0x15: {  	s23 =	sadd.s32 $0x7000, s8;
	[dreg:$0xb] =	wrdreg s22  }
0x16: {  	s16 =	smul.u32 $0x2710, s12;
	s24 =	sadd.s32 $0x8000, s8;
	[dreg:$0xc] =	wrdreg s23  }
0x17: {  	s25 =	sadd.s32 $0x9000, s8;
	[dreg:$0xd] =	wrdreg s24  }
0x18: {  	s12 =	sshrl.u32 s16, $0x3;
	s26 =	sadd.s32 $0xA000, s8;
	[dreg:$0xe] =	wrdreg s25  }
0x19: {  	s14 =	sadd.s32 s7, s12;
	[dreg:$0xf] =	wrdreg s26  }
0x1a: {  	s1 =	sadd.s32 $0x16C00, s1;
	[dreg:$0x12] =	wrdreg s14  }
0x1b: {  	s17 =	sadd.s32 $0xB000, s8;
	[dreg:$0x13] =	wrdreg s1  }
0x1c: {  	s20 =	sadd.s32 s13, s4;
	s13 =	sadd.s32 s6, s12;
	[dreg:$0x15] =	wrdreg s17  }
0x1d: {  	s28 =	simm.s32 $0xD;
	s18 =	sadd.s32 $0xC000, s8;
	[dreg:$0x11] =	wrdreg s13  }
0x1e: {  	s29 =	simm.s32 $0x11;
	s19 =	sadd.s32 $0xD000, s8;
	[dreg:$0x16] =	wrdreg s18  }
0x1f: {  	s30 =	simm.s32 $0xA;
	s21 =	sadd.s32 $0xE000, s8;
	[dreg:$0x17] =	wrdreg s19  }
0x20: {  	s31 =	simm.s32 $0xE;
	s22 =	sadd.s32 $0xF000, s8;
	[dreg:$0x18] =	wrdreg s21  }
0x21: {  	s23 =	sadd.s32 $0x10000, s8;
	s24 =	sadd.s32 $0x11000, s8;
	[dreg:$0x19] =	wrdreg s22  }
0x22: {  	s25 =	sadd.s32 $0x12000, s8;
	s26 =	sadd.s32 $0x13000, s8;
	[dreg:$0x1a] =	wrdreg s23  }
.Ltmp0:
0x23: {  	s11 =	simm.s32 $0xA800;
	[dreg:$0x1b] =	wrdreg s24;
	(pc) =	sbr.rel .LBB2_1-.Ltmp0, $4  }
0x24: {  	s12 =	simm.s32 $0x12;
	s17 =	simm.s32 $0xB800;
	[dreg:$0x1c] =	wrdreg s25  }
0x25: {  	s1 =	simm.s32 $0x0;
	[dreg:$0x1d] =	wrdreg s26;
	s13 =	simm.s32 $0x50  }
0x26: {  	s18 =	simm.s32 $0x9;
	s21 =	simm.s32 $0x6;
	s23 =	simm.s32 $0xB  }
0x27: {  	v0 =	vimm.f32 $0.0e+00;
	v1 =	vimm.f32 $1.000000000e+00;
	s24 =	simm.s32 $0xF;
	s25 =	simm.s32 $0xC;
	s26 =	simm.s32 $0x10  }
.LBB2_8:
0x28: {  	s2 =	simm.s32 $0x8  }
0x29: {  	_ =	swait.ge [sflag:s2], $0x2800  }
0x2a: {  	[sflag:s2] =	ssyncset.done $0x0  }
0x2b: {  	s10 =	simm.s32 $0x500;
	s9 =	simm.s32 $0x5800;
	[sflag:s2] =	ssyncadd.s32 $0xFFFFD800  }
0x2c: {  	[spmem:s3] =	stream.indirect.scatter.add.f32 [tilespmem:s9], [sflag:$0xC], $0x80, s10, s13, $0xb8;
	[tilespmem:$0x1FD80] =	vst v63  }
0x2d: {  	_ = 	snop  }
0x2e: {  	[spmem:s4] =	stream.indirect.scatter.add.f32 [tilespmem:s17], [sflag:$0x10], $0x1, s10, s13, $0xb8;
	[tilespmem:$0x1FD80] =	vst v63  }
0x2f: {  	_ =	swait.ge [sflag:s18], $0x2800  }
0x30: {  	[sflag:s18] =	ssyncset.done $0x0  }
0x31: {  	s14 =	simm.s32 $0x580;
	s15 =	simm.s32 $0x8000;
	[sflag:s18] =	ssyncadd.s32 $0xFFFFD800  }
0x32: {  	[spmem:s3] =	stream.indirect.scatter.add.f32 [tilespmem:s15], [sflag:$0xD], $0x80, s14, s13, $0xb8;
	[tilespmem:$0x1FD80] =	vst v63  }
0x33: {  	_ = 	snop  }
0x34: {  	[spmem:s4] =	stream.indirect.scatter.add.f32 [tilespmem:s17], [sflag:$0x11], $0x1, s14, s13, $0xb8;
	[tilespmem:$0x1FD80] =	vst v63  }
0x35: {  	_ =	swait.ge [sflag:s21], $0x2800  }
0x36: {  	[sflag:s21] =	ssyncset.done $0x0  }
0x37: {  	s19 =	simm.s32 $0x600;
	s22 =	simm.s32 $0x800;
	[sflag:s21] =	ssyncadd.s32 $0xFFFFD800  }
0x38: {  	[spmem:s3] =	stream.indirect.scatter.add.f32 [tilespmem:s22], [sflag:$0xA], $0x80, s19, s13, $0xb8;
	[tilespmem:$0x1FD80] =	vst v63  }
0x39: {  	_ = 	snop  }
0x3a: {  	[spmem:s4] =	stream.indirect.scatter.add.f32 [tilespmem:s17], [sflag:$0xE], $0x1, s19, s13, $0xb8;
	[tilespmem:$0x1FD80] =	vst v63  }
0x3b: {  	_ =	swait.ge [sflag:s23], $0x2800  }
0x3c: {  	[sflag:s23] =	ssyncset.done $0x0  }
0x3d: {  	[sflag:s23] =	ssyncadd.s32 $0xFFFFD800  }
0x3e: {  	_ =	swait.ge [sflag:s24], $0x50  }
0x3f: {  	[sflag:s24] =	ssyncset.done $0x0  }
0x40: {  	[sflag:s24] =	ssyncadd.s32 $0xFFFFFFB0  }
0x41: {  	_ =	swait.ge [sflag:s25], $0x2800  }
0x42: {  	[sflag:s25] =	ssyncset.done $0x0  }
0x43: {  	[sflag:s25] =	ssyncadd.s32 $0xFFFFD800  }
0x44: {  	_ =	swait.ge [sflag:s26], $0x50  }
0x45: {  	[sflag:s26] =	ssyncset.done $0x0  }
0x46: {  	[sflag:s26] =	ssyncadd.s32 $0xFFFFFFB0  }
0x47: {  	_ =	swait.ge [sflag:s28], $0x2800  }
0x48: {  	[sflag:s28] =	ssyncset.done $0x0  }
0x49: {  	[sflag:s28] =	ssyncadd.s32 $0xFFFFD800  }
0x4a: {  	_ =	swait.ge [sflag:s29], $0x50  }
0x4b: {  	[sflag:s29] =	ssyncset.done $0x0  }
0x4c: {  	[sflag:s29] =	ssyncadd.s32 $0xFFFFFFB0  }
0x4d: {  	_ =	swait.ge [sflag:s30], $0x2800  }
0x4e: {  	[sflag:s30] =	ssyncset.done $0x0  }
0x4f: {  	[sflag:s30] =	ssyncadd.s32 $0xFFFFD800  }
0x50: {  	_ =	swait.ge [sflag:s31], $0x50  }
0x51: {  	[sflag:s31] =	ssyncset.done $0x0  }
0x52: {  	s10 =	stileid.u32;
	[sflag:s31] =	ssyncadd.s32 $0xFFFFFFB0  }
0x53: {  	s2 =	sshll.u32 s10, $0x6;
	[bflag:$0x0] =	sbarrier.arrive $0xFFFF  }
0x54: {  	s2 =	sor.u32 $0x1C12, s2;
	s14 =	sshrl.u32 s8, $0x3;
	s10 =	rddreg [dreg:$0x13]  }
0x55: {  	[hbm:s10], [sflag:s2] =	dma.local [spmem:s14], $0x2800  }
0x56: {  	_ =	swait.ge [sflag:s12], $0x2800  }
0x57: {  	[sflag:s12] =	ssyncset.done $0x0  }
0x58: {  	s15 =	sshrl.u32 s20, $0x3;
	s19 =	rddreg [dreg:$0x10];
	[sflag:s12] =	ssyncadd.s32 $0xFFFFD800  }
0x59: {  	[hbm:s19], [sflag:s2] =	dma.local [spmem:s15], $0x50  }
0x5a: {  	_ =	swait.ge [sflag:s12], $0x50  }
0x5b: {  	s1 =	sadd.s32 $0x1, s1;
	s22 =	rddreg [dreg:$0x14]  }
0x5c: {  	p0 =	sne.s32 s1, s22  }
.Ltmp1:
0x5d: {  	_ = 	snop;
	(pc) =	sbr.rel @!p0 .LBB2_9-.Ltmp1, $3  }
0x5e: {  	_ =	sdelay $0x1  }
0x5f: {  	[sflag:s12] =	ssyncset.done $0x0  }
0x60: {  	[sflag:s12] =	ssyncadd.s32 $0xFFFFFFB0  }
.LBB2_1:
0x61: {  	s2 =	sand.u32 $0x3E00, s5  }
0x62: {  	s9 =	sand.u32 $0x70, s5;
	s10 =	sshrl.u32 s2, $0x2  }
0x63: {  	s2 =	simm.s32 $0x40;
	s10 =	sor.u32 s9, s10;
	s9 =	simm.s32 $0x0  }
.LBB2_2:
0x64: {  	p0 =	sne.s32 s2, $0x3FC0  }
0x65: {  	[tilespmem:s10+$0xA800] =	vst v0;
	s9 =	sadd.s32 $0x10, s9;
	s10 =	smov.u32 s2;
	s2 =	sadd.s32 $0x40, s2  }
.Ltmp2:
0x66: {  	(pc) =	sbr.rel @p0 .LBB2_2-.Ltmp2, $4  }
0x67: {  	_ = 	snop  }
0x68: {  	s10 =	sand.u32 $0x3E00, s10  }
0x69: {  	s15 =	sand.u32 $0x70, s9;
	s10 =	sshrl.u32 s10, $0x2  }
0x6a: {  	s10 =	sor.u32 s15, s10  }
0x6b: {  	[tilespmem:s10+$0xA800] =	vst v0  }
0x6c: {  	[spmem:s8] =	stream.linear.scatter [tilespmem:s11], [sflag:$0x12], $0x1000, $0x38;
	[tilespmem:$0x1FD80] =	vst v63  }
0x6d: {  	_ =	swait.ge [sflag:s12], $0x1000  }
0x6e: {  	[sflag:s12] =	ssyncset.done $0x0  }
0x6f: {  	s2 =	rddreg [dreg:$0x6];
	[sflag:s12] =	ssyncadd.s32 $0xFFFFF000  }
0x70: {  	[spmem:s2] =	stream.linear.scatter [tilespmem:s11], [sflag:$0x12], $0x1000, $0x38;
	[tilespmem:$0x1FD80] =	vst v63  }
0x71: {  	_ =	swait.ge [sflag:s12], $0x1000  }
0x72: {  	[sflag:s12] =	ssyncset.done $0x0  }
0x73: {  	s15 =	rddreg [dreg:$0x7];
	[sflag:s12] =	ssyncadd.s32 $0xFFFFF000  }
0x74: {  	[spmem:s15] =	stream.linear.scatter [tilespmem:s11], [sflag:$0x12], $0x1000, $0x38;
	[tilespmem:$0x1FD80] =	vst v63  }
0x75: {  	_ =	swait.ge [sflag:s12], $0x1000  }
0x76: {  	[sflag:s12] =	ssyncset.done $0x0  }
0x77: {  	s19 =	rddreg [dreg:$0x8];
	[sflag:s12] =	ssyncadd.s32 $0xFFFFF000  }
0x78: {  	[spmem:s19] =	stream.linear.scatter [tilespmem:s11], [sflag:$0x12], $0x1000, $0x38;
	[tilespmem:$0x1FD80] =	vst v63  }
0x79: {  	_ =	swait.ge [sflag:s12], $0x1000  }
0x7a: {  	[sflag:s12] =	ssyncset.done $0x0  }
0x7b: {  	s22 =	rddreg [dreg:$0x9];
	[sflag:s12] =	ssyncadd.s32 $0xFFFFF000  }
0x7c: {  	[spmem:s22] =	stream.linear.scatter [tilespmem:s11], [sflag:$0x12], $0x1000, $0x38;
	[tilespmem:$0x1FD80] =	vst v63  }
0x7d: {  	_ =	swait.ge [sflag:s12], $0x1000  }
0x7e: {  	[sflag:s12] =	ssyncset.done $0x0  }
0x7f: {  	s9 =	rddreg [dreg:$0xa];
	[sflag:s12] =	ssyncadd.s32 $0xFFFFF000  }
0x80: {  	[spmem:s9] =	stream.linear.scatter [tilespmem:s11], [sflag:$0x12], $0x1000, $0x38;
	[tilespmem:$0x1FD80] =	vst v63  }
0x81: {  	_ =	swait.ge [sflag:s12], $0x1000  }
0x82: {  	[sflag:s12] =	ssyncset.done $0x0  }
0x83: {  	s10 =	rddreg [dreg:$0xb];
	[sflag:s12] =	ssyncadd.s32 $0xFFFFF000  }
0x84: {  	[spmem:s10] =	stream.linear.scatter [tilespmem:s11], [sflag:$0x12], $0x1000, $0x38;
	[tilespmem:$0x1FD80] =	vst v63  }
0x85: {  	_ =	swait.ge [sflag:s12], $0x1000  }
0x86: {  	[sflag:s12] =	ssyncset.done $0x0  }
0x87: {  	s14 =	rddreg [dreg:$0xc];
	[sflag:s12] =	ssyncadd.s32 $0xFFFFF000  }
0x88: {  	[spmem:s14] =	stream.linear.scatter [tilespmem:s11], [sflag:$0x12], $0x1000, $0x38;
	[tilespmem:$0x1FD80] =	vst v63  }
0x89: {  	_ =	swait.ge [sflag:s12], $0x1000  }
0x8a: {  	[sflag:s12] =	ssyncset.done $0x0  }
0x8b: {  	s15 =	rddreg [dreg:$0xd];
	[sflag:s12] =	ssyncadd.s32 $0xFFFFF000  }
0x8c: {  	[spmem:s15] =	stream.linear.scatter [tilespmem:s11], [sflag:$0x12], $0x1000, $0x38;
	[tilespmem:$0x1FD80] =	vst v63  }
0x8d: {  	_ =	swait.ge [sflag:s12], $0x1000  }
0x8e: {  	[sflag:s12] =	ssyncset.done $0x0  }
0x8f: {  	s19 =	rddreg [dreg:$0xe];
	[sflag:s12] =	ssyncadd.s32 $0xFFFFF000  }
0x90: {  	[spmem:s19] =	stream.linear.scatter [tilespmem:s11], [sflag:$0x12], $0x1000, $0x38;
	[tilespmem:$0x1FD80] =	vst v63  }
0x91: {  	_ =	swait.ge [sflag:s12], $0x1000  }
0x92: {  	[sflag:s12] =	ssyncset.done $0x0  }
0x93: {  	s22 =	rddreg [dreg:$0xf];
	[sflag:s12] =	ssyncadd.s32 $0xFFFFF000  }
0x94: {  	[spmem:s22] =	stream.linear.scatter [tilespmem:s11], [sflag:$0x12], $0x1000, $0x38;
	[tilespmem:$0x1FD80] =	vst v63  }
0x95: {  	_ =	swait.ge [sflag:s12], $0x1000  }
0x96: {  	[sflag:s12] =	ssyncset.done $0x0  }
0x97: {  	s9 =	rddreg [dreg:$0x15];
	[sflag:s12] =	ssyncadd.s32 $0xFFFFF000  }
0x98: {  	[spmem:s9] =	stream.linear.scatter [tilespmem:s11], [sflag:$0x12], $0x1000, $0x38;
	[tilespmem:$0x1FD80] =	vst v63  }
0x99: {  	_ =	swait.ge [sflag:s12], $0x1000  }
0x9a: {  	[sflag:s12] =	ssyncset.done $0x0  }
0x9b: {  	s10 =	rddreg [dreg:$0x16];
	[sflag:s12] =	ssyncadd.s32 $0xFFFFF000  }
0x9c: {  	[spmem:s10] =	stream.linear.scatter [tilespmem:s11], [sflag:$0x12], $0x1000, $0x38;
	[tilespmem:$0x1FD80] =	vst v63  }
0x9d: {  	_ =	swait.ge [sflag:s12], $0x1000  }
0x9e: {  	[sflag:s12] =	ssyncset.done $0x0  }
0x9f: {  	s14 =	rddreg [dreg:$0x17];
	[sflag:s12] =	ssyncadd.s32 $0xFFFFF000  }
0xa0: {  	[spmem:s14] =	stream.linear.scatter [tilespmem:s11], [sflag:$0x12], $0x1000, $0x38;
	[tilespmem:$0x1FD80] =	vst v63  }
0xa1: {  	_ =	swait.ge [sflag:s12], $0x1000  }
0xa2: {  	[sflag:s12] =	ssyncset.done $0x0  }
0xa3: {  	s15 =	rddreg [dreg:$0x18];
	[sflag:s12] =	ssyncadd.s32 $0xFFFFF000  }
0xa4: {  	[spmem:s15] =	stream.linear.scatter [tilespmem:s11], [sflag:$0x12], $0x1000, $0x38;
	[tilespmem:$0x1FD80] =	vst v63  }
0xa5: {  	_ =	swait.ge [sflag:s12], $0x1000  }
0xa6: {  	[sflag:s12] =	ssyncset.done $0x0  }
0xa7: {  	s19 =	rddreg [dreg:$0x19];
	[sflag:s12] =	ssyncadd.s32 $0xFFFFF000  }
0xa8: {  	[spmem:s19] =	stream.linear.scatter [tilespmem:s11], [sflag:$0x12], $0x1000, $0x38;
	[tilespmem:$0x1FD80] =	vst v63  }
0xa9: {  	_ =	swait.ge [sflag:s12], $0x1000  }
0xaa: {  	[sflag:s12] =	ssyncset.done $0x0  }
0xab: {  	s22 =	rddreg [dreg:$0x1a];
	[sflag:s12] =	ssyncadd.s32 $0xFFFFF000  }
0xac: {  	[spmem:s22] =	stream.linear.scatter [tilespmem:s11], [sflag:$0x12], $0x1000, $0x38;
	[tilespmem:$0x1FD80] =	vst v63  }
0xad: {  	_ =	swait.ge [sflag:s12], $0x1000  }
0xae: {  	[sflag:s12] =	ssyncset.done $0x0  }
0xaf: {  	s9 =	rddreg [dreg:$0x1b];
	[sflag:s12] =	ssyncadd.s32 $0xFFFFF000  }
0xb0: {  	[spmem:s9] =	stream.linear.scatter [tilespmem:s11], [sflag:$0x12], $0x1000, $0x38;
	[tilespmem:$0x1FD80] =	vst v63  }
0xb1: {  	_ =	swait.ge [sflag:s12], $0x1000  }
0xb2: {  	[sflag:s12] =	ssyncset.done $0x0  }
0xb3: {  	s10 =	rddreg [dreg:$0x1c];
	[sflag:s12] =	ssyncadd.s32 $0xFFFFF000  }
0xb4: {  	[spmem:s10] =	stream.linear.scatter [tilespmem:s11], [sflag:$0x12], $0x1000, $0x38;
	[tilespmem:$0x1FD80] =	vst v63  }
0xb5: {  	_ =	swait.ge [sflag:s12], $0x1000  }
0xb6: {  	[sflag:s12] =	ssyncset.done $0x0  }
0xb7: {  	s14 =	rddreg [dreg:$0x1d];
	[sflag:s12] =	ssyncadd.s32 $0xFFFFF000  }
0xb8: {  	[spmem:s14] =	stream.linear.scatter [tilespmem:s11], [sflag:$0x12], $0x1000, $0x38;
	[tilespmem:$0x1FD80] =	vst v63  }
0xb9: {  	_ =	swait.ge [sflag:s12], $0x1000  }
0xba: {  	[sflag:s12] =	ssyncset.done $0x0  }
0xbb: {  	[sflag:s12] =	ssyncadd.s32 $0xFFFFF000  }
0xbc: {  	[tilespmem:$0xB800] =	vst v1  }
0xbd: {  	[tilespmem:$0xB810] =	vst v1  }
0xbe: {  	[tilespmem:$0xB820] =	vst v1  }
0xbf: {  	[tilespmem:$0xB830] =	vst v1  }
0xc0: {  	[tilespmem:$0xB840] =	vst v1  }
0xc1: {  	[tilespmem:$0xB880] =	vst v0  }
0xc2: {  	[tilespmem:$0xB890] =	vst v0  }
0xc3: {  	[tilespmem:$0xB8A0] =	vst v0  }
0xc4: {  	[tilespmem:$0xB8B0] =	vst v0  }
0xc5: {  	[tilespmem:$0xB8C0] =	vst v0  }
0xc6: {  	[tilespmem:$0xB8D0] =	vst v0  }
0xc7: {  	[tilespmem:$0xB8E0] =	vst v0  }
0xc8: {  	[tilespmem:$0xB8F0] =	vst v0  }
0xc9: {  	[tilespmem:$0xB900] =	vst v0  }
0xca: {  	[tilespmem:$0xB910] =	vst v0  }
0xcb: {  	[tilespmem:$0xB920] =	vst v0  }
0xcc: {  	[tilespmem:$0xB930] =	vst v0  }
0xcd: {  	[tilespmem:$0xB940] =	vst v0  }
0xce: {  	[tilespmem:$0xB950] =	vst v0  }
0xcf: {  	[tilespmem:$0xB960] =	vst v0  }
0xd0: {  	[tilespmem:$0xB970] =	vst v0  }
0xd1: {  	[tilespmem:$0xB980] =	vst v0  }
0xd2: {  	[tilespmem:$0xB990] =	vst v0  }
0xd3: {  	[tilespmem:$0xB9A0] =	vst v0  }
0xd4: {  	[tilespmem:$0xB9B0] =	vst v0  }
0xd5: {  	[tilespmem:$0xB9C0] =	vst v0  }
0xd6: {  	[tilespmem:$0xB9D0] =	vst v0  }
0xd7: {  	[tilespmem:$0xB9E0] =	vst v0  }
0xd8: {  	[tilespmem:$0xB9F0] =	vst v0  }
0xd9: {  	[tilespmem:$0xBA00] =	vst v0  }
0xda: {  	[tilespmem:$0xBA10] =	vst v0  }
0xdb: {  	[tilespmem:$0xBA20] =	vst v0  }
0xdc: {  	[tilespmem:$0xBA30] =	vst v0  }
0xdd: {  	[tilespmem:$0xBA40] =	vst v0  }
0xde: {  	[tilespmem:$0xBA50] =	vst v0  }
0xdf: {  	[tilespmem:$0xBA60] =	vst v0  }
0xe0: {  	[tilespmem:$0xBA70] =	vst v0  }
0xe1: {  	[tilespmem:$0xBA80] =	vst v0  }
0xe2: {  	[tilespmem:$0xBA90] =	vst v0  }
0xe3: {  	[tilespmem:$0xBAA0] =	vst v0  }
0xe4: {  	[tilespmem:$0xBAB0] =	vst v0  }
0xe5: {  	[tilespmem:$0xBAC0] =	vst v0  }
0xe6: {  	[tilespmem:$0xBAD0] =	vst v0  }
0xe7: {  	[tilespmem:$0xBAE0] =	vst v0  }
0xe8: {  	s15 =	simm.s32 $0xB880;
	[tilespmem:$0xBAF0] =	vst v0  }
0xe9: {  	[spmem:s20] =	stream.linear.scatter [tilespmem:s15], [sflag:$0x12], $0x280, $0x38;
	[tilespmem:$0x1FD80] =	vst v63  }
0xea: {  	_ =	swait.ge [sflag:s12], $0x280  }
0xeb: {  	[sflag:s12] =	ssyncset.done $0x0  }
0xec: {  	[sflag:s12] =	ssyncadd.s32 $0xFFFFFD80  }
.Ltmp3:
0xed: {  	[bflag:$0x0] =	sbarrier.arrive $0xFFFF;
	(pc) =	sbr.rel .LBB2_4-.Ltmp3, $4  }
0xee: {  	s2 =	simm.s32 $0x0;
	s9 =	rddreg [dreg:$0x11]  }
0xef: {  	[tilespmem:s2], [sflag:$0x1] =	stream.linear.gather [hbm4b:s9+s2], $0x50, $0x38;
	[tilespmem:$0x1FD80] =	vst v63  }
0xf0: {  	s22 =	simm.s32 $0x400;
	s19 =	rddreg [dreg:$0x12]  }
0xf1: {  	[tilespmem:s22], [sflag:$0x1] =	stream.linear.gather [hbm4b:s19+s2], $0x50, $0x38;
	[tilespmem:$0x1FD80] =	vst v63  }
.LBB2_6:
0xf2: {  	s9 =	sadd.s32 $0x1, s2  }
0xf3: {  	s15 =	smul.u32 $0xCD, s9;
	_ =	sdelay $0x1  }
0xf4: {  	s15 =	sshrl.u32 s15, $0xA  }
0xf5: {  	s19 =	smul.u32 $0x50, s9;
	s15 =	sand.u32 $0x3F, s15  }
0xf6: {  	s15 =	smul.u32 $0x5, s15;
	_ =	sdelay $0x1  }
0xf7: {  	s19 =	sadd.s32 s16, s19;
	s15 =	ssub.s32 s9, s15  }
0xf8: {  	s19 =	sshrl.u32 s19, $0x3;
	s15 =	sand.u32 $0xFF, s15  }
0xf9: {  	s14 =	sadd.s32 s6, s19;
	s22 =	sadd.s32 $0x1, s15;
	s15 =	sshll.u32 s15, $0x7  }
0xfa: {  	[tilespmem:s15], [sflag:s22] =	stream.linear.gather [hbm4b:s14+s5], $0x50, $0x38;
	[tilespmem:$0x1FD80] =	vst v63  }
0xfb: {  	s10 =	smov.u32 @p0 s2;
	s19 =	sadd.s32 s7, s19;
	s15 =	sor.u32 $0x400, s15  }
0xfc: {  	[tilespmem:s15], [sflag:s22] =	stream.linear.gather [hbm4b:s19+s5], $0x50, $0x38;
	[tilespmem:$0x1FD80] =	vst v63  }
.LBB2_7:
0xfd: {  	s14 =	smul.u32 $0xCD, s2;
	_ =	sdelay $0x1  }
0xfe: {  	s14 =	sshrl.u32 s14, $0xA  }
0xff: {  	s14 =	sand.u32 $0x3F, s14  }
0x100: {  	s14 =	smul.u32 $0x5, s14;
	_ =	sdelay $0x1  }
0x101: {  	s14 =	ssub.s32 s2, s14  }
0x102: {  	s14 =	sand.u32 $0xFF, s14  }
0x103: {  	s15 =	sadd.s32 $0x1, s14  }
0x104: {  	_ =	swait.ge [sflag:s15], $0x50  }
0x105: {  	s19 =	smul.u32 $0xA000, s10;
	[sflag:s15] =	ssyncset.done $0x0  }
0x106: {  	p0 =	slt.u32 s2, $0x3;
	[sflag:s15] =	ssyncadd.s32 $0xFFFFFFB0  }
0x107: {  	s22 =	sadd.s32 $0x6, s10;
	s19 =	sshra.s32 s19, $0x2;
	_ =	swait.ge [sflag:s15], $0x50  }
0x108: {  	s2 =	sadd.s32 @!p0 $0xFFFFFFFD, s2;
	s14 =	sshll.u32 s14, $0x7;
	[sflag:s15] =	ssyncset.done $0x0  }
0x109: {  	[sflag:s15] =	ssyncadd.s32 $0xFFFFFFB0;
	s15 =	sadd.s32 $0x800, s19;
	s19 =	smul.u32 @!p0 $0xCD, s2  }
0x10a: {  	[tilespmem:s15], [sflag:s22] =	stream.indirect.gather [hbm4b:s0+s13], $0x80, s14, s13, $0xb8;
	[tilespmem:$0x1FD80] =	vst v63  }
0x10b: {  	s10 =	sshrl.u32 @!p0 s19, $0xA  }
0x10c: {  	s14 =	sand.u32 @!p0 $0x3, s2;
	s10 =	sand.u32 @!p0 $0x3F, s10  }
0x10d: {  	s19 =	sadd.s32 @!p0 $0x6, s14;
	s10 =	smul.u32 @!p0 $0x5, s10  }
0x10e: {  	_ =	swait.ge @!p0 [sflag:s19], $0x2800  }
0x10f: {  	s15 =	smul.u32 @!p0 $0xA000, s14;
	[sflag:s19] =	ssyncset.done @!p0 $0x0;
	s2 =	ssub.s32 @!p0 s2, s10  }
0x110: {  	[sflag:s19] =	ssyncadd.s32 @!p0 $0xFFFFD800;
	s2 =	sand.u32 @!p0 $0xF7, s2  }
0x111: {  	s19 =	simm.s32 @!p0 $0x50;
	s10 =	sshrl.u32 @!p0 s15, $0x2;
	s2 =	sshll.u32 @!p0 s2, $0x7  }
0x112: {  	s15 =	sadd.s32 @!p0 $0xA, s14;
	s10 =	sadd.s32 @!p0 $0x800, s10;
	s2 =	sor.u32 @!p0 $0x400, s2  }
0x113: {  	[spmem:s3] =	stream.indirect.scatter.add.f32 @!p0 [tilespmem:s10], [sflag:s15], $0x80, s2, s19, $0xb8;
	[tilespmem:$0x1FD80] =	vst v63  }
0x114: {  	s10 =	sadd.s32 @!p0 $0xE, s14;
	s14 =	simm.s32 @!p0 $0xB800  }
0x115: {  	[spmem:s4] =	stream.indirect.scatter.add.f32 @!p0 [tilespmem:s14], [sflag:s10], $0x1, s2, s19, $0xb8;
	[tilespmem:$0x1FD80] =	vst v63  }
0x116: {  	p0 =	slt.u32 s9, $0x7D  }
.Ltmp4:
0x117: {  	_ = 	snop;
	(pc) =	sbr.rel @!p0 .LBB2_8-.Ltmp4, $2  }
0x118: {  	_ =	sdelay $0x2  }
0x119: {  	s2 =	smov.u32 s9  }
.LBB2_4:
0x11a: {  	p0 =	slt.u32 s2, $0x4  }
0x11b: {  	s10 =	sand.u32 @!p0 $0x3, s2  }
0x11c: {  	p1 =	seq.s32 @!p0 s2, $0x7C;
	s9 =	sadd.s32 @!p0 $0xA, s10  }
0x11d: {  	p1 =	por p0, !p1;
	_ =	swait.ge @!p0 [sflag:s9], $0x2800  }
.Ltmp5:
0x11e: {  	[sflag:s9] =	ssyncset.done @!p0 $0x0;
	(pc) =	sbr.rel @p1 .LBB2_6-.Ltmp5, $4  }
0x11f: {  	[sflag:s9] =	ssyncadd.s32 @!p0 $0xFFFFD800;
	s9 =	sadd.s32 @!p0 $0xE, s10  }
0x120: {  	_ =	swait.ge @!p0 [sflag:s9], $0x50  }
0x121: {  	[sflag:s9] =	ssyncset.done @!p0 $0x0  }
0x122: {  	[sflag:s9] =	ssyncadd.s32 @!p0 $0xFFFFFFB0  }
.Ltmp6:
0x123: {  	(pc) =	sbr.rel .LBB2_7-.Ltmp6, $2  }
0x124: {  	_ =	sdelay $0x2  }
0x125: {  	s9 =	simm.s32 @!p0 $0x7D;
	s10 =	simm.s32 @!p0 $0x0  }
.LBB2_9:
0x126: {  	_ =	sfence.sel $0x180000  }
0x127: {  	[bflag:$0x0] =	sbarrier.arrive $0xFFFF  }
0x128: {  	_ =	strace $0x90000047  }
0x129: {  	s0 =	stileid.u32;
	[bflag:$0x2] =	sbarrier.arrive $0xFFFF  }
0x12a: {  	p0 =	sne.s32 s0, $0x0;
	s0 =	rddreg [dreg:$0x5]  }
0x12b: {  	s0 =	sadd.s32 @!p0 $0x100000, s0  }
0x12c: {  	[sflag:s0] =	ssyncadd.tile.s32 @!p0 $0x1;
	_ =	shalt  }
.Lfunc_end2:
_tile_overlayer_lowered:
.L_overlay_start_2:
0x12d: {  	(tag) =	ssettag $0x2  }
0x12e: {  	s0 =	rddreg [dreg:$0x0];
	s2 =	stileid.u32  }
0x12f: {  	s1 =	rddreg [dreg:$0x1];
	p0 =	sne.s32 s2, $0x0  }
0x130: {  	s3 =	rddreg [dreg:$0x2];
	[bflag:$0x3] =	sbarrier.arrive $0xFFFF;
	s2 =	simm.s32 @!p0 $0x1C12  }
0x131: {  	[timem:s3], [sflag:s2] =	dma.local @!p0 [hbm:s0], s1  }
0x132: {  	s0 =	simm.s32 @!p0 $0x12  }
0x133: {  	_ =	swait.ge @!p0 [sflag:s0], s1  }
0x134: {  	s1 =	ssub.s32 @!p0 $0x0, s1;
	[sflag:s0] =	ssyncset.done @!p0 $0x0  }
0x135: {  	[sflag:s0] =	ssyncadd.s32 @!p0 s1  }
0x136: {  	[bflag:$0x3] =	sbarrier.arrive $0xFFFF  }
0x137: {  	_ =	shalt  }

</sc_bundles>
